<compile_context>
chip_gen: v7x
topology: tpu7x:2x2x1
jax: 0.10.2.dev20260603
libtpu: 0.0.44.dev20260713+nightly
codegen_flags: <defaults>
</compile_context>

<pallas_src>
import jax
import jax.numpy as jnp
from jax import lax
from jax.experimental import pallas as pl
from jax.experimental.pallas import tpu as pltpu
from jax.experimental.pallas import tpu_sc as plsc

B = 16384
N_ATTR = 26
H = 128
ENUM_SIZE = 1001
N_NUM = 13
N_STR = 13
EPS = 1e-05

_NC = 2
_NS = 16
_NW = _NC * _NS
_CHUNK = 32
_BPW = B // _NW
_NCHUNK = _BPW // _CHUNK
_L = 16
_HG = H // _L



def _sc_body(xcat_hbm, table_hbm, out_hbm, idxbuf, stage, accb, semg, semo):
    wid = lax.axis_index("s") * _NC + lax.axis_index("c")
    base0 = wid * _BPW

    idx_copies = [
        pltpu.make_async_copy(
            xcat_hbm.at[pl.ds(j * B + base0, _BPW)],
            idxbuf.at[pl.ds(j * _BPW, _BPW)], semo[0])
        for j in range(N_STR)
    ]
    for c in idx_copies:
        c.start()
    for c in idx_copies:
        c.wait()

    def gather_copies(t, p):
        return [pltpu.make_async_copy(
            table_hbm.at[idxbuf.at[pl.ds(j * _BPW + t * _CHUNK, _CHUNK)]],
            stage.at[p, pl.ds(j * _CHUNK, _CHUNK)], semg[p])
            for j in range(N_STR)]

    def out_copy(t, p):
        return pltpu.make_async_copy(
            accb.at[p], out_hbm.at[pl.ds(base0 + t * _CHUNK, _CHUNK)], semo[p])

    def fire(copies):
        for c in copies:
            c.start()

    def wait(copies):
        for c in copies:
            c.wait()

    def accumulate(t, p):
        def _row(r, carry):
            for v in range(_HG):
                sl = pl.ds(v * _L, _L)
                a = stage[p, r, sl]
                for j in range(1, N_STR):
                    a = a + stage[p, j * _CHUNK + r, sl]
                accb[p, r, sl] = a
            return carry

        lax.fori_loop(0, _CHUNK, _row, 0)

    fire(gather_copies(0, 0))

    def step(u, carry):
        t0 = 2 * u
        t1 = t0 + 1
        fire(gather_copies(t1, 1))
        wait(gather_copies(t0, 0))

        @pl.when(u > 0)
        def _():
            out_copy(t0, 0).wait()

        accumulate(t0, 0)
        out_copy(t0, 0).start()

        @pl.when(u < _NCHUNK // 2 - 1)
        def _():
            fire(gather_copies(t0 + 2, 0))

        wait(gather_copies(t1, 1))

        @pl.when(u > 0)
        def _():
            out_copy(t1, 1).wait()

        accumulate(t1, 1)
        out_copy(t1, 1).start()
        return carry

    lax.fori_loop(0, _NCHUNK // 2, step, 0)

    out_copy(_NCHUNK - 2, 0).wait()
    out_copy(_NCHUNK - 1, 1).wait()


def _gather_sum(xcat_flat, table):
    mesh = plsc.VectorSubcoreMesh(core_axis_name="c", subcore_axis_name="s")
    f = pl.kernel(
        _sc_body,
        out_type=jax.ShapeDtypeStruct((B, H), jnp.float32),
        mesh=mesh,
        scratch_types=[
            pltpu.VMEM((N_STR * _BPW,), jnp.int32),
            pltpu.VMEM((2, N_STR * _CHUNK, H), jnp.float32),
            pltpu.VMEM((2, _CHUNK, H), jnp.float32),
            [pltpu.SemaphoreType.DMA, pltpu.SemaphoreType.DMA],
            [pltpu.SemaphoreType.DMA, pltpu.SemaphoreType.DMA],
        ],
    )
    return f(xcat_flat, table)



_NUM_BLK = 8192


def _fin_body(xn_ref, cat_ref, w_ref, b_ref, o_ref):
    xn = xn_ref[...]
    j = lax.broadcasted_iota(jnp.int32, (1, N_NUM), 1).astype(jnp.float32)
    mean = 0.2 * j
    scale = 1.0 / (1.0 + 0.1 * j + EPS)
    s = jax.nn.sigmoid((xn - mean) * scale)
    acc = jnp.dot(s, w_ref[...], preferred_element_type=jnp.float32)
    bias = jnp.sum(b_ref[...], axis=0, keepdims=True)
    o_ref[...] = acc + bias + cat_ref[...]


def _finalize(xnum, catsum, lin_w, lin_b):
    grid = B // _NUM_BLK
    return pl.pallas_call(
        _fin_body,
        grid=(grid,),
        in_specs=[
            pl.BlockSpec((_NUM_BLK, N_NUM), lambda i: (i, 0)),
            pl.BlockSpec((_NUM_BLK, H), lambda i: (i, 0)),
            pl.BlockSpec((N_NUM, H), lambda i: (0, 0)),
            pl.BlockSpec((N_NUM, H), lambda i: (0, 0)),
        ],
        out_specs=pl.BlockSpec((_NUM_BLK, H), lambda i: (i, 0)),
        out_shape=jax.ShapeDtypeStruct((B, H), jnp.float32),
    )(xnum, catsum, lin_w, lin_b)


def kernel(x, lin_w, lin_b, emb):
    offs = (jnp.arange(N_STR, dtype=jnp.int32) * ENUM_SIZE)[:, None]
    xcat_flat = (x[:, 1::2].astype(jnp.int32).T + offs).reshape(-1)
    table = emb.reshape(N_STR * ENUM_SIZE, H)
    catsum = _gather_sum(xcat_flat, table)
    return _finalize(x[:, 0::2], catsum, lin_w, lin_b)

# --- scband reference (transcript-rebuilt; emitter-appended) ---
"""Pipeline reference for scband-embed-att-60430189855370 (READ-ONLY COPY).

The authoritative reference and input builder live on the scoring server;
editing this copy changes nothing except your own understanding.
"""

import jax, jax.numpy as jnp
import numpy as np

B = 16384
N_ATTR = 26
H = 128
ENUM_SIZE = 1001  # len(enum)=1000 plus 1
EPS = 1e-05
# attribute i is numeric ('float') if i is even, categorical ('str') if odd
N_NUM = sum(1 for i in range(N_ATTR) if i % 2 == 0)   # 13
N_STR = N_ATTR - N_NUM                                  # 13

def _mean(i):
    return 0.1 * i

def _std(i):
    return 1.0 + 0.05 * i

def setup_inputs(seed: int = 0) -> dict:
    key = jax.random.key(seed)
    kx, kw, kb, ke = jax.random.split(key, 4)
    x = jax.random.randint(kx, (B, N_ATTR), 0, 1000).astype(jnp.float32)
    # Linear(1, H) per numeric attr: weight [H,1] flattened to [H], bias [H]
    lin_w = jax.random.normal(kw, (N_NUM, H), dtype=jnp.float32) * 0.02
    lin_b = jax.random.normal(kb, (N_NUM, H), dtype=jnp.float32) * 0.02
    # Embedding(ENUM_SIZE, H) per categorical attr
    emb = jax.random.normal(ke, (N_STR, ENUM_SIZE, H), dtype=jnp.float32) * 0.02
    return {"x": x, "lin_w": lin_w, "lin_b": lin_b, "emb": emb}

def reference(x, lin_w, lin_b, emb):
    outputs = []
    num_i = 0
    str_i = 0
    for i in range(N_ATTR):
        xi = x[:, i]
        if i % 2 == 0:
            # numeric attribute: normalize, sigmoid, Linear(1, H)
            xin = (xi - _mean(i)) / (_std(i) + EPS)
            s = jax.nn.sigmoid(xin)[:, None]            # [B, 1]
            hi = s * lin_w[num_i][None, :] + lin_b[num_i][None, :]  # [B, H]
            num_i += 1
        else:
            # categorical attribute: embedding lookup
            idx = xi.astype(jnp.int32)
            hi = jnp.take(emb[str_i], idx, axis=0)      # [B, H]
            str_i += 1
        outputs.append(hi)
    # attbind == 'add'
    h = jnp.sum(jnp.stack(outputs, axis=0), axis=0)
    return h

if __name__ == "__main__":
    import jax
    _d = setup_inputs()
    print(jax.jit(kernel)(*tuple(_d.values())))

</pallas_src>

<mosaic_0001>
#map = affine_map<(d0, d1) -> (0)>
#map1 = affine_map<(d0, d1) -> (0, 0)>
module attributes {stable_mosaic.version = 14 : i64} {
  func.func @_sc_body(%arg0: i32, %arg1: i32, %arg2: memref<212992xi32, #tpu.memory_space<hbm>>, %arg3: memref<13013x128xf32, #tpu.memory_space<hbm>>, %arg4: memref<16384x128xf32, #tpu.memory_space<hbm>>, %arg5: memref<6656xi32, #tpu.memory_space<vmem>>, %arg6: memref<2x416x128xf32, #tpu.memory_space<vmem>>, %arg7: memref<2x32x128xf32, #tpu.memory_space<vmem>>, %arg8: memref<!tpu.dma_semaphore, #tpu.memory_space<semaphore_mem>>, %arg9: memref<!tpu.dma_semaphore, #tpu.memory_space<semaphore_mem>>, %arg10: memref<!tpu.dma_semaphore, #tpu.memory_space<semaphore_mem>>, %arg11: memref<!tpu.dma_semaphore, #tpu.memory_space<semaphore_mem>>) attributes {dimension_semantics = [#tpu.dimension_semantics<core_parallel>, #tpu.dimension_semantics<subcore_parallel>], iteration_bounds = array<i64: 2, 16>, scalar_prefetch = 0 : i64, scratch_operands = 7 : i64, tpu.core_type = #tpu.core_type<sc_vector_subcore>, window_params = [{transform_indices = #map}, {transform_indices = #map1}, {transform_indices = #map1}]} {
    %mul3A = arith.constant 2 : i32
    %mul3A_0 = arith.muli %arg1, %mul3A : i32
    %add3A = arith.addi %mul3A_0, %arg0 : i32
    %mul3A_1 = arith.constant 512 : i32
    %mul3A_2 = arith.muli %add3A, %mul3A_1 : i32
    %add3A_3 = arith.constant 0 : i32
    %add3A_4 = arith.addi %add3A_3, %mul3A_2 : i32
    %add3A_5 = arith.constant 16384 : i32
    %add3A_6 = arith.addi %add3A_5, %mul3A_2 : i32
    %add3A_7 = arith.constant 32768 : i32
    %add3A_8 = arith.addi %add3A_7, %mul3A_2 : i32
    %add3A_9 = arith.constant 49152 : i32
    %add3A_10 = arith.addi %add3A_9, %mul3A_2 : i32
    %add3A_11 = arith.constant 65536 : i32
    %add3A_12 = arith.addi %add3A_11, %mul3A_2 : i32
    %add3A_13 = arith.constant 81920 : i32
    %add3A_14 = arith.addi %add3A_13, %mul3A_2 : i32
    %add3A_15 = arith.constant 98304 : i32
    %add3A_16 = arith.addi %add3A_15, %mul3A_2 : i32
    %add3A_17 = arith.constant 114688 : i32
    %add3A_18 = arith.addi %add3A_17, %mul3A_2 : i32
    %add3A_19 = arith.constant 131072 : i32
    %add3A_20 = arith.addi %add3A_19, %mul3A_2 : i32
    %add3A_21 = arith.constant 147456 : i32
    %add3A_22 = arith.addi %add3A_21, %mul3A_2 : i32
    %add3A_23 = arith.constant 163840 : i32
    %add3A_24 = arith.addi %add3A_23, %mul3A_2 : i32
    %add3A_25 = arith.constant 180224 : i32
    %add3A_26 = arith.addi %add3A_25, %mul3A_2 : i32
    %add3A_27 = arith.constant 196608 : i32
    %add3A_28 = arith.addi %add3A_27, %mul3A_2 : i32
    %dma_start3A = arith.constant 0 : i32
    %dma_start3A_29 = tpu.memref_slice %arg5[%dma_start3A] : memref<6656xi32, #tpu.memory_space<vmem>> -> memref<512xi32, #tpu.memory_space<vmem>>
    %dma_start3A_30 = tpu.memref_slice %arg2[%add3A_4] : memref<212992xi32, #tpu.memory_space<hbm>> -> memref<512xi32, #tpu.memory_space<hbm>>
    %dma_start3A_31 = arith.constant 0 : i32
    %dma_start3A_32 = tpu.memref_slice %arg5[%dma_start3A_31] : memref<6656xi32, #tpu.memory_space<vmem>> -> memref<512xi32, #tpu.memory_space<vmem>>
    %dma_start3A_33 = tpu.memref_slice %arg2[%add3A_4] : memref<212992xi32, #tpu.memory_space<hbm>> -> memref<512xi32, #tpu.memory_space<hbm>>
    tpu.enqueue_dma source(%dma_start3A_33 : memref<512xi32, #tpu.memory_space<hbm>>) target(%dma_start3A_32 : memref<512xi32, #tpu.memory_space<vmem>>) target_semaphore(%arg10 : memref<!tpu.dma_semaphore, #tpu.memory_space<semaphore_mem>>)
    %dma_start3A_34 = arith.constant 512 : i32
    %dma_start3A_35 = tpu.memref_slice %arg5[%dma_start3A_34] : memref<6656xi32, #tpu.memory_space<vmem>> -> memref<512xi32, #tpu.memory_space<vmem>>
    %dma_start3A_36 = tpu.memref_slice %arg2[%add3A_6] : memref<212992xi32, #tpu.memory_space<hbm>> -> memref<512xi32, #tpu.memory_space<hbm>>
    %dma_start3A_37 = arith.constant 512 : i32
    %dma_start3A_38 = tpu.memref_slice %arg5[%dma_start3A_37] : memref<6656xi32, #tpu.memory_space<vmem>> -> memref<512xi32, #tpu.memory_space<vmem>>
    %dma_start3A_39 = tpu.memref_slice %arg2[%add3A_6] : memref<212992xi32, #tpu.memory_space<hbm>> -> memref<512xi32, #tpu.memory_space<hbm>>
    tpu.enqueue_dma source(%dma_start3A_39 : memref<512xi32, #tpu.memory_space<hbm>>) target(%dma_start3A_38 : memref<512xi32, #tpu.memory_space<vmem>>) target_semaphore(%arg10 : memref<!tpu.dma_semaphore, #tpu.memory_space<semaphore_mem>>)
    %dma_start3A_40 = arith.constant 1024 : i32
    %dma_start3A_41 = tpu.memref_slice %arg5[%dma_start3A_40] : memref<6656xi32, #tpu.memory_space<vmem>> -> memref<512xi32, #tpu.memory_space<vmem>>
    %dma_start3A_42 = tpu.memref_slice %arg2[%add3A_8] : memref<212992xi32, #tpu.memory_space<hbm>> -> memref<512xi32, #tpu.memory_space<hbm>>
    %dma_start3A_43 = arith.constant 1024 : i32
    %dma_start3A_44 = tpu.memref_slice %arg5[%dma_start3A_43] : memref<6656xi32, #tpu.memory_space<vmem>> -> memref<512xi32, #tpu.memory_space<vmem>>
    %dma_start3A_45 = tpu.memref_slice %arg2[%add3A_8] : memref<212992xi32, #tpu.memory_space<hbm>> -> memref<512xi32, #tpu.memory_space<hbm>>
    tpu.enqueue_dma source(%dma_start3A_45 : memref<512xi32, #tpu.memory_space<hbm>>) target(%dma_start3A_44 : memref<512xi32, #tpu.memory_space<vmem>>) target_semaphore(%arg10 : memref<!tpu.dma_semaphore, #tpu.memory_space<semaphore_mem>>)
    %dma_start3A_46 = arith.constant 1536 : i32
    %dma_start3A_47 = tpu.memref_slice %arg5[%dma_start3A_46] : memref<6656xi32, #tpu.memory_space<vmem>> -> memref<512xi32, #tpu.memory_space<vmem>>
    %dma_start3A_48 = tpu.memref_slice %arg2[%add3A_10] : memref<212992xi32, #tpu.memory_space<hbm>> -> memref<512xi32, #tpu.memory_space<hbm>>
    %dma_start3A_49 = arith.constant 1536 : i32
    %dma_start3A_50 = tpu.memref_slice %arg5[%dma_start3A_49] : memref<6656xi32, #tpu.memory_space<vmem>> -> memref<512xi32, #tpu.memory_space<vmem>>
    %dma_start3A_51 = tpu.memref_slice %arg2[%add3A_10] : memref<212992xi32, #tpu.memory_space<hbm>> -> memref<512xi32, #tpu.memory_space<hbm>>
    tpu.enqueue_dma source(%dma_start3A_51 : memref<512xi32, #tpu.memory_space<hbm>>) target(%dma_start3A_50 : memref<512xi32, #tpu.memory_space<vmem>>) target_semaphore(%arg10 : memref<!tpu.dma_semaphore, #tpu.memory_space<semaphore_mem>>)
    %dma_start3A_52 = arith.constant 2048 : i32
    %dma_start3A_53 = tpu.memref_slice %arg5[%dma_start3A_52] : memref<6656xi32, #tpu.memory_space<vmem>> -> memref<512xi32, #tpu.memory_space<vmem>>
    %dma_start3A_54 = tpu.memref_slice %arg2[%add3A_12] : memref<212992xi32, #tpu.memory_space<hbm>> -> memref<512xi32, #tpu.memory_space<hbm>>
    %dma_start3A_55 = arith.constant 2048 : i32
    %dma_start3A_56 = tpu.memref_slice %arg5[%dma_start3A_55] : memref<6656xi32, #tpu.memory_space<vmem>> -> memref<512xi32, #tpu.memory_space<vmem>>
    %dma_start3A_57 = tpu.memref_slice %arg2[%add3A_12] : memref<212992xi32, #tpu.memory_space<hbm>> -> memref<512xi32, #tpu.memory_space<hbm>>
    tpu.enqueue_dma source(%dma_start3A_57 : memref<512xi32, #tpu.memory_space<hbm>>) target(%dma_start3A_56 : memref<512xi32, #tpu.memory_space<vmem>>) target_semaphore(%arg10 : memref<!tpu.dma_semaphore, #tpu.memory_space<semaphore_mem>>)
    %dma_start3A_58 = arith.constant 2560 : i32
    %dma_start3A_59 = tpu.memref_slice %arg5[%dma_start3A_58] : memref<6656xi32, #tpu.memory_space<vmem>> -> memref<512xi32, #tpu.memory_space<vmem>>
    %dma_start3A_60 = tpu.memref_slice %arg2[%add3A_14] : memref<212992xi32, #tpu.memory_space<hbm>> -> memref<512xi32, #tpu.memory_space<hbm>>
    %dma_start3A_61 = arith.constant 2560 : i32
    %dma_start3A_62 = tpu.memref_slice %arg5[%dma_start3A_61] : memref<6656xi32, #tpu.memory_space<vmem>> -> memref<512xi32, #tpu.memory_space<vmem>>
    %dma_start3A_63 = tpu.memref_slice %arg2[%add3A_14] : memref<212992xi32, #tpu.memory_space<hbm>> -> memref<512xi32, #tpu.memory_space<hbm>>
    tpu.enqueue_dma source(%dma_start3A_63 : memref<512xi32, #tpu.memory_space<hbm>>) target(%dma_start3A_62 : memref<512xi32, #tpu.memory_space<vmem>>) target_semaphore(%arg10 : memref<!tpu.dma_semaphore, #tpu.memory_space<semaphore_mem>>)
    %dma_start3A_64 = arith.constant 3072 : i32
    %dma_start3A_65 = tpu.memref_slice %arg5[%dma_start3A_64] : memref<6656xi32, #tpu.memory_space<vmem>> -> memref<512xi32, #tpu.memory_space<vmem>>
    %dma_start3A_66 = tpu.memref_slice %arg2[%add3A_16] : memref<212992xi32, #tpu.memory_space<hbm>> -> memref<512xi32, #tpu.memory_space<hbm>>
    %dma_start3A_67 = arith.constant 3072 : i32
    %dma_start3A_68 = tpu.memref_slice %arg5[%dma_start3A_67] : memref<6656xi32, #tpu.memory_space<vmem>> -> memref<512xi32, #tpu.memory_space<vmem>>
    %dma_start3A_69 = tpu.memref_slice %arg2[%add3A_16] : memref<212992xi32, #tpu.memory_space<hbm>> -> memref<512xi32, #tpu.memory_space<hbm>>
    tpu.enqueue_dma source(%dma_start3A_69 : memref<512xi32, #tpu.memory_space<hbm>>) target(%dma_start3A_68 : memref<512xi32, #tpu.memory_space<vmem>>) target_semaphore(%arg10 : memref<!tpu.dma_semaphore, #tpu.memory_space<semaphore_mem>>)
    %dma_start3A_70 = arith.constant 3584 : i32
    %dma_start3A_71 = tpu.memref_slice %arg5[%dma_start3A_70] : memref<6656xi32, #tpu.memory_space<vmem>> -> memref<512xi32, #tpu.memory_space<vmem>>
    %dma_start3A_72 = tpu.memref_slice %arg2[%add3A_18] : memref<212992xi32, #tpu.memory_space<hbm>> -> memref<512xi32, #tpu.memory_space<hbm>>
    %dma_start3A_73 = arith.constant 3584 : i32
    %dma_start3A_74 = tpu.memref_slice %arg5[%dma_start3A_73] : memref<6656xi32, #tpu.memory_space<vmem>> -> memref<512xi32, #tpu.memory_space<vmem>>
    %dma_start3A_75 = tpu.memref_slice %arg2[%add3A_18] : memref<212992xi32, #tpu.memory_space<hbm>> -> memref<512xi32, #tpu.memory_space<hbm>>
    tpu.enqueue_dma source(%dma_start3A_75 : memref<512xi32, #tpu.memory_space<hbm>>) target(%dma_start3A_74 : memref<512xi32, #tpu.memory_space<vmem>>) target_semaphore(%arg10 : memref<!tpu.dma_semaphore, #tpu.memory_space<semaphore_mem>>)
    %dma_start3A_76 = arith.constant 4096 : i32
    %dma_start3A_77 = tpu.memref_slice %arg5[%dma_start3A_76] : memref<6656xi32, #tpu.memory_space<vmem>> -> memref<512xi32, #tpu.memory_space<vmem>>
    %dma_start3A_78 = tpu.memref_slice %arg2[%add3A_20] : memref<212992xi32, #tpu.memory_space<hbm>> -> memref<512xi32, #tpu.memory_space<hbm>>
    %dma_start3A_79 = arith.constant 4096 : i32
    %dma_start3A_80 = tpu.memref_slice %arg5[%dma_start3A_79] : memref<6656xi32, #tpu.memory_space<vmem>> -> memref<512xi32, #tpu.memory_space<vmem>>
    %dma_start3A_81 = tpu.memref_slice %arg2[%add3A_20] : memref<212992xi32, #tpu.memory_space<hbm>> -> memref<512xi32, #tpu.memory_space<hbm>>
    tpu.enqueue_dma source(%dma_start3A_81 : memref<512xi32, #tpu.memory_space<hbm>>) target(%dma_start3A_80 : memref<512xi32, #tpu.memory_space<vmem>>) target_semaphore(%arg10 : memref<!tpu.dma_semaphore, #tpu.memory_space<semaphore_mem>>)
    %dma_start3A_82 = arith.constant 4608 : i32
    %dma_start3A_83 = tpu.memref_slice %arg5[%dma_start3A_82] : memref<6656xi32, #tpu.memory_space<vmem>> -> memref<512xi32, #tpu.memory_space<vmem>>
    %dma_start3A_84 = tpu.memref_slice %arg2[%add3A_22] : memref<212992xi32, #tpu.memory_space<hbm>> -> memref<512xi32, #tpu.memory_space<hbm>>
    %dma_start3A_85 = arith.constant 4608 : i32
    %dma_start3A_86 = tpu.memref_slice %arg5[%dma_start3A_85] : memref<6656xi32, #tpu.memory_space<vmem>> -> memref<512xi32, #tpu.memory_space<vmem>>
    %dma_start3A_87 = tpu.memref_slice %arg2[%add3A_22] : memref<212992xi32, #tpu.memory_space<hbm>> -> memref<512xi32, #tpu.memory_space<hbm>>
    tpu.enqueue_dma source(%dma_start3A_87 : memref<512xi32, #tpu.memory_space<hbm>>) target(%dma_start3A_86 : memref<512xi32, #tpu.memory_space<vmem>>) target_semaphore(%arg10 : memref<!tpu.dma_semaphore, #tpu.memory_space<semaphore_mem>>)
    %dma_start3A_88 = arith.constant 5120 : i32
    %dma_start3A_89 = tpu.memref_slice %arg5[%dma_start3A_88] : memref<6656xi32, #tpu.memory_space<vmem>> -> memref<512xi32, #tpu.memory_space<vmem>>
    %dma_start3A_90 = tpu.memref_slice %arg2[%add3A_24] : memref<212992xi32, #tpu.memory_space<hbm>> -> memref<512xi32, #tpu.memory_space<hbm>>
    %dma_start3A_91 = arith.constant 5120 : i32
    %dma_start3A_92 = tpu.memref_slice %arg5[%dma_start3A_91] : memref<6656xi32, #tpu.memory_space<vmem>> -> memref<512xi32, #tpu.memory_space<vmem>>
    %dma_start3A_93 = tpu.memref_slice %arg2[%add3A_24] : memref<212992xi32, #tpu.memory_space<hbm>> -> memref<512xi32, #tpu.memory_space<hbm>>
    tpu.enqueue_dma source(%dma_start3A_93 : memref<512xi32, #tpu.memory_space<hbm>>) target(%dma_start3A_92 : memref<512xi32, #tpu.memory_space<vmem>>) target_semaphore(%arg10 : memref<!tpu.dma_semaphore, #tpu.memory_space<semaphore_mem>>)
    %dma_start3A_94 = arith.constant 5632 : i32
    %dma_start3A_95 = tpu.memref_slice %arg5[%dma_start3A_94] : memref<6656xi32, #tpu.memory_space<vmem>> -> memref<512xi32, #tpu.memory_space<vmem>>
    %dma_start3A_96 = tpu.memref_slice %arg2[%add3A_26] : memref<212992xi32, #tpu.memory_space<hbm>> -> memref<512xi32, #tpu.memory_space<hbm>>
    %dma_start3A_97 = arith.constant 5632 : i32
    %dma_start3A_98 = tpu.memref_slice %arg5[%dma_start3A_97] : memref<6656xi32, #tpu.memory_space<vmem>> -> memref<512xi32, #tpu.memory_space<vmem>>
    %dma_start3A_99 = tpu.memref_slice %arg2[%add3A_26] : memref<212992xi32, #tpu.memory_space<hbm>> -> memref<512xi32, #tpu.memory_space<hbm>>
    tpu.enqueue_dma source(%dma_start3A_99 : memref<512xi32, #tpu.memory_space<hbm>>) target(%dma_start3A_98 : memref<512xi32, #tpu.memory_space<vmem>>) target_semaphore(%arg10 : memref<!tpu.dma_semaphore, #tpu.memory_space<semaphore_mem>>)
    %dma_start3A_100 = arith.constant 6144 : i32
    %dma_start3A_101 = tpu.memref_slice %arg5[%dma_start3A_100] : memref<6656xi32, #tpu.memory_space<vmem>> -> memref<512xi32, #tpu.memory_space<vmem>>
    %dma_start3A_102 = tpu.memref_slice %arg2[%add3A_28] : memref<212992xi32, #tpu.memory_space<hbm>> -> memref<512xi32, #tpu.memory_space<hbm>>
    %dma_start3A_103 = arith.constant 6144 : i32
    %dma_start3A_104 = tpu.memref_slice %arg5[%dma_start3A_103] : memref<6656xi32, #tpu.memory_space<vmem>> -> memref<512xi32, #tpu.memory_space<vmem>>
    %dma_start3A_105 = tpu.memref_slice %arg2[%add3A_28] : memref<212992xi32, #tpu.memory_space<hbm>> -> memref<512xi32, #tpu.memory_space<hbm>>
    tpu.enqueue_dma source(%dma_start3A_105 : memref<512xi32, #tpu.memory_space<hbm>>) target(%dma_start3A_104 : memref<512xi32, #tpu.memory_space<vmem>>) target_semaphore(%arg10 : memref<!tpu.dma_semaphore, #tpu.memory_space<semaphore_mem>>)
    %dma_wait3A = arith.constant 0 : i32
    %dma_wait3A_106 = tpu.memref_slice %arg5[%dma_wait3A] : memref<6656xi32, #tpu.memory_space<vmem>> -> memref<512xi32, #tpu.memory_space<vmem>>
    %dma_wait3A_107 = tpu.memref_slice %arg2[%add3A_4] : memref<212992xi32, #tpu.memory_space<hbm>> -> memref<512xi32, #tpu.memory_space<hbm>>
    %dma_wait3A_108 = arith.constant 0 : i32
    %dma_wait3A_109 = tpu.memref_slice %arg5[%dma_wait3A_108] : memref<6656xi32, #tpu.memory_space<vmem>> -> memref<512xi32, #tpu.memory_space<vmem>>
    %dma_wait3A_110 = tpu.memref_slice %arg2[%add3A_4] : memref<212992xi32, #tpu.memory_space<hbm>> -> memref<512xi32, #tpu.memory_space<hbm>>
    tpu.wait_dma2 semaphore(%arg10 : memref<!tpu.dma_semaphore, #tpu.memory_space<semaphore_mem>>) src(%dma_wait3A_110 : memref<512xi32, #tpu.memory_space<hbm>>) dst(%dma_wait3A_109 : memref<512xi32, #tpu.memory_space<vmem>>)
    %dma_wait3A_111 = arith.constant 512 : i32
    %dma_wait3A_112 = tpu.memref_slice %arg5[%dma_wait3A_111] : memref<6656xi32, #tpu.memory_space<vmem>> -> memref<512xi32, #tpu.memory_space<vmem>>
    %dma_wait3A_113 = tpu.memref_slice %arg2[%add3A_6] : memref<212992xi32, #tpu.memory_space<hbm>> -> memref<512xi32, #tpu.memory_space<hbm>>
    %dma_wait3A_114 = arith.constant 512 : i32
    %dma_wait3A_115 = tpu.memref_slice %arg5[%dma_wait3A_114] : memref<6656xi32, #tpu.memory_space<vmem>> -> memref<512xi32, #tpu.memory_space<vmem>>
    %dma_wait3A_116 = tpu.memref_slice %arg2[%add3A_6] : memref<212992xi32, #tpu.memory_space<hbm>> -> memref<512xi32, #tpu.memory_space<hbm>>
    tpu.wait_dma2 semaphore(%arg10 : memref<!tpu.dma_semaphore, #tpu.memory_space<semaphore_mem>>) src(%dma_wait3A_116 : memref<512xi32, #tpu.memory_space<hbm>>) dst(%dma_wait3A_115 : memref<512xi32, #tpu.memory_space<vmem>>)
    %dma_wait3A_117 = arith.constant 1024 : i32
    %dma_wait3A_118 = tpu.memref_slice %arg5[%dma_wait3A_117] : memref<6656xi32, #tpu.memory_space<vmem>> -> memref<512xi32, #tpu.memory_space<vmem>>
    %dma_wait3A_119 = tpu.memref_slice %arg2[%add3A_8] : memref<212992xi32, #tpu.memory_space<hbm>> -> memref<512xi32, #tpu.memory_space<hbm>>
    %dma_wait3A_120 = arith.constant 1024 : i32
    %dma_wait3A_121 = tpu.memref_slice %arg5[%dma_wait3A_120] : memref<6656xi32, #tpu.memory_space<vmem>> -> memref<512xi32, #tpu.memory_space<vmem>>
    %dma_wait3A_122 = tpu.memref_slice %arg2[%add3A_8] : memref<212992xi32, #tpu.memory_space<hbm>> -> memref<512xi32, #tpu.memory_space<hbm>>
    tpu.wait_dma2 semaphore(%arg10 : memref<!tpu.dma_semaphore, #tpu.memory_space<semaphore_mem>>) src(%dma_wait3A_122 : memref<512xi32, #tpu.memory_space<hbm>>) dst(%dma_wait3A_121 : memref<512xi32, #tpu.memory_space<vmem>>)
    %dma_wait3A_123 = arith.constant 1536 : i32
    %dma_wait3A_124 = tpu.memref_slice %arg5[%dma_wait3A_123] : memref<6656xi32, #tpu.memory_space<vmem>> -> memref<512xi32, #tpu.memory_space<vmem>>
    %dma_wait3A_125 = tpu.memref_slice %arg2[%add3A_10] : memref<212992xi32, #tpu.memory_space<hbm>> -> memref<512xi32, #tpu.memory_space<hbm>>
    %dma_wait3A_126 = arith.constant 1536 : i32
    %dma_wait3A_127 = tpu.memref_slice %arg5[%dma_wait3A_126] : memref<6656xi32, #tpu.memory_space<vmem>> -> memref<512xi32, #tpu.memory_space<vmem>>
    %dma_wait3A_128 = tpu.memref_slice %arg2[%add3A_10] : memref<212992xi32, #tpu.memory_space<hbm>> -> memref<512xi32, #tpu.memory_space<hbm>>
    tpu.wait_dma2 semaphore(%arg10 : memref<!tpu.dma_semaphore, #tpu.memory_space<semaphore_mem>>) src(%dma_wait3A_128 : memref<512xi32, #tpu.memory_space<hbm>>) dst(%dma_wait3A_127 : memref<512xi32, #tpu.memory_space<vmem>>)
    %dma_wait3A_129 = arith.constant 2048 : i32
    %dma_wait3A_130 = tpu.memref_slice %arg5[%dma_wait3A_129] : memref<6656xi32, #tpu.memory_space<vmem>> -> memref<512xi32, #tpu.memory_space<vmem>>
    %dma_wait3A_131 = tpu.memref_slice %arg2[%add3A_12] : memref<212992xi32, #tpu.memory_space<hbm>> -> memref<512xi32, #tpu.memory_space<hbm>>
    %dma_wait3A_132 = arith.constant 2048 : i32
    %dma_wait3A_133 = tpu.memref_slice %arg5[%dma_wait3A_132] : memref<6656xi32, #tpu.memory_space<vmem>> -> memref<512xi32, #tpu.memory_space<vmem>>
    %dma_wait3A_134 = tpu.memref_slice %arg2[%add3A_12] : memref<212992xi32, #tpu.memory_space<hbm>> -> memref<512xi32, #tpu.memory_space<hbm>>
    tpu.wait_dma2 semaphore(%arg10 : memref<!tpu.dma_semaphore, #tpu.memory_space<semaphore_mem>>) src(%dma_wait3A_134 : memref<512xi32, #tpu.memory_space<hbm>>) dst(%dma_wait3A_133 : memref<512xi32, #tpu.memory_space<vmem>>)
    %dma_wait3A_135 = arith.constant 2560 : i32
    %dma_wait3A_136 = tpu.memref_slice %arg5[%dma_wait3A_135] : memref<6656xi32, #tpu.memory_space<vmem>> -> memref<512xi32, #tpu.memory_space<vmem>>
    %dma_wait3A_137 = tpu.memref_slice %arg2[%add3A_14] : memref<212992xi32, #tpu.memory_space<hbm>> -> memref<512xi32, #tpu.memory_space<hbm>>
    %dma_wait3A_138 = arith.constant 2560 : i32
    %dma_wait3A_139 = tpu.memref_slice %arg5[%dma_wait3A_138] : memref<6656xi32, #tpu.memory_space<vmem>> -> memref<512xi32, #tpu.memory_space<vmem>>
    %dma_wait3A_140 = tpu.memref_slice %arg2[%add3A_14] : memref<212992xi32, #tpu.memory_space<hbm>> -> memref<512xi32, #tpu.memory_space<hbm>>
    tpu.wait_dma2 semaphore(%arg10 : memref<!tpu.dma_semaphore, #tpu.memory_space<semaphore_mem>>) src(%dma_wait3A_140 : memref<512xi32, #tpu.memory_space<hbm>>) dst(%dma_wait3A_139 : memref<512xi32, #tpu.memory_space<vmem>>)
    %dma_wait3A_141 = arith.constant 3072 : i32
    %dma_wait3A_142 = tpu.memref_slice %arg5[%dma_wait3A_141] : memref<6656xi32, #tpu.memory_space<vmem>> -> memref<512xi32, #tpu.memory_space<vmem>>
    %dma_wait3A_143 = tpu.memref_slice %arg2[%add3A_16] : memref<212992xi32, #tpu.memory_space<hbm>> -> memref<512xi32, #tpu.memory_space<hbm>>
    %dma_wait3A_144 = arith.constant 3072 : i32
    %dma_wait3A_145 = tpu.memref_slice %arg5[%dma_wait3A_144] : memref<6656xi32, #tpu.memory_space<vmem>> -> memref<512xi32, #tpu.memory_space<vmem>>
    %dma_wait3A_146 = tpu.memref_slice %arg2[%add3A_16] : memref<212992xi32, #tpu.memory_space<hbm>> -> memref<512xi32, #tpu.memory_space<hbm>>
    tpu.wait_dma2 semaphore(%arg10 : memref<!tpu.dma_semaphore, #tpu.memory_space<semaphore_mem>>) src(%dma_wait3A_146 : memref<512xi32, #tpu.memory_space<hbm>>) dst(%dma_wait3A_145 : memref<512xi32, #tpu.memory_space<vmem>>)
    %dma_wait3A_147 = arith.constant 3584 : i32
    %dma_wait3A_148 = tpu.memref_slice %arg5[%dma_wait3A_147] : memref<6656xi32, #tpu.memory_space<vmem>> -> memref<512xi32, #tpu.memory_space<vmem>>
    %dma_wait3A_149 = tpu.memref_slice %arg2[%add3A_18] : memref<212992xi32, #tpu.memory_space<hbm>> -> memref<512xi32, #tpu.memory_space<hbm>>
    %dma_wait3A_150 = arith.constant 3584 : i32
    %dma_wait3A_151 = tpu.memref_slice %arg5[%dma_wait3A_150] : memref<6656xi32, #tpu.memory_space<vmem>> -> memref<512xi32, #tpu.memory_space<vmem>>
    %dma_wait3A_152 = tpu.memref_slice %arg2[%add3A_18] : memref<212992xi32, #tpu.memory_space<hbm>> -> memref<512xi32, #tpu.memory_space<hbm>>
    tpu.wait_dma2 semaphore(%arg10 : memref<!tpu.dma_semaphore, #tpu.memory_space<semaphore_mem>>) src(%dma_wait3A_152 : memref<512xi32, #tpu.memory_space<hbm>>) dst(%dma_wait3A_151 : memref<512xi32, #tpu.memory_space<vmem>>)
    %dma_wait3A_153 = arith.constant 4096 : i32
    %dma_wait3A_154 = tpu.memref_slice %arg5[%dma_wait3A_153] : memref<6656xi32, #tpu.memory_space<vmem>> -> memref<512xi32, #tpu.memory_space<vmem>>
    %dma_wait3A_155 = tpu.memref_slice %arg2[%add3A_20] : memref<212992xi32, #tpu.memory_space<hbm>> -> memref<512xi32, #tpu.memory_space<hbm>>
    %dma_wait3A_156 = arith.constant 4096 : i32
    %dma_wait3A_157 = tpu.memref_slice %arg5[%dma_wait3A_156] : memref<6656xi32, #tpu.memory_space<vmem>> -> memref<512xi32, #tpu.memory_space<vmem>>
    %dma_wait3A_158 = tpu.memref_slice %arg2[%add3A_20] : memref<212992xi32, #tpu.memory_space<hbm>> -> memref<512xi32, #tpu.memory_space<hbm>>
    tpu.wait_dma2 semaphore(%arg10 : memref<!tpu.dma_semaphore, #tpu.memory_space<semaphore_mem>>) src(%dma_wait3A_158 : memref<512xi32, #tpu.memory_space<hbm>>) dst(%dma_wait3A_157 : memref<512xi32, #tpu.memory_space<vmem>>)
    %dma_wait3A_159 = arith.constant 4608 : i32
    %dma_wait3A_160 = tpu.memref_slice %arg5[%dma_wait3A_159] : memref<6656xi32, #tpu.memory_space<vmem>> -> memref<512xi32, #tpu.memory_space<vmem>>
    %dma_wait3A_161 = tpu.memref_slice %arg2[%add3A_22] : memref<212992xi32, #tpu.memory_space<hbm>> -> memref<512xi32, #tpu.memory_space<hbm>>
    %dma_wait3A_162 = arith.constant 4608 : i32
    %dma_wait3A_163 = tpu.memref_slice %arg5[%dma_wait3A_162] : memref<6656xi32, #tpu.memory_space<vmem>> -> memref<512xi32, #tpu.memory_space<vmem>>
    %dma_wait3A_164 = tpu.memref_slice %arg2[%add3A_22] : memref<212992xi32, #tpu.memory_space<hbm>> -> memref<512xi32, #tpu.memory_space<hbm>>
    tpu.wait_dma2 semaphore(%arg10 : memref<!tpu.dma_semaphore, #tpu.memory_space<semaphore_mem>>) src(%dma_wait3A_164 : memref<512xi32, #tpu.memory_space<hbm>>) dst(%dma_wait3A_163 : memref<512xi32, #tpu.memory_space<vmem>>)
    %dma_wait3A_165 = arith.constant 5120 : i32
    %dma_wait3A_166 = tpu.memref_slice %arg5[%dma_wait3A_165] : memref<6656xi32, #tpu.memory_space<vmem>> -> memref<512xi32, #tpu.memory_space<vmem>>
    %dma_wait3A_167 = tpu.memref_slice %arg2[%add3A_24] : memref<212992xi32, #tpu.memory_space<hbm>> -> memref<512xi32, #tpu.memory_space<hbm>>
    %dma_wait3A_168 = arith.constant 5120 : i32
    %dma_wait3A_169 = tpu.memref_slice %arg5[%dma_wait3A_168] : memref<6656xi32, #tpu.memory_space<vmem>> -> memref<512xi32, #tpu.memory_space<vmem>>
    %dma_wait3A_170 = tpu.memref_slice %arg2[%add3A_24] : memref<212992xi32, #tpu.memory_space<hbm>> -> memref<512xi32, #tpu.memory_space<hbm>>
    tpu.wait_dma2 semaphore(%arg10 : memref<!tpu.dma_semaphore, #tpu.memory_space<semaphore_mem>>) src(%dma_wait3A_170 : memref<512xi32, #tpu.memory_space<hbm>>) dst(%dma_wait3A_169 : memref<512xi32, #tpu.memory_space<vmem>>)
    %dma_wait3A_171 = arith.constant 5632 : i32
    %dma_wait3A_172 = tpu.memref_slice %arg5[%dma_wait3A_171] : memref<6656xi32, #tpu.memory_space<vmem>> -> memref<512xi32, #tpu.memory_space<vmem>>
    %dma_wait3A_173 = tpu.memref_slice %arg2[%add3A_26] : memref<212992xi32, #tpu.memory_space<hbm>> -> memref<512xi32, #tpu.memory_space<hbm>>
    %dma_wait3A_174 = arith.constant 5632 : i32
    %dma_wait3A_175 = tpu.memref_slice %arg5[%dma_wait3A_174] : memref<6656xi32, #tpu.memory_space<vmem>> -> memref<512xi32, #tpu.memory_space<vmem>>
    %dma_wait3A_176 = tpu.memref_slice %arg2[%add3A_26] : memref<212992xi32, #tpu.memory_space<hbm>> -> memref<512xi32, #tpu.memory_space<hbm>>
    tpu.wait_dma2 semaphore(%arg10 : memref<!tpu.dma_semaphore, #tpu.memory_space<semaphore_mem>>) src(%dma_wait3A_176 : memref<512xi32, #tpu.memory_space<hbm>>) dst(%dma_wait3A_175 : memref<512xi32, #tpu.memory_space<vmem>>)
    %dma_wait3A_177 = arith.constant 6144 : i32
    %dma_wait3A_178 = tpu.memref_slice %arg5[%dma_wait3A_177] : memref<6656xi32, #tpu.memory_space<vmem>> -> memref<512xi32, #tpu.memory_space<vmem>>
    %dma_wait3A_179 = tpu.memref_slice %arg2[%add3A_28] : memref<212992xi32, #tpu.memory_space<hbm>> -> memref<512xi32, #tpu.memory_space<hbm>>
    %dma_wait3A_180 = arith.constant 6144 : i32
    %dma_wait3A_181 = tpu.memref_slice %arg5[%dma_wait3A_180] : memref<6656xi32, #tpu.memory_space<vmem>> -> memref<512xi32, #tpu.memory_space<vmem>>
    %dma_wait3A_182 = tpu.memref_slice %arg2[%add3A_28] : memref<212992xi32, #tpu.memory_space<hbm>> -> memref<512xi32, #tpu.memory_space<hbm>>
    tpu.wait_dma2 semaphore(%arg10 : memref<!tpu.dma_semaphore, #tpu.memory_space<semaphore_mem>>) src(%dma_wait3A_182 : memref<512xi32, #tpu.memory_space<hbm>>) dst(%dma_wait3A_181 : memref<512xi32, #tpu.memory_space<vmem>>)
    %dma_start3A_183 = arith.constant 0 : i32
    %dma_start3A_184 = arith.constant 0 : i32
    %dma_start3A_185 = arith.constant 0 : i32
    %dma_start3A_186 = tpu.memref_slice %arg6[%dma_start3A_183, %dma_start3A_184, %dma_start3A_185] : memref<2x416x128xf32, #tpu.memory_space<vmem>> -> memref<1x32x128xf32, #tpu.memory_space<vmem>>
    %dma_start3A_187 = tpu.memref_squeeze %dma_start3A_186 : memref<1x32x128xf32, #tpu.memory_space<vmem>> -> memref<32x128xf32, #tpu.memory_space<vmem>>
    %dma_start3A_188 = arith.constant 0 : i32
    %dma_start3A_189 = tpu.memref_slice %arg5[%dma_start3A_188] : memref<6656xi32, #tpu.memory_space<vmem>> -> memref<32xi32, #tpu.memory_space<vmem>>
    %dma_start3A_190 = arith.constant 0 : i32
    %dma_start3A_191 = arith.constant 0 : i32
    %dma_start3A_192 = tpu.memref_slice %arg3[%dma_start3A_190, %dma_start3A_191] : memref<13013x128xf32, #tpu.memory_space<hbm>> -> memref<13013x128xf32, #tpu.memory_space<hbm>>
    tpu.enqueue_indirect_dma source(%dma_start3A_192 : memref<13013x128xf32, #tpu.memory_space<hbm>>) target(%dma_start3A_187 : memref<32x128xf32, #tpu.memory_space<vmem>>) offsets(%dma_start3A_189 : memref<32xi32, #tpu.memory_space<vmem>>) semaphore(%arg8 : memref<!tpu.dma_semaphore, #tpu.memory_space<semaphore_mem>>)
    %dma_start3A_193 = arith.constant 0 : i32
    %dma_start3A_194 = arith.constant 32 : i32
    %dma_start3A_195 = arith.constant 0 : i32
    %dma_start3A_196 = tpu.memref_slice %arg6[%dma_start3A_193, %dma_start3A_194, %dma_start3A_195] : memref<2x416x128xf32, #tpu.memory_space<vmem>> -> memref<1x32x128xf32, #tpu.memory_space<vmem>>
    %dma_start3A_197 = tpu.memref_squeeze %dma_start3A_196 : memref<1x32x128xf32, #tpu.memory_space<vmem>> -> memref<32x128xf32, #tpu.memory_space<vmem>>
    %dma_start3A_198 = arith.constant 512 : i32
    %dma_start3A_199 = tpu.memref_slice %arg5[%dma_start3A_198] : memref<6656xi32, #tpu.memory_space<vmem>> -> memref<32xi32, #tpu.memory_space<vmem>>
    %dma_start3A_200 = arith.constant 0 : i32
    %dma_start3A_201 = arith.constant 0 : i32
    %dma_start3A_202 = tpu.memref_slice %arg3[%dma_start3A_200, %dma_start3A_201] : memref<13013x128xf32, #tpu.memory_space<hbm>> -> memref<13013x128xf32, #tpu.memory_space<hbm>>
    tpu.enqueue_indirect_dma source(%dma_start3A_202 : memref<13013x128xf32, #tpu.memory_space<hbm>>) target(%dma_start3A_197 : memref<32x128xf32, #tpu.memory_space<vmem>>) offsets(%dma_start3A_199 : memref<32xi32, #tpu.memory_space<vmem>>) semaphore(%arg8 : memref<!tpu.dma_semaphore, #tpu.memory_space<semaphore_mem>>)
    %dma_start3A_203 = arith.constant 0 : i32
    %dma_start3A_204 = arith.constant 64 : i32
    %dma_start3A_205 = arith.constant 0 : i32
    %dma_start3A_206 = tpu.memref_slice %arg6[%dma_start3A_203, %dma_start3A_204, %dma_start3A_205] : memref<2x416x128xf32, #tpu.memory_space<vmem>> -> memref<1x32x128xf32, #tpu.memory_space<vmem>>
    %dma_start3A_207 = tpu.memref_squeeze %dma_start3A_206 : memref<1x32x128xf32, #tpu.memory_space<vmem>> -> memref<32x128xf32, #tpu.memory_space<vmem>>
    %dma_start3A_208 = arith.constant 1024 : i32
    %dma_start3A_209 = tpu.memref_slice %arg5[%dma_start3A_208] : memref<6656xi32, #tpu.memory_space<vmem>> -> memref<32xi32, #tpu.memory_space<vmem>>
    %dma_start3A_210 = arith.constant 0 : i32
    %dma_start3A_211 = arith.constant 0 : i32
    %dma_start3A_212 = tpu.memref_slice %arg3[%dma_start3A_210, %dma_start3A_211] : memref<13013x128xf32, #tpu.memory_space<hbm>> -> memref<13013x128xf32, #tpu.memory_space<hbm>>
    tpu.enqueue_indirect_dma source(%dma_start3A_212 : memref<13013x128xf32, #tpu.memory_space<hbm>>) target(%dma_start3A_207 : memref<32x128xf32, #tpu.memory_space<vmem>>) offsets(%dma_start3A_209 : memref<32xi32, #tpu.memory_space<vmem>>) semaphore(%arg8 : memref<!tpu.dma_semaphore, #tpu.memory_space<semaphore_mem>>)
    %dma_start3A_213 = arith.constant 0 : i32
    %dma_start3A_214 = arith.constant 96 : i32
    %dma_start3A_215 = arith.constant 0 : i32
    %dma_start3A_216 = tpu.memref_slice %arg6[%dma_start3A_213, %dma_start3A_214, %dma_start3A_215] : memref<2x416x128xf32, #tpu.memory_space<vmem>> -> memref<1x32x128xf32, #tpu.memory_space<vmem>>
    %dma_start3A_217 = tpu.memref_squeeze %dma_start3A_216 : memref<1x32x128xf32, #tpu.memory_space<vmem>> -> memref<32x128xf32, #tpu.memory_space<vmem>>
    %dma_start3A_218 = arith.constant 1536 : i32
    %dma_start3A_219 = tpu.memref_slice %arg5[%dma_start3A_218] : memref<6656xi32, #tpu.memory_space<vmem>> -> memref<32xi32, #tpu.memory_space<vmem>>
    %dma_start3A_220 = arith.constant 0 : i32
    %dma_start3A_221 = arith.constant 0 : i32
    %dma_start3A_222 = tpu.memref_slice %arg3[%dma_start3A_220, %dma_start3A_221] : memref<13013x128xf32, #tpu.memory_space<hbm>> -> memref<13013x128xf32, #tpu.memory_space<hbm>>
    tpu.enqueue_indirect_dma source(%dma_start3A_222 : memref<13013x128xf32, #tpu.memory_space<hbm>>) target(%dma_start3A_217 : memref<32x128xf32, #tpu.memory_space<vmem>>) offsets(%dma_start3A_219 : memref<32xi32, #tpu.memory_space<vmem>>) semaphore(%arg8 : memref<!tpu.dma_semaphore, #tpu.memory_space<semaphore_mem>>)
    %dma_start3A_223 = arith.constant 0 : i32
    %dma_start3A_224 = arith.constant 128 : i32
    %dma_start3A_225 = arith.constant 0 : i32
    %dma_start3A_226 = tpu.memref_slice %arg6[%dma_start3A_223, %dma_start3A_224, %dma_start3A_225] : memref<2x416x128xf32, #tpu.memory_space<vmem>> -> memref<1x32x128xf32, #tpu.memory_space<vmem>>
    %dma_start3A_227 = tpu.memref_squeeze %dma_start3A_226 : memref<1x32x128xf32, #tpu.memory_space<vmem>> -> memref<32x128xf32, #tpu.memory_space<vmem>>
    %dma_start3A_228 = arith.constant 2048 : i32
    %dma_start3A_229 = tpu.memref_slice %arg5[%dma_start3A_228] : memref<6656xi32, #tpu.memory_space<vmem>> -> memref<32xi32, #tpu.memory_space<vmem>>
    %dma_start3A_230 = arith.constant 0 : i32
    %dma_start3A_231 = arith.constant 0 : i32
    %dma_start3A_232 = tpu.memref_slice %arg3[%dma_start3A_230, %dma_start3A_231] : memref<13013x128xf32, #tpu.memory_space<hbm>> -> memref<13013x128xf32, #tpu.memory_space<hbm>>
    tpu.enqueue_indirect_dma source(%dma_start3A_232 : memref<13013x128xf32, #tpu.memory_space<hbm>>) target(%dma_start3A_227 : memref<32x128xf32, #tpu.memory_space<vmem>>) offsets(%dma_start3A_229 : memref<32xi32, #tpu.memory_space<vmem>>) semaphore(%arg8 : memref<!tpu.dma_semaphore, #tpu.memory_space<semaphore_mem>>)
    %dma_start3A_233 = arith.constant 0 : i32
    %dma_start3A_234 = arith.constant 160 : i32
    %dma_start3A_235 = arith.constant 0 : i32
    %dma_start3A_236 = tpu.memref_slice %arg6[%dma_start3A_233, %dma_start3A_234, %dma_start3A_235] : memref<2x416x128xf32, #tpu.memory_space<vmem>> -> memref<1x32x128xf32, #tpu.memory_space<vmem>>
    %dma_start3A_237 = tpu.memref_squeeze %dma_start3A_236 : memref<1x32x128xf32, #tpu.memory_space<vmem>> -> memref<32x128xf32, #tpu.memory_space<vmem>>
    %dma_start3A_238 = arith.constant 2560 : i32
    %dma_start3A_239 = tpu.memref_slice %arg5[%dma_start3A_238] : memref<6656xi32, #tpu.memory_space<vmem>> -> memref<32xi32, #tpu.memory_space<vmem>>
    %dma_start3A_240 = arith.constant 0 : i32
    %dma_start3A_241 = arith.constant 0 : i32
    %dma_start3A_242 = tpu.memref_slice %arg3[%dma_start3A_240, %dma_start3A_241] : memref<13013x128xf32, #tpu.memory_space<hbm>> -> memref<13013x128xf32, #tpu.memory_space<hbm>>
    tpu.enqueue_indirect_dma source(%dma_start3A_242 : memref<13013x128xf32, #tpu.memory_space<hbm>>) target(%dma_start3A_237 : memref<32x128xf32, #tpu.memory_space<vmem>>) offsets(%dma_start3A_239 : memref<32xi32, #tpu.memory_space<vmem>>) semaphore(%arg8 : memref<!tpu.dma_semaphore, #tpu.memory_space<semaphore_mem>>)
    %dma_start3A_243 = arith.constant 0 : i32
    %dma_start3A_244 = arith.constant 192 : i32
    %dma_start3A_245 = arith.constant 0 : i32
    %dma_start3A_246 = tpu.memref_slice %arg6[%dma_start3A_243, %dma_start3A_244, %dma_start3A_245] : memref<2x416x128xf32, #tpu.memory_space<vmem>> -> memref<1x32x128xf32, #tpu.memory_space<vmem>>
    %dma_start3A_247 = tpu.memref_squeeze %dma_start3A_246 : memref<1x32x128xf32, #tpu.memory_space<vmem>> -> memref<32x128xf32, #tpu.memory_space<vmem>>
    %dma_start3A_248 = arith.constant 3072 : i32
    %dma_start3A_249 = tpu.memref_slice %arg5[%dma_start3A_248] : memref<6656xi32, #tpu.memory_space<vmem>> -> memref<32xi32, #tpu.memory_space<vmem>>
    %dma_start3A_250 = arith.constant 0 : i32
    %dma_start3A_251 = arith.constant 0 : i32
    %dma_start3A_252 = tpu.memref_slice %arg3[%dma_start3A_250, %dma_start3A_251] : memref<13013x128xf32, #tpu.memory_space<hbm>> -> memref<13013x128xf32, #tpu.memory_space<hbm>>
    tpu.enqueue_indirect_dma source(%dma_start3A_252 : memref<13013x128xf32, #tpu.memory_space<hbm>>) target(%dma_start3A_247 : memref<32x128xf32, #tpu.memory_space<vmem>>) offsets(%dma_start3A_249 : memref<32xi32, #tpu.memory_space<vmem>>) semaphore(%arg8 : memref<!tpu.dma_semaphore, #tpu.memory_space<semaphore_mem>>)
    %dma_start3A_253 = arith.constant 0 : i32
    %dma_start3A_254 = arith.constant 224 : i32
    %dma_start3A_255 = arith.constant 0 : i32
    %dma_start3A_256 = tpu.memref_slice %arg6[%dma_start3A_253, %dma_start3A_254, %dma_start3A_255] : memref<2x416x128xf32, #tpu.memory_space<vmem>> -> memref<1x32x128xf32, #tpu.memory_space<vmem>>
    %dma_start3A_257 = tpu.memref_squeeze %dma_start3A_256 : memref<1x32x128xf32, #tpu.memory_space<vmem>> -> memref<32x128xf32, #tpu.memory_space<vmem>>
    %dma_start3A_258 = arith.constant 3584 : i32
    %dma_start3A_259 = tpu.memref_slice %arg5[%dma_start3A_258] : memref<6656xi32, #tpu.memory_space<vmem>> -> memref<32xi32, #tpu.memory_space<vmem>>
    %dma_start3A_260 = arith.constant 0 : i32
    %dma_start3A_261 = arith.constant 0 : i32
    %dma_start3A_262 = tpu.memref_slice %arg3[%dma_start3A_260, %dma_start3A_261] : memref<13013x128xf32, #tpu.memory_space<hbm>> -> memref<13013x128xf32, #tpu.memory_space<hbm>>
    tpu.enqueue_indirect_dma source(%dma_start3A_262 : memref<13013x128xf32, #tpu.memory_space<hbm>>) target(%dma_start3A_257 : memref<32x128xf32, #tpu.memory_space<vmem>>) offsets(%dma_start3A_259 : memref<32xi32, #tpu.memory_space<vmem>>) semaphore(%arg8 : memref<!tpu.dma_semaphore, #tpu.memory_space<semaphore_mem>>)
    %dma_start3A_263 = arith.constant 0 : i32
    %dma_start3A_264 = arith.constant 256 : i32
    %dma_start3A_265 = arith.constant 0 : i32
    %dma_start3A_266 = tpu.memref_slice %arg6[%dma_start3A_263, %dma_start3A_264, %dma_start3A_265] : memref<2x416x128xf32, #tpu.memory_space<vmem>> -> memref<1x32x128xf32, #tpu.memory_space<vmem>>
    %dma_start3A_267 = tpu.memref_squeeze %dma_start3A_266 : memref<1x32x128xf32, #tpu.memory_space<vmem>> -> memref<32x128xf32, #tpu.memory_space<vmem>>
    %dma_start3A_268 = arith.constant 4096 : i32
    %dma_start3A_269 = tpu.memref_slice %arg5[%dma_start3A_268] : memref<6656xi32, #tpu.memory_space<vmem>> -> memref<32xi32, #tpu.memory_space<vmem>>
    %dma_start3A_270 = arith.constant 0 : i32
    %dma_start3A_271 = arith.constant 0 : i32
    %dma_start3A_272 = tpu.memref_slice %arg3[%dma_start3A_270, %dma_start3A_271] : memref<13013x128xf32, #tpu.memory_space<hbm>> -> memref<13013x128xf32, #tpu.memory_space<hbm>>
    tpu.enqueue_indirect_dma source(%dma_start3A_272 : memref<13013x128xf32, #tpu.memory_space<hbm>>) target(%dma_start3A_267 : memref<32x128xf32, #tpu.memory_space<vmem>>) offsets(%dma_start3A_269 : memref<32xi32, #tpu.memory_space<vmem>>) semaphore(%arg8 : memref<!tpu.dma_semaphore, #tpu.memory_space<semaphore_mem>>)
    %dma_start3A_273 = arith.constant 0 : i32
    %dma_start3A_274 = arith.constant 288 : i32
    %dma_start3A_275 = arith.constant 0 : i32
    %dma_start3A_276 = tpu.memref_slice %arg6[%dma_start3A_273, %dma_start3A_274, %dma_start3A_275] : memref<2x416x128xf32, #tpu.memory_space<vmem>> -> memref<1x32x128xf32, #tpu.memory_space<vmem>>
    %dma_start3A_277 = tpu.memref_squeeze %dma_start3A_276 : memref<1x32x128xf32, #tpu.memory_space<vmem>> -> memref<32x128xf32, #tpu.memory_space<vmem>>
    %dma_start3A_278 = arith.constant 4608 : i32
    %dma_start3A_279 = tpu.memref_slice %arg5[%dma_start3A_278] : memref<6656xi32, #tpu.memory_space<vmem>> -> memref<32xi32, #tpu.memory_space<vmem>>
    %dma_start3A_280 = arith.constant 0 : i32
    %dma_start3A_281 = arith.constant 0 : i32
    %dma_start3A_282 = tpu.memref_slice %arg3[%dma_start3A_280, %dma_start3A_281] : memref<13013x128xf32, #tpu.memory_space<hbm>> -> memref<13013x128xf32, #tpu.memory_space<hbm>>
    tpu.enqueue_indirect_dma source(%dma_start3A_282 : memref<13013x128xf32, #tpu.memory_space<hbm>>) target(%dma_start3A_277 : memref<32x128xf32, #tpu.memory_space<vmem>>) offsets(%dma_start3A_279 : memref<32xi32, #tpu.memory_space<vmem>>) semaphore(%arg8 : memref<!tpu.dma_semaphore, #tpu.memory_space<semaphore_mem>>)
    %dma_start3A_283 = arith.constant 0 : i32
    %dma_start3A_284 = arith.constant 320 : i32
    %dma_start3A_285 = arith.constant 0 : i32
    %dma_start3A_286 = tpu.memref_slice %arg6[%dma_start3A_283, %dma_start3A_284, %dma_start3A_285] : memref<2x416x128xf32, #tpu.memory_space<vmem>> -> memref<1x32x128xf32, #tpu.memory_space<vmem>>
    %dma_start3A_287 = tpu.memref_squeeze %dma_start3A_286 : memref<1x32x128xf32, #tpu.memory_space<vmem>> -> memref<32x128xf32, #tpu.memory_space<vmem>>
    %dma_start3A_288 = arith.constant 5120 : i32
    %dma_start3A_289 = tpu.memref_slice %arg5[%dma_start3A_288] : memref<6656xi32, #tpu.memory_space<vmem>> -> memref<32xi32, #tpu.memory_space<vmem>>
    %dma_start3A_290 = arith.constant 0 : i32
    %dma_start3A_291 = arith.constant 0 : i32
    %dma_start3A_292 = tpu.memref_slice %arg3[%dma_start3A_290, %dma_start3A_291] : memref<13013x128xf32, #tpu.memory_space<hbm>> -> memref<13013x128xf32, #tpu.memory_space<hbm>>
    tpu.enqueue_indirect_dma source(%dma_start3A_292 : memref<13013x128xf32, #tpu.memory_space<hbm>>) target(%dma_start3A_287 : memref<32x128xf32, #tpu.memory_space<vmem>>) offsets(%dma_start3A_289 : memref<32xi32, #tpu.memory_space<vmem>>) semaphore(%arg8 : memref<!tpu.dma_semaphore, #tpu.memory_space<semaphore_mem>>)
    %dma_start3A_293 = arith.constant 0 : i32
    %dma_start3A_294 = arith.constant 352 : i32
    %dma_start3A_295 = arith.constant 0 : i32
    %dma_start3A_296 = tpu.memref_slice %arg6[%dma_start3A_293, %dma_start3A_294, %dma_start3A_295] : memref<2x416x128xf32, #tpu.memory_space<vmem>> -> memref<1x32x128xf32, #tpu.memory_space<vmem>>
    %dma_start3A_297 = tpu.memref_squeeze %dma_start3A_296 : memref<1x32x128xf32, #tpu.memory_space<vmem>> -> memref<32x128xf32, #tpu.memory_space<vmem>>
    %dma_start3A_298 = arith.constant 5632 : i32
    %dma_start3A_299 = tpu.memref_slice %arg5[%dma_start3A_298] : memref<6656xi32, #tpu.memory_space<vmem>> -> memref<32xi32, #tpu.memory_space<vmem>>
    %dma_start3A_300 = arith.constant 0 : i32
    %dma_start3A_301 = arith.constant 0 : i32
    %dma_start3A_302 = tpu.memref_slice %arg3[%dma_start3A_300, %dma_start3A_301] : memref<13013x128xf32, #tpu.memory_space<hbm>> -> memref<13013x128xf32, #tpu.memory_space<hbm>>
    tpu.enqueue_indirect_dma source(%dma_start3A_302 : memref<13013x128xf32, #tpu.memory_space<hbm>>) target(%dma_start3A_297 : memref<32x128xf32, #tpu.memory_space<vmem>>) offsets(%dma_start3A_299 : memref<32xi32, #tpu.memory_space<vmem>>) semaphore(%arg8 : memref<!tpu.dma_semaphore, #tpu.memory_space<semaphore_mem>>)
    %dma_start3A_303 = arith.constant 0 : i32
    %dma_start3A_304 = arith.constant 384 : i32
    %dma_start3A_305 = arith.constant 0 : i32
    %dma_start3A_306 = tpu.memref_slice %arg6[%dma_start3A_303, %dma_start3A_304, %dma_start3A_305] : memref<2x416x128xf32, #tpu.memory_space<vmem>> -> memref<1x32x128xf32, #tpu.memory_space<vmem>>
    %dma_start3A_307 = tpu.memref_squeeze %dma_start3A_306 : memref<1x32x128xf32, #tpu.memory_space<vmem>> -> memref<32x128xf32, #tpu.memory_space<vmem>>
    %dma_start3A_308 = arith.constant 6144 : i32
    %dma_start3A_309 = tpu.memref_slice %arg5[%dma_start3A_308] : memref<6656xi32, #tpu.memory_space<vmem>> -> memref<32xi32, #tpu.memory_space<vmem>>
    %dma_start3A_310 = arith.constant 0 : i32
    %dma_start3A_311 = arith.constant 0 : i32
    %dma_start3A_312 = tpu.memref_slice %arg3[%dma_start3A_310, %dma_start3A_311] : memref<13013x128xf32, #tpu.memory_space<hbm>> -> memref<13013x128xf32, #tpu.memory_space<hbm>>
    tpu.enqueue_indirect_dma source(%dma_start3A_312 : memref<13013x128xf32, #tpu.memory_space<hbm>>) target(%dma_start3A_307 : memref<32x128xf32, #tpu.memory_space<vmem>>) offsets(%dma_start3A_309 : memref<32xi32, #tpu.memory_space<vmem>>) semaphore(%arg8 : memref<!tpu.dma_semaphore, #tpu.memory_space<semaphore_mem>>)
    %scan3A = arith.constant 0 : i32
    %scan3A_313 = arith.constant 0 : i32
    %scan3A_314 = arith.constant 8 : i32
    %scan3A_315 = arith.addi %scan3A_313, %scan3A_314 : i32
    %scan3A_316 = arith.constant 1 : i32
    scf.for %scan3A_348 = %scan3A_313 to %scan3A_315 step %scan3A_316  : i32 {
      %mul3A_349 = arith.constant 2 : i32
      %mul3A_350 = arith.muli %mul3A_349, %scan3A_348 : i32
      %add3A_351 = arith.constant 1 : i32
      %add3A_352 = arith.addi %mul3A_350, %add3A_351 : i32
      %mul3A_353 = arith.constant 32 : i32
      %mul3A_354 = arith.muli %add3A_352, %mul3A_353 : i32
      %add3A_355 = arith.constant 0 : i32
      %add3A_356 = arith.addi %add3A_355, %mul3A_354 : i32
      %mul3A_357 = arith.constant 32 : i32
      %mul3A_358 = arith.muli %add3A_352, %mul3A_357 : i32
      %add3A_359 = arith.constant 512 : i32
      %add3A_360 = arith.addi %add3A_359, %mul3A_358 : i32
      %mul3A_361 = arith.constant 32 : i32
      %mul3A_362 = arith.muli %add3A_352, %mul3A_361 : i32
      %add3A_363 = arith.constant 1024 : i32
      %add3A_364 = arith.addi %add3A_363, %mul3A_362 : i32
      %mul3A_365 = arith.constant 32 : i32
      %mul3A_366 = arith.muli %add3A_352, %mul3A_365 : i32
      %add3A_367 = arith.constant 1536 : i32
      %add3A_368 = arith.addi %add3A_367, %mul3A_366 : i32
      %mul3A_369 = arith.constant 32 : i32
      %mul3A_370 = arith.muli %add3A_352, %mul3A_369 : i32
      %add3A_371 = arith.constant 2048 : i32
      %add3A_372 = arith.addi %add3A_371, %mul3A_370 : i32
      %mul3A_373 = arith.constant 32 : i32
      %mul3A_374 = arith.muli %add3A_352, %mul3A_373 : i32
      %add3A_375 = arith.constant 2560 : i32
      %add3A_376 = arith.addi %add3A_375, %mul3A_374 : i32
      %mul3A_377 = arith.constant 32 : i32
      %mul3A_378 = arith.muli %add3A_352, %mul3A_377 : i32
      %add3A_379 = arith.constant 3072 : i32
      %add3A_380 = arith.addi %add3A_379, %mul3A_378 : i32
      %mul3A_381 = arith.constant 32 : i32
      %mul3A_382 = arith.muli %add3A_352, %mul3A_381 : i32
      %add3A_383 = arith.constant 3584 : i32
      %add3A_384 = arith.addi %add3A_383, %mul3A_382 : i32
      %mul3A_385 = arith.constant 32 : i32
      %mul3A_386 = arith.muli %add3A_352, %mul3A_385 : i32
      %add3A_387 = arith.constant 4096 : i32
      %add3A_388 = arith.addi %add3A_387, %mul3A_386 : i32
      %mul3A_389 = arith.constant 32 : i32
      %mul3A_390 = arith.muli %add3A_352, %mul3A_389 : i32
      %add3A_391 = arith.constant 4608 : i32
      %add3A_392 = arith.addi %add3A_391, %mul3A_390 : i32
      %mul3A_393 = arith.constant 32 : i32
      %mul3A_394 = arith.muli %add3A_352, %mul3A_393 : i32
      %add3A_395 = arith.constant 5120 : i32
      %add3A_396 = arith.addi %add3A_395, %mul3A_394 : i32
      %mul3A_397 = arith.constant 32 : i32
      %mul3A_398 = arith.muli %add3A_352, %mul3A_397 : i32
      %add3A_399 = arith.constant 5632 : i32
      %add3A_400 = arith.addi %add3A_399, %mul3A_398 : i32
      %mul3A_401 = arith.constant 32 : i32
      %mul3A_402 = arith.muli %add3A_352, %mul3A_401 : i32
      %add3A_403 = arith.constant 6144 : i32
      %add3A_404 = arith.addi %add3A_403, %mul3A_402 : i32
      %dma_start3A_405 = arith.constant 1 : i32
      %dma_start3A_406 = arith.constant 0 : i32
      %dma_start3A_407 = arith.constant 0 : i32
      %dma_start3A_408 = tpu.memref_slice %arg6[%dma_start3A_405, %dma_start3A_406, %dma_start3A_407] : memref<2x416x128xf32, #tpu.memory_space<vmem>> -> memref<1x32x128xf32, #tpu.memory_space<vmem>>
      %dma_start3A_409 = tpu.memref_squeeze %dma_start3A_408 : memref<1x32x128xf32, #tpu.memory_space<vmem>> -> memref<32x128xf32, #tpu.memory_space<vmem>>
      %dma_start3A_410 = tpu.memref_slice %arg5[%add3A_356] : memref<6656xi32, #tpu.memory_space<vmem>> -> memref<32xi32, #tpu.memory_space<vmem>>
      %dma_start3A_411 = arith.constant 0 : i32
      %dma_start3A_412 = arith.constant 0 : i32
      %dma_start3A_413 = tpu.memref_slice %arg3[%dma_start3A_411, %dma_start3A_412] : memref<13013x128xf32, #tpu.memory_space<hbm>> -> memref<13013x128xf32, #tpu.memory_space<hbm>>
      tpu.enqueue_indirect_dma source(%dma_start3A_413 : memref<13013x128xf32, #tpu.memory_space<hbm>>) target(%dma_start3A_409 : memref<32x128xf32, #tpu.memory_space<vmem>>) offsets(%dma_start3A_410 : memref<32xi32, #tpu.memory_space<vmem>>) semaphore(%arg9 : memref<!tpu.dma_semaphore, #tpu.memory_space<semaphore_mem>>)
      %dma_start3A_414 = arith.constant 1 : i32
      %dma_start3A_415 = arith.constant 32 : i32
      %dma_start3A_416 = arith.constant 0 : i32
      %dma_start3A_417 = tpu.memref_slice %arg6[%dma_start3A_414, %dma_start3A_415, %dma_start3A_416] : memref<2x416x128xf32, #tpu.memory_space<vmem>> -> memref<1x32x128xf32, #tpu.memory_space<vmem>>
      %dma_start3A_418 = tpu.memref_squeeze %dma_start3A_417 : memref<1x32x128xf32, #tpu.memory_space<vmem>> -> memref<32x128xf32, #tpu.memory_space<vmem>>
      %dma_start3A_419 = tpu.memref_slice %arg5[%add3A_360] : memref<6656xi32, #tpu.memory_space<vmem>> -> memref<32xi32, #tpu.memory_space<vmem>>
      %dma_start3A_420 = arith.constant 0 : i32
      %dma_start3A_421 = arith.constant 0 : i32
      %dma_start3A_422 = tpu.memref_slice %arg3[%dma_start3A_420, %dma_start3A_421] : memref<13013x128xf32, #tpu.memory_space<hbm>> -> memref<13013x128xf32, #tpu.memory_space<hbm>>
      tpu.enqueue_indirect_dma source(%dma_start3A_422 : memref<13013x128xf32, #tpu.memory_space<hbm>>) target(%dma_start3A_418 : memref<32x128xf32, #tpu.memory_space<vmem>>) offsets(%dma_start3A_419 : memref<32xi32, #tpu.memory_space<vmem>>) semaphore(%arg9 : memref<!tpu.dma_semaphore, #tpu.memory_space<semaphore_mem>>)
      %dma_start3A_423 = arith.constant 1 : i32
      %dma_start3A_424 = arith.constant 64 : i32
      %dma_start3A_425 = arith.constant 0 : i32
      %dma_start3A_426 = tpu.memref_slice %arg6[%dma_start3A_423, %dma_start3A_424, %dma_start3A_425] : memref<2x416x128xf32, #tpu.memory_space<vmem>> -> memref<1x32x128xf32, #tpu.memory_space<vmem>>
      %dma_start3A_427 = tpu.memref_squeeze %dma_start3A_426 : memref<1x32x128xf32, #tpu.memory_space<vmem>> -> memref<32x128xf32, #tpu.memory_space<vmem>>
      %dma_start3A_428 = tpu.memref_slice %arg5[%add3A_364] : memref<6656xi32, #tpu.memory_space<vmem>> -> memref<32xi32, #tpu.memory_space<vmem>>
      %dma_start3A_429 = arith.constant 0 : i32
      %dma_start3A_430 = arith.constant 0 : i32
      %dma_start3A_431 = tpu.memref_slice %arg3[%dma_start3A_429, %dma_start3A_430] : memref<13013x128xf32, #tpu.memory_space<hbm>> -> memref<13013x128xf32, #tpu.memory_space<hbm>>
      tpu.enqueue_indirect_dma source(%dma_start3A_431 : memref<13013x128xf32, #tpu.memory_space<hbm>>) target(%dma_start3A_427 : memref<32x128xf32, #tpu.memory_space<vmem>>) offsets(%dma_start3A_428 : memref<32xi32, #tpu.memory_space<vmem>>) semaphore(%arg9 : memref<!tpu.dma_semaphore, #tpu.memory_space<semaphore_mem>>)
      %dma_start3A_432 = arith.constant 1 : i32
      %dma_start3A_433 = arith.constant 96 : i32
      %dma_start3A_434 = arith.constant 0 : i32
      %dma_start3A_435 = tpu.memref_slice %arg6[%dma_start3A_432, %dma_start3A_433, %dma_start3A_434] : memref<2x416x128xf32, #tpu.memory_space<vmem>> -> memref<1x32x128xf32, #tpu.memory_space<vmem>>
      %dma_start3A_436 = tpu.memref_squeeze %dma_start3A_435 : memref<1x32x128xf32, #tpu.memory_space<vmem>> -> memref<32x128xf32, #tpu.memory_space<vmem>>
      %dma_start3A_437 = tpu.memref_slice %arg5[%add3A_368] : memref<6656xi32, #tpu.memory_space<vmem>> -> memref<32xi32, #tpu.memory_space<vmem>>
      %dma_start3A_438 = arith.constant 0 : i32
      %dma_start3A_439 = arith.constant 0 : i32
      %dma_start3A_440 = tpu.memref_slice %arg3[%dma_start3A_438, %dma_start3A_439] : memref<13013x128xf32, #tpu.memory_space<hbm>> -> memref<13013x128xf32, #tpu.memory_space<hbm>>
      tpu.enqueue_indirect_dma source(%dma_start3A_440 : memref<13013x128xf32, #tpu.memory_space<hbm>>) target(%dma_start3A_436 : memref<32x128xf32, #tpu.memory_space<vmem>>) offsets(%dma_start3A_437 : memref<32xi32, #tpu.memory_space<vmem>>) semaphore(%arg9 : memref<!tpu.dma_semaphore, #tpu.memory_space<semaphore_mem>>)
      %dma_start3A_441 = arith.constant 1 : i32
      %dma_start3A_442 = arith.constant 128 : i32
      %dma_start3A_443 = arith.constant 0 : i32
      %dma_start3A_444 = tpu.memref_slice %arg6[%dma_start3A_441, %dma_start3A_442, %dma_start3A_443] : memref<2x416x128xf32, #tpu.memory_space<vmem>> -> memref<1x32x128xf32, #tpu.memory_space<vmem>>
      %dma_start3A_445 = tpu.memref_squeeze %dma_start3A_444 : memref<1x32x128xf32, #tpu.memory_space<vmem>> -> memref<32x128xf32, #tpu.memory_space<vmem>>
      %dma_start3A_446 = tpu.memref_slice %arg5[%add3A_372] : memref<6656xi32, #tpu.memory_space<vmem>> -> memref<32xi32, #tpu.memory_space<vmem>>
      %dma_start3A_447 = arith.constant 0 : i32
      %dma_start3A_448 = arith.constant 0 : i32
      %dma_start3A_449 = tpu.memref_slice %arg3[%dma_start3A_447, %dma_start3A_448] : memref<13013x128xf32, #tpu.memory_space<hbm>> -> memref<13013x128xf32, #tpu.memory_space<hbm>>
      tpu.enqueue_indirect_dma source(%dma_start3A_449 : memref<13013x128xf32, #tpu.memory_space<hbm>>) target(%dma_start3A_445 : memref<32x128xf32, #tpu.memory_space<vmem>>) offsets(%dma_start3A_446 : memref<32xi32, #tpu.memory_space<vmem>>) semaphore(%arg9 : memref<!tpu.dma_semaphore, #tpu.memory_space<semaphore_mem>>)
      %dma_start3A_450 = arith.constant 1 : i32
      %dma_start3A_451 = arith.constant 160 : i32
      %dma_start3A_452 = arith.constant 0 : i32
      %dma_start3A_453 = tpu.memref_slice %arg6[%dma_start3A_450, %dma_start3A_451, %dma_start3A_452] : memref<2x416x128xf32, #tpu.memory_space<vmem>> -> memref<1x32x128xf32, #tpu.memory_space<vmem>>
      %dma_start3A_454 = tpu.memref_squeeze %dma_start3A_453 : memref<1x32x128xf32, #tpu.memory_space<vmem>> -> memref<32x128xf32, #tpu.memory_space<vmem>>
      %dma_start3A_455 = tpu.memref_slice %arg5[%add3A_376] : memref<6656xi32, #tpu.memory_space<vmem>> -> memref<32xi32, #tpu.memory_space<vmem>>
      %dma_start3A_456 = arith.constant 0 : i32
      %dma_start3A_457 = arith.constant 0 : i32
      %dma_start3A_458 = tpu.memref_slice %arg3[%dma_start3A_456, %dma_start3A_457] : memref<13013x128xf32, #tpu.memory_space<hbm>> -> memref<13013x128xf32, #tpu.memory_space<hbm>>
      tpu.enqueue_indirect_dma source(%dma_start3A_458 : memref<13013x128xf32, #tpu.memory_space<hbm>>) target(%dma_start3A_454 : memref<32x128xf32, #tpu.memory_space<vmem>>) offsets(%dma_start3A_455 : memref<32xi32, #tpu.memory_space<vmem>>) semaphore(%arg9 : memref<!tpu.dma_semaphore, #tpu.memory_space<semaphore_mem>>)
      %dma_start3A_459 = arith.constant 1 : i32
      %dma_start3A_460 = arith.constant 192 : i32
      %dma_start3A_461 = arith.constant 0 : i32
      %dma_start3A_462 = tpu.memref_slice %arg6[%dma_start3A_459, %dma_start3A_460, %dma_start3A_461] : memref<2x416x128xf32, #tpu.memory_space<vmem>> -> memref<1x32x128xf32, #tpu.memory_space<vmem>>
      %dma_start3A_463 = tpu.memref_squeeze %dma_start3A_462 : memref<1x32x128xf32, #tpu.memory_space<vmem>> -> memref<32x128xf32, #tpu.memory_space<vmem>>
      %dma_start3A_464 = tpu.memref_slice %arg5[%add3A_380] : memref<6656xi32, #tpu.memory_space<vmem>> -> memref<32xi32, #tpu.memory_space<vmem>>
      %dma_start3A_465 = arith.constant 0 : i32
      %dma_start3A_466 = arith.constant 0 : i32
      %dma_start3A_467 = tpu.memref_slice %arg3[%dma_start3A_465, %dma_start3A_466] : memref<13013x128xf32, #tpu.memory_space<hbm>> -> memref<13013x128xf32, #tpu.memory_space<hbm>>
      tpu.enqueue_indirect_dma source(%dma_start3A_467 : memref<13013x128xf32, #tpu.memory_space<hbm>>) target(%dma_start3A_463 : memref<32x128xf32, #tpu.memory_space<vmem>>) offsets(%dma_start3A_464 : memref<32xi32, #tpu.memory_space<vmem>>) semaphore(%arg9 : memref<!tpu.dma_semaphore, #tpu.memory_space<semaphore_mem>>)
      %dma_start3A_468 = arith.constant 1 : i32
      %dma_start3A_469 = arith.constant 224 : i32
      %dma_start3A_470 = arith.constant 0 : i32
      %dma_start3A_471 = tpu.memref_slice %arg6[%dma_start3A_468, %dma_start3A_469, %dma_start3A_470] : memref<2x416x128xf32, #tpu.memory_space<vmem>> -> memref<1x32x128xf32, #tpu.memory_space<vmem>>
      %dma_start3A_472 = tpu.memref_squeeze %dma_start3A_471 : memref<1x32x128xf32, #tpu.memory_space<vmem>> -> memref<32x128xf32, #tpu.memory_space<vmem>>
      %dma_start3A_473 = tpu.memref_slice %arg5[%add3A_384] : memref<6656xi32, #tpu.memory_space<vmem>> -> memref<32xi32, #tpu.memory_space<vmem>>
      %dma_start3A_474 = arith.constant 0 : i32
      %dma_start3A_475 = arith.constant 0 : i32
      %dma_start3A_476 = tpu.memref_slice %arg3[%dma_start3A_474, %dma_start3A_475] : memref<13013x128xf32, #tpu.memory_space<hbm>> -> memref<13013x128xf32, #tpu.memory_space<hbm>>
      tpu.enqueue_indirect_dma source(%dma_start3A_476 : memref<13013x128xf32, #tpu.memory_space<hbm>>) target(%dma_start3A_472 : memref<32x128xf32, #tpu.memory_space<vmem>>) offsets(%dma_start3A_473 : memref<32xi32, #tpu.memory_space<vmem>>) semaphore(%arg9 : memref<!tpu.dma_semaphore, #tpu.memory_space<semaphore_mem>>)
      %dma_start3A_477 = arith.constant 1 : i32
      %dma_start3A_478 = arith.constant 256 : i32
      %dma_start3A_479 = arith.constant 0 : i32
      %dma_start3A_480 = tpu.memref_slice %arg6[%dma_start3A_477, %dma_start3A_478, %dma_start3A_479] : memref<2x416x128xf32, #tpu.memory_space<vmem>> -> memref<1x32x128xf32, #tpu.memory_space<vmem>>
      %dma_start3A_481 = tpu.memref_squeeze %dma_start3A_480 : memref<1x32x128xf32, #tpu.memory_space<vmem>> -> memref<32x128xf32, #tpu.memory_space<vmem>>
      %dma_start3A_482 = tpu.memref_slice %arg5[%add3A_388] : memref<6656xi32, #tpu.memory_space<vmem>> -> memref<32xi32, #tpu.memory_space<vmem>>
      %dma_start3A_483 = arith.constant 0 : i32
      %dma_start3A_484 = arith.constant 0 : i32
      %dma_start3A_485 = tpu.memref_slice %arg3[%dma_start3A_483, %dma_start3A_484] : memref<13013x128xf32, #tpu.memory_space<hbm>> -> memref<13013x128xf32, #tpu.memory_space<hbm>>
      tpu.enqueue_indirect_dma source(%dma_start3A_485 : memref<13013x128xf32, #tpu.memory_space<hbm>>) target(%dma_start3A_481 : memref<32x128xf32, #tpu.memory_space<vmem>>) offsets(%dma_start3A_482 : memref<32xi32, #tpu.memory_space<vmem>>) semaphore(%arg9 : memref<!tpu.dma_semaphore, #tpu.memory_space<semaphore_mem>>)
      %dma_start3A_486 = arith.constant 1 : i32
      %dma_start3A_487 = arith.constant 288 : i32
      %dma_start3A_488 = arith.constant 0 : i32
      %dma_start3A_489 = tpu.memref_slice %arg6[%dma_start3A_486, %dma_start3A_487, %dma_start3A_488] : memref<2x416x128xf32, #tpu.memory_space<vmem>> -> memref<1x32x128xf32, #tpu.memory_space<vmem>>
      %dma_start3A_490 = tpu.memref_squeeze %dma_start3A_489 : memref<1x32x128xf32, #tpu.memory_space<vmem>> -> memref<32x128xf32, #tpu.memory_space<vmem>>
      %dma_start3A_491 = tpu.memref_slice %arg5[%add3A_392] : memref<6656xi32, #tpu.memory_space<vmem>> -> memref<32xi32, #tpu.memory_space<vmem>>
      %dma_start3A_492 = arith.constant 0 : i32
      %dma_start3A_493 = arith.constant 0 : i32
      %dma_start3A_494 = tpu.memref_slice %arg3[%dma_start3A_492, %dma_start3A_493] : memref<13013x128xf32, #tpu.memory_space<hbm>> -> memref<13013x128xf32, #tpu.memory_space<hbm>>
      tpu.enqueue_indirect_dma source(%dma_start3A_494 : memref<13013x128xf32, #tpu.memory_space<hbm>>) target(%dma_start3A_490 : memref<32x128xf32, #tpu.memory_space<vmem>>) offsets(%dma_start3A_491 : memref<32xi32, #tpu.memory_space<vmem>>) semaphore(%arg9 : memref<!tpu.dma_semaphore, #tpu.memory_space<semaphore_mem>>)
      %dma_start3A_495 = arith.constant 1 : i32
      %dma_start3A_496 = arith.constant 320 : i32
      %dma_start3A_497 = arith.constant 0 : i32
      %dma_start3A_498 = tpu.memref_slice %arg6[%dma_start3A_495, %dma_start3A_496, %dma_start3A_497] : memref<2x416x128xf32, #tpu.memory_space<vmem>> -> memref<1x32x128xf32, #tpu.memory_space<vmem>>
      %dma_start3A_499 = tpu.memref_squeeze %dma_start3A_498 : memref<1x32x128xf32, #tpu.memory_space<vmem>> -> memref<32x128xf32, #tpu.memory_space<vmem>>
      %dma_start3A_500 = tpu.memref_slice %arg5[%add3A_396] : memref<6656xi32, #tpu.memory_space<vmem>> -> memref<32xi32, #tpu.memory_space<vmem>>
      %dma_start3A_501 = arith.constant 0 : i32
      %dma_start3A_502 = arith.constant 0 : i32
      %dma_start3A_503 = tpu.memref_slice %arg3[%dma_start3A_501, %dma_start3A_502] : memref<13013x128xf32, #tpu.memory_space<hbm>> -> memref<13013x128xf32, #tpu.memory_space<hbm>>
      tpu.enqueue_indirect_dma source(%dma_start3A_503 : memref<13013x128xf32, #tpu.memory_space<hbm>>) target(%dma_start3A_499 : memref<32x128xf32, #tpu.memory_space<vmem>>) offsets(%dma_start3A_500 : memref<32xi32, #tpu.memory_space<vmem>>) semaphore(%arg9 : memref<!tpu.dma_semaphore, #tpu.memory_space<semaphore_mem>>)
      %dma_start3A_504 = arith.constant 1 : i32
      %dma_start3A_505 = arith.constant 352 : i32
      %dma_start3A_506 = arith.constant 0 : i32
      %dma_start3A_507 = tpu.memref_slice %arg6[%dma_start3A_504, %dma_start3A_505, %dma_start3A_506] : memref<2x416x128xf32, #tpu.memory_space<vmem>> -> memref<1x32x128xf32, #tpu.memory_space<vmem>>
      %dma_start3A_508 = tpu.memref_squeeze %dma_start3A_507 : memref<1x32x128xf32, #tpu.memory_space<vmem>> -> memref<32x128xf32, #tpu.memory_space<vmem>>
      %dma_start3A_509 = tpu.memref_slice %arg5[%add3A_400] : memref<6656xi32, #tpu.memory_space<vmem>> -> memref<32xi32, #tpu.memory_space<vmem>>
      %dma_start3A_510 = arith.constant 0 : i32
      %dma_start3A_511 = arith.constant 0 : i32
      %dma_start3A_512 = tpu.memref_slice %arg3[%dma_start3A_510, %dma_start3A_511] : memref<13013x128xf32, #tpu.memory_space<hbm>> -> memref<13013x128xf32, #tpu.memory_space<hbm>>
      tpu.enqueue_indirect_dma source(%dma_start3A_512 : memref<13013x128xf32, #tpu.memory_space<hbm>>) target(%dma_start3A_508 : memref<32x128xf32, #tpu.memory_space<vmem>>) offsets(%dma_start3A_509 : memref<32xi32, #tpu.memory_space<vmem>>) semaphore(%arg9 : memref<!tpu.dma_semaphore, #tpu.memory_space<semaphore_mem>>)
      %dma_start3A_513 = arith.constant 1 : i32
      %dma_start3A_514 = arith.constant 384 : i32
      %dma_start3A_515 = arith.constant 0 : i32
      %dma_start3A_516 = tpu.memref_slice %arg6[%dma_start3A_513, %dma_start3A_514, %dma_start3A_515] : memref<2x416x128xf32, #tpu.memory_space<vmem>> -> memref<1x32x128xf32, #tpu.memory_space<vmem>>
      %dma_start3A_517 = tpu.memref_squeeze %dma_start3A_516 : memref<1x32x128xf32, #tpu.memory_space<vmem>> -> memref<32x128xf32, #tpu.memory_space<vmem>>
      %dma_start3A_518 = tpu.memref_slice %arg5[%add3A_404] : memref<6656xi32, #tpu.memory_space<vmem>> -> memref<32xi32, #tpu.memory_space<vmem>>
      %dma_start3A_519 = arith.constant 0 : i32
      %dma_start3A_520 = arith.constant 0 : i32
      %dma_start3A_521 = tpu.memref_slice %arg3[%dma_start3A_519, %dma_start3A_520] : memref<13013x128xf32, #tpu.memory_space<hbm>> -> memref<13013x128xf32, #tpu.memory_space<hbm>>
      tpu.enqueue_indirect_dma source(%dma_start3A_521 : memref<13013x128xf32, #tpu.memory_space<hbm>>) target(%dma_start3A_517 : memref<32x128xf32, #tpu.memory_space<vmem>>) offsets(%dma_start3A_518 : memref<32xi32, #tpu.memory_space<vmem>>) semaphore(%arg9 : memref<!tpu.dma_semaphore, #tpu.memory_space<semaphore_mem>>)
      %mul3A_522 = arith.constant 32 : i32
      %mul3A_523 = arith.muli %mul3A_350, %mul3A_522 : i32
      %add3A_524 = arith.constant 0 : i32
      %add3A_525 = arith.addi %add3A_524, %mul3A_523 : i32
      %mul3A_526 = arith.constant 32 : i32
      %mul3A_527 = arith.muli %mul3A_350, %mul3A_526 : i32
      %add3A_528 = arith.constant 512 : i32
      %add3A_529 = arith.addi %add3A_528, %mul3A_527 : i32
      %mul3A_530 = arith.constant 32 : i32
      %mul3A_531 = arith.muli %mul3A_350, %mul3A_530 : i32
      %add3A_532 = arith.constant 1024 : i32
      %add3A_533 = arith.addi %add3A_532, %mul3A_531 : i32
      %mul3A_534 = arith.constant 32 : i32
      %mul3A_535 = arith.muli %mul3A_350, %mul3A_534 : i32
      %add3A_536 = arith.constant 1536 : i32
      %add3A_537 = arith.addi %add3A_536, %mul3A_535 : i32
      %mul3A_538 = arith.constant 32 : i32
      %mul3A_539 = arith.muli %mul3A_350, %mul3A_538 : i32
      %add3A_540 = arith.constant 2048 : i32
      %add3A_541 = arith.addi %add3A_540, %mul3A_539 : i32
      %mul3A_542 = arith.constant 32 : i32
      %mul3A_543 = arith.muli %mul3A_350, %mul3A_542 : i32
      %add3A_544 = arith.constant 2560 : i32
      %add3A_545 = arith.addi %add3A_544, %mul3A_543 : i32
      %mul3A_546 = arith.constant 32 : i32
      %mul3A_547 = arith.muli %mul3A_350, %mul3A_546 : i32
      %add3A_548 = arith.constant 3072 : i32
      %add3A_549 = arith.addi %add3A_548, %mul3A_547 : i32
      %mul3A_550 = arith.constant 32 : i32
      %mul3A_551 = arith.muli %mul3A_350, %mul3A_550 : i32
      %add3A_552 = arith.constant 3584 : i32
      %add3A_553 = arith.addi %add3A_552, %mul3A_551 : i32
      %mul3A_554 = arith.constant 32 : i32
      %mul3A_555 = arith.muli %mul3A_350, %mul3A_554 : i32
      %add3A_556 = arith.constant 4096 : i32
      %add3A_557 = arith.addi %add3A_556, %mul3A_555 : i32
      %mul3A_558 = arith.constant 32 : i32
      %mul3A_559 = arith.muli %mul3A_350, %mul3A_558 : i32
      %add3A_560 = arith.constant 4608 : i32
      %add3A_561 = arith.addi %add3A_560, %mul3A_559 : i32
      %mul3A_562 = arith.constant 32 : i32
      %mul3A_563 = arith.muli %mul3A_350, %mul3A_562 : i32
      %add3A_564 = arith.constant 5120 : i32
      %add3A_565 = arith.addi %add3A_564, %mul3A_563 : i32
      %mul3A_566 = arith.constant 32 : i32
      %mul3A_567 = arith.muli %mul3A_350, %mul3A_566 : i32
      %add3A_568 = arith.constant 5632 : i32
      %add3A_569 = arith.addi %add3A_568, %mul3A_567 : i32
      %mul3A_570 = arith.constant 32 : i32
      %mul3A_571 = arith.muli %mul3A_350, %mul3A_570 : i32
      %add3A_572 = arith.constant 6144 : i32
      %add3A_573 = arith.addi %add3A_572, %mul3A_571 : i32
      %dma_wait3A_574 = arith.constant 0 : i32
      %dma_wait3A_575 = arith.constant 0 : i32
      %dma_wait3A_576 = arith.constant 0 : i32
      %dma_wait3A_577 = tpu.memref_slice %arg6[%dma_wait3A_574, %dma_wait3A_575, %dma_wait3A_576] : memref<2x416x128xf32, #tpu.memory_space<vmem>> -> memref<1x32x128xf32, #tpu.memory_space<vmem>>
      %dma_wait3A_578 = tpu.memref_squeeze %dma_wait3A_577 : memref<1x32x128xf32, #tpu.memory_space<vmem>> -> memref<32x128xf32, #tpu.memory_space<vmem>>
      %dma_wait3A_579 = tpu.memref_slice %arg5[%add3A_525] : memref<6656xi32, #tpu.memory_space<vmem>> -> memref<32xi32, #tpu.memory_space<vmem>>
      %dma_wait3A_580 = arith.constant 0 : i32
      %dma_wait3A_581 = arith.constant 0 : i32
      %dma_wait3A_582 = tpu.memref_slice %arg3[%dma_wait3A_580, %dma_wait3A_581] : memref<13013x128xf32, #tpu.memory_space<hbm>> -> memref<13013x128xf32, #tpu.memory_space<hbm>>
      tpu.wait_indirect_dma semaphore(%arg8 : memref<!tpu.dma_semaphore, #tpu.memory_space<semaphore_mem>>) src(%dma_wait3A_582 : memref<13013x128xf32, #tpu.memory_space<hbm>>) dst(%dma_wait3A_578 : memref<32x128xf32, #tpu.memory_space<vmem>>)
      %dma_wait3A_583 = arith.constant 0 : i32
      %dma_wait3A_584 = arith.constant 32 : i32
      %dma_wait3A_585 = arith.constant 0 : i32
      %dma_wait3A_586 = tpu.memref_slice %arg6[%dma_wait3A_583, %dma_wait3A_584, %dma_wait3A_585] : memref<2x416x128xf32, #tpu.memory_space<vmem>> -> memref<1x32x128xf32, #tpu.memory_space<vmem>>
      %dma_wait3A_587 = tpu.memref_squeeze %dma_wait3A_586 : memref<1x32x128xf32, #tpu.memory_space<vmem>> -> memref<32x128xf32, #tpu.memory_space<vmem>>
      %dma_wait3A_588 = tpu.memref_slice %arg5[%add3A_529] : memref<6656xi32, #tpu.memory_space<vmem>> -> memref<32xi32, #tpu.memory_space<vmem>>
      %dma_wait3A_589 = arith.constant 0 : i32
      %dma_wait3A_590 = arith.constant 0 : i32
      %dma_wait3A_591 = tpu.memref_slice %arg3[%dma_wait3A_589, %dma_wait3A_590] : memref<13013x128xf32, #tpu.memory_space<hbm>> -> memref<13013x128xf32, #tpu.memory_space<hbm>>
      tpu.wait_indirect_dma semaphore(%arg8 : memref<!tpu.dma_semaphore, #tpu.memory_space<semaphore_mem>>) src(%dma_wait3A_591 : memref<13013x128xf32, #tpu.memory_space<hbm>>) dst(%dma_wait3A_587 : memref<32x128xf32, #tpu.memory_space<vmem>>)
      %dma_wait3A_592 = arith.constant 0 : i32
      %dma_wait3A_593 = arith.constant 64 : i32
      %dma_wait3A_594 = arith.constant 0 : i32
      %dma_wait3A_595 = tpu.memref_slice %arg6[%dma_wait3A_592, %dma_wait3A_593, %dma_wait3A_594] : memref<2x416x128xf32, #tpu.memory_space<vmem>> -> memref<1x32x128xf32, #tpu.memory_space<vmem>>
      %dma_wait3A_596 = tpu.memref_squeeze %dma_wait3A_595 : memref<1x32x128xf32, #tpu.memory_space<vmem>> -> memref<32x128xf32, #tpu.memory_space<vmem>>
      %dma_wait3A_597 = tpu.memref_slice %arg5[%add3A_533] : memref<6656xi32, #tpu.memory_space<vmem>> -> memref<32xi32, #tpu.memory_space<vmem>>
      %dma_wait3A_598 = arith.constant 0 : i32
      %dma_wait3A_599 = arith.constant 0 : i32
      %dma_wait3A_600 = tpu.memref_slice %arg3[%dma_wait3A_598, %dma_wait3A_599] : memref<13013x128xf32, #tpu.memory_space<hbm>> -> memref<13013x128xf32, #tpu.memory_space<hbm>>
      tpu.wait_indirect_dma semaphore(%arg8 : memref<!tpu.dma_semaphore, #tpu.memory_space<semaphore_mem>>) src(%dma_wait3A_600 : memref<13013x128xf32, #tpu.memory_space<hbm>>) dst(%dma_wait3A_596 : memref<32x128xf32, #tpu.memory_space<vmem>>)
      %dma_wait3A_601 = arith.constant 0 : i32
      %dma_wait3A_602 = arith.constant 96 : i32
      %dma_wait3A_603 = arith.constant 0 : i32
      %dma_wait3A_604 = tpu.memref_slice %arg6[%dma_wait3A_601, %dma_wait3A_602, %dma_wait3A_603] : memref<2x416x128xf32, #tpu.memory_space<vmem>> -> memref<1x32x128xf32, #tpu.memory_space<vmem>>
      %dma_wait3A_605 = tpu.memref_squeeze %dma_wait3A_604 : memref<1x32x128xf32, #tpu.memory_space<vmem>> -> memref<32x128xf32, #tpu.memory_space<vmem>>
      %dma_wait3A_606 = tpu.memref_slice %arg5[%add3A_537] : memref<6656xi32, #tpu.memory_space<vmem>> -> memref<32xi32, #tpu.memory_space<vmem>>
      %dma_wait3A_607 = arith.constant 0 : i32
      %dma_wait3A_608 = arith.constant 0 : i32
      %dma_wait3A_609 = tpu.memref_slice %arg3[%dma_wait3A_607, %dma_wait3A_608] : memref<13013x128xf32, #tpu.memory_space<hbm>> -> memref<13013x128xf32, #tpu.memory_space<hbm>>
      tpu.wait_indirect_dma semaphore(%arg8 : memref<!tpu.dma_semaphore, #tpu.memory_space<semaphore_mem>>) src(%dma_wait3A_609 : memref<13013x128xf32, #tpu.memory_space<hbm>>) dst(%dma_wait3A_605 : memref<32x128xf32, #tpu.memory_space<vmem>>)
      %dma_wait3A_610 = arith.constant 0 : i32
      %dma_wait3A_611 = arith.constant 128 : i32
      %dma_wait3A_612 = arith.constant 0 : i32
      %dma_wait3A_613 = tpu.memref_slice %arg6[%dma_wait3A_610, %dma_wait3A_611, %dma_wait3A_612] : memref<2x416x128xf32, #tpu.memory_space<vmem>> -> memref<1x32x128xf32, #tpu.memory_space<vmem>>
      %dma_wait3A_614 = tpu.memref_squeeze %dma_wait3A_613 : memref<1x32x128xf32, #tpu.memory_space<vmem>> -> memref<32x128xf32, #tpu.memory_space<vmem>>
      %dma_wait3A_615 = tpu.memref_slice %arg5[%add3A_541] : memref<6656xi32, #tpu.memory_space<vmem>> -> memref<32xi32, #tpu.memory_space<vmem>>
      %dma_wait3A_616 = arith.constant 0 : i32
      %dma_wait3A_617 = arith.constant 0 : i32
      %dma_wait3A_618 = tpu.memref_slice %arg3[%dma_wait3A_616, %dma_wait3A_617] : memref<13013x128xf32, #tpu.memory_space<hbm>> -> memref<13013x128xf32, #tpu.memory_space<hbm>>
      tpu.wait_indirect_dma semaphore(%arg8 : memref<!tpu.dma_semaphore, #tpu.memory_space<semaphore_mem>>) src(%dma_wait3A_618 : memref<13013x128xf32, #tpu.memory_space<hbm>>) dst(%dma_wait3A_614 : memref<32x128xf32, #tpu.memory_space<vmem>>)
      %dma_wait3A_619 = arith.constant 0 : i32
      %dma_wait3A_620 = arith.constant 160 : i32
      %dma_wait3A_621 = arith.constant 0 : i32
      %dma_wait3A_622 = tpu.memref_slice %arg6[%dma_wait3A_619, %dma_wait3A_620, %dma_wait3A_621] : memref<2x416x128xf32, #tpu.memory_space<vmem>> -> memref<1x32x128xf32, #tpu.memory_space<vmem>>
      %dma_wait3A_623 = tpu.memref_squeeze %dma_wait3A_622 : memref<1x32x128xf32, #tpu.memory_space<vmem>> -> memref<32x128xf32, #tpu.memory_space<vmem>>
      %dma_wait3A_624 = tpu.memref_slice %arg5[%add3A_545] : memref<6656xi32, #tpu.memory_space<vmem>> -> memref<32xi32, #tpu.memory_space<vmem>>
      %dma_wait3A_625 = arith.constant 0 : i32
      %dma_wait3A_626 = arith.constant 0 : i32
      %dma_wait3A_627 = tpu.memref_slice %arg3[%dma_wait3A_625, %dma_wait3A_626] : memref<13013x128xf32, #tpu.memory_space<hbm>> -> memref<13013x128xf32, #tpu.memory_space<hbm>>
      tpu.wait_indirect_dma semaphore(%arg8 : memref<!tpu.dma_semaphore, #tpu.memory_space<semaphore_mem>>) src(%dma_wait3A_627 : memref<13013x128xf32, #tpu.memory_space<hbm>>) dst(%dma_wait3A_623 : memref<32x128xf32, #tpu.memory_space<vmem>>)
      %dma_wait3A_628 = arith.constant 0 : i32
      %dma_wait3A_629 = arith.constant 192 : i32
      %dma_wait3A_630 = arith.constant 0 : i32
      %dma_wait3A_631 = tpu.memref_slice %arg6[%dma_wait3A_628, %dma_wait3A_629, %dma_wait3A_630] : memref<2x416x128xf32, #tpu.memory_space<vmem>> -> memref<1x32x128xf32, #tpu.memory_space<vmem>>
      %dma_wait3A_632 = tpu.memref_squeeze %dma_wait3A_631 : memref<1x32x128xf32, #tpu.memory_space<vmem>> -> memref<32x128xf32, #tpu.memory_space<vmem>>
      %dma_wait3A_633 = tpu.memref_slice %arg5[%add3A_549] : memref<6656xi32, #tpu.memory_space<vmem>> -> memref<32xi32, #tpu.memory_space<vmem>>
      %dma_wait3A_634 = arith.constant 0 : i32
      %dma_wait3A_635 = arith.constant 0 : i32
      %dma_wait3A_636 = tpu.memref_slice %arg3[%dma_wait3A_634, %dma_wait3A_635] : memref<13013x128xf32, #tpu.memory_space<hbm>> -> memref<13013x128xf32, #tpu.memory_space<hbm>>
      tpu.wait_indirect_dma semaphore(%arg8 : memref<!tpu.dma_semaphore, #tpu.memory_space<semaphore_mem>>) src(%dma_wait3A_636 : memref<13013x128xf32, #tpu.memory_space<hbm>>) dst(%dma_wait3A_632 : memref<32x128xf32, #tpu.memory_space<vmem>>)
      %dma_wait3A_637 = arith.constant 0 : i32
      %dma_wait3A_638 = arith.constant 224 : i32
      %dma_wait3A_639 = arith.constant 0 : i32
      %dma_wait3A_640 = tpu.memref_slice %arg6[%dma_wait3A_637, %dma_wait3A_638, %dma_wait3A_639] : memref<2x416x128xf32, #tpu.memory_space<vmem>> -> memref<1x32x128xf32, #tpu.memory_space<vmem>>
      %dma_wait3A_641 = tpu.memref_squeeze %dma_wait3A_640 : memref<1x32x128xf32, #tpu.memory_space<vmem>> -> memref<32x128xf32, #tpu.memory_space<vmem>>
      %dma_wait3A_642 = tpu.memref_slice %arg5[%add3A_553] : memref<6656xi32, #tpu.memory_space<vmem>> -> memref<32xi32, #tpu.memory_space<vmem>>
      %dma_wait3A_643 = arith.constant 0 : i32
      %dma_wait3A_644 = arith.constant 0 : i32
      %dma_wait3A_645 = tpu.memref_slice %arg3[%dma_wait3A_643, %dma_wait3A_644] : memref<13013x128xf32, #tpu.memory_space<hbm>> -> memref<13013x128xf32, #tpu.memory_space<hbm>>
      tpu.wait_indirect_dma semaphore(%arg8 : memref<!tpu.dma_semaphore, #tpu.memory_space<semaphore_mem>>) src(%dma_wait3A_645 : memref<13013x128xf32, #tpu.memory_space<hbm>>) dst(%dma_wait3A_641 : memref<32x128xf32, #tpu.memory_space<vmem>>)
      %dma_wait3A_646 = arith.constant 0 : i32
      %dma_wait3A_647 = arith.constant 256 : i32
      %dma_wait3A_648 = arith.constant 0 : i32
      %dma_wait3A_649 = tpu.memref_slice %arg6[%dma_wait3A_646, %dma_wait3A_647, %dma_wait3A_648] : memref<2x416x128xf32, #tpu.memory_space<vmem>> -> memref<1x32x128xf32, #tpu.memory_space<vmem>>
      %dma_wait3A_650 = tpu.memref_squeeze %dma_wait3A_649 : memref<1x32x128xf32, #tpu.memory_space<vmem>> -> memref<32x128xf32, #tpu.memory_space<vmem>>
      %dma_wait3A_651 = tpu.memref_slice %arg5[%add3A_557] : memref<6656xi32, #tpu.memory_space<vmem>> -> memref<32xi32, #tpu.memory_space<vmem>>
      %dma_wait3A_652 = arith.constant 0 : i32
      %dma_wait3A_653 = arith.constant 0 : i32
      %dma_wait3A_654 = tpu.memref_slice %arg3[%dma_wait3A_652, %dma_wait3A_653] : memref<13013x128xf32, #tpu.memory_space<hbm>> -> memref<13013x128xf32, #tpu.memory_space<hbm>>
      tpu.wait_indirect_dma semaphore(%arg8 : memref<!tpu.dma_semaphore, #tpu.memory_space<semaphore_mem>>) src(%dma_wait3A_654 : memref<13013x128xf32, #tpu.memory_space<hbm>>) dst(%dma_wait3A_650 : memref<32x128xf32, #tpu.memory_space<vmem>>)
      %dma_wait3A_655 = arith.constant 0 : i32
      %dma_wait3A_656 = arith.constant 288 : i32
      %dma_wait3A_657 = arith.constant 0 : i32
      %dma_wait3A_658 = tpu.memref_slice %arg6[%dma_wait3A_655, %dma_wait3A_656, %dma_wait3A_657] : memref<2x416x128xf32, #tpu.memory_space<vmem>> -> memref<1x32x128xf32, #tpu.memory_space<vmem>>
      %dma_wait3A_659 = tpu.memref_squeeze %dma_wait3A_658 : memref<1x32x128xf32, #tpu.memory_space<vmem>> -> memref<32x128xf32, #tpu.memory_space<vmem>>
      %dma_wait3A_660 = tpu.memref_slice %arg5[%add3A_561] : memref<6656xi32, #tpu.memory_space<vmem>> -> memref<32xi32, #tpu.memory_space<vmem>>
      %dma_wait3A_661 = arith.constant 0 : i32
      %dma_wait3A_662 = arith.constant 0 : i32
      %dma_wait3A_663 = tpu.memref_slice %arg3[%dma_wait3A_661, %dma_wait3A_662] : memref<13013x128xf32, #tpu.memory_space<hbm>> -> memref<13013x128xf32, #tpu.memory_space<hbm>>
      tpu.wait_indirect_dma semaphore(%arg8 : memref<!tpu.dma_semaphore, #tpu.memory_space<semaphore_mem>>) src(%dma_wait3A_663 : memref<13013x128xf32, #tpu.memory_space<hbm>>) dst(%dma_wait3A_659 : memref<32x128xf32, #tpu.memory_space<vmem>>)
      %dma_wait3A_664 = arith.constant 0 : i32
      %dma_wait3A_665 = arith.constant 320 : i32
      %dma_wait3A_666 = arith.constant 0 : i32
      %dma_wait3A_667 = tpu.memref_slice %arg6[%dma_wait3A_664, %dma_wait3A_665, %dma_wait3A_666] : memref<2x416x128xf32, #tpu.memory_space<vmem>> -> memref<1x32x128xf32, #tpu.memory_space<vmem>>
      %dma_wait3A_668 = tpu.memref_squeeze %dma_wait3A_667 : memref<1x32x128xf32, #tpu.memory_space<vmem>> -> memref<32x128xf32, #tpu.memory_space<vmem>>
      %dma_wait3A_669 = tpu.memref_slice %arg5[%add3A_565] : memref<6656xi32, #tpu.memory_space<vmem>> -> memref<32xi32, #tpu.memory_space<vmem>>
      %dma_wait3A_670 = arith.constant 0 : i32
      %dma_wait3A_671 = arith.constant 0 : i32
      %dma_wait3A_672 = tpu.memref_slice %arg3[%dma_wait3A_670, %dma_wait3A_671] : memref<13013x128xf32, #tpu.memory_space<hbm>> -> memref<13013x128xf32, #tpu.memory_space<hbm>>
      tpu.wait_indirect_dma semaphore(%arg8 : memref<!tpu.dma_semaphore, #tpu.memory_space<semaphore_mem>>) src(%dma_wait3A_672 : memref<13013x128xf32, #tpu.memory_space<hbm>>) dst(%dma_wait3A_668 : memref<32x128xf32, #tpu.memory_space<vmem>>)
      %dma_wait3A_673 = arith.constant 0 : i32
      %dma_wait3A_674 = arith.constant 352 : i32
      %dma_wait3A_675 = arith.constant 0 : i32
      %dma_wait3A_676 = tpu.memref_slice %arg6[%dma_wait3A_673, %dma_wait3A_674, %dma_wait3A_675] : memref<2x416x128xf32, #tpu.memory_space<vmem>> -> memref<1x32x128xf32, #tpu.memory_space<vmem>>
      %dma_wait3A_677 = tpu.memref_squeeze %dma_wait3A_676 : memref<1x32x128xf32, #tpu.memory_space<vmem>> -> memref<32x128xf32, #tpu.memory_space<vmem>>
      %dma_wait3A_678 = tpu.memref_slice %arg5[%add3A_569] : memref<6656xi32, #tpu.memory_space<vmem>> -> memref<32xi32, #tpu.memory_space<vmem>>
      %dma_wait3A_679 = arith.constant 0 : i32
      %dma_wait3A_680 = arith.constant 0 : i32
      %dma_wait3A_681 = tpu.memref_slice %arg3[%dma_wait3A_679, %dma_wait3A_680] : memref<13013x128xf32, #tpu.memory_space<hbm>> -> memref<13013x128xf32, #tpu.memory_space<hbm>>
      tpu.wait_indirect_dma semaphore(%arg8 : memref<!tpu.dma_semaphore, #tpu.memory_space<semaphore_mem>>) src(%dma_wait3A_681 : memref<13013x128xf32, #tpu.memory_space<hbm>>) dst(%dma_wait3A_677 : memref<32x128xf32, #tpu.memory_space<vmem>>)
      %dma_wait3A_682 = arith.constant 0 : i32
      %dma_wait3A_683 = arith.constant 384 : i32
      %dma_wait3A_684 = arith.constant 0 : i32
      %dma_wait3A_685 = tpu.memref_slice %arg6[%dma_wait3A_682, %dma_wait3A_683, %dma_wait3A_684] : memref<2x416x128xf32, #tpu.memory_space<vmem>> -> memref<1x32x128xf32, #tpu.memory_space<vmem>>
      %dma_wait3A_686 = tpu.memref_squeeze %dma_wait3A_685 : memref<1x32x128xf32, #tpu.memory_space<vmem>> -> memref<32x128xf32, #tpu.memory_space<vmem>>
      %dma_wait3A_687 = tpu.memref_slice %arg5[%add3A_573] : memref<6656xi32, #tpu.memory_space<vmem>> -> memref<32xi32, #tpu.memory_space<vmem>>
      %dma_wait3A_688 = arith.constant 0 : i32
      %dma_wait3A_689 = arith.constant 0 : i32
      %dma_wait3A_690 = tpu.memref_slice %arg3[%dma_wait3A_688, %dma_wait3A_689] : memref<13013x128xf32, #tpu.memory_space<hbm>> -> memref<13013x128xf32, #tpu.memory_space<hbm>>
      tpu.wait_indirect_dma semaphore(%arg8 : memref<!tpu.dma_semaphore, #tpu.memory_space<semaphore_mem>>) src(%dma_wait3A_690 : memref<13013x128xf32, #tpu.memory_space<hbm>>) dst(%dma_wait3A_686 : memref<32x128xf32, #tpu.memory_space<vmem>>)
      %gt3A = arith.constant 0 : i32
      %gt3A_691 = arith.cmpi sgt, %scan3A_348, %gt3A : i32
      %convert_element_type3A = arith.extui %gt3A_691 : i1 to i32
      %cond3A = arith.constant 0 : i32
      %cond3A_692 = arith.cmpi ne, %convert_element_type3A, %cond3A : i32
      scf.if %cond3A_692 {
        %mul3A_915 = arith.constant 32 : i32
        %mul3A_916 = arith.muli %mul3A_350, %mul3A_915 : i32
        %add3A_917 = arith.addi %mul3A_2, %mul3A_916 : i32
        %dma_wait3A_918 = arith.constant 0 : i32
        %dma_wait3A_919 = arith.constant 0 : i32
        %dma_wait3A_920 = arith.constant 0 : i32
        %dma_wait3A_921 = tpu.memref_slice %arg7[%dma_wait3A_918, %dma_wait3A_919, %dma_wait3A_920] : memref<2x32x128xf32, #tpu.memory_space<vmem>> -> memref<1x32x128xf32, #tpu.memory_space<vmem>>
        %dma_wait3A_922 = tpu.memref_squeeze %dma_wait3A_921 : memref<1x32x128xf32, #tpu.memory_space<vmem>> -> memref<32x128xf32, #tpu.memory_space<vmem>>
        %dma_wait3A_923 = arith.constant 0 : i32
        %dma_wait3A_924 = tpu.memref_slice %arg4[%add3A_917, %dma_wait3A_923] : memref<16384x128xf32, #tpu.memory_space<hbm>> -> memref<32x128xf32, #tpu.memory_space<hbm>>
        %dma_wait3A_925 = arith.constant 0 : i32
        %dma_wait3A_926 = tpu.memref_slice %arg4[%add3A_917, %dma_wait3A_925] : memref<16384x128xf32, #tpu.memory_space<hbm>> -> memref<32x128xf32, #tpu.memory_space<hbm>>
        %dma_wait3A_927 = arith.constant 0 : i32
        %dma_wait3A_928 = arith.constant 0 : i32
        %dma_wait3A_929 = tpu.memref_slice %arg7[%dma_wait3A_918, %dma_wait3A_927, %dma_wait3A_928] : memref<2x32x128xf32, #tpu.memory_space<vmem>> -> memref<1x32x128xf32, #tpu.memory_space<vmem>>
        %dma_wait3A_930 = tpu.memref_squeeze %dma_wait3A_929 : memref<1x32x128xf32, #tpu.memory_space<vmem>> -> memref<32x128xf32, #tpu.memory_space<vmem>>
        tpu.wait_dma2 semaphore(%arg10 : memref<!tpu.dma_semaphore, #tpu.memory_space<semaphore_mem>>) src(%dma_wait3A_930 : memref<32x128xf32, #tpu.memory_space<vmem>>) dst(%dma_wait3A_926 : memref<32x128xf32, #tpu.memory_space<hbm>>)
      } else {
      }
      %scan3A_693 = arith.constant 0 : i32
      %scan3A_694 = arith.constant 0 : i32
      %scan3A_695 = arith.constant 32 : i32
      %scan3A_696 = arith.addi %scan3A_694, %scan3A_695 : i32
      %scan3A_697 = arith.constant 1 : i32
      scf.for %scan3A_915 = %scan3A_694 to %scan3A_696 step %scan3A_697  : i32 {
        %get3A = arith.constant 0 : i32
        %get3A_916 = arith.index_cast %get3A : i32 to index
        %get3A_917 = arith.index_cast %scan3A_915 : i32 to index
        %get3A_918 = arith.constant 0 : index
        %get3A_919 = tpu.vector_load %arg6[%get3A_916, %get3A_917, %get3A_918] {strides = array<i32>} : memref<2x416x128xf32, #tpu.memory_space<vmem>>, vector<1x1x16xf32>,
        %get3A_920 = vector.shape_cast %get3A_919 : vector<1x1x16xf32> to vector<16xf32>
        %add3A_921 = arith.constant 32 : i32
        %add3A_922 = arith.addi %add3A_921, %scan3A_915 : i32
        %get3A_923 = arith.constant 0 : i32
        %get3A_924 = arith.index_cast %get3A_923 : i32 to index
        %get3A_925 = arith.index_cast %add3A_922 : i32 to index
        %get3A_926 = arith.constant 0 : index
        %get3A_927 = tpu.vector_load %arg6[%get3A_924, %get3A_925, %get3A_926] {strides = array<i32>} : memref<2x416x128xf32, #tpu.memory_space<vmem>>, vector<1x1x16xf32>,
        %get3A_928 = vector.shape_cast %get3A_927 : vector<1x1x16xf32> to vector<16xf32>
        %add3A_929 = arith.addf %get3A_920, %get3A_928 : vector<16xf32>
        %add3A_930 = arith.constant 64 : i32
        %add3A_931 = arith.addi %add3A_930, %scan3A_915 : i32
        %get3A_932 = arith.constant 0 : i32
        %get3A_933 = arith.index_cast %get3A_932 : i32 to index
        %get3A_934 = arith.index_cast %add3A_931 : i32 to index
        %get3A_935 = arith.constant 0 : index
        %get3A_936 = tpu.vector_load %arg6[%get3A_933, %get3A_934, %get3A_935] {strides = array<i32>} : memref<2x416x128xf32, #tpu.memory_space<vmem>>, vector<1x1x16xf32>,
        %get3A_937 = vector.shape_cast %get3A_936 : vector<1x1x16xf32> to vector<16xf32>
        %add3A_938 = arith.addf %add3A_929, %get3A_937 : vector<16xf32>
        %add3A_939 = arith.constant 96 : i32
        %add3A_940 = arith.addi %add3A_939, %scan3A_915 : i32
        %get3A_941 = arith.constant 0 : i32
        %get3A_942 = arith.index_cast %get3A_941 : i32 to index
        %get3A_943 = arith.index_cast %add3A_940 : i32 to index
        %get3A_944 = arith.constant 0 : index
        %get3A_945 = tpu.vector_load %arg6[%get3A_942, %get3A_943, %get3A_944] {strides = array<i32>} : memref<2x416x128xf32, #tpu.memory_space<vmem>>, vector<1x1x16xf32>,
        %get3A_946 = vector.shape_cast %get3A_945 : vector<1x1x16xf32> to vector<16xf32>
        %add3A_947 = arith.addf %add3A_938, %get3A_946 : vector<16xf32>
        %add3A_948 = arith.constant 128 : i32
        %add3A_949 = arith.addi %add3A_948, %scan3A_915 : i32
        %get3A_950 = arith.constant 0 : i32
        %get3A_951 = arith.index_cast %get3A_950 : i32 to index
        %get3A_952 = arith.index_cast %add3A_949 : i32 to index
        %get3A_953 = arith.constant 0 : index
        %get3A_954 = tpu.vector_load %arg6[%get3A_951, %get3A_952, %get3A_953] {strides = array<i32>} : memref<2x416x128xf32, #tpu.memory_space<vmem>>, vector<1x1x16xf32>,
        %get3A_955 = vector.shape_cast %get3A_954 : vector<1x1x16xf32> to vector<16xf32>
        %add3A_956 = arith.addf %add3A_947, %get3A_955 : vector<16xf32>
        %add3A_957 = arith.constant 160 : i32
        %add3A_958 = arith.addi %add3A_957, %scan3A_915 : i32
        %get3A_959 = arith.constant 0 : i32
        %get3A_960 = arith.index_cast %get3A_959 : i32 to index
        %get3A_961 = arith.index_cast %add3A_958 : i32 to index
        %get3A_962 = arith.constant 0 : index
        %get3A_963 = tpu.vector_load %arg6[%get3A_960, %get3A_961, %get3A_962] {strides = array<i32>} : memref<2x416x128xf32, #tpu.memory_space<vmem>>, vector<1x1x16xf32>,
        %get3A_964 = vector.shape_cast %get3A_963 : vector<1x1x16xf32> to vector<16xf32>
        %add3A_965 = arith.addf %add3A_956, %get3A_964 : vector<16xf32>
        %add3A_966 = arith.constant 192 : i32
        %add3A_967 = arith.addi %add3A_966, %scan3A_915 : i32
        %get3A_968 = arith.constant 0 : i32
        %get3A_969 = arith.index_cast %get3A_968 : i32 to index
        %get3A_970 = arith.index_cast %add3A_967 : i32 to index
        %get3A_971 = arith.constant 0 : index
        %get3A_972 = tpu.vector_load %arg6[%get3A_969, %get3A_970, %get3A_971] {strides = array<i32>} : memref<2x416x128xf32, #tpu.memory_space<vmem>>, vector<1x1x16xf32>,
        %get3A_973 = vector.shape_cast %get3A_972 : vector<1x1x16xf32> to vector<16xf32>
        %add3A_974 = arith.addf %add3A_965, %get3A_973 : vector<16xf32>
        %add3A_975 = arith.constant 224 : i32
        %add3A_976 = arith.addi %add3A_975, %scan3A_915 : i32
        %get3A_977 = arith.constant 0 : i32
        %get3A_978 = arith.index_cast %get3A_977 : i32 to index
        %get3A_979 = arith.index_cast %add3A_976 : i32 to index
        %get3A_980 = arith.constant 0 : index
        %get3A_981 = tpu.vector_load %arg6[%get3A_978, %get3A_979, %get3A_980] {strides = array<i32>} : memref<2x416x128xf32, #tpu.memory_space<vmem>>, vector<1x1x16xf32>,
        %get3A_982 = vector.shape_cast %get3A_981 : vector<1x1x16xf32> to vector<16xf32>
        %add3A_983 = arith.addf %add3A_974, %get3A_982 : vector<16xf32>
        %add3A_984 = arith.constant 256 : i32
        %add3A_985 = arith.addi %add3A_984, %scan3A_915 : i32
        %get3A_986 = arith.constant 0 : i32
        %get3A_987 = arith.index_cast %get3A_986 : i32 to index
        %get3A_988 = arith.index_cast %add3A_985 : i32 to index
        %get3A_989 = arith.constant 0 : index
        %get3A_990 = tpu.vector_load %arg6[%get3A_987, %get3A_988, %get3A_989] {strides = array<i32>} : memref<2x416x128xf32, #tpu.memory_space<vmem>>, vector<1x1x16xf32>,
        %get3A_991 = vector.shape_cast %get3A_990 : vector<1x1x16xf32> to vector<16xf32>
        %add3A_992 = arith.addf %add3A_983, %get3A_991 : vector<16xf32>
        %add3A_993 = arith.constant 288 : i32
        %add3A_994 = arith.addi %add3A_993, %scan3A_915 : i32
        %get3A_995 = arith.constant 0 : i32
        %get3A_996 = arith.index_cast %get3A_995 : i32 to index
        %get3A_997 = arith.index_cast %add3A_994 : i32 to index
        %get3A_998 = arith.constant 0 : index
        %get3A_999 = tpu.vector_load %arg6[%get3A_996, %get3A_997, %get3A_998] {strides = array<i32>} : memref<2x416x128xf32, #tpu.memory_space<vmem>>, vector<1x1x16xf32>,
        %get3A_1000 = vector.shape_cast %get3A_999 : vector<1x1x16xf32> to vector<16xf32>
        %add3A_1001 = arith.addf %add3A_992, %get3A_1000 : vector<16xf32>
        %add3A_1002 = arith.constant 320 : i32
        %add3A_1003 = arith.addi %add3A_1002, %scan3A_915 : i32
        %get3A_1004 = arith.constant 0 : i32
        %get3A_1005 = arith.index_cast %get3A_1004 : i32 to index
        %get3A_1006 = arith.index_cast %add3A_1003 : i32 to index
        %get3A_1007 = arith.constant 0 : index
        %get3A_1008 = tpu.vector_load %arg6[%get3A_1005, %get3A_1006, %get3A_1007] {strides = array<i32>} : memref<2x416x128xf32, #tpu.memory_space<vmem>>, vector<1x1x16xf32>,
        %get3A_1009 = vector.shape_cast %get3A_1008 : vector<1x1x16xf32> to vector<16xf32>
        %add3A_1010 = arith.addf %add3A_1001, %get3A_1009 : vector<16xf32>
        %add3A_1011 = arith.constant 352 : i32
        %add3A_1012 = arith.addi %add3A_1011, %scan3A_915 : i32
        %get3A_1013 = arith.constant 0 : i32
        %get3A_1014 = arith.index_cast %get3A_1013 : i32 to index
        %get3A_1015 = arith.index_cast %add3A_1012 : i32 to index
        %get3A_1016 = arith.constant 0 : index
        %get3A_1017 = tpu.vector_load %arg6[%get3A_1014, %get3A_1015, %get3A_1016] {strides = array<i32>} : memref<2x416x128xf32, #tpu.memory_space<vmem>>, vector<1x1x16xf32>,
        %get3A_1018 = vector.shape_cast %get3A_1017 : vector<1x1x16xf32> to vector<16xf32>
        %add3A_1019 = arith.addf %add3A_1010, %get3A_1018 : vector<16xf32>
        %add3A_1020 = arith.constant 384 : i32
        %add3A_1021 = arith.addi %add3A_1020, %scan3A_915 : i32
        %get3A_1022 = arith.constant 0 : i32
        %get3A_1023 = arith.index_cast %get3A_1022 : i32 to index
        %get3A_1024 = arith.index_cast %add3A_1021 : i32 to index
        %get3A_1025 = arith.constant 0 : index
        %get3A_1026 = tpu.vector_load %arg6[%get3A_1023, %get3A_1024, %get3A_1025] {strides = array<i32>} : memref<2x416x128xf32, #tpu.memory_space<vmem>>, vector<1x1x16xf32>,
        %get3A_1027 = vector.shape_cast %get3A_1026 : vector<1x1x16xf32> to vector<16xf32>
        %add3A_1028 = arith.addf %add3A_1019, %get3A_1027 : vector<16xf32>
        %swap3A = arith.constant 0 : i32
        %swap3A_1029 = arith.index_cast %swap3A : i32 to index
        %swap3A_1030 = arith.index_cast %scan3A_915 : i32 to index
        %swap3A_1031 = arith.constant 0 : index
        %swap3A_1032 = tpu.vector_load %arg7[%swap3A_1029, %swap3A_1030, %swap3A_1031] {strides = array<i32>} : memref<2x32x128xf32, #tpu.memory_space<vmem>>, vector<1x1x16xf32>,
        %swap3A_1033 = vector.shape_cast %swap3A_1032 : vector<1x1x16xf32> to vector<16xf32>
        %swap3A_1034 = vector.shape_cast %add3A_1028 : vector<16xf32> to vector<1x1x16xf32>
        tpu.vector_store %arg7[%swap3A_1029, %swap3A_1030, %swap3A_1031], %swap3A_1034 {strides = array<i32>} : memref<2x32x128xf32, #tpu.memory_space<vmem>>, vector<1x1x16xf32>,
        %get3A_1035 = arith.constant 0 : i32
        %get3A_1036 = arith.index_cast %get3A_1035 : i32 to index
        %get3A_1037 = arith.index_cast %scan3A_915 : i32 to index
        %get3A_1038 = arith.constant 16 : index
        %get3A_1039 = tpu.vector_load %arg6[%get3A_1036, %get3A_1037, %get3A_1038] {strides = array<i32>} : memref<2x416x128xf32, #tpu.memory_space<vmem>>, vector<1x1x16xf32>,
        %get3A_1040 = vector.shape_cast %get3A_1039 : vector<1x1x16xf32> to vector<16xf32>
        %add3A_1041 = arith.constant 32 : i32
        %add3A_1042 = arith.addi %add3A_1041, %scan3A_915 : i32
        %get3A_1043 = arith.constant 0 : i32
        %get3A_1044 = arith.index_cast %get3A_1043 : i32 to index
        %get3A_1045 = arith.index_cast %add3A_1042 : i32 to index
        %get3A_1046 = arith.constant 16 : index
        %get3A_1047 = tpu.vector_load %arg6[%get3A_1044, %get3A_1045, %get3A_1046] {strides = array<i32>} : memref<2x416x128xf32, #tpu.memory_space<vmem>>, vector<1x1x16xf32>,
        %get3A_1048 = vector.shape_cast %get3A_1047 : vector<1x1x16xf32> to vector<16xf32>
        %add3A_1049 = arith.addf %get3A_1040, %get3A_1048 : vector<16xf32>
        %add3A_1050 = arith.constant 64 : i32
        %add3A_1051 = arith.addi %add3A_1050, %scan3A_915 : i32
        %get3A_1052 = arith.constant 0 : i32
        %get3A_1053 = arith.index_cast %get3A_1052 : i32 to index
        %get3A_1054 = arith.index_cast %add3A_1051 : i32 to index
        %get3A_1055 = arith.constant 16 : index
        %get3A_1056 = tpu.vector_load %arg6[%get3A_1053, %get3A_1054, %get3A_1055] {strides = array<i32>} : memref<2x416x128xf32, #tpu.memory_space<vmem>>, vector<1x1x16xf32>,
        %get3A_1057 = vector.shape_cast %get3A_1056 : vector<1x1x16xf32> to vector<16xf32>
        %add3A_1058 = arith.addf %add3A_1049, %get3A_1057 : vector<16xf32>
        %add3A_1059 = arith.constant 96 : i32
        %add3A_1060 = arith.addi %add3A_1059, %scan3A_915 : i32
        %get3A_1061 = arith.constant 0 : i32
        %get3A_1062 = arith.index_cast %get3A_1061 : i32 to index
        %get3A_1063 = arith.index_cast %add3A_1060 : i32 to index
        %get3A_1064 = arith.constant 16 : index
        %get3A_1065 = tpu.vector_load %arg6[%get3A_1062, %get3A_1063, %get3A_1064] {strides = array<i32>} : memref<2x416x128xf32, #tpu.memory_space<vmem>>, vector<1x1x16xf32>,
        %get3A_1066 = vector.shape_cast %get3A_1065 : vector<1x1x16xf32> to vector<16xf32>
        %add3A_1067 = arith.addf %add3A_1058, %get3A_1066 : vector<16xf32>
        %add3A_1068 = arith.constant 128 : i32
        %add3A_1069 = arith.addi %add3A_1068, %scan3A_915 : i32
        %get3A_1070 = arith.constant 0 : i32
        %get3A_1071 = arith.index_cast %get3A_1070 : i32 to index
        %get3A_1072 = arith.index_cast %add3A_1069 : i32 to index
        %get3A_1073 = arith.constant 16 : index
        %get3A_1074 = tpu.vector_load %arg6[%get3A_1071, %get3A_1072, %get3A_1073] {strides = array<i32>} : memref<2x416x128xf32, #tpu.memory_space<vmem>>, vector<1x1x16xf32>,
        %get3A_1075 = vector.shape_cast %get3A_1074 : vector<1x1x16xf32> to vector<16xf32>
        %add3A_1076 = arith.addf %add3A_1067, %get3A_1075 : vector<16xf32>
        %add3A_1077 = arith.constant 160 : i32
        %add3A_1078 = arith.addi %add3A_1077, %scan3A_915 : i32
        %get3A_1079 = arith.constant 0 : i32
        %get3A_1080 = arith.index_cast %get3A_1079 : i32 to index
        %get3A_1081 = arith.index_cast %add3A_1078 : i32 to index
        %get3A_1082 = arith.constant 16 : index
        %get3A_1083 = tpu.vector_load %arg6[%get3A_1080, %get3A_1081, %get3A_1082] {strides = array<i32>} : memref<2x416x128xf32, #tpu.memory_space<vmem>>, vector<1x1x16xf32>,
        %get3A_1084 = vector.shape_cast %get3A_1083 : vector<1x1x16xf32> to vector<16xf32>
        %add3A_1085 = arith.addf %add3A_1076, %get3A_1084 : vector<16xf32>
        %add3A_1086 = arith.constant 192 : i32
        %add3A_1087 = arith.addi %add3A_1086, %scan3A_915 : i32
        %get3A_1088 = arith.constant 0 : i32
        %get3A_1089 = arith.index_cast %get3A_1088 : i32 to index
        %get3A_1090 = arith.index_cast %add3A_1087 : i32 to index
        %get3A_1091 = arith.constant 16 : index
        %get3A_1092 = tpu.vector_load %arg6[%get3A_1089, %get3A_1090, %get3A_1091] {strides = array<i32>} : memref<2x416x128xf32, #tpu.memory_space<vmem>>, vector<1x1x16xf32>,
        %get3A_1093 = vector.shape_cast %get3A_1092 : vector<1x1x16xf32> to vector<16xf32>
        %add3A_1094 = arith.addf %add3A_1085, %get3A_1093 : vector<16xf32>
        %add3A_1095 = arith.constant 224 : i32
        %add3A_1096 = arith.addi %add3A_1095, %scan3A_915 : i32
        %get3A_1097 = arith.constant 0 : i32
        %get3A_1098 = arith.index_cast %get3A_1097 : i32 to index
        %get3A_1099 = arith.index_cast %add3A_1096 : i32 to index
        %get3A_1100 = arith.constant 16 : index
        %get3A_1101 = tpu.vector_load %arg6[%get3A_1098, %get3A_1099, %get3A_1100] {strides = array<i32>} : memref<2x416x128xf32, #tpu.memory_space<vmem>>, vector<1x1x16xf32>,
        %get3A_1102 = vector.shape_cast %get3A_1101 : vector<1x1x16xf32> to vector<16xf32>
        %add3A_1103 = arith.addf %add3A_1094, %get3A_1102 : vector<16xf32>
        %add3A_1104 = arith.constant 256 : i32
        %add3A_1105 = arith.addi %add3A_1104, %scan3A_915 : i32
        %get3A_1106 = arith.constant 0 : i32
        %get3A_1107 = arith.index_cast %get3A_1106 : i32 to index
        %get3A_1108 = arith.index_cast %add3A_1105 : i32 to index
        %get3A_1109 = arith.constant 16 : index
        %get3A_1110 = tpu.vector_load %arg6[%get3A_1107, %get3A_1108, %get3A_1109] {strides = array<i32>} : memref<2x416x128xf32, #tpu.memory_space<vmem>>, vector<1x1x16xf32>,
        %get3A_1111 = vector.shape_cast %get3A_1110 : vector<1x1x16xf32> to vector<16xf32>
        %add3A_1112 = arith.addf %add3A_1103, %get3A_1111 : vector<16xf32>
        %add3A_1113 = arith.constant 288 : i32
        %add3A_1114 = arith.addi %add3A_1113, %scan3A_915 : i32
        %get3A_1115 = arith.constant 0 : i32
        %get3A_1116 = arith.index_cast %get3A_1115 : i32 to index
        %get3A_1117 = arith.index_cast %add3A_1114 : i32 to index
        %get3A_1118 = arith.constant 16 : index
        %get3A_1119 = tpu.vector_load %arg6[%get3A_1116, %get3A_1117, %get3A_1118] {strides = array<i32>} : memref<2x416x128xf32, #tpu.memory_space<vmem>>, vector<1x1x16xf32>,
        %get3A_1120 = vector.shape_cast %get3A_1119 : vector<1x1x16xf32> to vector<16xf32>
        %add3A_1121 = arith.addf %add3A_1112, %get3A_1120 : vector<16xf32>
        %add3A_1122 = arith.constant 320 : i32
        %add3A_1123 = arith.addi %add3A_1122, %scan3A_915 : i32
        %get3A_1124 = arith.constant 0 : i32
        %get3A_1125 = arith.index_cast %get3A_1124 : i32 to index
        %get3A_1126 = arith.index_cast %add3A_1123 : i32 to index
        %get3A_1127 = arith.constant 16 : index
        %get3A_1128 = tpu.vector_load %arg6[%get3A_1125, %get3A_1126, %get3A_1127] {strides = array<i32>} : memref<2x416x128xf32, #tpu.memory_space<vmem>>, vector<1x1x16xf32>,
        %get3A_1129 = vector.shape_cast %get3A_1128 : vector<1x1x16xf32> to vector<16xf32>
        %add3A_1130 = arith.addf %add3A_1121, %get3A_1129 : vector<16xf32>
        %add3A_1131 = arith.constant 352 : i32
        %add3A_1132 = arith.addi %add3A_1131, %scan3A_915 : i32
        %get3A_1133 = arith.constant 0 : i32
        %get3A_1134 = arith.index_cast %get3A_1133 : i32 to index
        %get3A_1135 = arith.index_cast %add3A_1132 : i32 to index
        %get3A_1136 = arith.constant 16 : index
        %get3A_1137 = tpu.vector_load %arg6[%get3A_1134, %get3A_1135, %get3A_1136] {strides = array<i32>} : memref<2x416x128xf32, #tpu.memory_space<vmem>>, vector<1x1x16xf32>,
        %get3A_1138 = vector.shape_cast %get3A_1137 : vector<1x1x16xf32> to vector<16xf32>
        %add3A_1139 = arith.addf %add3A_1130, %get3A_1138 : vector<16xf32>
        %add3A_1140 = arith.constant 384 : i32
        %add3A_1141 = arith.addi %add3A_1140, %scan3A_915 : i32
        %get3A_1142 = arith.constant 0 : i32
        %get3A_1143 = arith.index_cast %get3A_1142 : i32 to index
        %get3A_1144 = arith.index_cast %add3A_1141 : i32 to index
        %get3A_1145 = arith.constant 16 : index
        %get3A_1146 = tpu.vector_load %arg6[%get3A_1143, %get3A_1144, %get3A_1145] {strides = array<i32>} : memref<2x416x128xf32, #tpu.memory_space<vmem>>, vector<1x1x16xf32>,
        %get3A_1147 = vector.shape_cast %get3A_1146 : vector<1x1x16xf32> to vector<16xf32>
        %add3A_1148 = arith.addf %add3A_1139, %get3A_1147 : vector<16xf32>
        %swap3A_1149 = arith.constant 0 : i32
        %swap3A_1150 = arith.index_cast %swap3A_1149 : i32 to index
        %swap3A_1151 = arith.index_cast %scan3A_915 : i32 to index
        %swap3A_1152 = arith.constant 16 : index
        %swap3A_1153 = tpu.vector_load %arg7[%swap3A_1150, %swap3A_1151, %swap3A_1152] {strides = array<i32>} : memref<2x32x128xf32, #tpu.memory_space<vmem>>, vector<1x1x16xf32>,
        %swap3A_1154 = vector.shape_cast %swap3A_1153 : vector<1x1x16xf32> to vector<16xf32>
        %swap3A_1155 = vector.shape_cast %add3A_1148 : vector<16xf32> to vector<1x1x16xf32>
        tpu.vector_store %arg7[%swap3A_1150, %swap3A_1151, %swap3A_1152], %swap3A_1155 {strides = array<i32>} : memref<2x32x128xf32, #tpu.memory_space<vmem>>, vector<1x1x16xf32>,
        %get3A_1156 = arith.constant 0 : i32
        %get3A_1157 = arith.index_cast %get3A_1156 : i32 to index
        %get3A_1158 = arith.index_cast %scan3A_915 : i32 to index
        %get3A_1159 = arith.constant 32 : index
        %get3A_1160 = tpu.vector_load %arg6[%get3A_1157, %get3A_1158, %get3A_1159] {strides = array<i32>} : memref<2x416x128xf32, #tpu.memory_space<vmem>>, vector<1x1x16xf32>,
        %get3A_1161 = vector.shape_cast %get3A_1160 : vector<1x1x16xf32> to vector<16xf32>
        %add3A_1162 = arith.constant 32 : i32
        %add3A_1163 = arith.addi %add3A_1162, %scan3A_915 : i32
        %get3A_1164 = arith.constant 0 : i32
        %get3A_1165 = arith.index_cast %get3A_1164 : i32 to index
        %get3A_1166 = arith.index_cast %add3A_1163 : i32 to index
        %get3A_1167 = arith.constant 32 : index
        %get3A_1168 = tpu.vector_load %arg6[%get3A_1165, %get3A_1166, %get3A_1167] {strides = array<i32>} : memref<2x416x128xf32, #tpu.memory_space<vmem>>, vector<1x1x16xf32>,
        %get3A_1169 = vector.shape_cast %get3A_1168 : vector<1x1x16xf32> to vector<16xf32>
        %add3A_1170 = arith.addf %get3A_1161, %get3A_1169 : vector<16xf32>
        %add3A_1171 = arith.constant 64 : i32
        %add3A_1172 = arith.addi %add3A_1171, %scan3A_915 : i32
        %get3A_1173 = arith.constant 0 : i32
        %get3A_1174 = arith.index_cast %get3A_1173 : i32 to index
        %get3A_1175 = arith.index_cast %add3A_1172 : i32 to index
        %get3A_1176 = arith.constant 32 : index
        %get3A_1177 = tpu.vector_load %arg6[%get3A_1174, %get3A_1175, %get3A_1176] {strides = array<i32>} : memref<2x416x128xf32, #tpu.memory_space<vmem>>, vector<1x1x16xf32>,
        %get3A_1178 = vector.shape_cast %get3A_1177 : vector<1x1x16xf32> to vector<16xf32>
        %add3A_1179 = arith.addf %add3A_1170, %get3A_1178 : vector<16xf32>
        %add3A_1180 = arith.constant 96 : i32
        %add3A_1181 = arith.addi %add3A_1180, %scan3A_915 : i32
        %get3A_1182 = arith.constant 0 : i32
        %get3A_1183 = arith.index_cast %get3A_1182 : i32 to index
        %get3A_1184 = arith.index_cast %add3A_1181 : i32 to index
        %get3A_1185 = arith.constant 32 : index
        %get3A_1186 = tpu.vector_load %arg6[%get3A_1183, %get3A_1184, %get3A_1185] {strides = array<i32>} : memref<2x416x128xf32, #tpu.memory_space<vmem>>, vector<1x1x16xf32>,
        %get3A_1187 = vector.shape_cast %get3A_1186 : vector<1x1x16xf32> to vector<16xf32>
        %add3A_1188 = arith.addf %add3A_1179, %get3A_1187 : vector<16xf32>
        %add3A_1189 = arith.constant 128 : i32
        %add3A_1190 = arith.addi %add3A_1189, %scan3A_915 : i32
        %get3A_1191 = arith.constant 0 : i32
        %get3A_1192 = arith.index_cast %get3A_1191 : i32 to index
        %get3A_1193 = arith.index_cast %add3A_1190 : i32 to index
        %get3A_1194 = arith.constant 32 : index
        %get3A_1195 = tpu.vector_load %arg6[%get3A_1192, %get3A_1193, %get3A_1194] {strides = array<i32>} : memref<2x416x128xf32, #tpu.memory_space<vmem>>, vector<1x1x16xf32>,
        %get3A_1196 = vector.shape_cast %get3A_1195 : vector<1x1x16xf32> to vector<16xf32>
        %add3A_1197 = arith.addf %add3A_1188, %get3A_1196 : vector<16xf32>
        %add3A_1198 = arith.constant 160 : i32
        %add3A_1199 = arith.addi %add3A_1198, %scan3A_915 : i32
        %get3A_1200 = arith.constant 0 : i32
        %get3A_1201 = arith.index_cast %get3A_1200 : i32 to index
        %get3A_1202 = arith.index_cast %add3A_1199 : i32 to index
        %get3A_1203 = arith.constant 32 : index
        %get3A_1204 = tpu.vector_load %arg6[%get3A_1201, %get3A_1202, %get3A_1203] {strides = array<i32>} : memref<2x416x128xf32, #tpu.memory_space<vmem>>, vector<1x1x16xf32>,
        %get3A_1205 = vector.shape_cast %get3A_1204 : vector<1x1x16xf32> to vector<16xf32>
        %add3A_1206 = arith.addf %add3A_1197, %get3A_1205 : vector<16xf32>
        %add3A_1207 = arith.constant 192 : i32
        %add3A_1208 = arith.addi %add3A_1207, %scan3A_915 : i32
        %get3A_1209 = arith.constant 0 : i32
        %get3A_1210 = arith.index_cast %get3A_1209 : i32 to index
        %get3A_1211 = arith.index_cast %add3A_1208 : i32 to index
        %get3A_1212 = arith.constant 32 : index
        %get3A_1213 = tpu.vector_load %arg6[%get3A_1210, %get3A_1211, %get3A_1212] {strides = array<i32>} : memref<2x416x128xf32, #tpu.memory_space<vmem>>, vector<1x1x16xf32>,
        %get3A_1214 = vector.shape_cast %get3A_1213 : vector<1x1x16xf32> to vector<16xf32>
        %add3A_1215 = arith.addf %add3A_1206, %get3A_1214 : vector<16xf32>
        %add3A_1216 = arith.constant 224 : i32
        %add3A_1217 = arith.addi %add3A_1216, %scan3A_915 : i32
        %get3A_1218 = arith.constant 0 : i32
        %get3A_1219 = arith.index_cast %get3A_1218 : i32 to index
        %get3A_1220 = arith.index_cast %add3A_1217 : i32 to index
        %get3A_1221 = arith.constant 32 : index
        %get3A_1222 = tpu.vector_load %arg6[%get3A_1219, %get3A_1220, %get3A_1221] {strides = array<i32>} : memref<2x416x128xf32, #tpu.memory_space<vmem>>, vector<1x1x16xf32>,
        %get3A_1223 = vector.shape_cast %get3A_1222 : vector<1x1x16xf32> to vector<16xf32>
        %add3A_1224 = arith.addf %add3A_1215, %get3A_1223 : vector<16xf32>
        %add3A_1225 = arith.constant 256 : i32
        %add3A_1226 = arith.addi %add3A_1225, %scan3A_915 : i32
        %get3A_1227 = arith.constant 0 : i32
        %get3A_1228 = arith.index_cast %get3A_1227 : i32 to index
        %get3A_1229 = arith.index_cast %add3A_1226 : i32 to index
        %get3A_1230 = arith.constant 32 : index
        %get3A_1231 = tpu.vector_load %arg6[%get3A_1228, %get3A_1229, %get3A_1230] {strides = array<i32>} : memref<2x416x128xf32, #tpu.memory_space<vmem>>, vector<1x1x16xf32>,
        %get3A_1232 = vector.shape_cast %get3A_1231 : vector<1x1x16xf32> to vector<16xf32>
        %add3A_1233 = arith.addf %add3A_1224, %get3A_1232 : vector<16xf32>
        %add3A_1234 = arith.constant 288 : i32
        %add3A_1235 = arith.addi %add3A_1234, %scan3A_915 : i32
        %get3A_1236 = arith.constant 0 : i32
        %get3A_1237 = arith.index_cast %get3A_1236 : i32 to index
        %get3A_1238 = arith.index_cast %add3A_1235 : i32 to index
        %get3A_1239 = arith.constant 32 : index
        %get3A_1240 = tpu.vector_load %arg6[%get3A_1237, %get3A_1238, %get3A_1239] {strides = array<i32>} : memref<2x416x128xf32, #tpu.memory_space<vmem>>, vector<1x1x16xf32>,
        %get3A_1241 = vector.shape_cast %get3A_1240 : vector<1x1x16xf32> to vector<16xf32>
        %add3A_1242 = arith.addf %add3A_1233, %get3A_1241 : vector<16xf32>
        %add3A_1243 = arith.constant 320 : i32
        %add3A_1244 = arith.addi %add3A_1243, %scan3A_915 : i32
        %get3A_1245 = arith.constant 0 : i32
        %get3A_1246 = arith.index_cast %get3A_1245 : i32 to index
        %get3A_1247 = arith.index_cast %add3A_1244 : i32 to index
        %get3A_1248 = arith.constant 32 : index
        %get3A_1249 = tpu.vector_load %arg6[%get3A_1246, %get3A_1247, %get3A_1248] {strides = array<i32>} : memref<2x416x128xf32, #tpu.memory_space<vmem>>, vector<1x1x16xf32>,
        %get3A_1250 = vector.shape_cast %get3A_1249 : vector<1x1x16xf32> to vector<16xf32>
        %add3A_1251 = arith.addf %add3A_1242, %get3A_1250 : vector<16xf32>
        %add3A_1252 = arith.constant 352 : i32
        %add3A_1253 = arith.addi %add3A_1252, %scan3A_915 : i32
        %get3A_1254 = arith.constant 0 : i32
        %get3A_1255 = arith.index_cast %get3A_1254 : i32 to index
        %get3A_1256 = arith.index_cast %add3A_1253 : i32 to index
        %get3A_1257 = arith.constant 32 : index
        %get3A_1258 = tpu.vector_load %arg6[%get3A_1255, %get3A_1256, %get3A_1257] {strides = array<i32>} : memref<2x416x128xf32, #tpu.memory_space<vmem>>, vector<1x1x16xf32>,
        %get3A_1259 = vector.shape_cast %get3A_1258 : vector<1x1x16xf32> to vector<16xf32>
        %add3A_1260 = arith.addf %add3A_1251, %get3A_1259 : vector<16xf32>
        %add3A_1261 = arith.constant 384 : i32
        %add3A_1262 = arith.addi %add3A_1261, %scan3A_915 : i32
        %get3A_1263 = arith.constant 0 : i32
        %get3A_1264 = arith.index_cast %get3A_1263 : i32 to index
        %get3A_1265 = arith.index_cast %add3A_1262 : i32 to index
        %get3A_1266 = arith.constant 32 : index
        %get3A_1267 = tpu.vector_load %arg6[%get3A_1264, %get3A_1265, %get3A_1266] {strides = array<i32>} : memref<2x416x128xf32, #tpu.memory_space<vmem>>, vector<1x1x16xf32>,
        %get3A_1268 = vector.shape_cast %get3A_1267 : vector<1x1x16xf32> to vector<16xf32>
        %add3A_1269 = arith.addf %add3A_1260, %get3A_1268 : vector<16xf32>
        %swap3A_1270 = arith.constant 0 : i32
        %swap3A_1271 = arith.index_cast %swap3A_1270 : i32 to index
        %swap3A_1272 = arith.index_cast %scan3A_915 : i32 to index
        %swap3A_1273 = arith.constant 32 : index
        %swap3A_1274 = tpu.vector_load %arg7[%swap3A_1271, %swap3A_1272, %swap3A_1273] {strides = array<i32>} : memref<2x32x128xf32, #tpu.memory_space<vmem>>, vector<1x1x16xf32>,
        %swap3A_1275 = vector.shape_cast %swap3A_1274 : vector<1x1x16xf32> to vector<16xf32>
        %swap3A_1276 = vector.shape_cast %add3A_1269 : vector<16xf32> to vector<1x1x16xf32>
        tpu.vector_store %arg7[%swap3A_1271, %swap3A_1272, %swap3A_1273], %swap3A_1276 {strides = array<i32>} : memref<2x32x128xf32, #tpu.memory_space<vmem>>, vector<1x1x16xf32>,
        %get3A_1277 = arith.constant 0 : i32
        %get3A_1278 = arith.index_cast %get3A_1277 : i32 to index
        %get3A_1279 = arith.index_cast %scan3A_915 : i32 to index
        %get3A_1280 = arith.constant 48 : index
        %get3A_1281 = tpu.vector_load %arg6[%get3A_1278, %get3A_1279, %get3A_1280] {strides = array<i32>} : memref<2x416x128xf32, #tpu.memory_space<vmem>>, vector<1x1x16xf32>,
        %get3A_1282 = vector.shape_cast %get3A_1281 : vector<1x1x16xf32> to vector<16xf32>
        %add3A_1283 = arith.constant 32 : i32
        %add3A_1284 = arith.addi %add3A_1283, %scan3A_915 : i32
        %get3A_1285 = arith.constant 0 : i32
        %get3A_1286 = arith.index_cast %get3A_1285 : i32 to index
        %get3A_1287 = arith.index_cast %add3A_1284 : i32 to index
        %get3A_1288 = arith.constant 48 : index
        %get3A_1289 = tpu.vector_load %arg6[%get3A_1286, %get3A_1287, %get3A_1288] {strides = array<i32>} : memref<2x416x128xf32, #tpu.memory_space<vmem>>, vector<1x1x16xf32>,
        %get3A_1290 = vector.shape_cast %get3A_1289 : vector<1x1x16xf32> to vector<16xf32>
        %add3A_1291 = arith.addf %get3A_1282, %get3A_1290 : vector<16xf32>
        %add3A_1292 = arith.constant 64 : i32
        %add3A_1293 = arith.addi %add3A_1292, %scan3A_915 : i32
        %get3A_1294 = arith.constant 0 : i32
        %get3A_1295 = arith.index_cast %get3A_1294 : i32 to index
        %get3A_1296 = arith.index_cast %add3A_1293 : i32 to index
        %get3A_1297 = arith.constant 48 : index
        %get3A_1298 = tpu.vector_load %arg6[%get3A_1295, %get3A_1296, %get3A_1297] {strides = array<i32>} : memref<2x416x128xf32, #tpu.memory_space<vmem>>, vector<1x1x16xf32>,
        %get3A_1299 = vector.shape_cast %get3A_1298 : vector<1x1x16xf32> to vector<16xf32>
        %add3A_1300 = arith.addf %add3A_1291, %get3A_1299 : vector<16xf32>
        %add3A_1301 = arith.constant 96 : i32
        %add3A_1302 = arith.addi %add3A_1301, %scan3A_915 : i32
        %get3A_1303 = arith.constant 0 : i32
        %get3A_1304 = arith.index_cast %get3A_1303 : i32 to index
        %get3A_1305 = arith.index_cast %add3A_1302 : i32 to index
        %get3A_1306 = arith.constant 48 : index
        %get3A_1307 = tpu.vector_load %arg6[%get3A_1304, %get3A_1305, %get3A_1306] {strides = array<i32>} : memref<2x416x128xf32, #tpu.memory_space<vmem>>, vector<1x1x16xf32>,
        %get3A_1308 = vector.shape_cast %get3A_1307 : vector<1x1x16xf32> to vector<16xf32>
        %add3A_1309 = arith.addf %add3A_1300, %get3A_1308 : vector<16xf32>
        %add3A_1310 = arith.constant 128 : i32
        %add3A_1311 = arith.addi %add3A_1310, %scan3A_915 : i32
        %get3A_1312 = arith.constant 0 : i32
        %get3A_1313 = arith.index_cast %get3A_1312 : i32 to index
        %get3A_1314 = arith.index_cast %add3A_1311 : i32 to index
        %get3A_1315 = arith.constant 48 : index
        %get3A_1316 = tpu.vector_load %arg6[%get3A_1313, %get3A_1314, %get3A_1315] {strides = array<i32>} : memref<2x416x128xf32, #tpu.memory_space<vmem>>, vector<1x1x16xf32>,
        %get3A_1317 = vector.shape_cast %get3A_1316 : vector<1x1x16xf32> to vector<16xf32>
        %add3A_1318 = arith.addf %add3A_1309, %get3A_1317 : vector<16xf32>
        %add3A_1319 = arith.constant 160 : i32
        %add3A_1320 = arith.addi %add3A_1319, %scan3A_915 : i32
        %get3A_1321 = arith.constant 0 : i32
        %get3A_1322 = arith.index_cast %get3A_1321 : i32 to index
        %get3A_1323 = arith.index_cast %add3A_1320 : i32 to index
        %get3A_1324 = arith.constant 48 : index
        %get3A_1325 = tpu.vector_load %arg6[%get3A_1322, %get3A_1323, %get3A_1324] {strides = array<i32>} : memref<2x416x128xf32, #tpu.memory_space<vmem>>, vector<1x1x16xf32>,
        %get3A_1326 = vector.shape_cast %get3A_1325 : vector<1x1x16xf32> to vector<16xf32>
        %add3A_1327 = arith.addf %add3A_1318, %get3A_1326 : vector<16xf32>
        %add3A_1328 = arith.constant 192 : i32
        %add3A_1329 = arith.addi %add3A_1328, %scan3A_915 : i32
        %get3A_1330 = arith.constant 0 : i32
        %get3A_1331 = arith.index_cast %get3A_1330 : i32 to index
        %get3A_1332 = arith.index_cast %add3A_1329 : i32 to index
        %get3A_1333 = arith.constant 48 : index
        %get3A_1334 = tpu.vector_load %arg6[%get3A_1331, %get3A_1332, %get3A_1333] {strides = array<i32>} : memref<2x416x128xf32, #tpu.memory_space<vmem>>, vector<1x1x16xf32>,
        %get3A_1335 = vector.shape_cast %get3A_1334 : vector<1x1x16xf32> to vector<16xf32>
        %add3A_1336 = arith.addf %add3A_1327, %get3A_1335 : vector<16xf32>
        %add3A_1337 = arith.constant 224 : i32
        %add3A_1338 = arith.addi %add3A_1337, %scan3A_915 : i32
        %get3A_1339 = arith.constant 0 : i32
        %get3A_1340 = arith.index_cast %get3A_1339 : i32 to index
        %get3A_1341 = arith.index_cast %add3A_1338 : i32 to index
        %get3A_1342 = arith.constant 48 : index
        %get3A_1343 = tpu.vector_load %arg6[%get3A_1340, %get3A_1341, %get3A_1342] {strides = array<i32>} : memref<2x416x128xf32, #tpu.memory_space<vmem>>, vector<1x1x16xf32>,
        %get3A_1344 = vector.shape_cast %get3A_1343 : vector<1x1x16xf32> to vector<16xf32>
        %add3A_1345 = arith.addf %add3A_1336, %get3A_1344 : vector<16xf32>
        %add3A_1346 = arith.constant 256 : i32
        %add3A_1347 = arith.addi %add3A_1346, %scan3A_915 : i32
        %get3A_1348 = arith.constant 0 : i32
        %get3A_1349 = arith.index_cast %get3A_1348 : i32 to index
        %get3A_1350 = arith.index_cast %add3A_1347 : i32 to index
        %get3A_1351 = arith.constant 48 : index
        %get3A_1352 = tpu.vector_load %arg6[%get3A_1349, %get3A_1350, %get3A_1351] {strides = array<i32>} : memref<2x416x128xf32, #tpu.memory_space<vmem>>, vector<1x1x16xf32>,
        %get3A_1353 = vector.shape_cast %get3A_1352 : vector<1x1x16xf32> to vector<16xf32>
        %add3A_1354 = arith.addf %add3A_1345, %get3A_1353 : vector<16xf32>
        %add3A_1355 = arith.constant 288 : i32
        %add3A_1356 = arith.addi %add3A_1355, %scan3A_915 : i32
        %get3A_1357 = arith.constant 0 : i32
        %get3A_1358 = arith.index_cast %get3A_1357 : i32 to index
        %get3A_1359 = arith.index_cast %add3A_1356 : i32 to index
        %get3A_1360 = arith.constant 48 : index
        %get3A_1361 = tpu.vector_load %arg6[%get3A_1358, %get3A_1359, %get3A_1360] {strides = array<i32>} : memref<2x416x128xf32, #tpu.memory_space<vmem>>, vector<1x1x16xf32>,
        %get3A_1362 = vector.shape_cast %get3A_1361 : vector<1x1x16xf32> to vector<16xf32>
        %add3A_1363 = arith.addf %add3A_1354, %get3A_1362 : vector<16xf32>
        %add3A_1364 = arith.constant 320 : i32
        %add3A_1365 = arith.addi %add3A_1364, %scan3A_915 : i32
        %get3A_1366 = arith.constant 0 : i32
        %get3A_1367 = arith.index_cast %get3A_1366 : i32 to index
        %get3A_1368 = arith.index_cast %add3A_1365 : i32 to index
        %get3A_1369 = arith.constant 48 : index
        %get3A_1370 = tpu.vector_load %arg6[%get3A_1367, %get3A_1368, %get3A_1369] {strides = array<i32>} : memref<2x416x128xf32, #tpu.memory_space<vmem>>, vector<1x1x16xf32>,
        %get3A_1371 = vector.shape_cast %get3A_1370 : vector<1x1x16xf32> to vector<16xf32>
        %add3A_1372 = arith.addf %add3A_1363, %get3A_1371 : vector<16xf32>
        %add3A_1373 = arith.constant 352 : i32
        %add3A_1374 = arith.addi %add3A_1373, %scan3A_915 : i32
        %get3A_1375 = arith.constant 0 : i32
        %get3A_1376 = arith.index_cast %get3A_1375 : i32 to index
        %get3A_1377 = arith.index_cast %add3A_1374 : i32 to index
        %get3A_1378 = arith.constant 48 : index
        %get3A_1379 = tpu.vector_load %arg6[%get3A_1376, %get3A_1377, %get3A_1378] {strides = array<i32>} : memref<2x416x128xf32, #tpu.memory_space<vmem>>, vector<1x1x16xf32>,
        %get3A_1380 = vector.shape_cast %get3A_1379 : vector<1x1x16xf32> to vector<16xf32>
        %add3A_1381 = arith.addf %add3A_1372, %get3A_1380 : vector<16xf32>
        %add3A_1382 = arith.constant 384 : i32
        %add3A_1383 = arith.addi %add3A_1382, %scan3A_915 : i32
        %get3A_1384 = arith.constant 0 : i32
        %get3A_1385 = arith.index_cast %get3A_1384 : i32 to index
        %get3A_1386 = arith.index_cast %add3A_1383 : i32 to index
        %get3A_1387 = arith.constant 48 : index
        %get3A_1388 = tpu.vector_load %arg6[%get3A_1385, %get3A_1386, %get3A_1387] {strides = array<i32>} : memref<2x416x128xf32, #tpu.memory_space<vmem>>, vector<1x1x16xf32>,
        %get3A_1389 = vector.shape_cast %get3A_1388 : vector<1x1x16xf32> to vector<16xf32>
        %add3A_1390 = arith.addf %add3A_1381, %get3A_1389 : vector<16xf32>
        %swap3A_1391 = arith.constant 0 : i32
        %swap3A_1392 = arith.index_cast %swap3A_1391 : i32 to index
        %swap3A_1393 = arith.index_cast %scan3A_915 : i32 to index
        %swap3A_1394 = arith.constant 48 : index
        %swap3A_1395 = tpu.vector_load %arg7[%swap3A_1392, %swap3A_1393, %swap3A_1394] {strides = array<i32>} : memref<2x32x128xf32, #tpu.memory_space<vmem>>, vector<1x1x16xf32>,
        %swap3A_1396 = vector.shape_cast %swap3A_1395 : vector<1x1x16xf32> to vector<16xf32>
        %swap3A_1397 = vector.shape_cast %add3A_1390 : vector<16xf32> to vector<1x1x16xf32>
        tpu.vector_store %arg7[%swap3A_1392, %swap3A_1393, %swap3A_1394], %swap3A_1397 {strides = array<i32>} : memref<2x32x128xf32, #tpu.memory_space<vmem>>, vector<1x1x16xf32>,
        %get3A_1398 = arith.constant 0 : i32
        %get3A_1399 = arith.index_cast %get3A_1398 : i32 to index
        %get3A_1400 = arith.index_cast %scan3A_915 : i32 to index
        %get3A_1401 = arith.constant 64 : index
        %get3A_1402 = tpu.vector_load %arg6[%get3A_1399, %get3A_1400, %get3A_1401] {strides = array<i32>} : memref<2x416x128xf32, #tpu.memory_space<vmem>>, vector<1x1x16xf32>,
        %get3A_1403 = vector.shape_cast %get3A_1402 : vector<1x1x16xf32> to vector<16xf32>
        %add3A_1404 = arith.constant 32 : i32
        %add3A_1405 = arith.addi %add3A_1404, %scan3A_915 : i32
        %get3A_1406 = arith.constant 0 : i32
        %get3A_1407 = arith.index_cast %get3A_1406 : i32 to index
        %get3A_1408 = arith.index_cast %add3A_1405 : i32 to index
        %get3A_1409 = arith.constant 64 : index
        %get3A_1410 = tpu.vector_load %arg6[%get3A_1407, %get3A_1408, %get3A_1409] {strides = array<i32>} : memref<2x416x128xf32, #tpu.memory_space<vmem>>, vector<1x1x16xf32>,
        %get3A_1411 = vector.shape_cast %get3A_1410 : vector<1x1x16xf32> to vector<16xf32>
        %add3A_1412 = arith.addf %get3A_1403, %get3A_1411 : vector<16xf32>
        %add3A_1413 = arith.constant 64 : i32
        %add3A_1414 = arith.addi %add3A_1413, %scan3A_915 : i32
        %get3A_1415 = arith.constant 0 : i32
        %get3A_1416 = arith.index_cast %get3A_1415 : i32 to index
        %get3A_1417 = arith.index_cast %add3A_1414 : i32 to index
        %get3A_1418 = arith.constant 64 : index
        %get3A_1419 = tpu.vector_load %arg6[%get3A_1416, %get3A_1417, %get3A_1418] {strides = array<i32>} : memref<2x416x128xf32, #tpu.memory_space<vmem>>, vector<1x1x16xf32>,
        %get3A_1420 = vector.shape_cast %get3A_1419 : vector<1x1x16xf32> to vector<16xf32>
        %add3A_1421 = arith.addf %add3A_1412, %get3A_1420 : vector<16xf32>
        %add3A_1422 = arith.constant 96 : i32
        %add3A_1423 = arith.addi %add3A_1422, %scan3A_915 : i32
        %get3A_1424 = arith.constant 0 : i32
        %get3A_1425 = arith.index_cast %get3A_1424 : i32 to index
        %get3A_1426 = arith.index_cast %add3A_1423 : i32 to index
        %get3A_1427 = arith.constant 64 : index
        %get3A_1428 = tpu.vector_load %arg6[%get3A_1425, %get3A_1426, %get3A_1427] {strides = array<i32>} : memref<2x416x128xf32, #tpu.memory_space<vmem>>, vector<1x1x16xf32>,
        %get3A_1429 = vector.shape_cast %get3A_1428 : vector<1x1x16xf32> to vector<16xf32>
        %add3A_1430 = arith.addf %add3A_1421, %get3A_1429 : vector<16xf32>
        %add3A_1431 = arith.constant 128 : i32
        %add3A_1432 = arith.addi %add3A_1431, %scan3A_915 : i32
        %get3A_1433 = arith.constant 0 : i32
        %get3A_1434 = arith.index_cast %get3A_1433 : i32 to index
        %get3A_1435 = arith.index_cast %add3A_1432 : i32 to index
        %get3A_1436 = arith.constant 64 : index
        %get3A_1437 = tpu.vector_load %arg6[%get3A_1434, %get3A_1435, %get3A_1436] {strides = array<i32>} : memref<2x416x128xf32, #tpu.memory_space<vmem>>, vector<1x1x16xf32>,
        %get3A_1438 = vector.shape_cast %get3A_1437 : vector<1x1x16xf32> to vector<16xf32>
        %add3A_1439 = arith.addf %add3A_1430, %get3A_1438 : vector<16xf32>
        %add3A_1440 = arith.constant 160 : i32
        %add3A_1441 = arith.addi %add3A_1440, %scan3A_915 : i32
        %get3A_1442 = arith.constant 0 : i32
        %get3A_1443 = arith.index_cast %get3A_1442 : i32 to index
        %get3A_1444 = arith.index_cast %add3A_1441 : i32 to index
        %get3A_1445 = arith.constant 64 : index
        %get3A_1446 = tpu.vector_load %arg6[%get3A_1443, %get3A_1444, %get3A_1445] {strides = array<i32>} : memref<2x416x128xf32, #tpu.memory_space<vmem>>, vector<1x1x16xf32>,
        %get3A_1447 = vector.shape_cast %get3A_1446 : vector<1x1x16xf32> to vector<16xf32>
        %add3A_1448 = arith.addf %add3A_1439, %get3A_1447 : vector<16xf32>
        %add3A_1449 = arith.constant 192 : i32
        %add3A_1450 = arith.addi %add3A_1449, %scan3A_915 : i32
        %get3A_1451 = arith.constant 0 : i32
        %get3A_1452 = arith.index_cast %get3A_1451 : i32 to index
        %get3A_1453 = arith.index_cast %add3A_1450 : i32 to index
        %get3A_1454 = arith.constant 64 : index
        %get3A_1455 = tpu.vector_load %arg6[%get3A_1452, %get3A_1453, %get3A_1454] {strides = array<i32>} : memref<2x416x128xf32, #tpu.memory_space<vmem>>, vector<1x1x16xf32>,
        %get3A_1456 = vector.shape_cast %get3A_1455 : vector<1x1x16xf32> to vector<16xf32>
        %add3A_1457 = arith.addf %add3A_1448, %get3A_1456 : vector<16xf32>
        %add3A_1458 = arith.constant 224 : i32
        %add3A_1459 = arith.addi %add3A_1458, %scan3A_915 : i32
        %get3A_1460 = arith.constant 0 : i32
        %get3A_1461 = arith.index_cast %get3A_1460 : i32 to index
        %get3A_1462 = arith.index_cast %add3A_1459 : i32 to index
        %get3A_1463 = arith.constant 64 : index
        %get3A_1464 = tpu.vector_load %arg6[%get3A_1461, %get3A_1462, %get3A_1463] {strides = array<i32>} : memref<2x416x128xf32, #tpu.memory_space<vmem>>, vector<1x1x16xf32>,
        %get3A_1465 = vector.shape_cast %get3A_1464 : vector<1x1x16xf32> to vector<16xf32>
        %add3A_1466 = arith.addf %add3A_1457, %get3A_1465 : vector<16xf32>
        %add3A_1467 = arith.constant 256 : i32
        %add3A_1468 = arith.addi %add3A_1467, %scan3A_915 : i32
        %get3A_1469 = arith.constant 0 : i32
        %get3A_1470 = arith.index_cast %get3A_1469 : i32 to index
        %get3A_1471 = arith.index_cast %add3A_1468 : i32 to index
        %get3A_1472 = arith.constant 64 : index
        %get3A_1473 = tpu.vector_load %arg6[%get3A_1470, %get3A_1471, %get3A_1472] {strides = array<i32>} : memref<2x416x128xf32, #tpu.memory_space<vmem>>, vector<1x1x16xf32>,
        %get3A_1474 = vector.shape_cast %get3A_1473 : vector<1x1x16xf32> to vector<16xf32>
        %add3A_1475 = arith.addf %add3A_1466, %get3A_1474 : vector<16xf32>
        %add3A_1476 = arith.constant 288 : i32
        %add3A_1477 = arith.addi %add3A_1476, %scan3A_915 : i32
        %get3A_1478 = arith.constant 0 : i32
        %get3A_1479 = arith.index_cast %get3A_1478 : i32 to index
        %get3A_1480 = arith.index_cast %add3A_1477 : i32 to index
        %get3A_1481 = arith.constant 64 : index
        %get3A_1482 = tpu.vector_load %arg6[%get3A_1479, %get3A_1480, %get3A_1481] {strides = array<i32>} : memref<2x416x128xf32, #tpu.memory_space<vmem>>, vector<1x1x16xf32>,
        %get3A_1483 = vector.shape_cast %get3A_1482 : vector<1x1x16xf32> to vector<16xf32>
        %add3A_1484 = arith.addf %add3A_1475, %get3A_1483 : vector<16xf32>
        %add3A_1485 = arith.constant 320 : i32
        %add3A_1486 = arith.addi %add3A_1485, %scan3A_915 : i32
        %get3A_1487 = arith.constant 0 : i32
        %get3A_1488 = arith.index_cast %get3A_1487 : i32 to index
        %get3A_1489 = arith.index_cast %add3A_1486 : i32 to index
        %get3A_1490 = arith.constant 64 : index
        %get3A_1491 = tpu.vector_load %arg6[%get3A_1488, %get3A_1489, %get3A_1490] {strides = array<i32>} : memref<2x416x128xf32, #tpu.memory_space<vmem>>, vector<1x1x16xf32>,
        %get3A_1492 = vector.shape_cast %get3A_1491 : vector<1x1x16xf32> to vector<16xf32>
        %add3A_1493 = arith.addf %add3A_1484, %get3A_1492 : vector<16xf32>
        %add3A_1494 = arith.constant 352 : i32
        %add3A_1495 = arith.addi %add3A_1494, %scan3A_915 : i32
        %get3A_1496 = arith.constant 0 : i32
        %get3A_1497 = arith.index_cast %get3A_1496 : i32 to index
        %get3A_1498 = arith.index_cast %add3A_1495 : i32 to index
        %get3A_1499 = arith.constant 64 : index
        %get3A_1500 = tpu.vector_load %arg6[%get3A_1497, %get3A_1498, %get3A_1499] {strides = array<i32>} : memref<2x416x128xf32, #tpu.memory_space<vmem>>, vector<1x1x16xf32>,
        %get3A_1501 = vector.shape_cast %get3A_1500 : vector<1x1x16xf32> to vector<16xf32>
        %add3A_1502 = arith.addf %add3A_1493, %get3A_1501 : vector<16xf32>
        %add3A_1503 = arith.constant 384 : i32
        %add3A_1504 = arith.addi %add3A_1503, %scan3A_915 : i32
        %get3A_1505 = arith.constant 0 : i32
        %get3A_1506 = arith.index_cast %get3A_1505 : i32 to index
        %get3A_1507 = arith.index_cast %add3A_1504 : i32 to index
        %get3A_1508 = arith.constant 64 : index
        %get3A_1509 = tpu.vector_load %arg6[%get3A_1506, %get3A_1507, %get3A_1508] {strides = array<i32>} : memref<2x416x128xf32, #tpu.memory_space<vmem>>, vector<1x1x16xf32>,
        %get3A_1510 = vector.shape_cast %get3A_1509 : vector<1x1x16xf32> to vector<16xf32>
        %add3A_1511 = arith.addf %add3A_1502, %get3A_1510 : vector<16xf32>
        %swap3A_1512 = arith.constant 0 : i32
        %swap3A_1513 = arith.index_cast %swap3A_1512 : i32 to index
        %swap3A_1514 = arith.index_cast %scan3A_915 : i32 to index
        %swap3A_1515 = arith.constant 64 : index
        %swap3A_1516 = tpu.vector_load %arg7[%swap3A_1513, %swap3A_1514, %swap3A_1515] {strides = array<i32>} : memref<2x32x128xf32, #tpu.memory_space<vmem>>, vector<1x1x16xf32>,
        %swap3A_1517 = vector.shape_cast %swap3A_1516 : vector<1x1x16xf32> to vector<16xf32>
        %swap3A_1518 = vector.shape_cast %add3A_1511 : vector<16xf32> to vector<1x1x16xf32>
        tpu.vector_store %arg7[%swap3A_1513, %swap3A_1514, %swap3A_1515], %swap3A_1518 {strides = array<i32>} : memref<2x32x128xf32, #tpu.memory_space<vmem>>, vector<1x1x16xf32>,
        %get3A_1519 = arith.constant 0 : i32
        %get3A_1520 = arith.index_cast %get3A_1519 : i32 to index
        %get3A_1521 = arith.index_cast %scan3A_915 : i32 to index
        %get3A_1522 = arith.constant 80 : index
        %get3A_1523 = tpu.vector_load %arg6[%get3A_1520, %get3A_1521, %get3A_1522] {strides = array<i32>} : memref<2x416x128xf32, #tpu.memory_space<vmem>>, vector<1x1x16xf32>,
        %get3A_1524 = vector.shape_cast %get3A_1523 : vector<1x1x16xf32> to vector<16xf32>
        %add3A_1525 = arith.constant 32 : i32
        %add3A_1526 = arith.addi %add3A_1525, %scan3A_915 : i32
        %get3A_1527 = arith.constant 0 : i32
        %get3A_1528 = arith.index_cast %get3A_1527 : i32 to index
        %get3A_1529 = arith.index_cast %add3A_1526 : i32 to index
        %get3A_1530 = arith.constant 80 : index
        %get3A_1531 = tpu.vector_load %arg6[%get3A_1528, %get3A_1529, %get3A_1530] {strides = array<i32>} : memref<2x416x128xf32, #tpu.memory_space<vmem>>, vector<1x1x16xf32>,
        %get3A_1532 = vector.shape_cast %get3A_1531 : vector<1x1x16xf32> to vector<16xf32>
        %add3A_1533 = arith.addf %get3A_1524, %get3A_1532 : vector<16xf32>
        %add3A_1534 = arith.constant 64 : i32
        %add3A_1535 = arith.addi %add3A_1534, %scan3A_915 : i32
        %get3A_1536 = arith.constant 0 : i32
        %get3A_1537 = arith.index_cast %get3A_1536 : i32 to index
        %get3A_1538 = arith.index_cast %add3A_1535 : i32 to index
        %get3A_1539 = arith.constant 80 : index
        %get3A_1540 = tpu.vector_load %arg6[%get3A_1537, %get3A_1538, %get3A_1539] {strides = array<i32>} : memref<2x416x128xf32, #tpu.memory_space<vmem>>, vector<1x1x16xf32>,
        %get3A_1541 = vector.shape_cast %get3A_1540 : vector<1x1x16xf32> to vector<16xf32>
        %add3A_1542 = arith.addf %add3A_1533, %get3A_1541 : vector<16xf32>
        %add3A_1543 = arith.constant 96 : i32
        %add3A_1544 = arith.addi %add3A_1543, %scan3A_915 : i32
        %get3A_1545 = arith.constant 0 : i32
        %get3A_1546 = arith.index_cast %get3A_1545 : i32 to index
        %get3A_1547 = arith.index_cast %add3A_1544 : i32 to index
        %get3A_1548 = arith.constant 80 : index
        %get3A_1549 = tpu.vector_load %arg6[%get3A_1546, %get3A_1547, %get3A_1548] {strides = array<i32>} : memref<2x416x128xf32, #tpu.memory_space<vmem>>, vector<1x1x16xf32>,
        %get3A_1550 = vector.shape_cast %get3A_1549 : vector<1x1x16xf32> to vector<16xf32>
        %add3A_1551 = arith.addf %add3A_1542, %get3A_1550 : vector<16xf32>
        %add3A_1552 = arith.constant 128 : i32
        %add3A_1553 = arith.addi %add3A_1552, %scan3A_915 : i32
        %get3A_1554 = arith.constant 0 : i32
        %get3A_1555 = arith.index_cast %get3A_1554 : i32 to index
        %get3A_1556 = arith.index_cast %add3A_1553 : i32 to index
        %get3A_1557 = arith.constant 80 : index
        %get3A_1558 = tpu.vector_load %arg6[%get3A_1555, %get3A_1556, %get3A_1557] {strides = array<i32>} : memref<2x416x128xf32, #tpu.memory_space<vmem>>, vector<1x1x16xf32>,
        %get3A_1559 = vector.shape_cast %get3A_1558 : vector<1x1x16xf32> to vector<16xf32>
        %add3A_1560 = arith.addf %add3A_1551, %get3A_1559 : vector<16xf32>
        %add3A_1561 = arith.constant 160 : i32
        %add3A_1562 = arith.addi %add3A_1561, %scan3A_915 : i32
        %get3A_1563 = arith.constant 0 : i32
        %get3A_1564 = arith.index_cast %get3A_1563 : i32 to index
        %get3A_1565 = arith.index_cast %add3A_1562 : i32 to index
        %get3A_1566 = arith.constant 80 : index
        %get3A_1567 = tpu.vector_load %arg6[%get3A_1564, %get3A_1565, %get3A_1566] {strides = array<i32>} : memref<2x416x128xf32, #tpu.memory_space<vmem>>, vector<1x1x16xf32>,
        %get3A_1568 = vector.shape_cast %get3A_1567 : vector<1x1x16xf32> to vector<16xf32>
        %add3A_1569 = arith.addf %add3A_1560, %get3A_1568 : vector<16xf32>
        %add3A_1570 = arith.constant 192 : i32
        %add3A_1571 = arith.addi %add3A_1570, %scan3A_915 : i32
        %get3A_1572 = arith.constant 0 : i32
        %get3A_1573 = arith.index_cast %get3A_1572 : i32 to index
        %get3A_1574 = arith.index_cast %add3A_1571 : i32 to index
        %get3A_1575 = arith.constant 80 : index
        %get3A_1576 = tpu.vector_load %arg6[%get3A_1573, %get3A_1574, %get3A_1575] {strides = array<i32>} : memref<2x416x128xf32, #tpu.memory_space<vmem>>, vector<1x1x16xf32>,
        %get3A_1577 = vector.shape_cast %get3A_1576 : vector<1x1x16xf32> to vector<16xf32>
        %add3A_1578 = arith.addf %add3A_1569, %get3A_1577 : vector<16xf32>
        %add3A_1579 = arith.constant 224 : i32
        %add3A_1580 = arith.addi %add3A_1579, %scan3A_915 : i32
        %get3A_1581 = arith.constant 0 : i32
        %get3A_1582 = arith.index_cast %get3A_1581 : i32 to index
        %get3A_1583 = arith.index_cast %add3A_1580 : i32 to index
        %get3A_1584 = arith.constant 80 : index
        %get3A_1585 = tpu.vector_load %arg6[%get3A_1582, %get3A_1583, %get3A_1584] {strides = array<i32>} : memref<2x416x128xf32, #tpu.memory_space<vmem>>, vector<1x1x16xf32>,
        %get3A_1586 = vector.shape_cast %get3A_1585 : vector<1x1x16xf32> to vector<16xf32>
        %add3A_1587 = arith.addf %add3A_1578, %get3A_1586 : vector<16xf32>
        %add3A_1588 = arith.constant 256 : i32
        %add3A_1589 = arith.addi %add3A_1588, %scan3A_915 : i32
        %get3A_1590 = arith.constant 0 : i32
        %get3A_1591 = arith.index_cast %get3A_1590 : i32 to index
        %get3A_1592 = arith.index_cast %add3A_1589 : i32 to index
        %get3A_1593 = arith.constant 80 : index
        %get3A_1594 = tpu.vector_load %arg6[%get3A_1591, %get3A_1592, %get3A_1593] {strides = array<i32>} : memref<2x416x128xf32, #tpu.memory_space<vmem>>, vector<1x1x16xf32>,
        %get3A_1595 = vector.shape_cast %get3A_1594 : vector<1x1x16xf32> to vector<16xf32>
        %add3A_1596 = arith.addf %add3A_1587, %get3A_1595 : vector<16xf32>
        %add3A_1597 = arith.constant 288 : i32
        %add3A_1598 = arith.addi %add3A_1597, %scan3A_915 : i32
        %get3A_1599 = arith.constant 0 : i32
        %get3A_1600 = arith.index_cast %get3A_1599 : i32 to index
        %get3A_1601 = arith.index_cast %add3A_1598 : i32 to index
        %get3A_1602 = arith.constant 80 : index
        %get3A_1603 = tpu.vector_load %arg6[%get3A_1600, %get3A_1601, %get3A_1602] {strides = array<i32>} : memref<2x416x128xf32, #tpu.memory_space<vmem>>, vector<1x1x16xf32>,
        %get3A_1604 = vector.shape_cast %get3A_1603 : vector<1x1x16xf32> to vector<16xf32>
        %add3A_1605 = arith.addf %add3A_1596, %get3A_1604 : vector<16xf32>
        %add3A_1606 = arith.constant 320 : i32
        %add3A_1607 = arith.addi %add3A_1606, %scan3A_915 : i32
        %get3A_1608 = arith.constant 0 : i32
        %get3A_1609 = arith.index_cast %get3A_1608 : i32 to index
        %get3A_1610 = arith.index_cast %add3A_1607 : i32 to index
        %get3A_1611 = arith.constant 80 : index
        %get3A_1612 = tpu.vector_load %arg6[%get3A_1609, %get3A_1610, %get3A_1611] {strides = array<i32>} : memref<2x416x128xf32, #tpu.memory_space<vmem>>, vector<1x1x16xf32>,
        %get3A_1613 = vector.shape_cast %get3A_1612 : vector<1x1x16xf32> to vector<16xf32>
        %add3A_1614 = arith.addf %add3A_1605, %get3A_1613 : vector<16xf32>
        %add3A_1615 = arith.constant 352 : i32
        %add3A_1616 = arith.addi %add3A_1615, %scan3A_915 : i32
        %get3A_1617 = arith.constant 0 : i32
        %get3A_1618 = arith.index_cast %get3A_1617 : i32 to index
        %get3A_1619 = arith.index_cast %add3A_1616 : i32 to index
        %get3A_1620 = arith.constant 80 : index
        %get3A_1621 = tpu.vector_load %arg6[%get3A_1618, %get3A_1619, %get3A_1620] {strides = array<i32>} : memref<2x416x128xf32, #tpu.memory_space<vmem>>, vector<1x1x16xf32>,
        %get3A_1622 = vector.shape_cast %get3A_1621 : vector<1x1x16xf32> to vector<16xf32>
        %add3A_1623 = arith.addf %add3A_1614, %get3A_1622 : vector<16xf32>
        %add3A_1624 = arith.constant 384 : i32
        %add3A_1625 = arith.addi %add3A_1624, %scan3A_915 : i32
        %get3A_1626 = arith.constant 0 : i32
        %get3A_1627 = arith.index_cast %get3A_1626 : i32 to index
        %get3A_1628 = arith.index_cast %add3A_1625 : i32 to index
        %get3A_1629 = arith.constant 80 : index
        %get3A_1630 = tpu.vector_load %arg6[%get3A_1627, %get3A_1628, %get3A_1629] {strides = array<i32>} : memref<2x416x128xf32, #tpu.memory_space<vmem>>, vector<1x1x16xf32>,
        %get3A_1631 = vector.shape_cast %get3A_1630 : vector<1x1x16xf32> to vector<16xf32>
        %add3A_1632 = arith.addf %add3A_1623, %get3A_1631 : vector<16xf32>
        %swap3A_1633 = arith.constant 0 : i32
        %swap3A_1634 = arith.index_cast %swap3A_1633 : i32 to index
        %swap3A_1635 = arith.index_cast %scan3A_915 : i32 to index
        %swap3A_1636 = arith.constant 80 : index
        %swap3A_1637 = tpu.vector_load %arg7[%swap3A_1634, %swap3A_1635, %swap3A_1636] {strides = array<i32>} : memref<2x32x128xf32, #tpu.memory_space<vmem>>, vector<1x1x16xf32>,
        %swap3A_1638 = vector.shape_cast %swap3A_1637 : vector<1x1x16xf32> to vector<16xf32>
        %swap3A_1639 = vector.shape_cast %add3A_1632 : vector<16xf32> to vector<1x1x16xf32>
        tpu.vector_store %arg7[%swap3A_1634, %swap3A_1635, %swap3A_1636], %swap3A_1639 {strides = array<i32>} : memref<2x32x128xf32, #tpu.memory_space<vmem>>, vector<1x1x16xf32>,
        %get3A_1640 = arith.constant 0 : i32
        %get3A_1641 = arith.index_cast %get3A_1640 : i32 to index
        %get3A_1642 = arith.index_cast %scan3A_915 : i32 to index
        %get3A_1643 = arith.constant 96 : index
        %get3A_1644 = tpu.vector_load %arg6[%get3A_1641, %get3A_1642, %get3A_1643] {strides = array<i32>} : memref<2x416x128xf32, #tpu.memory_space<vmem>>, vector<1x1x16xf32>,
        %get3A_1645 = vector.shape_cast %get3A_1644 : vector<1x1x16xf32> to vector<16xf32>
        %add3A_1646 = arith.constant 32 : i32
        %add3A_1647 = arith.addi %add3A_1646, %scan3A_915 : i32
        %get3A_1648 = arith.constant 0 : i32
        %get3A_1649 = arith.index_cast %get3A_1648 : i32 to index
        %get3A_1650 = arith.index_cast %add3A_1647 : i32 to index
        %get3A_1651 = arith.constant 96 : index
        %get3A_1652 = tpu.vector_load %arg6[%get3A_1649, %get3A_1650, %get3A_1651] {strides = array<i32>} : memref<2x416x128xf32, #tpu.memory_space<vmem>>, vector<1x1x16xf32>,
        %get3A_1653 = vector.shape_cast %get3A_1652 : vector<1x1x16xf32> to vector<16xf32>
        %add3A_1654 = arith.addf %get3A_1645, %get3A_1653 : vector<16xf32>
        %add3A_1655 = arith.constant 64 : i32
        %add3A_1656 = arith.addi %add3A_1655, %scan3A_915 : i32
        %get3A_1657 = arith.constant 0 : i32
        %get3A_1658 = arith.index_cast %get3A_1657 : i32 to index
        %get3A_1659 = arith.index_cast %add3A_1656 : i32 to index
        %get3A_1660 = arith.constant 96 : index
        %get3A_1661 = tpu.vector_load %arg6[%get3A_1658, %get3A_1659, %get3A_1660] {strides = array<i32>} : memref<2x416x128xf32, #tpu.memory_space<vmem>>, vector<1x1x16xf32>,
        %get3A_1662 = vector.shape_cast %get3A_1661 : vector<1x1x16xf32> to vector<16xf32>
        %add3A_1663 = arith.addf %add3A_1654, %get3A_1662 : vector<16xf32>
        %add3A_1664 = arith.constant 96 : i32
        %add3A_1665 = arith.addi %add3A_1664, %scan3A_915 : i32
        %get3A_1666 = arith.constant 0 : i32
        %get3A_1667 = arith.index_cast %get3A_1666 : i32 to index
        %get3A_1668 = arith.index_cast %add3A_1665 : i32 to index
        %get3A_1669 = arith.constant 96 : index
        %get3A_1670 = tpu.vector_load %arg6[%get3A_1667, %get3A_1668, %get3A_1669] {strides = array<i32>} : memref<2x416x128xf32, #tpu.memory_space<vmem>>, vector<1x1x16xf32>,
        %get3A_1671 = vector.shape_cast %get3A_1670 : vector<1x1x16xf32> to vector<16xf32>
        %add3A_1672 = arith.addf %add3A_1663, %get3A_1671 : vector<16xf32>
        %add3A_1673 = arith.constant 128 : i32
        %add3A_1674 = arith.addi %add3A_1673, %scan3A_915 : i32
        %get3A_1675 = arith.constant 0 : i32
        %get3A_1676 = arith.index_cast %get3A_1675 : i32 to index
        %get3A_1677 = arith.index_cast %add3A_1674 : i32 to index
        %get3A_1678 = arith.constant 96 : index
        %get3A_1679 = tpu.vector_load %arg6[%get3A_1676, %get3A_1677, %get3A_1678] {strides = array<i32>} : memref<2x416x128xf32, #tpu.memory_space<vmem>>, vector<1x1x16xf32>,
        %get3A_1680 = vector.shape_cast %get3A_1679 : vector<1x1x16xf32> to vector<16xf32>
        %add3A_1681 = arith.addf %add3A_1672, %get3A_1680 : vector<16xf32>
        %add3A_1682 = arith.constant 160 : i32
        %add3A_1683 = arith.addi %add3A_1682, %scan3A_915 : i32
        %get3A_1684 = arith.constant 0 : i32
        %get3A_1685 = arith.index_cast %get3A_1684 : i32 to index
        %get3A_1686 = arith.index_cast %add3A_1683 : i32 to index
        %get3A_1687 = arith.constant 96 : index
        %get3A_1688 = tpu.vector_load %arg6[%get3A_1685, %get3A_1686, %get3A_1687] {strides = array<i32>} : memref<2x416x128xf32, #tpu.memory_space<vmem>>, vector<1x1x16xf32>,
        %get3A_1689 = vector.shape_cast %get3A_1688 : vector<1x1x16xf32> to vector<16xf32>
        %add3A_1690 = arith.addf %add3A_1681, %get3A_1689 : vector<16xf32>
        %add3A_1691 = arith.constant 192 : i32
        %add3A_1692 = arith.addi %add3A_1691, %scan3A_915 : i32
        %get3A_1693 = arith.constant 0 : i32
        %get3A_1694 = arith.index_cast %get3A_1693 : i32 to index
        %get3A_1695 = arith.index_cast %add3A_1692 : i32 to index
        %get3A_1696 = arith.constant 96 : index
        %get3A_1697 = tpu.vector_load %arg6[%get3A_1694, %get3A_1695, %get3A_1696] {strides = array<i32>} : memref<2x416x128xf32, #tpu.memory_space<vmem>>, vector<1x1x16xf32>,
        %get3A_1698 = vector.shape_cast %get3A_1697 : vector<1x1x16xf32> to vector<16xf32>
        %add3A_1699 = arith.addf %add3A_1690, %get3A_1698 : vector<16xf32>
        %add3A_1700 = arith.constant 224 : i32
        %add3A_1701 = arith.addi %add3A_1700, %scan3A_915 : i32
        %get3A_1702 = arith.constant 0 : i32
        %get3A_1703 = arith.index_cast %get3A_1702 : i32 to index
        %get3A_1704 = arith.index_cast %add3A_1701 : i32 to index
        %get3A_1705 = arith.constant 96 : index
        %get3A_1706 = tpu.vector_load %arg6[%get3A_1703, %get3A_1704, %get3A_1705] {strides = array<i32>} : memref<2x416x128xf32, #tpu.memory_space<vmem>>, vector<1x1x16xf32>,
        %get3A_1707 = vector.shape_cast %get3A_1706 : vector<1x1x16xf32> to vector<16xf32>
        %add3A_1708 = arith.addf %add3A_1699, %get3A_1707 : vector<16xf32>
        %add3A_1709 = arith.constant 256 : i32
        %add3A_1710 = arith.addi %add3A_1709, %scan3A_915 : i32
        %get3A_1711 = arith.constant 0 : i32
        %get3A_1712 = arith.index_cast %get3A_1711 : i32 to index
        %get3A_1713 = arith.index_cast %add3A_1710 : i32 to index
        %get3A_1714 = arith.constant 96 : index
        %get3A_1715 = tpu.vector_load %arg6[%get3A_1712, %get3A_1713, %get3A_1714] {strides = array<i32>} : memref<2x416x128xf32, #tpu.memory_space<vmem>>, vector<1x1x16xf32>,
        %get3A_1716 = vector.shape_cast %get3A_1715 : vector<1x1x16xf32> to vector<16xf32>
        %add3A_1717 = arith.addf %add3A_1708, %get3A_1716 : vector<16xf32>
        %add3A_1718 = arith.constant 288 : i32
        %add3A_1719 = arith.addi %add3A_1718, %scan3A_915 : i32
        %get3A_1720 = arith.constant 0 : i32
        %get3A_1721 = arith.index_cast %get3A_1720 : i32 to index
        %get3A_1722 = arith.index_cast %add3A_1719 : i32 to index
        %get3A_1723 = arith.constant 96 : index
        %get3A_1724 = tpu.vector_load %arg6[%get3A_1721, %get3A_1722, %get3A_1723] {strides = array<i32>} : memref<2x416x128xf32, #tpu.memory_space<vmem>>, vector<1x1x16xf32>,
        %get3A_1725 = vector.shape_cast %get3A_1724 : vector<1x1x16xf32> to vector<16xf32>
        %add3A_1726 = arith.addf %add3A_1717, %get3A_1725 : vector<16xf32>
        %add3A_1727 = arith.constant 320 : i32
        %add3A_1728 = arith.addi %add3A_1727, %scan3A_915 : i32
        %get3A_1729 = arith.constant 0 : i32
        %get3A_1730 = arith.index_cast %get3A_1729 : i32 to index
        %get3A_1731 = arith.index_cast %add3A_1728 : i32 to index
        %get3A_1732 = arith.constant 96 : index
        %get3A_1733 = tpu.vector_load %arg6[%get3A_1730, %get3A_1731, %get3A_1732] {strides = array<i32>} : memref<2x416x128xf32, #tpu.memory_space<vmem>>, vector<1x1x16xf32>,
        %get3A_1734 = vector.shape_cast %get3A_1733 : vector<1x1x16xf32> to vector<16xf32>
        %add3A_1735 = arith.addf %add3A_1726, %get3A_1734 : vector<16xf32>
        %add3A_1736 = arith.constant 352 : i32
        %add3A_1737 = arith.addi %add3A_1736, %scan3A_915 : i32
        %get3A_1738 = arith.constant 0 : i32
        %get3A_1739 = arith.index_cast %get3A_1738 : i32 to index
        %get3A_1740 = arith.index_cast %add3A_1737 : i32 to index
        %get3A_1741 = arith.constant 96 : index
        %get3A_1742 = tpu.vector_load %arg6[%get3A_1739, %get3A_1740, %get3A_1741] {strides = array<i32>} : memref<2x416x128xf32, #tpu.memory_space<vmem>>, vector<1x1x16xf32>,
        %get3A_1743 = vector.shape_cast %get3A_1742 : vector<1x1x16xf32> to vector<16xf32>
        %add3A_1744 = arith.addf %add3A_1735, %get3A_1743 : vector<16xf32>
        %add3A_1745 = arith.constant 384 : i32
        %add3A_1746 = arith.addi %add3A_1745, %scan3A_915 : i32
        %get3A_1747 = arith.constant 0 : i32
        %get3A_1748 = arith.index_cast %get3A_1747 : i32 to index
        %get3A_1749 = arith.index_cast %add3A_1746 : i32 to index
        %get3A_1750 = arith.constant 96 : index
        %get3A_1751 = tpu.vector_load %arg6[%get3A_1748, %get3A_1749, %get3A_1750] {strides = array<i32>} : memref<2x416x128xf32, #tpu.memory_space<vmem>>, vector<1x1x16xf32>,
        %get3A_1752 = vector.shape_cast %get3A_1751 : vector<1x1x16xf32> to vector<16xf32>
        %add3A_1753 = arith.addf %add3A_1744, %get3A_1752 : vector<16xf32>
        %swap3A_1754 = arith.constant 0 : i32
        %swap3A_1755 = arith.index_cast %swap3A_1754 : i32 to index
        %swap3A_1756 = arith.index_cast %scan3A_915 : i32 to index
        %swap3A_1757 = arith.constant 96 : index
        %swap3A_1758 = tpu.vector_load %arg7[%swap3A_1755, %swap3A_1756, %swap3A_1757] {strides = array<i32>} : memref<2x32x128xf32, #tpu.memory_space<vmem>>, vector<1x1x16xf32>,
        %swap3A_1759 = vector.shape_cast %swap3A_1758 : vector<1x1x16xf32> to vector<16xf32>
        %swap3A_1760 = vector.shape_cast %add3A_1753 : vector<16xf32> to vector<1x1x16xf32>
        tpu.vector_store %arg7[%swap3A_1755, %swap3A_1756, %swap3A_1757], %swap3A_1760 {strides = array<i32>} : memref<2x32x128xf32, #tpu.memory_space<vmem>>, vector<1x1x16xf32>,
        %get3A_1761 = arith.constant 0 : i32
        %get3A_1762 = arith.index_cast %get3A_1761 : i32 to index
        %get3A_1763 = arith.index_cast %scan3A_915 : i32 to index
        %get3A_1764 = arith.constant 112 : index
        %get3A_1765 = tpu.vector_load %arg6[%get3A_1762, %get3A_1763, %get3A_1764] {strides = array<i32>} : memref<2x416x128xf32, #tpu.memory_space<vmem>>, vector<1x1x16xf32>,
        %get3A_1766 = vector.shape_cast %get3A_1765 : vector<1x1x16xf32> to vector<16xf32>
        %add3A_1767 = arith.constant 32 : i32
        %add3A_1768 = arith.addi %add3A_1767, %scan3A_915 : i32
        %get3A_1769 = arith.constant 0 : i32
        %get3A_1770 = arith.index_cast %get3A_1769 : i32 to index
        %get3A_1771 = arith.index_cast %add3A_1768 : i32 to index
        %get3A_1772 = arith.constant 112 : index
        %get3A_1773 = tpu.vector_load %arg6[%get3A_1770, %get3A_1771, %get3A_1772] {strides = array<i32>} : memref<2x416x128xf32, #tpu.memory_space<vmem>>, vector<1x1x16xf32>,
        %get3A_1774 = vector.shape_cast %get3A_1773 : vector<1x1x16xf32> to vector<16xf32>
        %add3A_1775 = arith.addf %get3A_1766, %get3A_1774 : vector<16xf32>
        %add3A_1776 = arith.constant 64 : i32
        %add3A_1777 = arith.addi %add3A_1776, %scan3A_915 : i32
        %get3A_1778 = arith.constant 0 : i32
        %get3A_1779 = arith.index_cast %get3A_1778 : i32 to index
        %get3A_1780 = arith.index_cast %add3A_1777 : i32 to index
        %get3A_1781 = arith.constant 112 : index
        %get3A_1782 = tpu.vector_load %arg6[%get3A_1779, %get3A_1780, %get3A_1781] {strides = array<i32>} : memref<2x416x128xf32, #tpu.memory_space<vmem>>, vector<1x1x16xf32>,
        %get3A_1783 = vector.shape_cast %get3A_1782 : vector<1x1x16xf32> to vector<16xf32>
        %add3A_1784 = arith.addf %add3A_1775, %get3A_1783 : vector<16xf32>
        %add3A_1785 = arith.constant 96 : i32
        %add3A_1786 = arith.addi %add3A_1785, %scan3A_915 : i32
        %get3A_1787 = arith.constant 0 : i32
        %get3A_1788 = arith.index_cast %get3A_1787 : i32 to index
        %get3A_1789 = arith.index_cast %add3A_1786 : i32 to index
        %get3A_1790 = arith.constant 112 : index
        %get3A_1791 = tpu.vector_load %arg6[%get3A_1788, %get3A_1789, %get3A_1790] {strides = array<i32>} : memref<2x416x128xf32, #tpu.memory_space<vmem>>, vector<1x1x16xf32>,
        %get3A_1792 = vector.shape_cast %get3A_1791 : vector<1x1x16xf32> to vector<16xf32>
        %add3A_1793 = arith.addf %add3A_1784, %get3A_1792 : vector<16xf32>
        %add3A_1794 = arith.constant 128 : i32
        %add3A_1795 = arith.addi %add3A_1794, %scan3A_915 : i32
        %get3A_1796 = arith.constant 0 : i32
        %get3A_1797 = arith.index_cast %get3A_1796 : i32 to index
        %get3A_1798 = arith.index_cast %add3A_1795 : i32 to index
        %get3A_1799 = arith.constant 112 : index
        %get3A_1800 = tpu.vector_load %arg6[%get3A_1797, %get3A_1798, %get3A_1799] {strides = array<i32>} : memref<2x416x128xf32, #tpu.memory_space<vmem>>, vector<1x1x16xf32>,
        %get3A_1801 = vector.shape_cast %get3A_1800 : vector<1x1x16xf32> to vector<16xf32>
        %add3A_1802 = arith.addf %add3A_1793, %get3A_1801 : vector<16xf32>
        %add3A_1803 = arith.constant 160 : i32
        %add3A_1804 = arith.addi %add3A_1803, %scan3A_915 : i32
        %get3A_1805 = arith.constant 0 : i32
        %get3A_1806 = arith.index_cast %get3A_1805 : i32 to index
        %get3A_1807 = arith.index_cast %add3A_1804 : i32 to index
        %get3A_1808 = arith.constant 112 : index
        %get3A_1809 = tpu.vector_load %arg6[%get3A_1806, %get3A_1807, %get3A_1808] {strides = array<i32>} : memref<2x416x128xf32, #tpu.memory_space<vmem>>, vector<1x1x16xf32>,
        %get3A_1810 = vector.shape_cast %get3A_1809 : vector<1x1x16xf32> to vector<16xf32>
        %add3A_1811 = arith.addf %add3A_1802, %get3A_1810 : vector<16xf32>
        %add3A_1812 = arith.constant 192 : i32
        %add3A_1813 = arith.addi %add3A_1812, %scan3A_915 : i32
        %get3A_1814 = arith.constant 0 : i32
        %get3A_1815 = arith.index_cast %get3A_1814 : i32 to index
        %get3A_1816 = arith.index_cast %add3A_1813 : i32 to index
        %get3A_1817 = arith.constant 112 : index
        %get3A_1818 = tpu.vector_load %arg6[%get3A_1815, %get3A_1816, %get3A_1817] {strides = array<i32>} : memref<2x416x128xf32, #tpu.memory_space<vmem>>, vector<1x1x16xf32>,
        %get3A_1819 = vector.shape_cast %get3A_1818 : vector<1x1x16xf32> to vector<16xf32>
        %add3A_1820 = arith.addf %add3A_1811, %get3A_1819 : vector<16xf32>
        %add3A_1821 = arith.constant 224 : i32
        %add3A_1822 = arith.addi %add3A_1821, %scan3A_915 : i32
        %get3A_1823 = arith.constant 0 : i32
        %get3A_1824 = arith.index_cast %get3A_1823 : i32 to index
        %get3A_1825 = arith.index_cast %add3A_1822 : i32 to index
        %get3A_1826 = arith.constant 112 : index
        %get3A_1827 = tpu.vector_load %arg6[%get3A_1824, %get3A_1825, %get3A_1826] {strides = array<i32>} : memref<2x416x128xf32, #tpu.memory_space<vmem>>, vector<1x1x16xf32>,
        %get3A_1828 = vector.shape_cast %get3A_1827 : vector<1x1x16xf32> to vector<16xf32>
        %add3A_1829 = arith.addf %add3A_1820, %get3A_1828 : vector<16xf32>
        %add3A_1830 = arith.constant 256 : i32
        %add3A_1831 = arith.addi %add3A_1830, %scan3A_915 : i32
        %get3A_1832 = arith.constant 0 : i32
        %get3A_1833 = arith.index_cast %get3A_1832 : i32 to index
        %get3A_1834 = arith.index_cast %add3A_1831 : i32 to index
        %get3A_1835 = arith.constant 112 : index
        %get3A_1836 = tpu.vector_load %arg6[%get3A_1833, %get3A_1834, %get3A_1835] {strides = array<i32>} : memref<2x416x128xf32, #tpu.memory_space<vmem>>, vector<1x1x16xf32>,
        %get3A_1837 = vector.shape_cast %get3A_1836 : vector<1x1x16xf32> to vector<16xf32>
        %add3A_1838 = arith.addf %add3A_1829, %get3A_1837 : vector<16xf32>
        %add3A_1839 = arith.constant 288 : i32
        %add3A_1840 = arith.addi %add3A_1839, %scan3A_915 : i32
        %get3A_1841 = arith.constant 0 : i32
        %get3A_1842 = arith.index_cast %get3A_1841 : i32 to index
        %get3A_1843 = arith.index_cast %add3A_1840 : i32 to index
        %get3A_1844 = arith.constant 112 : index
        %get3A_1845 = tpu.vector_load %arg6[%get3A_1842, %get3A_1843, %get3A_1844] {strides = array<i32>} : memref<2x416x128xf32, #tpu.memory_space<vmem>>, vector<1x1x16xf32>,
        %get3A_1846 = vector.shape_cast %get3A_1845 : vector<1x1x16xf32> to vector<16xf32>
        %add3A_1847 = arith.addf %add3A_1838, %get3A_1846 : vector<16xf32>
        %add3A_1848 = arith.constant 320 : i32
        %add3A_1849 = arith.addi %add3A_1848, %scan3A_915 : i32
        %get3A_1850 = arith.constant 0 : i32
        %get3A_1851 = arith.index_cast %get3A_1850 : i32 to index
        %get3A_1852 = arith.index_cast %add3A_1849 : i32 to index
        %get3A_1853 = arith.constant 112 : index
        %get3A_1854 = tpu.vector_load %arg6[%get3A_1851, %get3A_1852, %get3A_1853] {strides = array<i32>} : memref<2x416x128xf32, #tpu.memory_space<vmem>>, vector<1x1x16xf32>,
        %get3A_1855 = vector.shape_cast %get3A_1854 : vector<1x1x16xf32> to vector<16xf32>
        %add3A_1856 = arith.addf %add3A_1847, %get3A_1855 : vector<16xf32>
        %add3A_1857 = arith.constant 352 : i32
        %add3A_1858 = arith.addi %add3A_1857, %scan3A_915 : i32
        %get3A_1859 = arith.constant 0 : i32
        %get3A_1860 = arith.index_cast %get3A_1859 : i32 to index
        %get3A_1861 = arith.index_cast %add3A_1858 : i32 to index
        %get3A_1862 = arith.constant 112 : index
        %get3A_1863 = tpu.vector_load %arg6[%get3A_1860, %get3A_1861, %get3A_1862] {strides = array<i32>} : memref<2x416x128xf32, #tpu.memory_space<vmem>>, vector<1x1x16xf32>,
        %get3A_1864 = vector.shape_cast %get3A_1863 : vector<1x1x16xf32> to vector<16xf32>
        %add3A_1865 = arith.addf %add3A_1856, %get3A_1864 : vector<16xf32>
        %add3A_1866 = arith.constant 384 : i32
        %add3A_1867 = arith.addi %add3A_1866, %scan3A_915 : i32
        %get3A_1868 = arith.constant 0 : i32
        %get3A_1869 = arith.index_cast %get3A_1868 : i32 to index
        %get3A_1870 = arith.index_cast %add3A_1867 : i32 to index
        %get3A_1871 = arith.constant 112 : index
        %get3A_1872 = tpu.vector_load %arg6[%get3A_1869, %get3A_1870, %get3A_1871] {strides = array<i32>} : memref<2x416x128xf32, #tpu.memory_space<vmem>>, vector<1x1x16xf32>,
        %get3A_1873 = vector.shape_cast %get3A_1872 : vector<1x1x16xf32> to vector<16xf32>
        %add3A_1874 = arith.addf %add3A_1865, %get3A_1873 : vector<16xf32>
        %swap3A_1875 = arith.constant 0 : i32
        %swap3A_1876 = arith.index_cast %swap3A_1875 : i32 to index
        %swap3A_1877 = arith.index_cast %scan3A_915 : i32 to index
        %swap3A_1878 = arith.constant 112 : index
        %swap3A_1879 = tpu.vector_load %arg7[%swap3A_1876, %swap3A_1877, %swap3A_1878] {strides = array<i32>} : memref<2x32x128xf32, #tpu.memory_space<vmem>>, vector<1x1x16xf32>,
        %swap3A_1880 = vector.shape_cast %swap3A_1879 : vector<1x1x16xf32> to vector<16xf32>
        %swap3A_1881 = vector.shape_cast %add3A_1874 : vector<16xf32> to vector<1x1x16xf32>
        tpu.vector_store %arg7[%swap3A_1876, %swap3A_1877, %swap3A_1878], %swap3A_1881 {strides = array<i32>} : memref<2x32x128xf32, #tpu.memory_space<vmem>>, vector<1x1x16xf32>,
      }
      %scan3A_698 = arith.constant 32 : i32
      %mul3A_699 = arith.constant 32 : i32
      %mul3A_700 = arith.muli %mul3A_350, %mul3A_699 : i32
      %add3A_701 = arith.addi %mul3A_2, %mul3A_700 : i32
      %dma_start3A_702 = arith.constant 0 : i32
      %dma_start3A_703 = arith.constant 0 : i32
      %dma_start3A_704 = arith.constant 0 : i32
      %dma_start3A_705 = tpu.memref_slice %arg7[%dma_start3A_702, %dma_start3A_703, %dma_start3A_704] : memref<2x32x128xf32, #tpu.memory_space<vmem>> -> memref<1x32x128xf32, #tpu.memory_space<vmem>>
      %dma_start3A_706 = tpu.memref_squeeze %dma_start3A_705 : memref<1x32x128xf32, #tpu.memory_space<vmem>> -> memref<32x128xf32, #tpu.memory_space<vmem>>
      %dma_start3A_707 = arith.constant 0 : i32
      %dma_start3A_708 = tpu.memref_slice %arg4[%add3A_701, %dma_start3A_707] : memref<16384x128xf32, #tpu.memory_space<hbm>> -> memref<32x128xf32, #tpu.memory_space<hbm>>
      %dma_start3A_709 = arith.constant 0 : i32
      %dma_start3A_710 = tpu.memref_slice %arg4[%add3A_701, %dma_start3A_709] : memref<16384x128xf32, #tpu.memory_space<hbm>> -> memref<32x128xf32, #tpu.memory_space<hbm>>
      %dma_start3A_711 = arith.constant 0 : i32
      %dma_start3A_712 = arith.constant 0 : i32
      %dma_start3A_713 = tpu.memref_slice %arg7[%dma_start3A_702, %dma_start3A_711, %dma_start3A_712] : memref<2x32x128xf32, #tpu.memory_space<vmem>> -> memref<1x32x128xf32, #tpu.memory_space<vmem>>
      %dma_start3A_714 = tpu.memref_squeeze %dma_start3A_713 : memref<1x32x128xf32, #tpu.memory_space<vmem>> -> memref<32x128xf32, #tpu.memory_space<vmem>>
      tpu.enqueue_dma source(%dma_start3A_714 : memref<32x128xf32, #tpu.memory_space<vmem>>) target(%dma_start3A_710 : memref<32x128xf32, #tpu.memory_space<hbm>>) target_semaphore(%arg10 : memref<!tpu.dma_semaphore, #tpu.memory_space<semaphore_mem>>)
      %lt3A = arith.constant 7 : i32
      %lt3A_715 = arith.cmpi slt, %scan3A_348, %lt3A : i32
      %convert_element_type3A_716 = arith.extui %lt3A_715 : i1 to i32
      %cond3A_717 = arith.constant 0 : i32
      %cond3A_718 = arith.cmpi ne, %convert_element_type3A_716, %cond3A_717 : i32
      scf.if %cond3A_718 {
        %add3A_915 = arith.constant 2 : i32
        %add3A_916 = arith.addi %mul3A_350, %add3A_915 : i32
        %mul3A_917 = arith.constant 32 : i32
        %mul3A_918 = arith.muli %add3A_916, %mul3A_917 : i32
        %add3A_919 = arith.constant 0 : i32
        %add3A_920 = arith.addi %add3A_919, %mul3A_918 : i32
        %mul3A_921 = arith.constant 32 : i32
        %mul3A_922 = arith.muli %add3A_916, %mul3A_921 : i32
        %add3A_923 = arith.constant 512 : i32
        %add3A_924 = arith.addi %add3A_923, %mul3A_922 : i32
        %mul3A_925 = arith.constant 32 : i32
        %mul3A_926 = arith.muli %add3A_916, %mul3A_925 : i32
        %add3A_927 = arith.constant 1024 : i32
        %add3A_928 = arith.addi %add3A_927, %mul3A_926 : i32
        %mul3A_929 = arith.constant 32 : i32
        %mul3A_930 = arith.muli %add3A_916, %mul3A_929 : i32
        %add3A_931 = arith.constant 1536 : i32
        %add3A_932 = arith.addi %add3A_931, %mul3A_930 : i32
        %mul3A_933 = arith.constant 32 : i32
        %mul3A_934 = arith.muli %add3A_916, %mul3A_933 : i32
        %add3A_935 = arith.constant 2048 : i32
        %add3A_936 = arith.addi %add3A_935, %mul3A_934 : i32
        %mul3A_937 = arith.constant 32 : i32
        %mul3A_938 = arith.muli %add3A_916, %mul3A_937 : i32
        %add3A_939 = arith.constant 2560 : i32
        %add3A_940 = arith.addi %add3A_939, %mul3A_938 : i32
        %mul3A_941 = arith.constant 32 : i32
        %mul3A_942 = arith.muli %add3A_916, %mul3A_941 : i32
        %add3A_943 = arith.constant 3072 : i32
        %add3A_944 = arith.addi %add3A_943, %mul3A_942 : i32
        %mul3A_945 = arith.constant 32 : i32
        %mul3A_946 = arith.muli %add3A_916, %mul3A_945 : i32
        %add3A_947 = arith.constant 3584 : i32
        %add3A_948 = arith.addi %add3A_947, %mul3A_946 : i32
        %mul3A_949 = arith.constant 32 : i32
        %mul3A_950 = arith.muli %add3A_916, %mul3A_949 : i32
        %add3A_951 = arith.constant 4096 : i32
        %add3A_952 = arith.addi %add3A_951, %mul3A_950 : i32
        %mul3A_953 = arith.constant 32 : i32
        %mul3A_954 = arith.muli %add3A_916, %mul3A_953 : i32
        %add3A_955 = arith.constant 4608 : i32
        %add3A_956 = arith.addi %add3A_955, %mul3A_954 : i32
        %mul3A_957 = arith.constant 32 : i32
        %mul3A_958 = arith.muli %add3A_916, %mul3A_957 : i32
        %add3A_959 = arith.constant 5120 : i32
        %add3A_960 = arith.addi %add3A_959, %mul3A_958 : i32
        %mul3A_961 = arith.constant 32 : i32
        %mul3A_962 = arith.muli %add3A_916, %mul3A_961 : i32
        %add3A_963 = arith.constant 5632 : i32
        %add3A_964 = arith.addi %add3A_963, %mul3A_962 : i32
        %mul3A_965 = arith.constant 32 : i32
        %mul3A_966 = arith.muli %add3A_916, %mul3A_965 : i32
        %add3A_967 = arith.constant 6144 : i32
        %add3A_968 = arith.addi %add3A_967, %mul3A_966 : i32
        %dma_start3A_969 = arith.constant 0 : i32
        %dma_start3A_970 = arith.constant 0 : i32
        %dma_start3A_971 = arith.constant 0 : i32
        %dma_start3A_972 = tpu.memref_slice %arg6[%dma_start3A_969, %dma_start3A_970, %dma_start3A_971] : memref<2x416x128xf32, #tpu.memory_space<vmem>> -> memref<1x32x128xf32, #tpu.memory_space<vmem>>
        %dma_start3A_973 = tpu.memref_squeeze %dma_start3A_972 : memref<1x32x128xf32, #tpu.memory_space<vmem>> -> memref<32x128xf32, #tpu.memory_space<vmem>>
        %dma_start3A_974 = tpu.memref_slice %arg5[%add3A_920] : memref<6656xi32, #tpu.memory_space<vmem>> -> memref<32xi32, #tpu.memory_space<vmem>>
        %dma_start3A_975 = arith.constant 0 : i32
        %dma_start3A_976 = arith.constant 0 : i32
        %dma_start3A_977 = tpu.memref_slice %arg3[%dma_start3A_975, %dma_start3A_976] : memref<13013x128xf32, #tpu.memory_space<hbm>> -> memref<13013x128xf32, #tpu.memory_space<hbm>>
        tpu.enqueue_indirect_dma source(%dma_start3A_977 : memref<13013x128xf32, #tpu.memory_space<hbm>>) target(%dma_start3A_973 : memref<32x128xf32, #tpu.memory_space<vmem>>) offsets(%dma_start3A_974 : memref<32xi32, #tpu.memory_space<vmem>>) semaphore(%arg8 : memref<!tpu.dma_semaphore, #tpu.memory_space<semaphore_mem>>)
        %dma_start3A_978 = arith.constant 0 : i32
        %dma_start3A_979 = arith.constant 32 : i32
        %dma_start3A_980 = arith.constant 0 : i32
        %dma_start3A_981 = tpu.memref_slice %arg6[%dma_start3A_978, %dma_start3A_979, %dma_start3A_980] : memref<2x416x128xf32, #tpu.memory_space<vmem>> -> memref<1x32x128xf32, #tpu.memory_space<vmem>>
        %dma_start3A_982 = tpu.memref_squeeze %dma_start3A_981 : memref<1x32x128xf32, #tpu.memory_space<vmem>> -> memref<32x128xf32, #tpu.memory_space<vmem>>
        %dma_start3A_983 = tpu.memref_slice %arg5[%add3A_924] : memref<6656xi32, #tpu.memory_space<vmem>> -> memref<32xi32, #tpu.memory_space<vmem>>
        %dma_start3A_984 = arith.constant 0 : i32
        %dma_start3A_985 = arith.constant 0 : i32
        %dma_start3A_986 = tpu.memref_slice %arg3[%dma_start3A_984, %dma_start3A_985] : memref<13013x128xf32, #tpu.memory_space<hbm>> -> memref<13013x128xf32, #tpu.memory_space<hbm>>
        tpu.enqueue_indirect_dma source(%dma_start3A_986 : memref<13013x128xf32, #tpu.memory_space<hbm>>) target(%dma_start3A_982 : memref<32x128xf32, #tpu.memory_space<vmem>>) offsets(%dma_start3A_983 : memref<32xi32, #tpu.memory_space<vmem>>) semaphore(%arg8 : memref<!tpu.dma_semaphore, #tpu.memory_space<semaphore_mem>>)
        %dma_start3A_987 = arith.constant 0 : i32
        %dma_start3A_988 = arith.constant 64 : i32
        %dma_start3A_989 = arith.constant 0 : i32
        %dma_start3A_990 = tpu.memref_slice %arg6[%dma_start3A_987, %dma_start3A_988, %dma_start3A_989] : memref<2x416x128xf32, #tpu.memory_space<vmem>> -> memref<1x32x128xf32, #tpu.memory_space<vmem>>
        %dma_start3A_991 = tpu.memref_squeeze %dma_start3A_990 : memref<1x32x128xf32, #tpu.memory_space<vmem>> -> memref<32x128xf32, #tpu.memory_space<vmem>>
        %dma_start3A_992 = tpu.memref_slice %arg5[%add3A_928] : memref<6656xi32, #tpu.memory_space<vmem>> -> memref<32xi32, #tpu.memory_space<vmem>>
        %dma_start3A_993 = arith.constant 0 : i32
        %dma_start3A_994 = arith.constant 0 : i32
        %dma_start3A_995 = tpu.memref_slice %arg3[%dma_start3A_993, %dma_start3A_994] : memref<13013x128xf32, #tpu.memory_space<hbm>> -> memref<13013x128xf32, #tpu.memory_space<hbm>>
        tpu.enqueue_indirect_dma source(%dma_start3A_995 : memref<13013x128xf32, #tpu.memory_space<hbm>>) target(%dma_start3A_991 : memref<32x128xf32, #tpu.memory_space<vmem>>) offsets(%dma_start3A_992 : memref<32xi32, #tpu.memory_space<vmem>>) semaphore(%arg8 : memref<!tpu.dma_semaphore, #tpu.memory_space<semaphore_mem>>)
        %dma_start3A_996 = arith.constant 0 : i32
        %dma_start3A_997 = arith.constant 96 : i32
        %dma_start3A_998 = arith.constant 0 : i32
        %dma_start3A_999 = tpu.memref_slice %arg6[%dma_start3A_996, %dma_start3A_997, %dma_start3A_998] : memref<2x416x128xf32, #tpu.memory_space<vmem>> -> memref<1x32x128xf32, #tpu.memory_space<vmem>>
        %dma_start3A_1000 = tpu.memref_squeeze %dma_start3A_999 : memref<1x32x128xf32, #tpu.memory_space<vmem>> -> memref<32x128xf32, #tpu.memory_space<vmem>>
        %dma_start3A_1001 = tpu.memref_slice %arg5[%add3A_932] : memref<6656xi32, #tpu.memory_space<vmem>> -> memref<32xi32, #tpu.memory_space<vmem>>
        %dma_start3A_1002 = arith.constant 0 : i32
        %dma_start3A_1003 = arith.constant 0 : i32
        %dma_start3A_1004 = tpu.memref_slice %arg3[%dma_start3A_1002, %dma_start3A_1003] : memref<13013x128xf32, #tpu.memory_space<hbm>> -> memref<13013x128xf32, #tpu.memory_space<hbm>>
        tpu.enqueue_indirect_dma source(%dma_start3A_1004 : memref<13013x128xf32, #tpu.memory_space<hbm>>) target(%dma_start3A_1000 : memref<32x128xf32, #tpu.memory_space<vmem>>) offsets(%dma_start3A_1001 : memref<32xi32, #tpu.memory_space<vmem>>) semaphore(%arg8 : memref<!tpu.dma_semaphore, #tpu.memory_space<semaphore_mem>>)
        %dma_start3A_1005 = arith.constant 0 : i32
        %dma_start3A_1006 = arith.constant 128 : i32
        %dma_start3A_1007 = arith.constant 0 : i32
        %dma_start3A_1008 = tpu.memref_slice %arg6[%dma_start3A_1005, %dma_start3A_1006, %dma_start3A_1007] : memref<2x416x128xf32, #tpu.memory_space<vmem>> -> memref<1x32x128xf32, #tpu.memory_space<vmem>>
        %dma_start3A_1009 = tpu.memref_squeeze %dma_start3A_1008 : memref<1x32x128xf32, #tpu.memory_space<vmem>> -> memref<32x128xf32, #tpu.memory_space<vmem>>
        %dma_start3A_1010 = tpu.memref_slice %arg5[%add3A_936] : memref<6656xi32, #tpu.memory_space<vmem>> -> memref<32xi32, #tpu.memory_space<vmem>>
        %dma_start3A_1011 = arith.constant 0 : i32
        %dma_start3A_1012 = arith.constant 0 : i32
        %dma_start3A_1013 = tpu.memref_slice %arg3[%dma_start3A_1011, %dma_start3A_1012] : memref<13013x128xf32, #tpu.memory_space<hbm>> -> memref<13013x128xf32, #tpu.memory_space<hbm>>
        tpu.enqueue_indirect_dma source(%dma_start3A_1013 : memref<13013x128xf32, #tpu.memory_space<hbm>>) target(%dma_start3A_1009 : memref<32x128xf32, #tpu.memory_space<vmem>>) offsets(%dma_start3A_1010 : memref<32xi32, #tpu.memory_space<vmem>>) semaphore(%arg8 : memref<!tpu.dma_semaphore, #tpu.memory_space<semaphore_mem>>)
        %dma_start3A_1014 = arith.constant 0 : i32
        %dma_start3A_1015 = arith.constant 160 : i32
        %dma_start3A_1016 = arith.constant 0 : i32
        %dma_start3A_1017 = tpu.memref_slice %arg6[%dma_start3A_1014, %dma_start3A_1015, %dma_start3A_1016] : memref<2x416x128xf32, #tpu.memory_space<vmem>> -> memref<1x32x128xf32, #tpu.memory_space<vmem>>
        %dma_start3A_1018 = tpu.memref_squeeze %dma_start3A_1017 : memref<1x32x128xf32, #tpu.memory_space<vmem>> -> memref<32x128xf32, #tpu.memory_space<vmem>>
        %dma_start3A_1019 = tpu.memref_slice %arg5[%add3A_940] : memref<6656xi32, #tpu.memory_space<vmem>> -> memref<32xi32, #tpu.memory_space<vmem>>
        %dma_start3A_1020 = arith.constant 0 : i32
        %dma_start3A_1021 = arith.constant 0 : i32
        %dma_start3A_1022 = tpu.memref_slice %arg3[%dma_start3A_1020, %dma_start3A_1021] : memref<13013x128xf32, #tpu.memory_space<hbm>> -> memref<13013x128xf32, #tpu.memory_space<hbm>>
        tpu.enqueue_indirect_dma source(%dma_start3A_1022 : memref<13013x128xf32, #tpu.memory_space<hbm>>) target(%dma_start3A_1018 : memref<32x128xf32, #tpu.memory_space<vmem>>) offsets(%dma_start3A_1019 : memref<32xi32, #tpu.memory_space<vmem>>) semaphore(%arg8 : memref<!tpu.dma_semaphore, #tpu.memory_space<semaphore_mem>>)
        %dma_start3A_1023 = arith.constant 0 : i32
        %dma_start3A_1024 = arith.constant 192 : i32
        %dma_start3A_1025 = arith.constant 0 : i32
        %dma_start3A_1026 = tpu.memref_slice %arg6[%dma_start3A_1023, %dma_start3A_1024, %dma_start3A_1025] : memref<2x416x128xf32, #tpu.memory_space<vmem>> -> memref<1x32x128xf32, #tpu.memory_space<vmem>>
        %dma_start3A_1027 = tpu.memref_squeeze %dma_start3A_1026 : memref<1x32x128xf32, #tpu.memory_space<vmem>> -> memref<32x128xf32, #tpu.memory_space<vmem>>
        %dma_start3A_1028 = tpu.memref_slice %arg5[%add3A_944] : memref<6656xi32, #tpu.memory_space<vmem>> -> memref<32xi32, #tpu.memory_space<vmem>>
        %dma_start3A_1029 = arith.constant 0 : i32
        %dma_start3A_1030 = arith.constant 0 : i32
        %dma_start3A_1031 = tpu.memref_slice %arg3[%dma_start3A_1029, %dma_start3A_1030] : memref<13013x128xf32, #tpu.memory_space<hbm>> -> memref<13013x128xf32, #tpu.memory_space<hbm>>
        tpu.enqueue_indirect_dma source(%dma_start3A_1031 : memref<13013x128xf32, #tpu.memory_space<hbm>>) target(%dma_start3A_1027 : memref<32x128xf32, #tpu.memory_space<vmem>>) offsets(%dma_start3A_1028 : memref<32xi32, #tpu.memory_space<vmem>>) semaphore(%arg8 : memref<!tpu.dma_semaphore, #tpu.memory_space<semaphore_mem>>)
        %dma_start3A_1032 = arith.constant 0 : i32
        %dma_start3A_1033 = arith.constant 224 : i32
        %dma_start3A_1034 = arith.constant 0 : i32
        %dma_start3A_1035 = tpu.memref_slice %arg6[%dma_start3A_1032, %dma_start3A_1033, %dma_start3A_1034] : memref<2x416x128xf32, #tpu.memory_space<vmem>> -> memref<1x32x128xf32, #tpu.memory_space<vmem>>
        %dma_start3A_1036 = tpu.memref_squeeze %dma_start3A_1035 : memref<1x32x128xf32, #tpu.memory_space<vmem>> -> memref<32x128xf32, #tpu.memory_space<vmem>>
        %dma_start3A_1037 = tpu.memref_slice %arg5[%add3A_948] : memref<6656xi32, #tpu.memory_space<vmem>> -> memref<32xi32, #tpu.memory_space<vmem>>
        %dma_start3A_1038 = arith.constant 0 : i32
        %dma_start3A_1039 = arith.constant 0 : i32
        %dma_start3A_1040 = tpu.memref_slice %arg3[%dma_start3A_1038, %dma_start3A_1039] : memref<13013x128xf32, #tpu.memory_space<hbm>> -> memref<13013x128xf32, #tpu.memory_space<hbm>>
        tpu.enqueue_indirect_dma source(%dma_start3A_1040 : memref<13013x128xf32, #tpu.memory_space<hbm>>) target(%dma_start3A_1036 : memref<32x128xf32, #tpu.memory_space<vmem>>) offsets(%dma_start3A_1037 : memref<32xi32, #tpu.memory_space<vmem>>) semaphore(%arg8 : memref<!tpu.dma_semaphore, #tpu.memory_space<semaphore_mem>>)
        %dma_start3A_1041 = arith.constant 0 : i32
        %dma_start3A_1042 = arith.constant 256 : i32
        %dma_start3A_1043 = arith.constant 0 : i32
        %dma_start3A_1044 = tpu.memref_slice %arg6[%dma_start3A_1041, %dma_start3A_1042, %dma_start3A_1043] : memref<2x416x128xf32, #tpu.memory_space<vmem>> -> memref<1x32x128xf32, #tpu.memory_space<vmem>>
        %dma_start3A_1045 = tpu.memref_squeeze %dma_start3A_1044 : memref<1x32x128xf32, #tpu.memory_space<vmem>> -> memref<32x128xf32, #tpu.memory_space<vmem>>
        %dma_start3A_1046 = tpu.memref_slice %arg5[%add3A_952] : memref<6656xi32, #tpu.memory_space<vmem>> -> memref<32xi32, #tpu.memory_space<vmem>>
        %dma_start3A_1047 = arith.constant 0 : i32
        %dma_start3A_1048 = arith.constant 0 : i32
        %dma_start3A_1049 = tpu.memref_slice %arg3[%dma_start3A_1047, %dma_start3A_1048] : memref<13013x128xf32, #tpu.memory_space<hbm>> -> memref<13013x128xf32, #tpu.memory_space<hbm>>
        tpu.enqueue_indirect_dma source(%dma_start3A_1049 : memref<13013x128xf32, #tpu.memory_space<hbm>>) target(%dma_start3A_1045 : memref<32x128xf32, #tpu.memory_space<vmem>>) offsets(%dma_start3A_1046 : memref<32xi32, #tpu.memory_space<vmem>>) semaphore(%arg8 : memref<!tpu.dma_semaphore, #tpu.memory_space<semaphore_mem>>)
        %dma_start3A_1050 = arith.constant 0 : i32
        %dma_start3A_1051 = arith.constant 288 : i32
        %dma_start3A_1052 = arith.constant 0 : i32
        %dma_start3A_1053 = tpu.memref_slice %arg6[%dma_start3A_1050, %dma_start3A_1051, %dma_start3A_1052] : memref<2x416x128xf32, #tpu.memory_space<vmem>> -> memref<1x32x128xf32, #tpu.memory_space<vmem>>
        %dma_start3A_1054 = tpu.memref_squeeze %dma_start3A_1053 : memref<1x32x128xf32, #tpu.memory_space<vmem>> -> memref<32x128xf32, #tpu.memory_space<vmem>>
        %dma_start3A_1055 = tpu.memref_slice %arg5[%add3A_956] : memref<6656xi32, #tpu.memory_space<vmem>> -> memref<32xi32, #tpu.memory_space<vmem>>
        %dma_start3A_1056 = arith.constant 0 : i32
        %dma_start3A_1057 = arith.constant 0 : i32
        %dma_start3A_1058 = tpu.memref_slice %arg3[%dma_start3A_1056, %dma_start3A_1057] : memref<13013x128xf32, #tpu.memory_space<hbm>> -> memref<13013x128xf32, #tpu.memory_space<hbm>>
        tpu.enqueue_indirect_dma source(%dma_start3A_1058 : memref<13013x128xf32, #tpu.memory_space<hbm>>) target(%dma_start3A_1054 : memref<32x128xf32, #tpu.memory_space<vmem>>) offsets(%dma_start3A_1055 : memref<32xi32, #tpu.memory_space<vmem>>) semaphore(%arg8 : memref<!tpu.dma_semaphore, #tpu.memory_space<semaphore_mem>>)
        %dma_start3A_1059 = arith.constant 0 : i32
        %dma_start3A_1060 = arith.constant 320 : i32
        %dma_start3A_1061 = arith.constant 0 : i32
        %dma_start3A_1062 = tpu.memref_slice %arg6[%dma_start3A_1059, %dma_start3A_1060, %dma_start3A_1061] : memref<2x416x128xf32, #tpu.memory_space<vmem>> -> memref<1x32x128xf32, #tpu.memory_space<vmem>>
        %dma_start3A_1063 = tpu.memref_squeeze %dma_start3A_1062 : memref<1x32x128xf32, #tpu.memory_space<vmem>> -> memref<32x128xf32, #tpu.memory_space<vmem>>
        %dma_start3A_1064 = tpu.memref_slice %arg5[%add3A_960] : memref<6656xi32, #tpu.memory_space<vmem>> -> memref<32xi32, #tpu.memory_space<vmem>>
        %dma_start3A_1065 = arith.constant 0 : i32
        %dma_start3A_1066 = arith.constant 0 : i32
        %dma_start3A_1067 = tpu.memref_slice %arg3[%dma_start3A_1065, %dma_start3A_1066] : memref<13013x128xf32, #tpu.memory_space<hbm>> -> memref<13013x128xf32, #tpu.memory_space<hbm>>
        tpu.enqueue_indirect_dma source(%dma_start3A_1067 : memref<13013x128xf32, #tpu.memory_space<hbm>>) target(%dma_start3A_1063 : memref<32x128xf32, #tpu.memory_space<vmem>>) offsets(%dma_start3A_1064 : memref<32xi32, #tpu.memory_space<vmem>>) semaphore(%arg8 : memref<!tpu.dma_semaphore, #tpu.memory_space<semaphore_mem>>)
        %dma_start3A_1068 = arith.constant 0 : i32
        %dma_start3A_1069 = arith.constant 352 : i32
        %dma_start3A_1070 = arith.constant 0 : i32
        %dma_start3A_1071 = tpu.memref_slice %arg6[%dma_start3A_1068, %dma_start3A_1069, %dma_start3A_1070] : memref<2x416x128xf32, #tpu.memory_space<vmem>> -> memref<1x32x128xf32, #tpu.memory_space<vmem>>
        %dma_start3A_1072 = tpu.memref_squeeze %dma_start3A_1071 : memref<1x32x128xf32, #tpu.memory_space<vmem>> -> memref<32x128xf32, #tpu.memory_space<vmem>>
        %dma_start3A_1073 = tpu.memref_slice %arg5[%add3A_964] : memref<6656xi32, #tpu.memory_space<vmem>> -> memref<32xi32, #tpu.memory_space<vmem>>
        %dma_start3A_1074 = arith.constant 0 : i32
        %dma_start3A_1075 = arith.constant 0 : i32
        %dma_start3A_1076 = tpu.memref_slice %arg3[%dma_start3A_1074, %dma_start3A_1075] : memref<13013x128xf32, #tpu.memory_space<hbm>> -> memref<13013x128xf32, #tpu.memory_space<hbm>>
        tpu.enqueue_indirect_dma source(%dma_start3A_1076 : memref<13013x128xf32, #tpu.memory_space<hbm>>) target(%dma_start3A_1072 : memref<32x128xf32, #tpu.memory_space<vmem>>) offsets(%dma_start3A_1073 : memref<32xi32, #tpu.memory_space<vmem>>) semaphore(%arg8 : memref<!tpu.dma_semaphore, #tpu.memory_space<semaphore_mem>>)
        %dma_start3A_1077 = arith.constant 0 : i32
        %dma_start3A_1078 = arith.constant 384 : i32
        %dma_start3A_1079 = arith.constant 0 : i32
        %dma_start3A_1080 = tpu.memref_slice %arg6[%dma_start3A_1077, %dma_start3A_1078, %dma_start3A_1079] : memref<2x416x128xf32, #tpu.memory_space<vmem>> -> memref<1x32x128xf32, #tpu.memory_space<vmem>>
        %dma_start3A_1081 = tpu.memref_squeeze %dma_start3A_1080 : memref<1x32x128xf32, #tpu.memory_space<vmem>> -> memref<32x128xf32, #tpu.memory_space<vmem>>
        %dma_start3A_1082 = tpu.memref_slice %arg5[%add3A_968] : memref<6656xi32, #tpu.memory_space<vmem>> -> memref<32xi32, #tpu.memory_space<vmem>>
        %dma_start3A_1083 = arith.constant 0 : i32
        %dma_start3A_1084 = arith.constant 0 : i32
        %dma_start3A_1085 = tpu.memref_slice %arg3[%dma_start3A_1083, %dma_start3A_1084] : memref<13013x128xf32, #tpu.memory_space<hbm>> -> memref<13013x128xf32, #tpu.memory_space<hbm>>
        tpu.enqueue_indirect_dma source(%dma_start3A_1085 : memref<13013x128xf32, #tpu.memory_space<hbm>>) target(%dma_start3A_1081 : memref<32x128xf32, #tpu.memory_space<vmem>>) offsets(%dma_start3A_1082 : memref<32xi32, #tpu.memory_space<vmem>>) semaphore(%arg8 : memref<!tpu.dma_semaphore, #tpu.memory_space<semaphore_mem>>)
      } else {
      }
      %mul3A_719 = arith.constant 32 : i32
      %mul3A_720 = arith.muli %add3A_352, %mul3A_719 : i32
      %add3A_721 = arith.constant 0 : i32
      %add3A_722 = arith.addi %add3A_721, %mul3A_720 : i32
      %mul3A_723 = arith.constant 32 : i32
      %mul3A_724 = arith.muli %add3A_352, %mul3A_723 : i32
      %add3A_725 = arith.constant 512 : i32
      %add3A_726 = arith.addi %add3A_725, %mul3A_724 : i32
      %mul3A_727 = arith.constant 32 : i32
      %mul3A_728 = arith.muli %add3A_352, %mul3A_727 : i32
      %add3A_729 = arith.constant 1024 : i32
      %add3A_730 = arith.addi %add3A_729, %mul3A_728 : i32
      %mul3A_731 = arith.constant 32 : i32
      %mul3A_732 = arith.muli %add3A_352, %mul3A_731 : i32
      %add3A_733 = arith.constant 1536 : i32
      %add3A_734 = arith.addi %add3A_733, %mul3A_732 : i32
      %mul3A_735 = arith.constant 32 : i32
      %mul3A_736 = arith.muli %add3A_352, %mul3A_735 : i32
      %add3A_737 = arith.constant 2048 : i32
      %add3A_738 = arith.addi %add3A_737, %mul3A_736 : i32
      %mul3A_739 = arith.constant 32 : i32
      %mul3A_740 = arith.muli %add3A_352, %mul3A_739 : i32
      %add3A_741 = arith.constant 2560 : i32
      %add3A_742 = arith.addi %add3A_741, %mul3A_740 : i32
      %mul3A_743 = arith.constant 32 : i32
      %mul3A_744 = arith.muli %add3A_352, %mul3A_743 : i32
      %add3A_745 = arith.constant 3072 : i32
      %add3A_746 = arith.addi %add3A_745, %mul3A_744 : i32
      %mul3A_747 = arith.constant 32 : i32
      %mul3A_748 = arith.muli %add3A_352, %mul3A_747 : i32
      %add3A_749 = arith.constant 3584 : i32
      %add3A_750 = arith.addi %add3A_749, %mul3A_748 : i32
      %mul3A_751 = arith.constant 32 : i32
      %mul3A_752 = arith.muli %add3A_352, %mul3A_751 : i32
      %add3A_753 = arith.constant 4096 : i32
      %add3A_754 = arith.addi %add3A_753, %mul3A_752 : i32
      %mul3A_755 = arith.constant 32 : i32
      %mul3A_756 = arith.muli %add3A_352, %mul3A_755 : i32
      %add3A_757 = arith.constant 4608 : i32
      %add3A_758 = arith.addi %add3A_757, %mul3A_756 : i32
      %mul3A_759 = arith.constant 32 : i32
      %mul3A_760 = arith.muli %add3A_352, %mul3A_759 : i32
      %add3A_761 = arith.constant 5120 : i32
      %add3A_762 = arith.addi %add3A_761, %mul3A_760 : i32
      %mul3A_763 = arith.constant 32 : i32
      %mul3A_764 = arith.muli %add3A_352, %mul3A_763 : i32
      %add3A_765 = arith.constant 5632 : i32
      %add3A_766 = arith.addi %add3A_765, %mul3A_764 : i32
      %mul3A_767 = arith.constant 32 : i32
      %mul3A_768 = arith.muli %add3A_352, %mul3A_767 : i32
      %add3A_769 = arith.constant 6144 : i32
      %add3A_770 = arith.addi %add3A_769, %mul3A_768 : i32
      %dma_wait3A_771 = arith.constant 1 : i32
      %dma_wait3A_772 = arith.constant 0 : i32
      %dma_wait3A_773 = arith.constant 0 : i32
      %dma_wait3A_774 = tpu.memref_slice %arg6[%dma_wait3A_771, %dma_wait3A_772, %dma_wait3A_773] : memref<2x416x128xf32, #tpu.memory_space<vmem>> -> memref<1x32x128xf32, #tpu.memory_space<vmem>>
      %dma_wait3A_775 = tpu.memref_squeeze %dma_wait3A_774 : memref<1x32x128xf32, #tpu.memory_space<vmem>> -> memref<32x128xf32, #tpu.memory_space<vmem>>
      %dma_wait3A_776 = tpu.memref_slice %arg5[%add3A_722] : memref<6656xi32, #tpu.memory_space<vmem>> -> memref<32xi32, #tpu.memory_space<vmem>>
      %dma_wait3A_777 = arith.constant 0 : i32
      %dma_wait3A_778 = arith.constant 0 : i32
      %dma_wait3A_779 = tpu.memref_slice %arg3[%dma_wait3A_777, %dma_wait3A_778] : memref<13013x128xf32, #tpu.memory_space<hbm>> -> memref<13013x128xf32, #tpu.memory_space<hbm>>
      tpu.wait_indirect_dma semaphore(%arg9 : memref<!tpu.dma_semaphore, #tpu.memory_space<semaphore_mem>>) src(%dma_wait3A_779 : memref<13013x128xf32, #tpu.memory_space<hbm>>) dst(%dma_wait3A_775 : memref<32x128xf32, #tpu.memory_space<vmem>>)
      %dma_wait3A_780 = arith.constant 1 : i32
      %dma_wait3A_781 = arith.constant 32 : i32
      %dma_wait3A_782 = arith.constant 0 : i32
      %dma_wait3A_783 = tpu.memref_slice %arg6[%dma_wait3A_780, %dma_wait3A_781, %dma_wait3A_782] : memref<2x416x128xf32, #tpu.memory_space<vmem>> -> memref<1x32x128xf32, #tpu.memory_space<vmem>>
      %dma_wait3A_784 = tpu.memref_squeeze %dma_wait3A_783 : memref<1x32x128xf32, #tpu.memory_space<vmem>> -> memref<32x128xf32, #tpu.memory_space<vmem>>
      %dma_wait3A_785 = tpu.memref_slice %arg5[%add3A_726] : memref<6656xi32, #tpu.memory_space<vmem>> -> memref<32xi32, #tpu.memory_space<vmem>>
      %dma_wait3A_786 = arith.constant 0 : i32
      %dma_wait3A_787 = arith.constant 0 : i32
      %dma_wait3A_788 = tpu.memref_slice %arg3[%dma_wait3A_786, %dma_wait3A_787] : memref<13013x128xf32, #tpu.memory_space<hbm>> -> memref<13013x128xf32, #tpu.memory_space<hbm>>
      tpu.wait_indirect_dma semaphore(%arg9 : memref<!tpu.dma_semaphore, #tpu.memory_space<semaphore_mem>>) src(%dma_wait3A_788 : memref<13013x128xf32, #tpu.memory_space<hbm>>) dst(%dma_wait3A_784 : memref<32x128xf32, #tpu.memory_space<vmem>>)
      %dma_wait3A_789 = arith.constant 1 : i32
      %dma_wait3A_790 = arith.constant 64 : i32
      %dma_wait3A_791 = arith.constant 0 : i32
      %dma_wait3A_792 = tpu.memref_slice %arg6[%dma_wait3A_789, %dma_wait3A_790, %dma_wait3A_791] : memref<2x416x128xf32, #tpu.memory_space<vmem>> -> memref<1x32x128xf32, #tpu.memory_space<vmem>>
      %dma_wait3A_793 = tpu.memref_squeeze %dma_wait3A_792 : memref<1x32x128xf32, #tpu.memory_space<vmem>> -> memref<32x128xf32, #tpu.memory_space<vmem>>
      %dma_wait3A_794 = tpu.memref_slice %arg5[%add3A_730] : memref<6656xi32, #tpu.memory_space<vmem>> -> memref<32xi32, #tpu.memory_space<vmem>>
      %dma_wait3A_795 = arith.constant 0 : i32
      %dma_wait3A_796 = arith.constant 0 : i32
      %dma_wait3A_797 = tpu.memref_slice %arg3[%dma_wait3A_795, %dma_wait3A_796] : memref<13013x128xf32, #tpu.memory_space<hbm>> -> memref<13013x128xf32, #tpu.memory_space<hbm>>
      tpu.wait_indirect_dma semaphore(%arg9 : memref<!tpu.dma_semaphore, #tpu.memory_space<semaphore_mem>>) src(%dma_wait3A_797 : memref<13013x128xf32, #tpu.memory_space<hbm>>) dst(%dma_wait3A_793 : memref<32x128xf32, #tpu.memory_space<vmem>>)
      %dma_wait3A_798 = arith.constant 1 : i32
      %dma_wait3A_799 = arith.constant 96 : i32
      %dma_wait3A_800 = arith.constant 0 : i32
      %dma_wait3A_801 = tpu.memref_slice %arg6[%dma_wait3A_798, %dma_wait3A_799, %dma_wait3A_800] : memref<2x416x128xf32, #tpu.memory_space<vmem>> -> memref<1x32x128xf32, #tpu.memory_space<vmem>>
      %dma_wait3A_802 = tpu.memref_squeeze %dma_wait3A_801 : memref<1x32x128xf32, #tpu.memory_space<vmem>> -> memref<32x128xf32, #tpu.memory_space<vmem>>
      %dma_wait3A_803 = tpu.memref_slice %arg5[%add3A_734] : memref<6656xi32, #tpu.memory_space<vmem>> -> memref<32xi32, #tpu.memory_space<vmem>>
      %dma_wait3A_804 = arith.constant 0 : i32
      %dma_wait3A_805 = arith.constant 0 : i32
      %dma_wait3A_806 = tpu.memref_slice %arg3[%dma_wait3A_804, %dma_wait3A_805] : memref<13013x128xf32, #tpu.memory_space<hbm>> -> memref<13013x128xf32, #tpu.memory_space<hbm>>
      tpu.wait_indirect_dma semaphore(%arg9 : memref<!tpu.dma_semaphore, #tpu.memory_space<semaphore_mem>>) src(%dma_wait3A_806 : memref<13013x128xf32, #tpu.memory_space<hbm>>) dst(%dma_wait3A_802 : memref<32x128xf32, #tpu.memory_space<vmem>>)
      %dma_wait3A_807 = arith.constant 1 : i32
      %dma_wait3A_808 = arith.constant 128 : i32
      %dma_wait3A_809 = arith.constant 0 : i32
      %dma_wait3A_810 = tpu.memref_slice %arg6[%dma_wait3A_807, %dma_wait3A_808, %dma_wait3A_809] : memref<2x416x128xf32, #tpu.memory_space<vmem>> -> memref<1x32x128xf32, #tpu.memory_space<vmem>>
      %dma_wait3A_811 = tpu.memref_squeeze %dma_wait3A_810 : memref<1x32x128xf32, #tpu.memory_space<vmem>> -> memref<32x128xf32, #tpu.memory_space<vmem>>
      %dma_wait3A_812 = tpu.memref_slice %arg5[%add3A_738] : memref<6656xi32, #tpu.memory_space<vmem>> -> memref<32xi32, #tpu.memory_space<vmem>>
      %dma_wait3A_813 = arith.constant 0 : i32
      %dma_wait3A_814 = arith.constant 0 : i32
      %dma_wait3A_815 = tpu.memref_slice %arg3[%dma_wait3A_813, %dma_wait3A_814] : memref<13013x128xf32, #tpu.memory_space<hbm>> -> memref<13013x128xf32, #tpu.memory_space<hbm>>
      tpu.wait_indirect_dma semaphore(%arg9 : memref<!tpu.dma_semaphore, #tpu.memory_space<semaphore_mem>>) src(%dma_wait3A_815 : memref<13013x128xf32, #tpu.memory_space<hbm>>) dst(%dma_wait3A_811 : memref<32x128xf32, #tpu.memory_space<vmem>>)
      %dma_wait3A_816 = arith.constant 1 : i32
      %dma_wait3A_817 = arith.constant 160 : i32
      %dma_wait3A_818 = arith.constant 0 : i32
      %dma_wait3A_819 = tpu.memref_slice %arg6[%dma_wait3A_816, %dma_wait3A_817, %dma_wait3A_818] : memref<2x416x128xf32, #tpu.memory_space<vmem>> -> memref<1x32x128xf32, #tpu.memory_space<vmem>>
      %dma_wait3A_820 = tpu.memref_squeeze %dma_wait3A_819 : memref<1x32x128xf32, #tpu.memory_space<vmem>> -> memref<32x128xf32, #tpu.memory_space<vmem>>
      %dma_wait3A_821 = tpu.memref_slice %arg5[%add3A_742] : memref<6656xi32, #tpu.memory_space<vmem>> -> memref<32xi32, #tpu.memory_space<vmem>>
      %dma_wait3A_822 = arith.constant 0 : i32
      %dma_wait3A_823 = arith.constant 0 : i32
      %dma_wait3A_824 = tpu.memref_slice %arg3[%dma_wait3A_822, %dma_wait3A_823] : memref<13013x128xf32, #tpu.memory_space<hbm>> -> memref<13013x128xf32, #tpu.memory_space<hbm>>
      tpu.wait_indirect_dma semaphore(%arg9 : memref<!tpu.dma_semaphore, #tpu.memory_space<semaphore_mem>>) src(%dma_wait3A_824 : memref<13013x128xf32, #tpu.memory_space<hbm>>) dst(%dma_wait3A_820 : memref<32x128xf32, #tpu.memory_space<vmem>>)
      %dma_wait3A_825 = arith.constant 1 : i32
      %dma_wait3A_826 = arith.constant 192 : i32
      %dma_wait3A_827 = arith.constant 0 : i32
      %dma_wait3A_828 = tpu.memref_slice %arg6[%dma_wait3A_825, %dma_wait3A_826, %dma_wait3A_827] : memref<2x416x128xf32, #tpu.memory_space<vmem>> -> memref<1x32x128xf32, #tpu.memory_space<vmem>>
      %dma_wait3A_829 = tpu.memref_squeeze %dma_wait3A_828 : memref<1x32x128xf32, #tpu.memory_space<vmem>> -> memref<32x128xf32, #tpu.memory_space<vmem>>
      %dma_wait3A_830 = tpu.memref_slice %arg5[%add3A_746] : memref<6656xi32, #tpu.memory_space<vmem>> -> memref<32xi32, #tpu.memory_space<vmem>>
      %dma_wait3A_831 = arith.constant 0 : i32
      %dma_wait3A_832 = arith.constant 0 : i32
      %dma_wait3A_833 = tpu.memref_slice %arg3[%dma_wait3A_831, %dma_wait3A_832] : memref<13013x128xf32, #tpu.memory_space<hbm>> -> memref<13013x128xf32, #tpu.memory_space<hbm>>
      tpu.wait_indirect_dma semaphore(%arg9 : memref<!tpu.dma_semaphore, #tpu.memory_space<semaphore_mem>>) src(%dma_wait3A_833 : memref<13013x128xf32, #tpu.memory_space<hbm>>) dst(%dma_wait3A_829 : memref<32x128xf32, #tpu.memory_space<vmem>>)
      %dma_wait3A_834 = arith.constant 1 : i32
      %dma_wait3A_835 = arith.constant 224 : i32
      %dma_wait3A_836 = arith.constant 0 : i32
      %dma_wait3A_837 = tpu.memref_slice %arg6[%dma_wait3A_834, %dma_wait3A_835, %dma_wait3A_836] : memref<2x416x128xf32, #tpu.memory_space<vmem>> -> memref<1x32x128xf32, #tpu.memory_space<vmem>>
      %dma_wait3A_838 = tpu.memref_squeeze %dma_wait3A_837 : memref<1x32x128xf32, #tpu.memory_space<vmem>> -> memref<32x128xf32, #tpu.memory_space<vmem>>
      %dma_wait3A_839 = tpu.memref_slice %arg5[%add3A_750] : memref<6656xi32, #tpu.memory_space<vmem>> -> memref<32xi32, #tpu.memory_space<vmem>>
      %dma_wait3A_840 = arith.constant 0 : i32
      %dma_wait3A_841 = arith.constant 0 : i32
      %dma_wait3A_842 = tpu.memref_slice %arg3[%dma_wait3A_840, %dma_wait3A_841] : memref<13013x128xf32, #tpu.memory_space<hbm>> -> memref<13013x128xf32, #tpu.memory_space<hbm>>
      tpu.wait_indirect_dma semaphore(%arg9 : memref<!tpu.dma_semaphore, #tpu.memory_space<semaphore_mem>>) src(%dma_wait3A_842 : memref<13013x128xf32, #tpu.memory_space<hbm>>) dst(%dma_wait3A_838 : memref<32x128xf32, #tpu.memory_space<vmem>>)
      %dma_wait3A_843 = arith.constant 1 : i32
      %dma_wait3A_844 = arith.constant 256 : i32
      %dma_wait3A_845 = arith.constant 0 : i32
      %dma_wait3A_846 = tpu.memref_slice %arg6[%dma_wait3A_843, %dma_wait3A_844, %dma_wait3A_845] : memref<2x416x128xf32, #tpu.memory_space<vmem>> -> memref<1x32x128xf32, #tpu.memory_space<vmem>>
      %dma_wait3A_847 = tpu.memref_squeeze %dma_wait3A_846 : memref<1x32x128xf32, #tpu.memory_space<vmem>> -> memref<32x128xf32, #tpu.memory_space<vmem>>
      %dma_wait3A_848 = tpu.memref_slice %arg5[%add3A_754] : memref<6656xi32, #tpu.memory_space<vmem>> -> memref<32xi32, #tpu.memory_space<vmem>>
      %dma_wait3A_849 = arith.constant 0 : i32
      %dma_wait3A_850 = arith.constant 0 : i32
      %dma_wait3A_851 = tpu.memref_slice %arg3[%dma_wait3A_849, %dma_wait3A_850] : memref<13013x128xf32, #tpu.memory_space<hbm>> -> memref<13013x128xf32, #tpu.memory_space<hbm>>
      tpu.wait_indirect_dma semaphore(%arg9 : memref<!tpu.dma_semaphore, #tpu.memory_space<semaphore_mem>>) src(%dma_wait3A_851 : memref<13013x128xf32, #tpu.memory_space<hbm>>) dst(%dma_wait3A_847 : memref<32x128xf32, #tpu.memory_space<vmem>>)
      %dma_wait3A_852 = arith.constant 1 : i32
      %dma_wait3A_853 = arith.constant 288 : i32
      %dma_wait3A_854 = arith.constant 0 : i32
      %dma_wait3A_855 = tpu.memref_slice %arg6[%dma_wait3A_852, %dma_wait3A_853, %dma_wait3A_854] : memref<2x416x128xf32, #tpu.memory_space<vmem>> -> memref<1x32x128xf32, #tpu.memory_space<vmem>>
      %dma_wait3A_856 = tpu.memref_squeeze %dma_wait3A_855 : memref<1x32x128xf32, #tpu.memory_space<vmem>> -> memref<32x128xf32, #tpu.memory_space<vmem>>
      %dma_wait3A_857 = tpu.memref_slice %arg5[%add3A_758] : memref<6656xi32, #tpu.memory_space<vmem>> -> memref<32xi32, #tpu.memory_space<vmem>>
      %dma_wait3A_858 = arith.constant 0 : i32
      %dma_wait3A_859 = arith.constant 0 : i32
      %dma_wait3A_860 = tpu.memref_slice %arg3[%dma_wait3A_858, %dma_wait3A_859] : memref<13013x128xf32, #tpu.memory_space<hbm>> -> memref<13013x128xf32, #tpu.memory_space<hbm>>
      tpu.wait_indirect_dma semaphore(%arg9 : memref<!tpu.dma_semaphore, #tpu.memory_space<semaphore_mem>>) src(%dma_wait3A_860 : memref<13013x128xf32, #tpu.memory_space<hbm>>) dst(%dma_wait3A_856 : memref<32x128xf32, #tpu.memory_space<vmem>>)
      %dma_wait3A_861 = arith.constant 1 : i32
      %dma_wait3A_862 = arith.constant 320 : i32
      %dma_wait3A_863 = arith.constant 0 : i32
      %dma_wait3A_864 = tpu.memref_slice %arg6[%dma_wait3A_861, %dma_wait3A_862, %dma_wait3A_863] : memref<2x416x128xf32, #tpu.memory_space<vmem>> -> memref<1x32x128xf32, #tpu.memory_space<vmem>>
      %dma_wait3A_865 = tpu.memref_squeeze %dma_wait3A_864 : memref<1x32x128xf32, #tpu.memory_space<vmem>> -> memref<32x128xf32, #tpu.memory_space<vmem>>
      %dma_wait3A_866 = tpu.memref_slice %arg5[%add3A_762] : memref<6656xi32, #tpu.memory_space<vmem>> -> memref<32xi32, #tpu.memory_space<vmem>>
      %dma_wait3A_867 = arith.constant 0 : i32
      %dma_wait3A_868 = arith.constant 0 : i32
      %dma_wait3A_869 = tpu.memref_slice %arg3[%dma_wait3A_867, %dma_wait3A_868] : memref<13013x128xf32, #tpu.memory_space<hbm>> -> memref<13013x128xf32, #tpu.memory_space<hbm>>
      tpu.wait_indirect_dma semaphore(%arg9 : memref<!tpu.dma_semaphore, #tpu.memory_space<semaphore_mem>>) src(%dma_wait3A_869 : memref<13013x128xf32, #tpu.memory_space<hbm>>) dst(%dma_wait3A_865 : memref<32x128xf32, #tpu.memory_space<vmem>>)
      %dma_wait3A_870 = arith.constant 1 : i32
      %dma_wait3A_871 = arith.constant 352 : i32
      %dma_wait3A_872 = arith.constant 0 : i32
      %dma_wait3A_873 = tpu.memref_slice %arg6[%dma_wait3A_870, %dma_wait3A_871, %dma_wait3A_872] : memref<2x416x128xf32, #tpu.memory_space<vmem>> -> memref<1x32x128xf32, #tpu.memory_space<vmem>>
      %dma_wait3A_874 = tpu.memref_squeeze %dma_wait3A_873 : memref<1x32x128xf32, #tpu.memory_space<vmem>> -> memref<32x128xf32, #tpu.memory_space<vmem>>
      %dma_wait3A_875 = tpu.memref_slice %arg5[%add3A_766] : memref<6656xi32, #tpu.memory_space<vmem>> -> memref<32xi32, #tpu.memory_space<vmem>>
      %dma_wait3A_876 = arith.constant 0 : i32
      %dma_wait3A_877 = arith.constant 0 : i32
      %dma_wait3A_878 = tpu.memref_slice %arg3[%dma_wait3A_876, %dma_wait3A_877] : memref<13013x128xf32, #tpu.memory_space<hbm>> -> memref<13013x128xf32, #tpu.memory_space<hbm>>
      tpu.wait_indirect_dma semaphore(%arg9 : memref<!tpu.dma_semaphore, #tpu.memory_space<semaphore_mem>>) src(%dma_wait3A_878 : memref<13013x128xf32, #tpu.memory_space<hbm>>) dst(%dma_wait3A_874 : memref<32x128xf32, #tpu.memory_space<vmem>>)
      %dma_wait3A_879 = arith.constant 1 : i32
      %dma_wait3A_880 = arith.constant 384 : i32
      %dma_wait3A_881 = arith.constant 0 : i32
      %dma_wait3A_882 = tpu.memref_slice %arg6[%dma_wait3A_879, %dma_wait3A_880, %dma_wait3A_881] : memref<2x416x128xf32, #tpu.memory_space<vmem>> -> memref<1x32x128xf32, #tpu.memory_space<vmem>>
      %dma_wait3A_883 = tpu.memref_squeeze %dma_wait3A_882 : memref<1x32x128xf32, #tpu.memory_space<vmem>> -> memref<32x128xf32, #tpu.memory_space<vmem>>
      %dma_wait3A_884 = tpu.memref_slice %arg5[%add3A_770] : memref<6656xi32, #tpu.memory_space<vmem>> -> memref<32xi32, #tpu.memory_space<vmem>>
      %dma_wait3A_885 = arith.constant 0 : i32
      %dma_wait3A_886 = arith.constant 0 : i32
      %dma_wait3A_887 = tpu.memref_slice %arg3[%dma_wait3A_885, %dma_wait3A_886] : memref<13013x128xf32, #tpu.memory_space<hbm>> -> memref<13013x128xf32, #tpu.memory_space<hbm>>
      tpu.wait_indirect_dma semaphore(%arg9 : memref<!tpu.dma_semaphore, #tpu.memory_space<semaphore_mem>>) src(%dma_wait3A_887 : memref<13013x128xf32, #tpu.memory_space<hbm>>) dst(%dma_wait3A_883 : memref<32x128xf32, #tpu.memory_space<vmem>>)
      %gt3A_888 = arith.constant 0 : i32
      %gt3A_889 = arith.cmpi sgt, %scan3A_348, %gt3A_888 : i32
      %convert_element_type3A_890 = arith.extui %gt3A_889 : i1 to i32
      %cond3A_891 = arith.constant 0 : i32
      %cond3A_892 = arith.cmpi ne, %convert_element_type3A_890, %cond3A_891 : i32
      scf.if %cond3A_892 {
        %mul3A_915 = arith.constant 32 : i32
        %mul3A_916 = arith.muli %add3A_352, %mul3A_915 : i32
        %add3A_917 = arith.addi %mul3A_2, %mul3A_916 : i32
        %dma_wait3A_918 = arith.constant 1 : i32
        %dma_wait3A_919 = arith.constant 0 : i32
        %dma_wait3A_920 = arith.constant 0 : i32
        %dma_wait3A_921 = tpu.memref_slice %arg7[%dma_wait3A_918, %dma_wait3A_919, %dma_wait3A_920] : memref<2x32x128xf32, #tpu.memory_space<vmem>> -> memref<1x32x128xf32, #tpu.memory_space<vmem>>
        %dma_wait3A_922 = tpu.memref_squeeze %dma_wait3A_921 : memref<1x32x128xf32, #tpu.memory_space<vmem>> -> memref<32x128xf32, #tpu.memory_space<vmem>>
        %dma_wait3A_923 = arith.constant 0 : i32
        %dma_wait3A_924 = tpu.memref_slice %arg4[%add3A_917, %dma_wait3A_923] : memref<16384x128xf32, #tpu.memory_space<hbm>> -> memref<32x128xf32, #tpu.memory_space<hbm>>
        %dma_wait3A_925 = arith.constant 0 : i32
        %dma_wait3A_926 = tpu.memref_slice %arg4[%add3A_917, %dma_wait3A_925] : memref<16384x128xf32, #tpu.memory_space<hbm>> -> memref<32x128xf32, #tpu.memory_space<hbm>>
        %dma_wait3A_927 = arith.constant 0 : i32
        %dma_wait3A_928 = arith.constant 0 : i32
        %dma_wait3A_929 = tpu.memref_slice %arg7[%dma_wait3A_918, %dma_wait3A_927, %dma_wait3A_928] : memref<2x32x128xf32, #tpu.memory_space<vmem>> -> memref<1x32x128xf32, #tpu.memory_space<vmem>>
        %dma_wait3A_930 = tpu.memref_squeeze %dma_wait3A_929 : memref<1x32x128xf32, #tpu.memory_space<vmem>> -> memref<32x128xf32, #tpu.memory_space<vmem>>
        tpu.wait_dma2 semaphore(%arg11 : memref<!tpu.dma_semaphore, #tpu.memory_space<semaphore_mem>>) src(%dma_wait3A_930 : memref<32x128xf32, #tpu.memory_space<vmem>>) dst(%dma_wait3A_926 : memref<32x128xf32, #tpu.memory_space<hbm>>)
      } else {
      }
      %scan3A_893 = arith.constant 0 : i32
      %scan3A_894 = arith.constant 0 : i32
      %scan3A_895 = arith.constant 32 : i32
      %scan3A_896 = arith.addi %scan3A_894, %scan3A_895 : i32
      %scan3A_897 = arith.constant 1 : i32
      scf.for %scan3A_915 = %scan3A_894 to %scan3A_896 step %scan3A_897  : i32 {
        %get3A = arith.constant 1 : i32
        %get3A_916 = arith.index_cast %get3A : i32 to index
        %get3A_917 = arith.index_cast %scan3A_915 : i32 to index
        %get3A_918 = arith.constant 0 : index
        %get3A_919 = tpu.vector_load %arg6[%get3A_916, %get3A_917, %get3A_918] {strides = array<i32>} : memref<2x416x128xf32, #tpu.memory_space<vmem>>, vector<1x1x16xf32>,
        %get3A_920 = vector.shape_cast %get3A_919 : vector<1x1x16xf32> to vector<16xf32>
        %add3A_921 = arith.constant 32 : i32
        %add3A_922 = arith.addi %add3A_921, %scan3A_915 : i32
        %get3A_923 = arith.constant 1 : i32
        %get3A_924 = arith.index_cast %get3A_923 : i32 to index
        %get3A_925 = arith.index_cast %add3A_922 : i32 to index
        %get3A_926 = arith.constant 0 : index
        %get3A_927 = tpu.vector_load %arg6[%get3A_924, %get3A_925, %get3A_926] {strides = array<i32>} : memref<2x416x128xf32, #tpu.memory_space<vmem>>, vector<1x1x16xf32>,
        %get3A_928 = vector.shape_cast %get3A_927 : vector<1x1x16xf32> to vector<16xf32>
        %add3A_929 = arith.addf %get3A_920, %get3A_928 : vector<16xf32>
        %add3A_930 = arith.constant 64 : i32
        %add3A_931 = arith.addi %add3A_930, %scan3A_915 : i32
        %get3A_932 = arith.constant 1 : i32
        %get3A_933 = arith.index_cast %get3A_932 : i32 to index
        %get3A_934 = arith.index_cast %add3A_931 : i32 to index
        %get3A_935 = arith.constant 0 : index
        %get3A_936 = tpu.vector_load %arg6[%get3A_933, %get3A_934, %get3A_935] {strides = array<i32>} : memref<2x416x128xf32, #tpu.memory_space<vmem>>, vector<1x1x16xf32>,
        %get3A_937 = vector.shape_cast %get3A_936 : vector<1x1x16xf32> to vector<16xf32>
        %add3A_938 = arith.addf %add3A_929, %get3A_937 : vector<16xf32>
        %add3A_939 = arith.constant 96 : i32
        %add3A_940 = arith.addi %add3A_939, %scan3A_915 : i32
        %get3A_941 = arith.constant 1 : i32
        %get3A_942 = arith.index_cast %get3A_941 : i32 to index
        %get3A_943 = arith.index_cast %add3A_940 : i32 to index
        %get3A_944 = arith.constant 0 : index
        %get3A_945 = tpu.vector_load %arg6[%get3A_942, %get3A_943, %get3A_944] {strides = array<i32>} : memref<2x416x128xf32, #tpu.memory_space<vmem>>, vector<1x1x16xf32>,
        %get3A_946 = vector.shape_cast %get3A_945 : vector<1x1x16xf32> to vector<16xf32>
        %add3A_947 = arith.addf %add3A_938, %get3A_946 : vector<16xf32>
        %add3A_948 = arith.constant 128 : i32
        %add3A_949 = arith.addi %add3A_948, %scan3A_915 : i32
        %get3A_950 = arith.constant 1 : i32
        %get3A_951 = arith.index_cast %get3A_950 : i32 to index
        %get3A_952 = arith.index_cast %add3A_949 : i32 to index
        %get3A_953 = arith.constant 0 : index
        %get3A_954 = tpu.vector_load %arg6[%get3A_951, %get3A_952, %get3A_953] {strides = array<i32>} : memref<2x416x128xf32, #tpu.memory_space<vmem>>, vector<1x1x16xf32>,
        %get3A_955 = vector.shape_cast %get3A_954 : vector<1x1x16xf32> to vector<16xf32>
        %add3A_956 = arith.addf %add3A_947, %get3A_955 : vector<16xf32>
        %add3A_957 = arith.constant 160 : i32
        %add3A_958 = arith.addi %add3A_957, %scan3A_915 : i32
        %get3A_959 = arith.constant 1 : i32
        %get3A_960 = arith.index_cast %get3A_959 : i32 to index
        %get3A_961 = arith.index_cast %add3A_958 : i32 to index
        %get3A_962 = arith.constant 0 : index
        %get3A_963 = tpu.vector_load %arg6[%get3A_960, %get3A_961, %get3A_962] {strides = array<i32>} : memref<2x416x128xf32, #tpu.memory_space<vmem>>, vector<1x1x16xf32>,
        %get3A_964 = vector.shape_cast %get3A_963 : vector<1x1x16xf32> to vector<16xf32>
        %add3A_965 = arith.addf %add3A_956, %get3A_964 : vector<16xf32>
        %add3A_966 = arith.constant 192 : i32
        %add3A_967 = arith.addi %add3A_966, %scan3A_915 : i32
        %get3A_968 = arith.constant 1 : i32
        %get3A_969 = arith.index_cast %get3A_968 : i32 to index
        %get3A_970 = arith.index_cast %add3A_967 : i32 to index
        %get3A_971 = arith.constant 0 : index
        %get3A_972 = tpu.vector_load %arg6[%get3A_969, %get3A_970, %get3A_971] {strides = array<i32>} : memref<2x416x128xf32, #tpu.memory_space<vmem>>, vector<1x1x16xf32>,
        %get3A_973 = vector.shape_cast %get3A_972 : vector<1x1x16xf32> to vector<16xf32>
        %add3A_974 = arith.addf %add3A_965, %get3A_973 : vector<16xf32>
        %add3A_975 = arith.constant 224 : i32
        %add3A_976 = arith.addi %add3A_975, %scan3A_915 : i32
        %get3A_977 = arith.constant 1 : i32
        %get3A_978 = arith.index_cast %get3A_977 : i32 to index
        %get3A_979 = arith.index_cast %add3A_976 : i32 to index
        %get3A_980 = arith.constant 0 : index
        %get3A_981 = tpu.vector_load %arg6[%get3A_978, %get3A_979, %get3A_980] {strides = array<i32>} : memref<2x416x128xf32, #tpu.memory_space<vmem>>, vector<1x1x16xf32>,
        %get3A_982 = vector.shape_cast %get3A_981 : vector<1x1x16xf32> to vector<16xf32>
        %add3A_983 = arith.addf %add3A_974, %get3A_982 : vector<16xf32>
        %add3A_984 = arith.constant 256 : i32
        %add3A_985 = arith.addi %add3A_984, %scan3A_915 : i32
        %get3A_986 = arith.constant 1 : i32
        %get3A_987 = arith.index_cast %get3A_986 : i32 to index
        %get3A_988 = arith.index_cast %add3A_985 : i32 to index
        %get3A_989 = arith.constant 0 : index
        %get3A_990 = tpu.vector_load %arg6[%get3A_987, %get3A_988, %get3A_989] {strides = array<i32>} : memref<2x416x128xf32, #tpu.memory_space<vmem>>, vector<1x1x16xf32>,
        %get3A_991 = vector.shape_cast %get3A_990 : vector<1x1x16xf32> to vector<16xf32>
        %add3A_992 = arith.addf %add3A_983, %get3A_991 : vector<16xf32>
        %add3A_993 = arith.constant 288 : i32
        %add3A_994 = arith.addi %add3A_993, %scan3A_915 : i32
        %get3A_995 = arith.constant 1 : i32
        %get3A_996 = arith.index_cast %get3A_995 : i32 to index
        %get3A_997 = arith.index_cast %add3A_994 : i32 to index
        %get3A_998 = arith.constant 0 : index
        %get3A_999 = tpu.vector_load %arg6[%get3A_996, %get3A_997, %get3A_998] {strides = array<i32>} : memref<2x416x128xf32, #tpu.memory_space<vmem>>, vector<1x1x16xf32>,
        %get3A_1000 = vector.shape_cast %get3A_999 : vector<1x1x16xf32> to vector<16xf32>
        %add3A_1001 = arith.addf %add3A_992, %get3A_1000 : vector<16xf32>
        %add3A_1002 = arith.constant 320 : i32
        %add3A_1003 = arith.addi %add3A_1002, %scan3A_915 : i32
        %get3A_1004 = arith.constant 1 : i32
        %get3A_1005 = arith.index_cast %get3A_1004 : i32 to index
        %get3A_1006 = arith.index_cast %add3A_1003 : i32 to index
        %get3A_1007 = arith.constant 0 : index
        %get3A_1008 = tpu.vector_load %arg6[%get3A_1005, %get3A_1006, %get3A_1007] {strides = array<i32>} : memref<2x416x128xf32, #tpu.memory_space<vmem>>, vector<1x1x16xf32>,
        %get3A_1009 = vector.shape_cast %get3A_1008 : vector<1x1x16xf32> to vector<16xf32>
        %add3A_1010 = arith.addf %add3A_1001, %get3A_1009 : vector<16xf32>
        %add3A_1011 = arith.constant 352 : i32
        %add3A_1012 = arith.addi %add3A_1011, %scan3A_915 : i32
        %get3A_1013 = arith.constant 1 : i32
        %get3A_1014 = arith.index_cast %get3A_1013 : i32 to index
        %get3A_1015 = arith.index_cast %add3A_1012 : i32 to index
        %get3A_1016 = arith.constant 0 : index
        %get3A_1017 = tpu.vector_load %arg6[%get3A_1014, %get3A_1015, %get3A_1016] {strides = array<i32>} : memref<2x416x128xf32, #tpu.memory_space<vmem>>, vector<1x1x16xf32>,
        %get3A_1018 = vector.shape_cast %get3A_1017 : vector<1x1x16xf32> to vector<16xf32>
        %add3A_1019 = arith.addf %add3A_1010, %get3A_1018 : vector<16xf32>
        %add3A_1020 = arith.constant 384 : i32
        %add3A_1021 = arith.addi %add3A_1020, %scan3A_915 : i32
        %get3A_1022 = arith.constant 1 : i32
        %get3A_1023 = arith.index_cast %get3A_1022 : i32 to index
        %get3A_1024 = arith.index_cast %add3A_1021 : i32 to index
        %get3A_1025 = arith.constant 0 : index
        %get3A_1026 = tpu.vector_load %arg6[%get3A_1023, %get3A_1024, %get3A_1025] {strides = array<i32>} : memref<2x416x128xf32, #tpu.memory_space<vmem>>, vector<1x1x16xf32>,
        %get3A_1027 = vector.shape_cast %get3A_1026 : vector<1x1x16xf32> to vector<16xf32>
        %add3A_1028 = arith.addf %add3A_1019, %get3A_1027 : vector<16xf32>
        %swap3A = arith.constant 1 : i32
        %swap3A_1029 = arith.index_cast %swap3A : i32 to index
        %swap3A_1030 = arith.index_cast %scan3A_915 : i32 to index
        %swap3A_1031 = arith.constant 0 : index
        %swap3A_1032 = tpu.vector_load %arg7[%swap3A_1029, %swap3A_1030, %swap3A_1031] {strides = array<i32>} : memref<2x32x128xf32, #tpu.memory_space<vmem>>, vector<1x1x16xf32>,
        %swap3A_1033 = vector.shape_cast %swap3A_1032 : vector<1x1x16xf32> to vector<16xf32>
        %swap3A_1034 = vector.shape_cast %add3A_1028 : vector<16xf32> to vector<1x1x16xf32>
        tpu.vector_store %arg7[%swap3A_1029, %swap3A_1030, %swap3A_1031], %swap3A_1034 {strides = array<i32>} : memref<2x32x128xf32, #tpu.memory_space<vmem>>, vector<1x1x16xf32>,
        %get3A_1035 = arith.constant 1 : i32
        %get3A_1036 = arith.index_cast %get3A_1035 : i32 to index
        %get3A_1037 = arith.index_cast %scan3A_915 : i32 to index
        %get3A_1038 = arith.constant 16 : index
        %get3A_1039 = tpu.vector_load %arg6[%get3A_1036, %get3A_1037, %get3A_1038] {strides = array<i32>} : memref<2x416x128xf32, #tpu.memory_space<vmem>>, vector<1x1x16xf32>,
        %get3A_1040 = vector.shape_cast %get3A_1039 : vector<1x1x16xf32> to vector<16xf32>
        %add3A_1041 = arith.constant 32 : i32
        %add3A_1042 = arith.addi %add3A_1041, %scan3A_915 : i32
        %get3A_1043 = arith.constant 1 : i32
        %get3A_1044 = arith.index_cast %get3A_1043 : i32 to index
        %get3A_1045 = arith.index_cast %add3A_1042 : i32 to index
        %get3A_1046 = arith.constant 16 : index
        %get3A_1047 = tpu.vector_load %arg6[%get3A_1044, %get3A_1045, %get3A_1046] {strides = array<i32>} : memref<2x416x128xf32, #tpu.memory_space<vmem>>, vector<1x1x16xf32>,
        %get3A_1048 = vector.shape_cast %get3A_1047 : vector<1x1x16xf32> to vector<16xf32>
        %add3A_1049 = arith.addf %get3A_1040, %get3A_1048 : vector<16xf32>
        %add3A_1050 = arith.constant 64 : i32
        %add3A_1051 = arith.addi %add3A_1050, %scan3A_915 : i32
        %get3A_1052 = arith.constant 1 : i32
        %get3A_1053 = arith.index_cast %get3A_1052 : i32 to index
        %get3A_1054 = arith.index_cast %add3A_1051 : i32 to index
        %get3A_1055 = arith.constant 16 : index
        %get3A_1056 = tpu.vector_load %arg6[%get3A_1053, %get3A_1054, %get3A_1055] {strides = array<i32>} : memref<2x416x128xf32, #tpu.memory_space<vmem>>, vector<1x1x16xf32>,
        %get3A_1057 = vector.shape_cast %get3A_1056 : vector<1x1x16xf32> to vector<16xf32>
        %add3A_1058 = arith.addf %add3A_1049, %get3A_1057 : vector<16xf32>
        %add3A_1059 = arith.constant 96 : i32
        %add3A_1060 = arith.addi %add3A_1059, %scan3A_915 : i32
        %get3A_1061 = arith.constant 1 : i32
        %get3A_1062 = arith.index_cast %get3A_1061 : i32 to index
        %get3A_1063 = arith.index_cast %add3A_1060 : i32 to index
        %get3A_1064 = arith.constant 16 : index
        %get3A_1065 = tpu.vector_load %arg6[%get3A_1062, %get3A_1063, %get3A_1064] {strides = array<i32>} : memref<2x416x128xf32, #tpu.memory_space<vmem>>, vector<1x1x16xf32>,
        %get3A_1066 = vector.shape_cast %get3A_1065 : vector<1x1x16xf32> to vector<16xf32>
        %add3A_1067 = arith.addf %add3A_1058, %get3A_1066 : vector<16xf32>
        %add3A_1068 = arith.constant 128 : i32
        %add3A_1069 = arith.addi %add3A_1068, %scan3A_915 : i32
        %get3A_1070 = arith.constant 1 : i32
        %get3A_1071 = arith.index_cast %get3A_1070 : i32 to index
        %get3A_1072 = arith.index_cast %add3A_1069 : i32 to index
        %get3A_1073 = arith.constant 16 : index
        %get3A_1074 = tpu.vector_load %arg6[%get3A_1071, %get3A_1072, %get3A_1073] {strides = array<i32>} : memref<2x416x128xf32, #tpu.memory_space<vmem>>, vector<1x1x16xf32>,
        %get3A_1075 = vector.shape_cast %get3A_1074 : vector<1x1x16xf32> to vector<16xf32>
        %add3A_1076 = arith.addf %add3A_1067, %get3A_1075 : vector<16xf32>
        %add3A_1077 = arith.constant 160 : i32
        %add3A_1078 = arith.addi %add3A_1077, %scan3A_915 : i32
        %get3A_1079 = arith.constant 1 : i32
        %get3A_1080 = arith.index_cast %get3A_1079 : i32 to index
        %get3A_1081 = arith.index_cast %add3A_1078 : i32 to index
        %get3A_1082 = arith.constant 16 : index
        %get3A_1083 = tpu.vector_load %arg6[%get3A_1080, %get3A_1081, %get3A_1082] {strides = array<i32>} : memref<2x416x128xf32, #tpu.memory_space<vmem>>, vector<1x1x16xf32>,
        %get3A_1084 = vector.shape_cast %get3A_1083 : vector<1x1x16xf32> to vector<16xf32>
        %add3A_1085 = arith.addf %add3A_1076, %get3A_1084 : vector<16xf32>
        %add3A_1086 = arith.constant 192 : i32
        %add3A_1087 = arith.addi %add3A_1086, %scan3A_915 : i32
        %get3A_1088 = arith.constant 1 : i32
        %get3A_1089 = arith.index_cast %get3A_1088 : i32 to index
        %get3A_1090 = arith.index_cast %add3A_1087 : i32 to index
        %get3A_1091 = arith.constant 16 : index
        %get3A_1092 = tpu.vector_load %arg6[%get3A_1089, %get3A_1090, %get3A_1091] {strides = array<i32>} : memref<2x416x128xf32, #tpu.memory_space<vmem>>, vector<1x1x16xf32>,
        %get3A_1093 = vector.shape_cast %get3A_1092 : vector<1x1x16xf32> to vector<16xf32>
        %add3A_1094 = arith.addf %add3A_1085, %get3A_1093 : vector<16xf32>
        %add3A_1095 = arith.constant 224 : i32
        %add3A_1096 = arith.addi %add3A_1095, %scan3A_915 : i32
        %get3A_1097 = arith.constant 1 : i32
        %get3A_1098 = arith.index_cast %get3A_1097 : i32 to index
        %get3A_1099 = arith.index_cast %add3A_1096 : i32 to index
        %get3A_1100 = arith.constant 16 : index
        %get3A_1101 = tpu.vector_load %arg6[%get3A_1098, %get3A_1099, %get3A_1100] {strides = array<i32>} : memref<2x416x128xf32, #tpu.memory_space<vmem>>, vector<1x1x16xf32>,
        %get3A_1102 = vector.shape_cast %get3A_1101 : vector<1x1x16xf32> to vector<16xf32>
        %add3A_1103 = arith.addf %add3A_1094, %get3A_1102 : vector<16xf32>
        %add3A_1104 = arith.constant 256 : i32
        %add3A_1105 = arith.addi %add3A_1104, %scan3A_915 : i32
        %get3A_1106 = arith.constant 1 : i32
        %get3A_1107 = arith.index_cast %get3A_1106 : i32 to index
        %get3A_1108 = arith.index_cast %add3A_1105 : i32 to index
        %get3A_1109 = arith.constant 16 : index
        %get3A_1110 = tpu.vector_load %arg6[%get3A_1107, %get3A_1108, %get3A_1109] {strides = array<i32>} : memref<2x416x128xf32, #tpu.memory_space<vmem>>, vector<1x1x16xf32>,
        %get3A_1111 = vector.shape_cast %get3A_1110 : vector<1x1x16xf32> to vector<16xf32>
        %add3A_1112 = arith.addf %add3A_1103, %get3A_1111 : vector<16xf32>
        %add3A_1113 = arith.constant 288 : i32
        %add3A_1114 = arith.addi %add3A_1113, %scan3A_915 : i32
        %get3A_1115 = arith.constant 1 : i32
        %get3A_1116 = arith.index_cast %get3A_1115 : i32 to index
        %get3A_1117 = arith.index_cast %add3A_1114 : i32 to index
        %get3A_1118 = arith.constant 16 : index
        %get3A_1119 = tpu.vector_load %arg6[%get3A_1116, %get3A_1117, %get3A_1118] {strides = array<i32>} : memref<2x416x128xf32, #tpu.memory_space<vmem>>, vector<1x1x16xf32>,
        %get3A_1120 = vector.shape_cast %get3A_1119 : vector<1x1x16xf32> to vector<16xf32>
        %add3A_1121 = arith.addf %add3A_1112, %get3A_1120 : vector<16xf32>
        %add3A_1122 = arith.constant 320 : i32
        %add3A_1123 = arith.addi %add3A_1122, %scan3A_915 : i32
        %get3A_1124 = arith.constant 1 : i32
        %get3A_1125 = arith.index_cast %get3A_1124 : i32 to index
        %get3A_1126 = arith.index_cast %add3A_1123 : i32 to index
        %get3A_1127 = arith.constant 16 : index
        %get3A_1128 = tpu.vector_load %arg6[%get3A_1125, %get3A_1126, %get3A_1127] {strides = array<i32>} : memref<2x416x128xf32, #tpu.memory_space<vmem>>, vector<1x1x16xf32>,
        %get3A_1129 = vector.shape_cast %get3A_1128 : vector<1x1x16xf32> to vector<16xf32>
        %add3A_1130 = arith.addf %add3A_1121, %get3A_1129 : vector<16xf32>
        %add3A_1131 = arith.constant 352 : i32
        %add3A_1132 = arith.addi %add3A_1131, %scan3A_915 : i32
        %get3A_1133 = arith.constant 1 : i32
        %get3A_1134 = arith.index_cast %get3A_1133 : i32 to index
        %get3A_1135 = arith.index_cast %add3A_1132 : i32 to index
        %get3A_1136 = arith.constant 16 : index
        %get3A_1137 = tpu.vector_load %arg6[%get3A_1134, %get3A_1135, %get3A_1136] {strides = array<i32>} : memref<2x416x128xf32, #tpu.memory_space<vmem>>, vector<1x1x16xf32>,
        %get3A_1138 = vector.shape_cast %get3A_1137 : vector<1x1x16xf32> to vector<16xf32>
        %add3A_1139 = arith.addf %add3A_1130, %get3A_1138 : vector<16xf32>
        %add3A_1140 = arith.constant 384 : i32
        %add3A_1141 = arith.addi %add3A_1140, %scan3A_915 : i32
        %get3A_1142 = arith.constant 1 : i32
        %get3A_1143 = arith.index_cast %get3A_1142 : i32 to index
        %get3A_1144 = arith.index_cast %add3A_1141 : i32 to index
        %get3A_1145 = arith.constant 16 : index
        %get3A_1146 = tpu.vector_load %arg6[%get3A_1143, %get3A_1144, %get3A_1145] {strides = array<i32>} : memref<2x416x128xf32, #tpu.memory_space<vmem>>, vector<1x1x16xf32>,
        %get3A_1147 = vector.shape_cast %get3A_1146 : vector<1x1x16xf32> to vector<16xf32>
        %add3A_1148 = arith.addf %add3A_1139, %get3A_1147 : vector<16xf32>
        %swap3A_1149 = arith.constant 1 : i32
        %swap3A_1150 = arith.index_cast %swap3A_1149 : i32 to index
        %swap3A_1151 = arith.index_cast %scan3A_915 : i32 to index
        %swap3A_1152 = arith.constant 16 : index
        %swap3A_1153 = tpu.vector_load %arg7[%swap3A_1150, %swap3A_1151, %swap3A_1152] {strides = array<i32>} : memref<2x32x128xf32, #tpu.memory_space<vmem>>, vector<1x1x16xf32>,
        %swap3A_1154 = vector.shape_cast %swap3A_1153 : vector<1x1x16xf32> to vector<16xf32>
        %swap3A_1155 = vector.shape_cast %add3A_1148 : vector<16xf32> to vector<1x1x16xf32>
        tpu.vector_store %arg7[%swap3A_1150, %swap3A_1151, %swap3A_1152], %swap3A_1155 {strides = array<i32>} : memref<2x32x128xf32, #tpu.memory_space<vmem>>, vector<1x1x16xf32>,
        %get3A_1156 = arith.constant 1 : i32
        %get3A_1157 = arith.index_cast %get3A_1156 : i32 to index
        %get3A_1158 = arith.index_cast %scan3A_915 : i32 to index
        %get3A_1159 = arith.constant 32 : index
        %get3A_1160 = tpu.vector_load %arg6[%get3A_1157, %get3A_1158, %get3A_1159] {strides = array<i32>} : memref<2x416x128xf32, #tpu.memory_space<vmem>>, vector<1x1x16xf32>,
        %get3A_1161 = vector.shape_cast %get3A_1160 : vector<1x1x16xf32> to vector<16xf32>
        %add3A_1162 = arith.constant 32 : i32
        %add3A_1163 = arith.addi %add3A_1162, %scan3A_915 : i32
        %get3A_1164 = arith.constant 1 : i32
        %get3A_1165 = arith.index_cast %get3A_1164 : i32 to index
        %get3A_1166 = arith.index_cast %add3A_1163 : i32 to index
        %get3A_1167 = arith.constant 32 : index
        %get3A_1168 = tpu.vector_load %arg6[%get3A_1165, %get3A_1166, %get3A_1167] {strides = array<i32>} : memref<2x416x128xf32, #tpu.memory_space<vmem>>, vector<1x1x16xf32>,
        %get3A_1169 = vector.shape_cast %get3A_1168 : vector<1x1x16xf32> to vector<16xf32>
        %add3A_1170 = arith.addf %get3A_1161, %get3A_1169 : vector<16xf32>
        %add3A_1171 = arith.constant 64 : i32
        %add3A_1172 = arith.addi %add3A_1171, %scan3A_915 : i32
        %get3A_1173 = arith.constant 1 : i32
        %get3A_1174 = arith.index_cast %get3A_1173 : i32 to index
        %get3A_1175 = arith.index_cast %add3A_1172 : i32 to index
        %get3A_1176 = arith.constant 32 : index
        %get3A_1177 = tpu.vector_load %arg6[%get3A_1174, %get3A_1175, %get3A_1176] {strides = array<i32>} : memref<2x416x128xf32, #tpu.memory_space<vmem>>, vector<1x1x16xf32>,
        %get3A_1178 = vector.shape_cast %get3A_1177 : vector<1x1x16xf32> to vector<16xf32>
        %add3A_1179 = arith.addf %add3A_1170, %get3A_1178 : vector<16xf32>
        %add3A_1180 = arith.constant 96 : i32
        %add3A_1181 = arith.addi %add3A_1180, %scan3A_915 : i32
        %get3A_1182 = arith.constant 1 : i32
        %get3A_1183 = arith.index_cast %get3A_1182 : i32 to index
        %get3A_1184 = arith.index_cast %add3A_1181 : i32 to index
        %get3A_1185 = arith.constant 32 : index
        %get3A_1186 = tpu.vector_load %arg6[%get3A_1183, %get3A_1184, %get3A_1185] {strides = array<i32>} : memref<2x416x128xf32, #tpu.memory_space<vmem>>, vector<1x1x16xf32>,
        %get3A_1187 = vector.shape_cast %get3A_1186 : vector<1x1x16xf32> to vector<16xf32>
        %add3A_1188 = arith.addf %add3A_1179, %get3A_1187 : vector<16xf32>
        %add3A_1189 = arith.constant 128 : i32
        %add3A_1190 = arith.addi %add3A_1189, %scan3A_915 : i32
        %get3A_1191 = arith.constant 1 : i32
        %get3A_1192 = arith.index_cast %get3A_1191 : i32 to index
        %get3A_1193 = arith.index_cast %add3A_1190 : i32 to index
        %get3A_1194 = arith.constant 32 : index
        %get3A_1195 = tpu.vector_load %arg6[%get3A_1192, %get3A_1193, %get3A_1194] {strides = array<i32>} : memref<2x416x128xf32, #tpu.memory_space<vmem>>, vector<1x1x16xf32>,
        %get3A_1196 = vector.shape_cast %get3A_1195 : vector<1x1x16xf32> to vector<16xf32>
        %add3A_1197 = arith.addf %add3A_1188, %get3A_1196 : vector<16xf32>
        %add3A_1198 = arith.constant 160 : i32
        %add3A_1199 = arith.addi %add3A_1198, %scan3A_915 : i32
        %get3A_1200 = arith.constant 1 : i32
        %get3A_1201 = arith.index_cast %get3A_1200 : i32 to index
        %get3A_1202 = arith.index_cast %add3A_1199 : i32 to index
        %get3A_1203 = arith.constant 32 : index
        %get3A_1204 = tpu.vector_load %arg6[%get3A_1201, %get3A_1202, %get3A_1203] {strides = array<i32>} : memref<2x416x128xf32, #tpu.memory_space<vmem>>, vector<1x1x16xf32>,
        %get3A_1205 = vector.shape_cast %get3A_1204 : vector<1x1x16xf32> to vector<16xf32>
        %add3A_1206 = arith.addf %add3A_1197, %get3A_1205 : vector<16xf32>
        %add3A_1207 = arith.constant 192 : i32
        %add3A_1208 = arith.addi %add3A_1207, %scan3A_915 : i32
        %get3A_1209 = arith.constant 1 : i32
        %get3A_1210 = arith.index_cast %get3A_1209 : i32 to index
        %get3A_1211 = arith.index_cast %add3A_1208 : i32 to index
        %get3A_1212 = arith.constant 32 : index
        %get3A_1213 = tpu.vector_load %arg6[%get3A_1210, %get3A_1211, %get3A_1212] {strides = array<i32>} : memref<2x416x128xf32, #tpu.memory_space<vmem>>, vector<1x1x16xf32>,
        %get3A_1214 = vector.shape_cast %get3A_1213 : vector<1x1x16xf32> to vector<16xf32>
        %add3A_1215 = arith.addf %add3A_1206, %get3A_1214 : vector<16xf32>
        %add3A_1216 = arith.constant 224 : i32
        %add3A_1217 = arith.addi %add3A_1216, %scan3A_915 : i32
        %get3A_1218 = arith.constant 1 : i32
        %get3A_1219 = arith.index_cast %get3A_1218 : i32 to index
        %get3A_1220 = arith.index_cast %add3A_1217 : i32 to index
        %get3A_1221 = arith.constant 32 : index
        %get3A_1222 = tpu.vector_load %arg6[%get3A_1219, %get3A_1220, %get3A_1221] {strides = array<i32>} : memref<2x416x128xf32, #tpu.memory_space<vmem>>, vector<1x1x16xf32>,
        %get3A_1223 = vector.shape_cast %get3A_1222 : vector<1x1x16xf32> to vector<16xf32>
        %add3A_1224 = arith.addf %add3A_1215, %get3A_1223 : vector<16xf32>
        %add3A_1225 = arith.constant 256 : i32
        %add3A_1226 = arith.addi %add3A_1225, %scan3A_915 : i32
        %get3A_1227 = arith.constant 1 : i32
        %get3A_1228 = arith.index_cast %get3A_1227 : i32 to index
        %get3A_1229 = arith.index_cast %add3A_1226 : i32 to index
        %get3A_1230 = arith.constant 32 : index
        %get3A_1231 = tpu.vector_load %arg6[%get3A_1228, %get3A_1229, %get3A_1230] {strides = array<i32>} : memref<2x416x128xf32, #tpu.memory_space<vmem>>, vector<1x1x16xf32>,
        %get3A_1232 = vector.shape_cast %get3A_1231 : vector<1x1x16xf32> to vector<16xf32>
        %add3A_1233 = arith.addf %add3A_1224, %get3A_1232 : vector<16xf32>
        %add3A_1234 = arith.constant 288 : i32
        %add3A_1235 = arith.addi %add3A_1234, %scan3A_915 : i32
        %get3A_1236 = arith.constant 1 : i32
        %get3A_1237 = arith.index_cast %get3A_1236 : i32 to index
        %get3A_1238 = arith.index_cast %add3A_1235 : i32 to index
        %get3A_1239 = arith.constant 32 : index
        %get3A_1240 = tpu.vector_load %arg6[%get3A_1237, %get3A_1238, %get3A_1239] {strides = array<i32>} : memref<2x416x128xf32, #tpu.memory_space<vmem>>, vector<1x1x16xf32>,
        %get3A_1241 = vector.shape_cast %get3A_1240 : vector<1x1x16xf32> to vector<16xf32>
        %add3A_1242 = arith.addf %add3A_1233, %get3A_1241 : vector<16xf32>
        %add3A_1243 = arith.constant 320 : i32
        %add3A_1244 = arith.addi %add3A_1243, %scan3A_915 : i32
        %get3A_1245 = arith.constant 1 : i32
        %get3A_1246 = arith.index_cast %get3A_1245 : i32 to index
        %get3A_1247 = arith.index_cast %add3A_1244 : i32 to index
        %get3A_1248 = arith.constant 32 : index
        %get3A_1249 = tpu.vector_load %arg6[%get3A_1246, %get3A_1247, %get3A_1248] {strides = array<i32>} : memref<2x416x128xf32, #tpu.memory_space<vmem>>, vector<1x1x16xf32>,
        %get3A_1250 = vector.shape_cast %get3A_1249 : vector<1x1x16xf32> to vector<16xf32>
        %add3A_1251 = arith.addf %add3A_1242, %get3A_1250 : vector<16xf32>
        %add3A_1252 = arith.constant 352 : i32
        %add3A_1253 = arith.addi %add3A_1252, %scan3A_915 : i32
        %get3A_1254 = arith.constant 1 : i32
        %get3A_1255 = arith.index_cast %get3A_1254 : i32 to index
        %get3A_1256 = arith.index_cast %add3A_1253 : i32 to index
        %get3A_1257 = arith.constant 32 : index
        %get3A_1258 = tpu.vector_load %arg6[%get3A_1255, %get3A_1256, %get3A_1257] {strides = array<i32>} : memref<2x416x128xf32, #tpu.memory_space<vmem>>, vector<1x1x16xf32>,
        %get3A_1259 = vector.shape_cast %get3A_1258 : vector<1x1x16xf32> to vector<16xf32>
        %add3A_1260 = arith.addf %add3A_1251, %get3A_1259 : vector<16xf32>
        %add3A_1261 = arith.constant 384 : i32
        %add3A_1262 = arith.addi %add3A_1261, %scan3A_915 : i32
        %get3A_1263 = arith.constant 1 : i32
        %get3A_1264 = arith.index_cast %get3A_1263 : i32 to index
        %get3A_1265 = arith.index_cast %add3A_1262 : i32 to index
        %get3A_1266 = arith.constant 32 : index
        %get3A_1267 = tpu.vector_load %arg6[%get3A_1264, %get3A_1265, %get3A_1266] {strides = array<i32>} : memref<2x416x128xf32, #tpu.memory_space<vmem>>, vector<1x1x16xf32>,
        %get3A_1268 = vector.shape_cast %get3A_1267 : vector<1x1x16xf32> to vector<16xf32>
        %add3A_1269 = arith.addf %add3A_1260, %get3A_1268 : vector<16xf32>
        %swap3A_1270 = arith.constant 1 : i32
        %swap3A_1271 = arith.index_cast %swap3A_1270 : i32 to index
        %swap3A_1272 = arith.index_cast %scan3A_915 : i32 to index
        %swap3A_1273 = arith.constant 32 : index
        %swap3A_1274 = tpu.vector_load %arg7[%swap3A_1271, %swap3A_1272, %swap3A_1273] {strides = array<i32>} : memref<2x32x128xf32, #tpu.memory_space<vmem>>, vector<1x1x16xf32>,
        %swap3A_1275 = vector.shape_cast %swap3A_1274 : vector<1x1x16xf32> to vector<16xf32>
        %swap3A_1276 = vector.shape_cast %add3A_1269 : vector<16xf32> to vector<1x1x16xf32>
        tpu.vector_store %arg7[%swap3A_1271, %swap3A_1272, %swap3A_1273], %swap3A_1276 {strides = array<i32>} : memref<2x32x128xf32, #tpu.memory_space<vmem>>, vector<1x1x16xf32>,
        %get3A_1277 = arith.constant 1 : i32
        %get3A_1278 = arith.index_cast %get3A_1277 : i32 to index
        %get3A_1279 = arith.index_cast %scan3A_915 : i32 to index
        %get3A_1280 = arith.constant 48 : index
        %get3A_1281 = tpu.vector_load %arg6[%get3A_1278, %get3A_1279, %get3A_1280] {strides = array<i32>} : memref<2x416x128xf32, #tpu.memory_space<vmem>>, vector<1x1x16xf32>,
        %get3A_1282 = vector.shape_cast %get3A_1281 : vector<1x1x16xf32> to vector<16xf32>
        %add3A_1283 = arith.constant 32 : i32
        %add3A_1284 = arith.addi %add3A_1283, %scan3A_915 : i32
        %get3A_1285 = arith.constant 1 : i32
        %get3A_1286 = arith.index_cast %get3A_1285 : i32 to index
        %get3A_1287 = arith.index_cast %add3A_1284 : i32 to index
        %get3A_1288 = arith.constant 48 : index
        %get3A_1289 = tpu.vector_load %arg6[%get3A_1286, %get3A_1287, %get3A_1288] {strides = array<i32>} : memref<2x416x128xf32, #tpu.memory_space<vmem>>, vector<1x1x16xf32>,
        %get3A_1290 = vector.shape_cast %get3A_1289 : vector<1x1x16xf32> to vector<16xf32>
        %add3A_1291 = arith.addf %get3A_1282, %get3A_1290 : vector<16xf32>
        %add3A_1292 = arith.constant 64 : i32
        %add3A_1293 = arith.addi %add3A_1292, %scan3A_915 : i32
        %get3A_1294 = arith.constant 1 : i32
        %get3A_1295 = arith.index_cast %get3A_1294 : i32 to index
        %get3A_1296 = arith.index_cast %add3A_1293 : i32 to index
        %get3A_1297 = arith.constant 48 : index
        %get3A_1298 = tpu.vector_load %arg6[%get3A_1295, %get3A_1296, %get3A_1297] {strides = array<i32>} : memref<2x416x128xf32, #tpu.memory_space<vmem>>, vector<1x1x16xf32>,
        %get3A_1299 = vector.shape_cast %get3A_1298 : vector<1x1x16xf32> to vector<16xf32>
        %add3A_1300 = arith.addf %add3A_1291, %get3A_1299 : vector<16xf32>
        %add3A_1301 = arith.constant 96 : i32
        %add3A_1302 = arith.addi %add3A_1301, %scan3A_915 : i32
        %get3A_1303 = arith.constant 1 : i32
        %get3A_1304 = arith.index_cast %get3A_1303 : i32 to index
        %get3A_1305 = arith.index_cast %add3A_1302 : i32 to index
        %get3A_1306 = arith.constant 48 : index
        %get3A_1307 = tpu.vector_load %arg6[%get3A_1304, %get3A_1305, %get3A_1306] {strides = array<i32>} : memref<2x416x128xf32, #tpu.memory_space<vmem>>, vector<1x1x16xf32>,
        %get3A_1308 = vector.shape_cast %get3A_1307 : vector<1x1x16xf32> to vector<16xf32>
        %add3A_1309 = arith.addf %add3A_1300, %get3A_1308 : vector<16xf32>
        %add3A_1310 = arith.constant 128 : i32
        %add3A_1311 = arith.addi %add3A_1310, %scan3A_915 : i32
        %get3A_1312 = arith.constant 1 : i32
        %get3A_1313 = arith.index_cast %get3A_1312 : i32 to index
        %get3A_1314 = arith.index_cast %add3A_1311 : i32 to index
        %get3A_1315 = arith.constant 48 : index
        %get3A_1316 = tpu.vector_load %arg6[%get3A_1313, %get3A_1314, %get3A_1315] {strides = array<i32>} : memref<2x416x128xf32, #tpu.memory_space<vmem>>, vector<1x1x16xf32>,
        %get3A_1317 = vector.shape_cast %get3A_1316 : vector<1x1x16xf32> to vector<16xf32>
        %add3A_1318 = arith.addf %add3A_1309, %get3A_1317 : vector<16xf32>
        %add3A_1319 = arith.constant 160 : i32
        %add3A_1320 = arith.addi %add3A_1319, %scan3A_915 : i32
        %get3A_1321 = arith.constant 1 : i32
        %get3A_1322 = arith.index_cast %get3A_1321 : i32 to index
        %get3A_1323 = arith.index_cast %add3A_1320 : i32 to index
        %get3A_1324 = arith.constant 48 : index
        %get3A_1325 = tpu.vector_load %arg6[%get3A_1322, %get3A_1323, %get3A_1324] {strides = array<i32>} : memref<2x416x128xf32, #tpu.memory_space<vmem>>, vector<1x1x16xf32>,
        %get3A_1326 = vector.shape_cast %get3A_1325 : vector<1x1x16xf32> to vector<16xf32>
        %add3A_1327 = arith.addf %add3A_1318, %get3A_1326 : vector<16xf32>
        %add3A_1328 = arith.constant 192 : i32
        %add3A_1329 = arith.addi %add3A_1328, %scan3A_915 : i32
        %get3A_1330 = arith.constant 1 : i32
        %get3A_1331 = arith.index_cast %get3A_1330 : i32 to index
        %get3A_1332 = arith.index_cast %add3A_1329 : i32 to index
        %get3A_1333 = arith.constant 48 : index
        %get3A_1334 = tpu.vector_load %arg6[%get3A_1331, %get3A_1332, %get3A_1333] {strides = array<i32>} : memref<2x416x128xf32, #tpu.memory_space<vmem>>, vector<1x1x16xf32>,
        %get3A_1335 = vector.shape_cast %get3A_1334 : vector<1x1x16xf32> to vector<16xf32>
        %add3A_1336 = arith.addf %add3A_1327, %get3A_1335 : vector<16xf32>
        %add3A_1337 = arith.constant 224 : i32
        %add3A_1338 = arith.addi %add3A_1337, %scan3A_915 : i32
        %get3A_1339 = arith.constant 1 : i32
        %get3A_1340 = arith.index_cast %get3A_1339 : i32 to index
        %get3A_1341 = arith.index_cast %add3A_1338 : i32 to index
        %get3A_1342 = arith.constant 48 : index
        %get3A_1343 = tpu.vector_load %arg6[%get3A_1340, %get3A_1341, %get3A_1342] {strides = array<i32>} : memref<2x416x128xf32, #tpu.memory_space<vmem>>, vector<1x1x16xf32>,
        %get3A_1344 = vector.shape_cast %get3A_1343 : vector<1x1x16xf32> to vector<16xf32>
        %add3A_1345 = arith.addf %add3A_1336, %get3A_1344 : vector<16xf32>
        %add3A_1346 = arith.constant 256 : i32
        %add3A_1347 = arith.addi %add3A_1346, %scan3A_915 : i32
        %get3A_1348 = arith.constant 1 : i32
        %get3A_1349 = arith.index_cast %get3A_1348 : i32 to index
        %get3A_1350 = arith.index_cast %add3A_1347 : i32 to index
        %get3A_1351 = arith.constant 48 : index
        %get3A_1352 = tpu.vector_load %arg6[%get3A_1349, %get3A_1350, %get3A_1351] {strides = array<i32>} : memref<2x416x128xf32, #tpu.memory_space<vmem>>, vector<1x1x16xf32>,
        %get3A_1353 = vector.shape_cast %get3A_1352 : vector<1x1x16xf32> to vector<16xf32>
        %add3A_1354 = arith.addf %add3A_1345, %get3A_1353 : vector<16xf32>
        %add3A_1355 = arith.constant 288 : i32
        %add3A_1356 = arith.addi %add3A_1355, %scan3A_915 : i32
        %get3A_1357 = arith.constant 1 : i32
        %get3A_1358 = arith.index_cast %get3A_1357 : i32 to index
        %get3A_1359 = arith.index_cast %add3A_1356 : i32 to index
        %get3A_1360 = arith.constant 48 : index
        %get3A_1361 = tpu.vector_load %arg6[%get3A_1358, %get3A_1359, %get3A_1360] {strides = array<i32>} : memref<2x416x128xf32, #tpu.memory_space<vmem>>, vector<1x1x16xf32>,
        %get3A_1362 = vector.shape_cast %get3A_1361 : vector<1x1x16xf32> to vector<16xf32>
        %add3A_1363 = arith.addf %add3A_1354, %get3A_1362 : vector<16xf32>
        %add3A_1364 = arith.constant 320 : i32
        %add3A_1365 = arith.addi %add3A_1364, %scan3A_915 : i32
        %get3A_1366 = arith.constant 1 : i32
        %get3A_1367 = arith.index_cast %get3A_1366 : i32 to index
        %get3A_1368 = arith.index_cast %add3A_1365 : i32 to index
        %get3A_1369 = arith.constant 48 : index
        %get3A_1370 = tpu.vector_load %arg6[%get3A_1367, %get3A_1368, %get3A_1369] {strides = array<i32>} : memref<2x416x128xf32, #tpu.memory_space<vmem>>, vector<1x1x16xf32>,
        %get3A_1371 = vector.shape_cast %get3A_1370 : vector<1x1x16xf32> to vector<16xf32>
        %add3A_1372 = arith.addf %add3A_1363, %get3A_1371 : vector<16xf32>
        %add3A_1373 = arith.constant 352 : i32
        %add3A_1374 = arith.addi %add3A_1373, %scan3A_915 : i32
        %get3A_1375 = arith.constant 1 : i32
        %get3A_1376 = arith.index_cast %get3A_1375 : i32 to index
        %get3A_1377 = arith.index_cast %add3A_1374 : i32 to index
        %get3A_1378 = arith.constant 48 : index
        %get3A_1379 = tpu.vector_load %arg6[%get3A_1376, %get3A_1377, %get3A_1378] {strides = array<i32>} : memref<2x416x128xf32, #tpu.memory_space<vmem>>, vector<1x1x16xf32>,
        %get3A_1380 = vector.shape_cast %get3A_1379 : vector<1x1x16xf32> to vector<16xf32>
        %add3A_1381 = arith.addf %add3A_1372, %get3A_1380 : vector<16xf32>
        %add3A_1382 = arith.constant 384 : i32
        %add3A_1383 = arith.addi %add3A_1382, %scan3A_915 : i32
        %get3A_1384 = arith.constant 1 : i32
        %get3A_1385 = arith.index_cast %get3A_1384 : i32 to index
        %get3A_1386 = arith.index_cast %add3A_1383 : i32 to index
        %get3A_1387 = arith.constant 48 : index
        %get3A_1388 = tpu.vector_load %arg6[%get3A_1385, %get3A_1386, %get3A_1387] {strides = array<i32>} : memref<2x416x128xf32, #tpu.memory_space<vmem>>, vector<1x1x16xf32>,
        %get3A_1389 = vector.shape_cast %get3A_1388 : vector<1x1x16xf32> to vector<16xf32>
        %add3A_1390 = arith.addf %add3A_1381, %get3A_1389 : vector<16xf32>
        %swap3A_1391 = arith.constant 1 : i32
        %swap3A_1392 = arith.index_cast %swap3A_1391 : i32 to index
        %swap3A_1393 = arith.index_cast %scan3A_915 : i32 to index
        %swap3A_1394 = arith.constant 48 : index
        %swap3A_1395 = tpu.vector_load %arg7[%swap3A_1392, %swap3A_1393, %swap3A_1394] {strides = array<i32>} : memref<2x32x128xf32, #tpu.memory_space<vmem>>, vector<1x1x16xf32>,
        %swap3A_1396 = vector.shape_cast %swap3A_1395 : vector<1x1x16xf32> to vector<16xf32>
        %swap3A_1397 = vector.shape_cast %add3A_1390 : vector<16xf32> to vector<1x1x16xf32>
        tpu.vector_store %arg7[%swap3A_1392, %swap3A_1393, %swap3A_1394], %swap3A_1397 {strides = array<i32>} : memref<2x32x128xf32, #tpu.memory_space<vmem>>, vector<1x1x16xf32>,
        %get3A_1398 = arith.constant 1 : i32
        %get3A_1399 = arith.index_cast %get3A_1398 : i32 to index
        %get3A_1400 = arith.index_cast %scan3A_915 : i32 to index
        %get3A_1401 = arith.constant 64 : index
        %get3A_1402 = tpu.vector_load %arg6[%get3A_1399, %get3A_1400, %get3A_1401] {strides = array<i32>} : memref<2x416x128xf32, #tpu.memory_space<vmem>>, vector<1x1x16xf32>,
        %get3A_1403 = vector.shape_cast %get3A_1402 : vector<1x1x16xf32> to vector<16xf32>
        %add3A_1404 = arith.constant 32 : i32
        %add3A_1405 = arith.addi %add3A_1404, %scan3A_915 : i32
        %get3A_1406 = arith.constant 1 : i32
        %get3A_1407 = arith.index_cast %get3A_1406 : i32 to index
        %get3A_1408 = arith.index_cast %add3A_1405 : i32 to index
        %get3A_1409 = arith.constant 64 : index
        %get3A_1410 = tpu.vector_load %arg6[%get3A_1407, %get3A_1408, %get3A_1409] {strides = array<i32>} : memref<2x416x128xf32, #tpu.memory_space<vmem>>, vector<1x1x16xf32>,
        %get3A_1411 = vector.shape_cast %get3A_1410 : vector<1x1x16xf32> to vector<16xf32>
        %add3A_1412 = arith.addf %get3A_1403, %get3A_1411 : vector<16xf32>
        %add3A_1413 = arith.constant 64 : i32
        %add3A_1414 = arith.addi %add3A_1413, %scan3A_915 : i32
        %get3A_1415 = arith.constant 1 : i32
        %get3A_1416 = arith.index_cast %get3A_1415 : i32 to index
        %get3A_1417 = arith.index_cast %add3A_1414 : i32 to index
        %get3A_1418 = arith.constant 64 : index
        %get3A_1419 = tpu.vector_load %arg6[%get3A_1416, %get3A_1417, %get3A_1418] {strides = array<i32>} : memref<2x416x128xf32, #tpu.memory_space<vmem>>, vector<1x1x16xf32>,
        %get3A_1420 = vector.shape_cast %get3A_1419 : vector<1x1x16xf32> to vector<16xf32>
        %add3A_1421 = arith.addf %add3A_1412, %get3A_1420 : vector<16xf32>
        %add3A_1422 = arith.constant 96 : i32
        %add3A_1423 = arith.addi %add3A_1422, %scan3A_915 : i32
        %get3A_1424 = arith.constant 1 : i32
        %get3A_1425 = arith.index_cast %get3A_1424 : i32 to index
        %get3A_1426 = arith.index_cast %add3A_1423 : i32 to index
        %get3A_1427 = arith.constant 64 : index
        %get3A_1428 = tpu.vector_load %arg6[%get3A_1425, %get3A_1426, %get3A_1427] {strides = array<i32>} : memref<2x416x128xf32, #tpu.memory_space<vmem>>, vector<1x1x16xf32>,
        %get3A_1429 = vector.shape_cast %get3A_1428 : vector<1x1x16xf32> to vector<16xf32>
        %add3A_1430 = arith.addf %add3A_1421, %get3A_1429 : vector<16xf32>
        %add3A_1431 = arith.constant 128 : i32
        %add3A_1432 = arith.addi %add3A_1431, %scan3A_915 : i32
        %get3A_1433 = arith.constant 1 : i32
        %get3A_1434 = arith.index_cast %get3A_1433 : i32 to index
        %get3A_1435 = arith.index_cast %add3A_1432 : i32 to index
        %get3A_1436 = arith.constant 64 : index
        %get3A_1437 = tpu.vector_load %arg6[%get3A_1434, %get3A_1435, %get3A_1436] {strides = array<i32>} : memref<2x416x128xf32, #tpu.memory_space<vmem>>, vector<1x1x16xf32>,
        %get3A_1438 = vector.shape_cast %get3A_1437 : vector<1x1x16xf32> to vector<16xf32>
        %add3A_1439 = arith.addf %add3A_1430, %get3A_1438 : vector<16xf32>
        %add3A_1440 = arith.constant 160 : i32
        %add3A_1441 = arith.addi %add3A_1440, %scan3A_915 : i32
        %get3A_1442 = arith.constant 1 : i32
        %get3A_1443 = arith.index_cast %get3A_1442 : i32 to index
        %get3A_1444 = arith.index_cast %add3A_1441 : i32 to index
        %get3A_1445 = arith.constant 64 : index
        %get3A_1446 = tpu.vector_load %arg6[%get3A_1443, %get3A_1444, %get3A_1445] {strides = array<i32>} : memref<2x416x128xf32, #tpu.memory_space<vmem>>, vector<1x1x16xf32>,
        %get3A_1447 = vector.shape_cast %get3A_1446 : vector<1x1x16xf32> to vector<16xf32>
        %add3A_1448 = arith.addf %add3A_1439, %get3A_1447 : vector<16xf32>
        %add3A_1449 = arith.constant 192 : i32
        %add3A_1450 = arith.addi %add3A_1449, %scan3A_915 : i32
        %get3A_1451 = arith.constant 1 : i32
        %get3A_1452 = arith.index_cast %get3A_1451 : i32 to index
        %get3A_1453 = arith.index_cast %add3A_1450 : i32 to index
        %get3A_1454 = arith.constant 64 : index
        %get3A_1455 = tpu.vector_load %arg6[%get3A_1452, %get3A_1453, %get3A_1454] {strides = array<i32>} : memref<2x416x128xf32, #tpu.memory_space<vmem>>, vector<1x1x16xf32>,
        %get3A_1456 = vector.shape_cast %get3A_1455 : vector<1x1x16xf32> to vector<16xf32>
        %add3A_1457 = arith.addf %add3A_1448, %get3A_1456 : vector<16xf32>
        %add3A_1458 = arith.constant 224 : i32
        %add3A_1459 = arith.addi %add3A_1458, %scan3A_915 : i32
        %get3A_1460 = arith.constant 1 : i32
        %get3A_1461 = arith.index_cast %get3A_1460 : i32 to index
        %get3A_1462 = arith.index_cast %add3A_1459 : i32 to index
        %get3A_1463 = arith.constant 64 : index
        %get3A_1464 = tpu.vector_load %arg6[%get3A_1461, %get3A_1462, %get3A_1463] {strides = array<i32>} : memref<2x416x128xf32, #tpu.memory_space<vmem>>, vector<1x1x16xf32>,
        %get3A_1465 = vector.shape_cast %get3A_1464 : vector<1x1x16xf32> to vector<16xf32>
        %add3A_1466 = arith.addf %add3A_1457, %get3A_1465 : vector<16xf32>
        %add3A_1467 = arith.constant 256 : i32
        %add3A_1468 = arith.addi %add3A_1467, %scan3A_915 : i32
        %get3A_1469 = arith.constant 1 : i32
        %get3A_1470 = arith.index_cast %get3A_1469 : i32 to index
        %get3A_1471 = arith.index_cast %add3A_1468 : i32 to index
        %get3A_1472 = arith.constant 64 : index
        %get3A_1473 = tpu.vector_load %arg6[%get3A_1470, %get3A_1471, %get3A_1472] {strides = array<i32>} : memref<2x416x128xf32, #tpu.memory_space<vmem>>, vector<1x1x16xf32>,
        %get3A_1474 = vector.shape_cast %get3A_1473 : vector<1x1x16xf32> to vector<16xf32>
        %add3A_1475 = arith.addf %add3A_1466, %get3A_1474 : vector<16xf32>
        %add3A_1476 = arith.constant 288 : i32
        %add3A_1477 = arith.addi %add3A_1476, %scan3A_915 : i32
        %get3A_1478 = arith.constant 1 : i32
        %get3A_1479 = arith.index_cast %get3A_1478 : i32 to index
        %get3A_1480 = arith.index_cast %add3A_1477 : i32 to index
        %get3A_1481 = arith.constant 64 : index
        %get3A_1482 = tpu.vector_load %arg6[%get3A_1479, %get3A_1480, %get3A_1481] {strides = array<i32>} : memref<2x416x128xf32, #tpu.memory_space<vmem>>, vector<1x1x16xf32>,
        %get3A_1483 = vector.shape_cast %get3A_1482 : vector<1x1x16xf32> to vector<16xf32>
        %add3A_1484 = arith.addf %add3A_1475, %get3A_1483 : vector<16xf32>
        %add3A_1485 = arith.constant 320 : i32
        %add3A_1486 = arith.addi %add3A_1485, %scan3A_915 : i32
        %get3A_1487 = arith.constant 1 : i32
        %get3A_1488 = arith.index_cast %get3A_1487 : i32 to index
        %get3A_1489 = arith.index_cast %add3A_1486 : i32 to index
        %get3A_1490 = arith.constant 64 : index
        %get3A_1491 = tpu.vector_load %arg6[%get3A_1488, %get3A_1489, %get3A_1490] {strides = array<i32>} : memref<2x416x128xf32, #tpu.memory_space<vmem>>, vector<1x1x16xf32>,
        %get3A_1492 = vector.shape_cast %get3A_1491 : vector<1x1x16xf32> to vector<16xf32>
        %add3A_1493 = arith.addf %add3A_1484, %get3A_1492 : vector<16xf32>
        %add3A_1494 = arith.constant 352 : i32
        %add3A_1495 = arith.addi %add3A_1494, %scan3A_915 : i32
        %get3A_1496 = arith.constant 1 : i32
        %get3A_1497 = arith.index_cast %get3A_1496 : i32 to index
        %get3A_1498 = arith.index_cast %add3A_1495 : i32 to index
        %get3A_1499 = arith.constant 64 : index
        %get3A_1500 = tpu.vector_load %arg6[%get3A_1497, %get3A_1498, %get3A_1499] {strides = array<i32>} : memref<2x416x128xf32, #tpu.memory_space<vmem>>, vector<1x1x16xf32>,
        %get3A_1501 = vector.shape_cast %get3A_1500 : vector<1x1x16xf32> to vector<16xf32>
        %add3A_1502 = arith.addf %add3A_1493, %get3A_1501 : vector<16xf32>
        %add3A_1503 = arith.constant 384 : i32
        %add3A_1504 = arith.addi %add3A_1503, %scan3A_915 : i32
        %get3A_1505 = arith.constant 1 : i32
        %get3A_1506 = arith.index_cast %get3A_1505 : i32 to index
        %get3A_1507 = arith.index_cast %add3A_1504 : i32 to index
        %get3A_1508 = arith.constant 64 : index
        %get3A_1509 = tpu.vector_load %arg6[%get3A_1506, %get3A_1507, %get3A_1508] {strides = array<i32>} : memref<2x416x128xf32, #tpu.memory_space<vmem>>, vector<1x1x16xf32>,
        %get3A_1510 = vector.shape_cast %get3A_1509 : vector<1x1x16xf32> to vector<16xf32>
        %add3A_1511 = arith.addf %add3A_1502, %get3A_1510 : vector<16xf32>
        %swap3A_1512 = arith.constant 1 : i32
        %swap3A_1513 = arith.index_cast %swap3A_1512 : i32 to index
        %swap3A_1514 = arith.index_cast %scan3A_915 : i32 to index
        %swap3A_1515 = arith.constant 64 : index
        %swap3A_1516 = tpu.vector_load %arg7[%swap3A_1513, %swap3A_1514, %swap3A_1515] {strides = array<i32>} : memref<2x32x128xf32, #tpu.memory_space<vmem>>, vector<1x1x16xf32>,
        %swap3A_1517 = vector.shape_cast %swap3A_1516 : vector<1x1x16xf32> to vector<16xf32>
        %swap3A_1518 = vector.shape_cast %add3A_1511 : vector<16xf32> to vector<1x1x16xf32>
        tpu.vector_store %arg7[%swap3A_1513, %swap3A_1514, %swap3A_1515], %swap3A_1518 {strides = array<i32>} : memref<2x32x128xf32, #tpu.memory_space<vmem>>, vector<1x1x16xf32>,
        %get3A_1519 = arith.constant 1 : i32
        %get3A_1520 = arith.index_cast %get3A_1519 : i32 to index
        %get3A_1521 = arith.index_cast %scan3A_915 : i32 to index
        %get3A_1522 = arith.constant 80 : index
        %get3A_1523 = tpu.vector_load %arg6[%get3A_1520, %get3A_1521, %get3A_1522] {strides = array<i32>} : memref<2x416x128xf32, #tpu.memory_space<vmem>>, vector<1x1x16xf32>,
        %get3A_1524 = vector.shape_cast %get3A_1523 : vector<1x1x16xf32> to vector<16xf32>
        %add3A_1525 = arith.constant 32 : i32
        %add3A_1526 = arith.addi %add3A_1525, %scan3A_915 : i32
        %get3A_1527 = arith.constant 1 : i32
        %get3A_1528 = arith.index_cast %get3A_1527 : i32 to index
        %get3A_1529 = arith.index_cast %add3A_1526 : i32 to index
        %get3A_1530 = arith.constant 80 : index
        %get3A_1531 = tpu.vector_load %arg6[%get3A_1528, %get3A_1529, %get3A_1530] {strides = array<i32>} : memref<2x416x128xf32, #tpu.memory_space<vmem>>, vector<1x1x16xf32>,
        %get3A_1532 = vector.shape_cast %get3A_1531 : vector<1x1x16xf32> to vector<16xf32>
        %add3A_1533 = arith.addf %get3A_1524, %get3A_1532 : vector<16xf32>
        %add3A_1534 = arith.constant 64 : i32
        %add3A_1535 = arith.addi %add3A_1534, %scan3A_915 : i32
        %get3A_1536 = arith.constant 1 : i32
        %get3A_1537 = arith.index_cast %get3A_1536 : i32 to index
        %get3A_1538 = arith.index_cast %add3A_1535 : i32 to index
        %get3A_1539 = arith.constant 80 : index
        %get3A_1540 = tpu.vector_load %arg6[%get3A_1537, %get3A_1538, %get3A_1539] {strides = array<i32>} : memref<2x416x128xf32, #tpu.memory_space<vmem>>, vector<1x1x16xf32>,
        %get3A_1541 = vector.shape_cast %get3A_1540 : vector<1x1x16xf32> to vector<16xf32>
        %add3A_1542 = arith.addf %add3A_1533, %get3A_1541 : vector<16xf32>
        %add3A_1543 = arith.constant 96 : i32
        %add3A_1544 = arith.addi %add3A_1543, %scan3A_915 : i32
        %get3A_1545 = arith.constant 1 : i32
        %get3A_1546 = arith.index_cast %get3A_1545 : i32 to index
        %get3A_1547 = arith.index_cast %add3A_1544 : i32 to index
        %get3A_1548 = arith.constant 80 : index
        %get3A_1549 = tpu.vector_load %arg6[%get3A_1546, %get3A_1547, %get3A_1548] {strides = array<i32>} : memref<2x416x128xf32, #tpu.memory_space<vmem>>, vector<1x1x16xf32>,
        %get3A_1550 = vector.shape_cast %get3A_1549 : vector<1x1x16xf32> to vector<16xf32>
        %add3A_1551 = arith.addf %add3A_1542, %get3A_1550 : vector<16xf32>
        %add3A_1552 = arith.constant 128 : i32
        %add3A_1553 = arith.addi %add3A_1552, %scan3A_915 : i32
        %get3A_1554 = arith.constant 1 : i32
        %get3A_1555 = arith.index_cast %get3A_1554 : i32 to index
        %get3A_1556 = arith.index_cast %add3A_1553 : i32 to index
        %get3A_1557 = arith.constant 80 : index
        %get3A_1558 = tpu.vector_load %arg6[%get3A_1555, %get3A_1556, %get3A_1557] {strides = array<i32>} : memref<2x416x128xf32, #tpu.memory_space<vmem>>, vector<1x1x16xf32>,
        %get3A_1559 = vector.shape_cast %get3A_1558 : vector<1x1x16xf32> to vector<16xf32>
        %add3A_1560 = arith.addf %add3A_1551, %get3A_1559 : vector<16xf32>
        %add3A_1561 = arith.constant 160 : i32
        %add3A_1562 = arith.addi %add3A_1561, %scan3A_915 : i32
        %get3A_1563 = arith.constant 1 : i32
        %get3A_1564 = arith.index_cast %get3A_1563 : i32 to index
        %get3A_1565 = arith.index_cast %add3A_1562 : i32 to index
        %get3A_1566 = arith.constant 80 : index
        %get3A_1567 = tpu.vector_load %arg6[%get3A_1564, %get3A_1565, %get3A_1566] {strides = array<i32>} : memref<2x416x128xf32, #tpu.memory_space<vmem>>, vector<1x1x16xf32>,
        %get3A_1568 = vector.shape_cast %get3A_1567 : vector<1x1x16xf32> to vector<16xf32>
        %add3A_1569 = arith.addf %add3A_1560, %get3A_1568 : vector<16xf32>
        %add3A_1570 = arith.constant 192 : i32
        %add3A_1571 = arith.addi %add3A_1570, %scan3A_915 : i32
        %get3A_1572 = arith.constant 1 : i32
        %get3A_1573 = arith.index_cast %get3A_1572 : i32 to index
        %get3A_1574 = arith.index_cast %add3A_1571 : i32 to index
        %get3A_1575 = arith.constant 80 : index
        %get3A_1576 = tpu.vector_load %arg6[%get3A_1573, %get3A_1574, %get3A_1575] {strides = array<i32>} : memref<2x416x128xf32, #tpu.memory_space<vmem>>, vector<1x1x16xf32>,
        %get3A_1577 = vector.shape_cast %get3A_1576 : vector<1x1x16xf32> to vector<16xf32>
        %add3A_1578 = arith.addf %add3A_1569, %get3A_1577 : vector<16xf32>
        %add3A_1579 = arith.constant 224 : i32
        %add3A_1580 = arith.addi %add3A_1579, %scan3A_915 : i32
        %get3A_1581 = arith.constant 1 : i32
        %get3A_1582 = arith.index_cast %get3A_1581 : i32 to index
        %get3A_1583 = arith.index_cast %add3A_1580 : i32 to index
        %get3A_1584 = arith.constant 80 : index
        %get3A_1585 = tpu.vector_load %arg6[%get3A_1582, %get3A_1583, %get3A_1584] {strides = array<i32>} : memref<2x416x128xf32, #tpu.memory_space<vmem>>, vector<1x1x16xf32>,
        %get3A_1586 = vector.shape_cast %get3A_1585 : vector<1x1x16xf32> to vector<16xf32>
        %add3A_1587 = arith.addf %add3A_1578, %get3A_1586 : vector<16xf32>
        %add3A_1588 = arith.constant 256 : i32
        %add3A_1589 = arith.addi %add3A_1588, %scan3A_915 : i32
        %get3A_1590 = arith.constant 1 : i32
        %get3A_1591 = arith.index_cast %get3A_1590 : i32 to index
        %get3A_1592 = arith.index_cast %add3A_1589 : i32 to index
        %get3A_1593 = arith.constant 80 : index
        %get3A_1594 = tpu.vector_load %arg6[%get3A_1591, %get3A_1592, %get3A_1593] {strides = array<i32>} : memref<2x416x128xf32, #tpu.memory_space<vmem>>, vector<1x1x16xf32>,
        %get3A_1595 = vector.shape_cast %get3A_1594 : vector<1x1x16xf32> to vector<16xf32>
        %add3A_1596 = arith.addf %add3A_1587, %get3A_1595 : vector<16xf32>
        %add3A_1597 = arith.constant 288 : i32
        %add3A_1598 = arith.addi %add3A_1597, %scan3A_915 : i32
        %get3A_1599 = arith.constant 1 : i32
        %get3A_1600 = arith.index_cast %get3A_1599 : i32 to index
        %get3A_1601 = arith.index_cast %add3A_1598 : i32 to index
        %get3A_1602 = arith.constant 80 : index
        %get3A_1603 = tpu.vector_load %arg6[%get3A_1600, %get3A_1601, %get3A_1602] {strides = array<i32>} : memref<2x416x128xf32, #tpu.memory_space<vmem>>, vector<1x1x16xf32>,
        %get3A_1604 = vector.shape_cast %get3A_1603 : vector<1x1x16xf32> to vector<16xf32>
        %add3A_1605 = arith.addf %add3A_1596, %get3A_1604 : vector<16xf32>
        %add3A_1606 = arith.constant 320 : i32
        %add3A_1607 = arith.addi %add3A_1606, %scan3A_915 : i32
        %get3A_1608 = arith.constant 1 : i32
        %get3A_1609 = arith.index_cast %get3A_1608 : i32 to index
        %get3A_1610 = arith.index_cast %add3A_1607 : i32 to index
        %get3A_1611 = arith.constant 80 : index
        %get3A_1612 = tpu.vector_load %arg6[%get3A_1609, %get3A_1610, %get3A_1611] {strides = array<i32>} : memref<2x416x128xf32, #tpu.memory_space<vmem>>, vector<1x1x16xf32>,
        %get3A_1613 = vector.shape_cast %get3A_1612 : vector<1x1x16xf32> to vector<16xf32>
        %add3A_1614 = arith.addf %add3A_1605, %get3A_1613 : vector<16xf32>
        %add3A_1615 = arith.constant 352 : i32
        %add3A_1616 = arith.addi %add3A_1615, %scan3A_915 : i32
        %get3A_1617 = arith.constant 1 : i32
        %get3A_1618 = arith.index_cast %get3A_1617 : i32 to index
        %get3A_1619 = arith.index_cast %add3A_1616 : i32 to index
        %get3A_1620 = arith.constant 80 : index
        %get3A_1621 = tpu.vector_load %arg6[%get3A_1618, %get3A_1619, %get3A_1620] {strides = array<i32>} : memref<2x416x128xf32, #tpu.memory_space<vmem>>, vector<1x1x16xf32>,
        %get3A_1622 = vector.shape_cast %get3A_1621 : vector<1x1x16xf32> to vector<16xf32>
        %add3A_1623 = arith.addf %add3A_1614, %get3A_1622 : vector<16xf32>
        %add3A_1624 = arith.constant 384 : i32
        %add3A_1625 = arith.addi %add3A_1624, %scan3A_915 : i32
        %get3A_1626 = arith.constant 1 : i32
        %get3A_1627 = arith.index_cast %get3A_1626 : i32 to index
        %get3A_1628 = arith.index_cast %add3A_1625 : i32 to index
        %get3A_1629 = arith.constant 80 : index
        %get3A_1630 = tpu.vector_load %arg6[%get3A_1627, %get3A_1628, %get3A_1629] {strides = array<i32>} : memref<2x416x128xf32, #tpu.memory_space<vmem>>, vector<1x1x16xf32>,
        %get3A_1631 = vector.shape_cast %get3A_1630 : vector<1x1x16xf32> to vector<16xf32>
        %add3A_1632 = arith.addf %add3A_1623, %get3A_1631 : vector<16xf32>
        %swap3A_1633 = arith.constant 1 : i32
        %swap3A_1634 = arith.index_cast %swap3A_1633 : i32 to index
        %swap3A_1635 = arith.index_cast %scan3A_915 : i32 to index
        %swap3A_1636 = arith.constant 80 : index
        %swap3A_1637 = tpu.vector_load %arg7[%swap3A_1634, %swap3A_1635, %swap3A_1636] {strides = array<i32>} : memref<2x32x128xf32, #tpu.memory_space<vmem>>, vector<1x1x16xf32>,
        %swap3A_1638 = vector.shape_cast %swap3A_1637 : vector<1x1x16xf32> to vector<16xf32>
        %swap3A_1639 = vector.shape_cast %add3A_1632 : vector<16xf32> to vector<1x1x16xf32>
        tpu.vector_store %arg7[%swap3A_1634, %swap3A_1635, %swap3A_1636], %swap3A_1639 {strides = array<i32>} : memref<2x32x128xf32, #tpu.memory_space<vmem>>, vector<1x1x16xf32>,
        %get3A_1640 = arith.constant 1 : i32
        %get3A_1641 = arith.index_cast %get3A_1640 : i32 to index
        %get3A_1642 = arith.index_cast %scan3A_915 : i32 to index
        %get3A_1643 = arith.constant 96 : index
        %get3A_1644 = tpu.vector_load %arg6[%get3A_1641, %get3A_1642, %get3A_1643] {strides = array<i32>} : memref<2x416x128xf32, #tpu.memory_space<vmem>>, vector<1x1x16xf32>,
        %get3A_1645 = vector.shape_cast %get3A_1644 : vector<1x1x16xf32> to vector<16xf32>
        %add3A_1646 = arith.constant 32 : i32
        %add3A_1647 = arith.addi %add3A_1646, %scan3A_915 : i32
        %get3A_1648 = arith.constant 1 : i32
        %get3A_1649 = arith.index_cast %get3A_1648 : i32 to index
        %get3A_1650 = arith.index_cast %add3A_1647 : i32 to index
        %get3A_1651 = arith.constant 96 : index
        %get3A_1652 = tpu.vector_load %arg6[%get3A_1649, %get3A_1650, %get3A_1651] {strides = array<i32>} : memref<2x416x128xf32, #tpu.memory_space<vmem>>, vector<1x1x16xf32>,
        %get3A_1653 = vector.shape_cast %get3A_1652 : vector<1x1x16xf32> to vector<16xf32>
        %add3A_1654 = arith.addf %get3A_1645, %get3A_1653 : vector<16xf32>
        %add3A_1655 = arith.constant 64 : i32
        %add3A_1656 = arith.addi %add3A_1655, %scan3A_915 : i32
        %get3A_1657 = arith.constant 1 : i32
        %get3A_1658 = arith.index_cast %get3A_1657 : i32 to index
        %get3A_1659 = arith.index_cast %add3A_1656 : i32 to index
        %get3A_1660 = arith.constant 96 : index
        %get3A_1661 = tpu.vector_load %arg6[%get3A_1658, %get3A_1659, %get3A_1660] {strides = array<i32>} : memref<2x416x128xf32, #tpu.memory_space<vmem>>, vector<1x1x16xf32>,
        %get3A_1662 = vector.shape_cast %get3A_1661 : vector<1x1x16xf32> to vector<16xf32>
        %add3A_1663 = arith.addf %add3A_1654, %get3A_1662 : vector<16xf32>
        %add3A_1664 = arith.constant 96 : i32
        %add3A_1665 = arith.addi %add3A_1664, %scan3A_915 : i32
        %get3A_1666 = arith.constant 1 : i32
        %get3A_1667 = arith.index_cast %get3A_1666 : i32 to index
        %get3A_1668 = arith.index_cast %add3A_1665 : i32 to index
        %get3A_1669 = arith.constant 96 : index
        %get3A_1670 = tpu.vector_load %arg6[%get3A_1667, %get3A_1668, %get3A_1669] {strides = array<i32>} : memref<2x416x128xf32, #tpu.memory_space<vmem>>, vector<1x1x16xf32>,
        %get3A_1671 = vector.shape_cast %get3A_1670 : vector<1x1x16xf32> to vector<16xf32>
        %add3A_1672 = arith.addf %add3A_1663, %get3A_1671 : vector<16xf32>
        %add3A_1673 = arith.constant 128 : i32
        %add3A_1674 = arith.addi %add3A_1673, %scan3A_915 : i32
        %get3A_1675 = arith.constant 1 : i32
        %get3A_1676 = arith.index_cast %get3A_1675 : i32 to index
        %get3A_1677 = arith.index_cast %add3A_1674 : i32 to index
        %get3A_1678 = arith.constant 96 : index
        %get3A_1679 = tpu.vector_load %arg6[%get3A_1676, %get3A_1677, %get3A_1678] {strides = array<i32>} : memref<2x416x128xf32, #tpu.memory_space<vmem>>, vector<1x1x16xf32>,
        %get3A_1680 = vector.shape_cast %get3A_1679 : vector<1x1x16xf32> to vector<16xf32>
        %add3A_1681 = arith.addf %add3A_1672, %get3A_1680 : vector<16xf32>
        %add3A_1682 = arith.constant 160 : i32
        %add3A_1683 = arith.addi %add3A_1682, %scan3A_915 : i32
        %get3A_1684 = arith.constant 1 : i32
        %get3A_1685 = arith.index_cast %get3A_1684 : i32 to index
        %get3A_1686 = arith.index_cast %add3A_1683 : i32 to index
        %get3A_1687 = arith.constant 96 : index
        %get3A_1688 = tpu.vector_load %arg6[%get3A_1685, %get3A_1686, %get3A_1687] {strides = array<i32>} : memref<2x416x128xf32, #tpu.memory_space<vmem>>, vector<1x1x16xf32>,
        %get3A_1689 = vector.shape_cast %get3A_1688 : vector<1x1x16xf32> to vector<16xf32>
        %add3A_1690 = arith.addf %add3A_1681, %get3A_1689 : vector<16xf32>
        %add3A_1691 = arith.constant 192 : i32
        %add3A_1692 = arith.addi %add3A_1691, %scan3A_915 : i32
        %get3A_1693 = arith.constant 1 : i32
        %get3A_1694 = arith.index_cast %get3A_1693 : i32 to index
        %get3A_1695 = arith.index_cast %add3A_1692 : i32 to index
        %get3A_1696 = arith.constant 96 : index
        %get3A_1697 = tpu.vector_load %arg6[%get3A_1694, %get3A_1695, %get3A_1696] {strides = array<i32>} : memref<2x416x128xf32, #tpu.memory_space<vmem>>, vector<1x1x16xf32>,
        %get3A_1698 = vector.shape_cast %get3A_1697 : vector<1x1x16xf32> to vector<16xf32>
        %add3A_1699 = arith.addf %add3A_1690, %get3A_1698 : vector<16xf32>
        %add3A_1700 = arith.constant 224 : i32
        %add3A_1701 = arith.addi %add3A_1700, %scan3A_915 : i32
        %get3A_1702 = arith.constant 1 : i32
        %get3A_1703 = arith.index_cast %get3A_1702 : i32 to index
        %get3A_1704 = arith.index_cast %add3A_1701 : i32 to index
        %get3A_1705 = arith.constant 96 : index
        %get3A_1706 = tpu.vector_load %arg6[%get3A_1703, %get3A_1704, %get3A_1705] {strides = array<i32>} : memref<2x416x128xf32, #tpu.memory_space<vmem>>, vector<1x1x16xf32>,
        %get3A_1707 = vector.shape_cast %get3A_1706 : vector<1x1x16xf32> to vector<16xf32>
        %add3A_1708 = arith.addf %add3A_1699, %get3A_1707 : vector<16xf32>
        %add3A_1709 = arith.constant 256 : i32
        %add3A_1710 = arith.addi %add3A_1709, %scan3A_915 : i32
        %get3A_1711 = arith.constant 1 : i32
        %get3A_1712 = arith.index_cast %get3A_1711 : i32 to index
        %get3A_1713 = arith.index_cast %add3A_1710 : i32 to index
        %get3A_1714 = arith.constant 96 : index
        %get3A_1715 = tpu.vector_load %arg6[%get3A_1712, %get3A_1713, %get3A_1714] {strides = array<i32>} : memref<2x416x128xf32, #tpu.memory_space<vmem>>, vector<1x1x16xf32>,
        %get3A_1716 = vector.shape_cast %get3A_1715 : vector<1x1x16xf32> to vector<16xf32>
        %add3A_1717 = arith.addf %add3A_1708, %get3A_1716 : vector<16xf32>
        %add3A_1718 = arith.constant 288 : i32
        %add3A_1719 = arith.addi %add3A_1718, %scan3A_915 : i32
        %get3A_1720 = arith.constant 1 : i32
        %get3A_1721 = arith.index_cast %get3A_1720 : i32 to index
        %get3A_1722 = arith.index_cast %add3A_1719 : i32 to index
        %get3A_1723 = arith.constant 96 : index
        %get3A_1724 = tpu.vector_load %arg6[%get3A_1721, %get3A_1722, %get3A_1723] {strides = array<i32>} : memref<2x416x128xf32, #tpu.memory_space<vmem>>, vector<1x1x16xf32>,
        %get3A_1725 = vector.shape_cast %get3A_1724 : vector<1x1x16xf32> to vector<16xf32>
        %add3A_1726 = arith.addf %add3A_1717, %get3A_1725 : vector<16xf32>
        %add3A_1727 = arith.constant 320 : i32
        %add3A_1728 = arith.addi %add3A_1727, %scan3A_915 : i32
        %get3A_1729 = arith.constant 1 : i32
        %get3A_1730 = arith.index_cast %get3A_1729 : i32 to index
        %get3A_1731 = arith.index_cast %add3A_1728 : i32 to index
        %get3A_1732 = arith.constant 96 : index
        %get3A_1733 = tpu.vector_load %arg6[%get3A_1730, %get3A_1731, %get3A_1732] {strides = array<i32>} : memref<2x416x128xf32, #tpu.memory_space<vmem>>, vector<1x1x16xf32>,
        %get3A_1734 = vector.shape_cast %get3A_1733 : vector<1x1x16xf32> to vector<16xf32>
        %add3A_1735 = arith.addf %add3A_1726, %get3A_1734 : vector<16xf32>
        %add3A_1736 = arith.constant 352 : i32
        %add3A_1737 = arith.addi %add3A_1736, %scan3A_915 : i32
        %get3A_1738 = arith.constant 1 : i32
        %get3A_1739 = arith.index_cast %get3A_1738 : i32 to index
        %get3A_1740 = arith.index_cast %add3A_1737 : i32 to index
        %get3A_1741 = arith.constant 96 : index
        %get3A_1742 = tpu.vector_load %arg6[%get3A_1739, %get3A_1740, %get3A_1741] {strides = array<i32>} : memref<2x416x128xf32, #tpu.memory_space<vmem>>, vector<1x1x16xf32>,
        %get3A_1743 = vector.shape_cast %get3A_1742 : vector<1x1x16xf32> to vector<16xf32>
        %add3A_1744 = arith.addf %add3A_1735, %get3A_1743 : vector<16xf32>
        %add3A_1745 = arith.constant 384 : i32
        %add3A_1746 = arith.addi %add3A_1745, %scan3A_915 : i32
        %get3A_1747 = arith.constant 1 : i32
        %get3A_1748 = arith.index_cast %get3A_1747 : i32 to index
        %get3A_1749 = arith.index_cast %add3A_1746 : i32 to index
        %get3A_1750 = arith.constant 96 : index
        %get3A_1751 = tpu.vector_load %arg6[%get3A_1748, %get3A_1749, %get3A_1750] {strides = array<i32>} : memref<2x416x128xf32, #tpu.memory_space<vmem>>, vector<1x1x16xf32>,
        %get3A_1752 = vector.shape_cast %get3A_1751 : vector<1x1x16xf32> to vector<16xf32>
        %add3A_1753 = arith.addf %add3A_1744, %get3A_1752 : vector<16xf32>
        %swap3A_1754 = arith.constant 1 : i32
        %swap3A_1755 = arith.index_cast %swap3A_1754 : i32 to index
        %swap3A_1756 = arith.index_cast %scan3A_915 : i32 to index
        %swap3A_1757 = arith.constant 96 : index
        %swap3A_1758 = tpu.vector_load %arg7[%swap3A_1755, %swap3A_1756, %swap3A_1757] {strides = array<i32>} : memref<2x32x128xf32, #tpu.memory_space<vmem>>, vector<1x1x16xf32>,
        %swap3A_1759 = vector.shape_cast %swap3A_1758 : vector<1x1x16xf32> to vector<16xf32>
        %swap3A_1760 = vector.shape_cast %add3A_1753 : vector<16xf32> to vector<1x1x16xf32>
        tpu.vector_store %arg7[%swap3A_1755, %swap3A_1756, %swap3A_1757], %swap3A_1760 {strides = array<i32>} : memref<2x32x128xf32, #tpu.memory_space<vmem>>, vector<1x1x16xf32>,
        %get3A_1761 = arith.constant 1 : i32
        %get3A_1762 = arith.index_cast %get3A_1761 : i32 to index
        %get3A_1763 = arith.index_cast %scan3A_915 : i32 to index
        %get3A_1764 = arith.constant 112 : index
        %get3A_1765 = tpu.vector_load %arg6[%get3A_1762, %get3A_1763, %get3A_1764] {strides = array<i32>} : memref<2x416x128xf32, #tpu.memory_space<vmem>>, vector<1x1x16xf32>,
        %get3A_1766 = vector.shape_cast %get3A_1765 : vector<1x1x16xf32> to vector<16xf32>
        %add3A_1767 = arith.constant 32 : i32
        %add3A_1768 = arith.addi %add3A_1767, %scan3A_915 : i32
        %get3A_1769 = arith.constant 1 : i32
        %get3A_1770 = arith.index_cast %get3A_1769 : i32 to index
        %get3A_1771 = arith.index_cast %add3A_1768 : i32 to index
        %get3A_1772 = arith.constant 112 : index
        %get3A_1773 = tpu.vector_load %arg6[%get3A_1770, %get3A_1771, %get3A_1772] {strides = array<i32>} : memref<2x416x128xf32, #tpu.memory_space<vmem>>, vector<1x1x16xf32>,
        %get3A_1774 = vector.shape_cast %get3A_1773 : vector<1x1x16xf32> to vector<16xf32>
        %add3A_1775 = arith.addf %get3A_1766, %get3A_1774 : vector<16xf32>
        %add3A_1776 = arith.constant 64 : i32
        %add3A_1777 = arith.addi %add3A_1776, %scan3A_915 : i32
        %get3A_1778 = arith.constant 1 : i32
        %get3A_1779 = arith.index_cast %get3A_1778 : i32 to index
        %get3A_1780 = arith.index_cast %add3A_1777 : i32 to index
        %get3A_1781 = arith.constant 112 : index
        %get3A_1782 = tpu.vector_load %arg6[%get3A_1779, %get3A_1780, %get3A_1781] {strides = array<i32>} : memref<2x416x128xf32, #tpu.memory_space<vmem>>, vector<1x1x16xf32>,
        %get3A_1783 = vector.shape_cast %get3A_1782 : vector<1x1x16xf32> to vector<16xf32>
        %add3A_1784 = arith.addf %add3A_1775, %get3A_1783 : vector<16xf32>
        %add3A_1785 = arith.constant 96 : i32
        %add3A_1786 = arith.addi %add3A_1785, %scan3A_915 : i32
        %get3A_1787 = arith.constant 1 : i32
        %get3A_1788 = arith.index_cast %get3A_1787 : i32 to index
        %get3A_1789 = arith.index_cast %add3A_1786 : i32 to index
        %get3A_1790 = arith.constant 112 : index
        %get3A_1791 = tpu.vector_load %arg6[%get3A_1788, %get3A_1789, %get3A_1790] {strides = array<i32>} : memref<2x416x128xf32, #tpu.memory_space<vmem>>, vector<1x1x16xf32>,
        %get3A_1792 = vector.shape_cast %get3A_1791 : vector<1x1x16xf32> to vector<16xf32>
        %add3A_1793 = arith.addf %add3A_1784, %get3A_1792 : vector<16xf32>
        %add3A_1794 = arith.constant 128 : i32
        %add3A_1795 = arith.addi %add3A_1794, %scan3A_915 : i32
        %get3A_1796 = arith.constant 1 : i32
        %get3A_1797 = arith.index_cast %get3A_1796 : i32 to index
        %get3A_1798 = arith.index_cast %add3A_1795 : i32 to index
        %get3A_1799 = arith.constant 112 : index
        %get3A_1800 = tpu.vector_load %arg6[%get3A_1797, %get3A_1798, %get3A_1799] {strides = array<i32>} : memref<2x416x128xf32, #tpu.memory_space<vmem>>, vector<1x1x16xf32>,
        %get3A_1801 = vector.shape_cast %get3A_1800 : vector<1x1x16xf32> to vector<16xf32>
        %add3A_1802 = arith.addf %add3A_1793, %get3A_1801 : vector<16xf32>
        %add3A_1803 = arith.constant 160 : i32
        %add3A_1804 = arith.addi %add3A_1803, %scan3A_915 : i32
        %get3A_1805 = arith.constant 1 : i32
        %get3A_1806 = arith.index_cast %get3A_1805 : i32 to index
        %get3A_1807 = arith.index_cast %add3A_1804 : i32 to index
        %get3A_1808 = arith.constant 112 : index
        %get3A_1809 = tpu.vector_load %arg6[%get3A_1806, %get3A_1807, %get3A_1808] {strides = array<i32>} : memref<2x416x128xf32, #tpu.memory_space<vmem>>, vector<1x1x16xf32>,
        %get3A_1810 = vector.shape_cast %get3A_1809 : vector<1x1x16xf32> to vector<16xf32>
        %add3A_1811 = arith.addf %add3A_1802, %get3A_1810 : vector<16xf32>
        %add3A_1812 = arith.constant 192 : i32
        %add3A_1813 = arith.addi %add3A_1812, %scan3A_915 : i32
        %get3A_1814 = arith.constant 1 : i32
        %get3A_1815 = arith.index_cast %get3A_1814 : i32 to index
        %get3A_1816 = arith.index_cast %add3A_1813 : i32 to index
        %get3A_1817 = arith.constant 112 : index
        %get3A_1818 = tpu.vector_load %arg6[%get3A_1815, %get3A_1816, %get3A_1817] {strides = array<i32>} : memref<2x416x128xf32, #tpu.memory_space<vmem>>, vector<1x1x16xf32>,
        %get3A_1819 = vector.shape_cast %get3A_1818 : vector<1x1x16xf32> to vector<16xf32>
        %add3A_1820 = arith.addf %add3A_1811, %get3A_1819 : vector<16xf32>
        %add3A_1821 = arith.constant 224 : i32
        %add3A_1822 = arith.addi %add3A_1821, %scan3A_915 : i32
        %get3A_1823 = arith.constant 1 : i32
        %get3A_1824 = arith.index_cast %get3A_1823 : i32 to index
        %get3A_1825 = arith.index_cast %add3A_1822 : i32 to index
        %get3A_1826 = arith.constant 112 : index
        %get3A_1827 = tpu.vector_load %arg6[%get3A_1824, %get3A_1825, %get3A_1826] {strides = array<i32>} : memref<2x416x128xf32, #tpu.memory_space<vmem>>, vector<1x1x16xf32>,
        %get3A_1828 = vector.shape_cast %get3A_1827 : vector<1x1x16xf32> to vector<16xf32>
        %add3A_1829 = arith.addf %add3A_1820, %get3A_1828 : vector<16xf32>
        %add3A_1830 = arith.constant 256 : i32
        %add3A_1831 = arith.addi %add3A_1830, %scan3A_915 : i32
        %get3A_1832 = arith.constant 1 : i32
        %get3A_1833 = arith.index_cast %get3A_1832 : i32 to index
        %get3A_1834 = arith.index_cast %add3A_1831 : i32 to index
        %get3A_1835 = arith.constant 112 : index
        %get3A_1836 = tpu.vector_load %arg6[%get3A_1833, %get3A_1834, %get3A_1835] {strides = array<i32>} : memref<2x416x128xf32, #tpu.memory_space<vmem>>, vector<1x1x16xf32>,
        %get3A_1837 = vector.shape_cast %get3A_1836 : vector<1x1x16xf32> to vector<16xf32>
        %add3A_1838 = arith.addf %add3A_1829, %get3A_1837 : vector<16xf32>
        %add3A_1839 = arith.constant 288 : i32
        %add3A_1840 = arith.addi %add3A_1839, %scan3A_915 : i32
        %get3A_1841 = arith.constant 1 : i32
        %get3A_1842 = arith.index_cast %get3A_1841 : i32 to index
        %get3A_1843 = arith.index_cast %add3A_1840 : i32 to index
        %get3A_1844 = arith.constant 112 : index
        %get3A_1845 = tpu.vector_load %arg6[%get3A_1842, %get3A_1843, %get3A_1844] {strides = array<i32>} : memref<2x416x128xf32, #tpu.memory_space<vmem>>, vector<1x1x16xf32>,
        %get3A_1846 = vector.shape_cast %get3A_1845 : vector<1x1x16xf32> to vector<16xf32>
        %add3A_1847 = arith.addf %add3A_1838, %get3A_1846 : vector<16xf32>
        %add3A_1848 = arith.constant 320 : i32
        %add3A_1849 = arith.addi %add3A_1848, %scan3A_915 : i32
        %get3A_1850 = arith.constant 1 : i32
        %get3A_1851 = arith.index_cast %get3A_1850 : i32 to index
        %get3A_1852 = arith.index_cast %add3A_1849 : i32 to index
        %get3A_1853 = arith.constant 112 : index
        %get3A_1854 = tpu.vector_load %arg6[%get3A_1851, %get3A_1852, %get3A_1853] {strides = array<i32>} : memref<2x416x128xf32, #tpu.memory_space<vmem>>, vector<1x1x16xf32>,
        %get3A_1855 = vector.shape_cast %get3A_1854 : vector<1x1x16xf32> to vector<16xf32>
        %add3A_1856 = arith.addf %add3A_1847, %get3A_1855 : vector<16xf32>
        %add3A_1857 = arith.constant 352 : i32
        %add3A_1858 = arith.addi %add3A_1857, %scan3A_915 : i32
        %get3A_1859 = arith.constant 1 : i32
        %get3A_1860 = arith.index_cast %get3A_1859 : i32 to index
        %get3A_1861 = arith.index_cast %add3A_1858 : i32 to index
        %get3A_1862 = arith.constant 112 : index
        %get3A_1863 = tpu.vector_load %arg6[%get3A_1860, %get3A_1861, %get3A_1862] {strides = array<i32>} : memref<2x416x128xf32, #tpu.memory_space<vmem>>, vector<1x1x16xf32>,
        %get3A_1864 = vector.shape_cast %get3A_1863 : vector<1x1x16xf32> to vector<16xf32>
        %add3A_1865 = arith.addf %add3A_1856, %get3A_1864 : vector<16xf32>
        %add3A_1866 = arith.constant 384 : i32
        %add3A_1867 = arith.addi %add3A_1866, %scan3A_915 : i32
        %get3A_1868 = arith.constant 1 : i32
        %get3A_1869 = arith.index_cast %get3A_1868 : i32 to index
        %get3A_1870 = arith.index_cast %add3A_1867 : i32 to index
        %get3A_1871 = arith.constant 112 : index
        %get3A_1872 = tpu.vector_load %arg6[%get3A_1869, %get3A_1870, %get3A_1871] {strides = array<i32>} : memref<2x416x128xf32, #tpu.memory_space<vmem>>, vector<1x1x16xf32>,
        %get3A_1873 = vector.shape_cast %get3A_1872 : vector<1x1x16xf32> to vector<16xf32>
        %add3A_1874 = arith.addf %add3A_1865, %get3A_1873 : vector<16xf32>
        %swap3A_1875 = arith.constant 1 : i32
        %swap3A_1876 = arith.index_cast %swap3A_1875 : i32 to index
        %swap3A_1877 = arith.index_cast %scan3A_915 : i32 to index
        %swap3A_1878 = arith.constant 112 : index
        %swap3A_1879 = tpu.vector_load %arg7[%swap3A_1876, %swap3A_1877, %swap3A_1878] {strides = array<i32>} : memref<2x32x128xf32, #tpu.memory_space<vmem>>, vector<1x1x16xf32>,
        %swap3A_1880 = vector.shape_cast %swap3A_1879 : vector<1x1x16xf32> to vector<16xf32>
        %swap3A_1881 = vector.shape_cast %add3A_1874 : vector<16xf32> to vector<1x1x16xf32>
        tpu.vector_store %arg7[%swap3A_1876, %swap3A_1877, %swap3A_1878], %swap3A_1881 {strides = array<i32>} : memref<2x32x128xf32, #tpu.memory_space<vmem>>, vector<1x1x16xf32>,
      }
      %scan3A_898 = arith.constant 32 : i32
      %mul3A_899 = arith.constant 32 : i32
      %mul3A_900 = arith.muli %add3A_352, %mul3A_899 : i32
      %add3A_901 = arith.addi %mul3A_2, %mul3A_900 : i32
      %dma_start3A_902 = arith.constant 1 : i32
      %dma_start3A_903 = arith.constant 0 : i32
      %dma_start3A_904 = arith.constant 0 : i32
      %dma_start3A_905 = tpu.memref_slice %arg7[%dma_start3A_902, %dma_start3A_903, %dma_start3A_904] : memref<2x32x128xf32, #tpu.memory_space<vmem>> -> memref<1x32x128xf32, #tpu.memory_space<vmem>>
      %dma_start3A_906 = tpu.memref_squeeze %dma_start3A_905 : memref<1x32x128xf32, #tpu.memory_space<vmem>> -> memref<32x128xf32, #tpu.memory_space<vmem>>
      %dma_start3A_907 = arith.constant 0 : i32
      %dma_start3A_908 = tpu.memref_slice %arg4[%add3A_901, %dma_start3A_907] : memref<16384x128xf32, #tpu.memory_space<hbm>> -> memref<32x128xf32, #tpu.memory_space<hbm>>
      %dma_start3A_909 = arith.constant 0 : i32
      %dma_start3A_910 = tpu.memref_slice %arg4[%add3A_901, %dma_start3A_909] : memref<16384x128xf32, #tpu.memory_space<hbm>> -> memref<32x128xf32, #tpu.memory_space<hbm>>
      %dma_start3A_911 = arith.constant 0 : i32
      %dma_start3A_912 = arith.constant 0 : i32
      %dma_start3A_913 = tpu.memref_slice %arg7[%dma_start3A_902, %dma_start3A_911, %dma_start3A_912] : memref<2x32x128xf32, #tpu.memory_space<vmem>> -> memref<1x32x128xf32, #tpu.memory_space<vmem>>
      %dma_start3A_914 = tpu.memref_squeeze %dma_start3A_913 : memref<1x32x128xf32, #tpu.memory_space<vmem>> -> memref<32x128xf32, #tpu.memory_space<vmem>>
      tpu.enqueue_dma source(%dma_start3A_914 : memref<32x128xf32, #tpu.memory_space<vmem>>) target(%dma_start3A_910 : memref<32x128xf32, #tpu.memory_space<hbm>>) target_semaphore(%arg11 : memref<!tpu.dma_semaphore, #tpu.memory_space<semaphore_mem>>)
    }
    %scan3A_317 = arith.constant 8 : i32
    %add3A_318 = arith.constant 448 : i32
    %add3A_319 = arith.addi %mul3A_2, %add3A_318 : i32
    %dma_wait3A_320 = arith.constant 0 : i32
    %dma_wait3A_321 = arith.constant 0 : i32
    %dma_wait3A_322 = arith.constant 0 : i32
    %dma_wait3A_323 = tpu.memref_slice %arg7[%dma_wait3A_320, %dma_wait3A_321, %dma_wait3A_322] : memref<2x32x128xf32, #tpu.memory_space<vmem>> -> memref<1x32x128xf32, #tpu.memory_space<vmem>>
    %dma_wait3A_324 = tpu.memref_squeeze %dma_wait3A_323 : memref<1x32x128xf32, #tpu.memory_space<vmem>> -> memref<32x128xf32, #tpu.memory_space<vmem>>
    %dma_wait3A_325 = arith.constant 0 : i32
    %dma_wait3A_326 = tpu.memref_slice %arg4[%add3A_319, %dma_wait3A_325] : memref<16384x128xf32, #tpu.memory_space<hbm>> -> memref<32x128xf32, #tpu.memory_space<hbm>>
    %dma_wait3A_327 = arith.constant 0 : i32
    %dma_wait3A_328 = tpu.memref_slice %arg4[%add3A_319, %dma_wait3A_327] : memref<16384x128xf32, #tpu.memory_space<hbm>> -> memref<32x128xf32, #tpu.memory_space<hbm>>
    %dma_wait3A_329 = arith.constant 0 : i32
    %dma_wait3A_330 = arith.constant 0 : i32
    %dma_wait3A_331 = tpu.memref_slice %arg7[%dma_wait3A_320, %dma_wait3A_329, %dma_wait3A_330] : memref<2x32x128xf32, #tpu.memory_space<vmem>> -> memref<1x32x128xf32, #tpu.memory_space<vmem>>
    %dma_wait3A_332 = tpu.memref_squeeze %dma_wait3A_331 : memref<1x32x128xf32, #tpu.memory_space<vmem>> -> memref<32x128xf32, #tpu.memory_space<vmem>>
    tpu.wait_dma2 semaphore(%arg10 : memref<!tpu.dma_semaphore, #tpu.memory_space<semaphore_mem>>) src(%dma_wait3A_332 : memref<32x128xf32, #tpu.memory_space<vmem>>) dst(%dma_wait3A_328 : memref<32x128xf32, #tpu.memory_space<hbm>>)
    %add3A_333 = arith.constant 480 : i32
    %add3A_334 = arith.addi %mul3A_2, %add3A_333 : i32
    %dma_wait3A_335 = arith.constant 1 : i32
    %dma_wait3A_336 = arith.constant 0 : i32
    %dma_wait3A_337 = arith.constant 0 : i32
    %dma_wait3A_338 = tpu.memref_slice %arg7[%dma_wait3A_335, %dma_wait3A_336, %dma_wait3A_337] : memref<2x32x128xf32, #tpu.memory_space<vmem>> -> memref<1x32x128xf32, #tpu.memory_space<vmem>>
    %dma_wait3A_339 = tpu.memref_squeeze %dma_wait3A_338 : memref<1x32x128xf32, #tpu.memory_space<vmem>> -> memref<32x128xf32, #tpu.memory_space<vmem>>
    %dma_wait3A_340 = arith.constant 0 : i32
    %dma_wait3A_341 = tpu.memref_slice %arg4[%add3A_334, %dma_wait3A_340] : memref<16384x128xf32, #tpu.memory_space<hbm>> -> memref<32x128xf32, #tpu.memory_space<hbm>>
    %dma_wait3A_342 = arith.constant 0 : i32
    %dma_wait3A_343 = tpu.memref_slice %arg4[%add3A_334, %dma_wait3A_342] : memref<16384x128xf32, #tpu.memory_space<hbm>> -> memref<32x128xf32, #tpu.memory_space<hbm>>
    %dma_wait3A_344 = arith.constant 0 : i32
    %dma_wait3A_345 = arith.constant 0 : i32
    %dma_wait3A_346 = tpu.memref_slice %arg7[%dma_wait3A_335, %dma_wait3A_344, %dma_wait3A_345] : memref<2x32x128xf32, #tpu.memory_space<vmem>> -> memref<1x32x128xf32, #tpu.memory_space<vmem>>
    %dma_wait3A_347 = tpu.memref_squeeze %dma_wait3A_346 : memref<1x32x128xf32, #tpu.memory_space<vmem>> -> memref<32x128xf32, #tpu.memory_space<vmem>>
    tpu.wait_dma2 semaphore(%arg11 : memref<!tpu.dma_semaphore, #tpu.memory_space<semaphore_mem>>) src(%dma_wait3A_347 : memref<32x128xf32, #tpu.memory_space<vmem>>) dst(%dma_wait3A_343 : memref<32x128xf32, #tpu.memory_space<hbm>>)
    return
  }
}

module attributes {stable_mosaic.version = 14 : i64} {
  func.func @_fin_body(%arg0: i32, %arg1: memref<8192x13xf32, #tpu.memory_space<vmem>>, %arg2: memref<8192x128xf32, #tpu.memory_space<vmem>>, %arg3: memref<13x128xf32, #tpu.memory_space<vmem>>, %arg4: memref<13x128xf32, #tpu.memory_space<vmem>>, %arg5: memref<8192x128xf32, #tpu.memory_space<vmem>>) attributes {dimension_semantics = [#tpu.dimension_semantics<arbitrary>], iteration_bounds = array<i64: 2>, scalar_prefetch = 0 : i64, scratch_operands = 0 : i64, tpu.core_type = #tpu.core_type<tc>, window_params = [{transform_indices = @transform_0, window_bounds = array<i64: 8192, 13>}, {transform_indices = @transform_1, window_bounds = array<i64: 8192, 128>}, {pipeline_mode = #tpu.pipeline_mode<synchronous>, transform_indices = @transform_2, window_bounds = array<i64: 13, 128>}, {pipeline_mode = #tpu.pipeline_mode<synchronous>, transform_indices = @transform_3, window_bounds = array<i64: 13, 128>}, {transform_indices = @transform_4, window_bounds = array<i64: 8192, 128>}]} {
    %get3A = arith.constant 0 : index
    %get3A_0 = arith.constant 0 : index
    %get3A_1 = vector.load %arg1[%get3A, %get3A_0] : memref<8192x13xf32, #tpu.memory_space<vmem>>, vector<8192x13xf32>
    %iota3A = tpu.iota {dimensions = array<i32: 1>} : vector<1x13xi32>
    %convert_element_type3A = arith.sitofp %iota3A : vector<1x13xi32> to vector<1x13xf32>
    %mul3A = arith.constant 2.000000e-01 : f32
    %mul3A_2 = vector.broadcast %mul3A : f32 to vector<1x13xf32>
    %mul3A_3 = arith.mulf %mul3A_2, %convert_element_type3A : vector<1x13xf32>
    %mul3A_4 = arith.constant 1.000000e-01 : f32
    %mul3A_5 = vector.broadcast %mul3A_4 : f32 to vector<1x13xf32>
    %mul3A_6 = arith.mulf %mul3A_5, %convert_element_type3A : vector<1x13xf32>
    %add3A = arith.constant 1.000000e+00 : f32
    %add3A_7 = vector.broadcast %add3A : f32 to vector<1x13xf32>
    %add3A_8 = arith.addf %add3A_7, %mul3A_6 : vector<1x13xf32>
    %add3A_9 = arith.constant 9.99999974E-6 : f32
    %add3A_10 = vector.broadcast %add3A_9 : f32 to vector<1x13xf32>
    %add3A_11 = arith.addf %add3A_8, %add3A_10 : vector<1x13xf32>
    %div3A = arith.constant 1.000000e+00 : f32
    %div3A_12 = vector.broadcast %div3A : f32 to vector<1x13xf32>
    %div3A_13 = arith.divf %div3A_12, %add3A_11 : vector<1x13xf32>
    %sub3A = vector.broadcast %mul3A_3 : vector<1x13xf32> to vector<8192x13xf32>
    %sub3A_14 = arith.subf %get3A_1, %sub3A : vector<8192x13xf32>
    %mul3A_15 = vector.broadcast %div3A_13 : vector<1x13xf32> to vector<8192x13xf32>
    %mul3A_16 = arith.mulf %sub3A_14, %mul3A_15 : vector<8192x13xf32>
    %logistic3A = arith.negf %mul3A_16 : vector<8192x13xf32>
    %logistic3A_17 = math.exp %logistic3A : vector<8192x13xf32>
    %logistic3A_18 = arith.constant 1.000000e+00 : f32
    %logistic3A_19 = vector.broadcast %logistic3A_18 : f32 to vector<8192x13xf32>
    %logistic3A_20 = arith.addf %logistic3A_19, %logistic3A_17 : vector<8192x13xf32>
    %logistic3A_21 = arith.divf %logistic3A_19, %logistic3A_20 : vector<8192x13xf32>
    %get3A_22 = arith.constant 0 : index
    %get3A_23 = arith.constant 0 : index
    %get3A_24 = vector.load %arg3[%get3A_22, %get3A_23] : memref<13x128xf32, #tpu.memory_space<vmem>>, vector<13x128xf32>
    %dot_general3A = arith.constant dense<0.000000e+00> : vector<8192x128xf32>
    %dot_general3A_25 = tpu.matmul %logistic3A_21, %get3A_24, %dot_general3A {dimension_numbers = #tpu.dot_dimension_numbers<[1], [0], [0], [1], [0, 0, 1, 1], [], []>, transpose_lhs_hint = false} : vector<8192x13xf32>, vector<13x128xf32>, vector<8192x128xf32> -> vector<8192x128xf32>
    %get3A_26 = arith.constant 0 : index
    %get3A_27 = arith.constant 0 : index
    %get3A_28 = vector.load %arg4[%get3A_26, %get3A_27] : memref<13x128xf32, #tpu.memory_space<vmem>>, vector<13x128xf32>
    %reduce_sum3A = arith.constant dense<0.000000e+00> : vector<128xf32>
    %reduce_sum3A_29 = vector.multi_reduction <add>, %get3A_28, %reduce_sum3A [0] : vector<13x128xf32> to vector<128xf32>
    %broadcast_in_dim3A = vector.shape_cast %reduce_sum3A_29 : vector<128xf32> to vector<1x128xf32>
    %add3A_30 = vector.broadcast %broadcast_in_dim3A : vector<1x128xf32> to vector<8192x128xf32>
    %add3A_31 = arith.addf %dot_general3A_25, %add3A_30 : vector<8192x128xf32>
    %get3A_32 = arith.constant 0 : index
    %get3A_33 = arith.constant 0 : index
    %get3A_34 = vector.load %arg2[%get3A_32, %get3A_33] : memref<8192x128xf32, #tpu.memory_space<vmem>>, vector<8192x128xf32>
    %add3A_35 = arith.addf %add3A_31, %get3A_34 : vector<8192x128xf32>
    %swap3A = arith.constant 0 : index
    %swap3A_36 = arith.constant 0 : index
    %swap3A_37 = vector.load %arg5[%swap3A, %swap3A_36] : memref<8192x128xf32, #tpu.memory_space<vmem>>, vector<8192x128xf32>
    tpu.vector_store %arg5[%swap3A, %swap3A_36], %add3A_35 {strides = array<i32>} : memref<8192x128xf32, #tpu.memory_space<vmem>>, vector<8192x128xf32>,
    return
  }
  func.func @transform_0(%arg0: i32) -> (i32, i32) {
    %c0_i32 = arith.constant 0 : i32
    %c0_i32_0 = arith.constant 0 : i32
    return %arg0, %c0_i32 : i32, i32
  }
  func.func @transform_1(%arg0: i32) -> (i32, i32) {
    %c0_i32 = arith.constant 0 : i32
    %c0_i32_0 = arith.constant 0 : i32
    return %arg0, %c0_i32 : i32, i32
  }
  func.func @transform_2(%arg0: i32) -> (i32, i32) {
    %c0_i32 = arith.constant 0 : i32
    %c0_i32_0 = arith.constant 0 : i32
    %c0_i32_1 = arith.constant 0 : i32
    return %c0_i32, %c0_i32_0 : i32, i32
  }
  func.func @transform_3(%arg0: i32) -> (i32, i32) {
    %c0_i32 = arith.constant 0 : i32
    %c0_i32_0 = arith.constant 0 : i32
    %c0_i32_1 = arith.constant 0 : i32
    return %c0_i32, %c0_i32_0 : i32, i32
  }
  func.func @transform_4(%arg0: i32) -> (i32, i32) {
    %c0_i32 = arith.constant 0 : i32
    %c0_i32_0 = arith.constant 0 : i32
    return %arg0, %c0_i32 : i32, i32
  }
}

</mosaic_0001>

<sc_bundles>
// kernel: kernel.4.cloned.1.call-start
scs
__scs_entry_jumppad:
0x0: {  	(pc) =	sbr.rel $0x88, $3  }
0x1: {  	(tag) =	ssettag $0x0;
	lr =	simm.s32 $0x1  }
0x2: {  	[smem:$0x3F9D] =	sst lr;
	_ =	strace $0xD0000000  }
0x3: {  	_ = 	snop  }
0x4: {  	_ = 	snop  }
0x5: {  	_ = 	snop  }
0x6: {  	_ = 	snop  }
0x7: {  	_ = 	snop  }
__scs_overlays_trampoline_lowered:
0x8: {  	[smem:$0x3FAC] =	sst s0  }
0x9: {  	[smem:$0x3FAD] =	sst s1  }
0xa: {  	[smem:$0x3FAE] =	sst s2  }
0xb: {  	[smem:$0x3FAF] =	sst s3  }
0xc: {  	[smem:$0x3FB0] =	sst s4  }
0xd: {  	[smem:$0x3FB1] =	sst s5  }
0xe: {  	[smem:$0x3FB2] =	sst s6  }
0xf: {  	[smem:$0x3FB3] =	sst s7  }
0x10: {  	[smem:$0x3FB4] =	sst s8  }
0x11: {  	[smem:$0x3FB5] =	sst s9;
	s0 =	simm.s32 @!p0 $0x0  }
0x12: {  	s1 =	sld [smem:$0x3F9B];
	s0 =	simm.s32 @p0 $0x1  }
0x13: {  	[smem:$0x3FB6] =	sst s0;
	s0 =	simm.s32 @!p1 $0x0  }
0x14: {  	s2 =	sld [smem:$0x3F9A];
	s0 =	simm.s32 @p1 $0x1  }
0x15: {  	[smem:$0x3FB7] =	sst s0;
	s0 =	simm.s32 @!p2 $0x0  }
0x16: {  	s3 =	sld [smem:$0x3FDB];
	s0 =	simm.s32 @p2 $0x1  }
0x17: {  	s4 =	simm.s32 $0x1BF5;
	[smem:$0x3FB9] =	sst s0  }
0x18: {  	s0 =	sld [smem:$0x3F9C];
	_ =	swait.ge [sflag:s4], $0x0  }
0x19: {  	s7 =	sld [smem:$0x3F9D]  }
0x1a: {  	s8 =	sadd.s32 $0xFFFFE003, lr  }
0x1b: {  	s9 =	sadd.s32 $0xFFFFFEF7, lr;
	s5 =	simm.s32 $0xFFFFFFFF;
	p2 =	slt.u32 s8, $0xFFFFF086  }
0x1c: {  	p1 =	slt.u32 s9, $0xF7A;
	s5 =	simm.s32 @!p2 $0x0  }
0x1d: {  	s5 =	simm.s32 @p1 $0x1;
	p0 =	seq.s32 s7, s2  }
0x1e: {  	s7 =	smul.u32 @!p0 $0xF7A, s2;
	p2 =	seq.s32 @!p0 s5, $0x0  }
0x1f: {  	s9 =	smul.u32 $0xF7A, s1;
	s8 =	simm.s32 @!p0 $0x1BF5;
	p2 =	por !p2, p0  }
0x20: {  	[sflag:s8] =	ssyncset.s32 @!p0 $0xFFFFF086;
	s6 =	sadd.s32 @!p0 s3, s7;
	s7 =	simm.s32 @!p0 $0x108  }
0x21: {  	s3 =	sadd.s32 s3, s9;
	s6 =	sadd.s32 @!p0 $0x88, s6;
	s7 =	simm.s32 @p2 $0x1082  }
0x22: {  	[simem:s7], [sflag:s8] =	dma.local @!p0 [hbm:s6], $0xF7A  }
0x23: {  	s9 =	sor.u32 $0xD0000000, s2;
	s6 =	simm.s32 $0x108;
	_ =	swait.ge @!p0 [sflag:s8], $0x0  }
0x24: {  	s3 =	sadd.s32 $0x88, s3;
	s6 =	simm.s32 @!p1 $0x1082;
	[sflag:s4] =	ssyncset.s32 $0xFFFFF086  }
0x25: {  	[simem:s6], [sflag:s4] =	dma.local [hbm:s3], $0xF7A  }
0x26: {  	[smem:$0x3F9D] =	sst s1;
	(tag) =	ssettag s2;
	_ =	strace s9  }
0x27: {  	s1 =	sld [smem:$0x3FAD]  }
0x28: {  	s2 =	sld [smem:$0x3FAE]  }
0x29: {  	s4 =	sld [smem:$0x3FB0]  }
0x2a: {  	p0 =	seq.s32 s5, $0x0;
	s5 =	sld [smem:$0x3FB1]  }
0x2b: {  	s6 =	sld [smem:$0x3FB2]  }
0x2c: {  	s7 =	sld [smem:$0x3FB3]  }
0x2d: {  	s3 =	simm.s32 $0x108;
	s8 =	sld [smem:$0x3FB4]  }
0x2e: {  	s3 =	simm.s32 @!p0 $0x1082;
	s9 =	sld [smem:$0x3FB5]  }
0x2f: {  	lr =	sadd.s32 s0, s3;
	s0 =	sld [smem:$0x3FAC]  }
0x30: {  	s3 =	sld [smem:$0x3FAF]  }
0x31: {  	[smem:$0x3FB8] =	sst s10  }
0x32: {  	s10 =	sld [smem:$0x3FB6];
	_ =	sdelay $0x3  }
0x33: {  	p0 =	seq.s32 s10, $0x1;
	s10 =	sld [smem:$0x3FB8];
	_ =	sdelay $0x3  }
0x34: {  	[smem:$0x3FB8] =	sst s10  }
0x35: {  	s10 =	sld [smem:$0x3FB7];
	_ =	sdelay $0x3  }
0x36: {  	p1 =	seq.s32 s10, $0x1;
	s10 =	sld [smem:$0x3FB8];
	_ =	sdelay $0x3  }
0x37: {  	[smem:$0x3FB8] =	sst s10  }
0x38: {  	s10 =	sld [smem:$0x3FB9]  }
0x39: {  	_ = 	snop;
	(pc) =	sbr.ind lr, $3  }
0x3a: {  	_ = 	snop  }
0x3b: {  	_ = 	snop  }
0x3c: {  	p2 =	seq.s32 s10, $0x1;
	s10 =	sld [smem:$0x3FB8]  }
0x3d: {  	_ =	shalt  }
0x3e: {  	_ =	shalt  }
0x3f: {  	_ =	shalt  }
0x40: {  	_ =	shalt  }
0x41: {  	_ =	shalt  }
0x42: {  	_ =	shalt  }
0x43: {  	_ =	shalt  }
0x44: {  	_ =	shalt  }
0x45: {  	_ =	shalt  }
0x46: {  	_ =	shalt  }
0x47: {  	_ =	shalt  }
0x48: {  	_ =	shalt  }
0x49: {  	_ =	shalt  }
0x4a: {  	_ =	shalt  }
0x4b: {  	_ =	shalt  }
0x4c: {  	_ =	shalt  }
0x4d: {  	_ =	shalt  }
0x4e: {  	_ =	shalt  }
0x4f: {  	_ =	shalt  }
0x50: {  	_ =	shalt  }
0x51: {  	_ =	shalt  }
0x52: {  	_ =	shalt  }
0x53: {  	_ =	shalt  }
0x54: {  	_ =	shalt  }
0x55: {  	_ =	shalt  }
0x56: {  	_ =	shalt  }
0x57: {  	_ =	shalt  }
0x58: {  	_ =	shalt  }
0x59: {  	_ =	shalt  }
0x5a: {  	_ =	shalt  }
0x5b: {  	_ =	shalt  }
0x5c: {  	_ =	shalt  }
0x5d: {  	_ =	shalt  }
0x5e: {  	_ =	shalt  }
0x5f: {  	_ =	shalt  }
0x60: {  	_ =	shalt  }
0x61: {  	_ =	shalt  }
0x62: {  	_ =	shalt  }
0x63: {  	_ =	shalt  }
0x64: {  	_ =	shalt  }
0x65: {  	_ =	shalt  }
0x66: {  	_ =	shalt  }
0x67: {  	_ =	shalt  }
0x68: {  	_ =	shalt  }
0x69: {  	_ =	shalt  }
0x6a: {  	_ =	shalt  }
0x6b: {  	_ =	shalt  }
0x6c: {  	_ =	shalt  }
0x6d: {  	_ =	shalt  }
0x6e: {  	_ =	shalt  }
0x6f: {  	_ =	shalt  }
0x70: {  	_ =	shalt  }
0x71: {  	_ =	shalt  }
0x72: {  	_ =	shalt  }
0x73: {  	_ =	shalt  }
0x74: {  	_ =	shalt  }
0x75: {  	_ =	shalt  }
0x76: {  	_ =	shalt  }
0x77: {  	_ =	shalt  }
0x78: {  	_ =	shalt  }
0x79: {  	_ =	shalt  }
0x7a: {  	_ =	shalt  }
0x7b: {  	_ =	shalt  }
0x7c: {  	_ =	shalt  }
0x7d: {  	_ =	shalt  }
0x7e: {  	_ =	shalt  }
0x7f: {  	_ =	shalt  }
0x80: {  	_ =	shalt  }
0x81: {  	_ =	shalt  }
0x82: {  	_ =	shalt  }
0x83: {  	_ =	shalt  }
0x84: {  	_ =	shalt  }
0x85: {  	_ =	shalt  }
0x86: {  	_ =	shalt  }
0x87: {  	_ =	shalt  }
.Lfunc_end0:
.L_simem_size_0:
called_computation_lowered:
.L_overlay_start_0:
0x88: {  	s2 =	sld [smem:$0x3FD9]  }
0x89: {  	s3 =	sld [smem:$0x3FFE];
	_ =	sdelay $0x1  }
0x8a: {  	s1 =	srdreg.scid  }
0x8b: {  	s0 =	sand.u32 $0x1, s1  }
0x8c: {  	s17 =	sshll.u32 s0, $0xA;
	s2 =	sadd.s32 s3, s2  }
0x8d: {  	s2 =	sadd.s32 s2, s17  }
0x8e: {  	[smem:$0x3FC4] =	sst s2  }
0x8f: {  	_ = 	snop  }
0x90: {  	s2 =	sld [smem:$0x3FD0];
	(tm) =	ssettm $0x1  }
0x91: {  	s18 =	sld [smem:$0x3FFB];
	_ =	sdelay $0x3  }
0x92: {  	_ =	strace s18  }
0x93: {  	s3 =	sld [smem:$0x3FFC];
	_ =	sdelay $0x3  }
0x94: {  	_ =	strace s3  }
0x95: {  	s3 =	sld [smem:$0x3FFD];
	_ =	sdelay $0x3  }
0x96: {  	_ =	strace s3  }
0x97: {  	_ =	strace $0x8FFFFFFF  }
0x98: {  	s19 =	sld [smem:$0x3FDB];
	_ =	sdelay $0x1  }
0x99: {  	s4 =	simm.s32 $_scs_section_size  }
0x9a: {  	s5 =	simm.s32 $_size__tile_overlayer_lowered;
	s6 =	simm.s32 $_tile_overlayer_lowered  }
0x9b: {  	s22 =	simm.s32 $0x1BFF;
	s21 =	sshll.u32 s6, $0x1;
	s3 =	sadd.s32 s4, s19  }
0x9c: {  	s7 =	simm.s32 $0x0;
	s20 =	sshll.u32 s5, $0x1;
	s5 =	sadd.s32 s21, s3  }
0x9d: {  	[timem:s7], [sflag:s22] =	dma.local [hbm:s5], s20  }
0x9e: {  	_ =	swait.ge [sflag:s22], s20  }
0x9f: {  	s4 =	ssub.s32 $0x0, s20;
	[sflag:s22] =	ssyncset.done $0x0  }
0xa0: {  	[sflag:s22] =	ssyncadd.s32 s4;
	_ =	sdelay $0x1  }
0xa1: {  	s23 =	simm.s32 $0x1B8B  }
0xa2: {  	_ =	swait.ge [sflag:s23], $0x1  }
0xa3: {  	[sflag:s23] =	ssyncset.done $0x0  }
0xa4: {  	s25 =	simm.s32 $0x1B8E;
	s24 =	sld [smem:$0x3FFE];
	[sflag:s23] =	ssyncadd.s32 $0xFFFFFFFF  }
0xa5: {  	s26 =	simm.s32 $execute0_lowered;
	[smem:$0x3FD2] =	sst s25  }
0xa6: {  	s5 =	sshll.u32 s26, $0x1;
	_ =	strace $0x80000046;
	[dreg:$0x1] =	wrdreg $0xFFFFFFFF  }
0xa7: {  	s28 =	simm.s32 $_size_execute0_lowered;
	s3 =	sadd.s32 s3, s5;
	[dreg:$0x0] =	wrdreg $0x0  }
0xa8: {  	s5 =	sshll.u32 s28, $0x1;
	[dreg:$0x2] =	wrdreg s3  }
0xa9: {  	[dreg:$0x3] =	wrdreg s5  }
0xaa: {  	[dreg:$0x4] =	wrdreg $0xC0  }
0xab: {  	_ =	task [dreg:s7], $0x5FFFF  }
0xac: {  	[dreg:$0x1] =	wrdreg $0xFFFFFFFF  }
0xad: {  	[dreg:$0x0] =	wrdreg $0x60  }
0xae: {  	[dreg:$0x2] =	wrdreg s24  }
0xaf: {  	[dreg:$0x3] =	wrdreg s2  }
0xb0: {  	[dreg:$0x4] =	wrdreg $0x9  }
0xb1: {  	_ =	task.clear_ibuf [dreg:s7], $0x5FFFF;
	_ =	strace $0x90000046  }
0xb2: {  	s29 =	simm.s32 $0x9;
	_ =	strace $0x80000048  }
0xb3: {  	_ =	swait.ge [sflag:s29], $0x1  }
0xb4: {  	[sflag:s29] =	ssyncadd.s32 $0xFFFFFFFF  }
0xb5: {  	_ =	strace $0x90000048  }
0xb6: {  	_ =	sfence  }
0xb7: {  	s30 =	sld [smem:$0x0];
	_ =	sdelay $0x2  }
0xb8: {  	s31 =	sshll.u32 s1, $0xD;
	s1 =	sshrl.u32 s1, $0x2  }
0xb9: {  	s3 =	sand.u32 $0x4000, s31;
	s1 =	sadd.s32 s1, s30  }
0xba: {  	s0 =	sor.u32 s3, s0;
	s1 =	sshll.u32 s1, $0x11  }
0xbb: {  	s0 =	sor.u32 s1, s0  }
0xbc: {  	s0 =	sadd.s32 $0x8F2B, s0  }
0xbd: {  	[sflag:s0] =	ssyncadd.remote.s32 $0x1  }
0xbe: {  	_ =	sfence.sel $0xFFFF  }
0xbf: {  	[dreg:$0x0] =	wrdreg $0xFFFFFFFF;
	(pc) =	sbr.abs _section_cstart, $3  }
0xc0: {  	[dreg:$0x1] =	wrdreg $0xFFFFFFFF  }
0xc1: {  	_ =	task.clear_ibuf [dreg:s7], $0x2FFFF;
	_ =	strace $0x9FFFFFFF  }
0xc2: {  	(tm) =	ssettm $0x7FFFFFFF  }
0xc3: {  	_ =	shalt  }
tec
execute0_lowered:
.L_overlay_start_1:
0x0: {  	(tag) =	ssettag $0x1  }
0x1: {  	s1 =	srdreg.scid  }
0x2: {  	s4 =	stileid.u32;
	s1 =	sand.u32 $0x1, s1  }
0x3: {  	s0 =	rddreg [dreg:$0x0];
	s4 =	sshll.u32 s4, $0xA;
	s5 =	sshll.u32 s1, $0x9  }
0x4: {  	s2 =	rddreg [dreg:$0x1];
	s4 =	sor.u32 s5, s4  }
0x5: {  	s3 =	simm.s32 $0x0;
	s30 =	simm.s32 $0x14A00;
	s5 =	sshrl.u32 s4, $0x3  }
0x6: {  	s31 =	simm.s32 $0x15A00;
	s7 =	simm.s32 $0x19A00;
	s6 =	sadd.s32 s5, s0  }
0x7: {  	s8 =	simm.s32 $0x1AA00;
	[smem:$0x7FF] =	sst s3;
	s14 =	sadd.s32 $0xC00, s6  }
0x8: {  	_ =	strace $0x80000047;
	s15 =	sadd.s32 $0x1400, s6;
	[dreg:$0x3] =	wrdreg s14  }
0x9: {  	s9 =	simm.s32 $0x1;
	s16 =	sadd.s32 $0x1C00, s6;
	[dreg:$0x4] =	wrdreg s15  }
0xa: {  	s10 =	simm.s32 $0x1BA00;
	s17 =	sadd.s32 $0x2400, s6;
	[dreg:$0x5] =	wrdreg s16  }
0xb: {  	s11 =	simm.s32 $0x2;
	s18 =	sadd.s32 $0x2C00, s6;
	[dreg:$0x6] =	wrdreg s17  }
0xc: {  	s12 =	simm.s32 $0x1CA00;
	s19 =	sadd.s32 $0x3400, s6;
	[dreg:$0x7] =	wrdreg s18  }
0xd: {  	s29 =	simm.s32 $0x1800;
	s20 =	sadd.s32 $0x3C00, s6;
	[dreg:$0x8] =	wrdreg s19  }
0xe: {  	s1 =	ssub.s32 $0x2, s1;
	s21 =	sadd.s32 $0x4400, s6;
	[dreg:$0x9] =	wrdreg s20  }
0xf: {  	s13 =	sshrl.u32 s1, $0x1;
	s22 =	sadd.s32 $0x4C00, s6;
	[dreg:$0xa] =	wrdreg s21  }
0x10: {  	s28 =	sshll.u32 s4, $0x4;
	s23 =	sadd.s32 $0x5400, s6;
	[dreg:$0xb] =	wrdreg s22  }
0x11: {  	s5 =	sadd.s32 $0x7400, s0;
	s24 =	sadd.s32 $0x5C00, s6;
	[dreg:$0xc] =	wrdreg s23  }
0x12: {  	s0 =	ssub.s32 s1, s13;
	s25 =	sadd.s32 $0x6400, s6;
	[dreg:$0xd] =	wrdreg s24  }
0x13: {  	s1 =	simm.s32 $0x17A00;
	s26 =	sadd.s32 $0x6C00, s6;
	[dreg:$0xe] =	wrdreg s25  }
0x14: {  	s0 =	smax.u32 s0, $0x1;
	s6 =	simm.s32 $0x18A00;
	[dreg:$0xf] =	wrdreg s26  }
0x15: {  	s19 =	sadd.s32 s2, s28;
	[dreg:$0x10] =	wrdreg s0;
	s21 =	simm.s32 $0x3  }
0x16: {  	s22 =	simm.s32 $0x20;
	s0 =	simm.s32 $0x16A00;
	s15 =	simm.s32 $0x0  }
.LBB2_1:
0x17: {  	[dreg:$0x11] =	wrdreg s15  }
0x18: {  	s13 =	rddreg [dreg:$0x3]  }
0x19: {  	[tilespmem:s3], [sflag:$0x3] =	stream.linear.gather [hbm4b:s13+s3], $0x200, $0x38;
	[tilespmem:$0x1DA00] =	vst v63  }
0x1a: {  	s23 =	rddreg [dreg:$0x4];
	s15 =	simm.s32 $0x200  }
0x1b: {  	[tilespmem:s15], [sflag:$0x3] =	stream.linear.gather [hbm4b:s23+s3], $0x200, $0x38;
	[tilespmem:$0x1DA00] =	vst v63  }
0x1c: {  	s24 =	rddreg [dreg:$0x5];
	s16 =	simm.s32 $0x400  }
0x1d: {  	[tilespmem:s16], [sflag:$0x3] =	stream.linear.gather [hbm4b:s24+s3], $0x200, $0x38;
	[tilespmem:$0x1DA00] =	vst v63  }
0x1e: {  	s25 =	rddreg [dreg:$0x6];
	s17 =	simm.s32 $0x600  }
0x1f: {  	[tilespmem:s17], [sflag:$0x3] =	stream.linear.gather [hbm4b:s25+s3], $0x200, $0x38;
	[tilespmem:$0x1DA00] =	vst v63  }
0x20: {  	s26 =	rddreg [dreg:$0x7];
	s18 =	simm.s32 $0x800  }
0x21: {  	[tilespmem:s18], [sflag:$0x3] =	stream.linear.gather [hbm4b:s26+s3], $0x200, $0x38;
	[tilespmem:$0x1DA00] =	vst v63  }
0x22: {  	s14 =	rddreg [dreg:$0x8];
	s20 =	simm.s32 $0xA00  }
0x23: {  	[tilespmem:s20], [sflag:$0x3] =	stream.linear.gather [hbm4b:s14+s3], $0x200, $0x38;
	[tilespmem:$0x1DA00] =	vst v63  }
0x24: {  	s23 =	rddreg [dreg:$0x9];
	s14 =	simm.s32 $0xC00  }
0x25: {  	[tilespmem:s14], [sflag:$0x3] =	stream.linear.gather [hbm4b:s23+s3], $0x200, $0x38;
	[tilespmem:$0x1DA00] =	vst v63  }
0x26: {  	s24 =	rddreg [dreg:$0xa];
	s23 =	simm.s32 $0xE00  }
0x27: {  	[tilespmem:s23], [sflag:$0x3] =	stream.linear.gather [hbm4b:s24+s3], $0x200, $0x38;
	[tilespmem:$0x1DA00] =	vst v63  }
0x28: {  	s25 =	rddreg [dreg:$0xb];
	s24 =	simm.s32 $0x1000  }
0x29: {  	[tilespmem:s24], [sflag:$0x3] =	stream.linear.gather [hbm4b:s25+s3], $0x200, $0x38;
	[tilespmem:$0x1DA00] =	vst v63  }
0x2a: {  	s26 =	rddreg [dreg:$0xc];
	s25 =	simm.s32 $0x1200  }
0x2b: {  	[tilespmem:s25], [sflag:$0x3] =	stream.linear.gather [hbm4b:s26+s3], $0x200, $0x38;
	[tilespmem:$0x1DA00] =	vst v63  }
0x2c: {  	s13 =	rddreg [dreg:$0xd];
	s26 =	simm.s32 $0x1400  }
0x2d: {  	[tilespmem:s26], [sflag:$0x3] =	stream.linear.gather [hbm4b:s13+s3], $0x200, $0x38;
	[tilespmem:$0x1DA00] =	vst v63  }
0x2e: {  	s28 =	simm.s32 $0x1600;
	s13 =	rddreg [dreg:$0xe]  }
0x2f: {  	[tilespmem:s28], [sflag:$0x3] =	stream.linear.gather [hbm4b:s13+s3], $0x200, $0x38;
	[tilespmem:$0x1DA00] =	vst v63  }
0x30: {  	s13 =	rddreg [dreg:$0xf]  }
0x31: {  	[tilespmem:s29], [sflag:$0x3] =	stream.linear.gather [hbm4b:s13+s3], $0x200, $0x38;
	[tilespmem:$0x1DA00] =	vst v63  }
0x32: {  	_ =	swait.ge [sflag:s21], $0x200  }
0x33: {  	[sflag:s21] =	ssyncset.done $0x0  }
0x34: {  	[sflag:s21] =	ssyncadd.s32 $0xFFFFFE00  }
0x35: {  	_ =	swait.ge [sflag:s21], $0x200  }
0x36: {  	[sflag:s21] =	ssyncset.done $0x0  }
0x37: {  	[sflag:s21] =	ssyncadd.s32 $0xFFFFFE00  }
0x38: {  	_ =	swait.ge [sflag:s21], $0x200  }
0x39: {  	[sflag:s21] =	ssyncset.done $0x0  }
0x3a: {  	[sflag:s21] =	ssyncadd.s32 $0xFFFFFE00  }
0x3b: {  	_ =	swait.ge [sflag:s21], $0x200  }
0x3c: {  	[sflag:s21] =	ssyncset.done $0x0  }
0x3d: {  	[sflag:s21] =	ssyncadd.s32 $0xFFFFFE00  }
0x3e: {  	_ =	swait.ge [sflag:s21], $0x200  }
0x3f: {  	[sflag:s21] =	ssyncset.done $0x0  }
0x40: {  	[sflag:s21] =	ssyncadd.s32 $0xFFFFFE00  }
0x41: {  	_ =	swait.ge [sflag:s21], $0x200  }
0x42: {  	[sflag:s21] =	ssyncset.done $0x0  }
0x43: {  	[sflag:s21] =	ssyncadd.s32 $0xFFFFFE00  }
0x44: {  	_ =	swait.ge [sflag:s21], $0x200  }
0x45: {  	[sflag:s21] =	ssyncset.done $0x0  }
0x46: {  	[sflag:s21] =	ssyncadd.s32 $0xFFFFFE00  }
0x47: {  	_ =	swait.ge [sflag:s21], $0x200  }
0x48: {  	[sflag:s21] =	ssyncset.done $0x0  }
0x49: {  	[sflag:s21] =	ssyncadd.s32 $0xFFFFFE00  }
0x4a: {  	_ =	swait.ge [sflag:s21], $0x200  }
0x4b: {  	[sflag:s21] =	ssyncset.done $0x0  }
0x4c: {  	[sflag:s21] =	ssyncadd.s32 $0xFFFFFE00  }
0x4d: {  	_ =	swait.ge [sflag:s21], $0x200  }
0x4e: {  	[sflag:s21] =	ssyncset.done $0x0  }
0x4f: {  	[sflag:s21] =	ssyncadd.s32 $0xFFFFFE00  }
0x50: {  	_ =	swait.ge [sflag:s21], $0x200  }
0x51: {  	[sflag:s21] =	ssyncset.done $0x0  }
0x52: {  	[sflag:s21] =	ssyncadd.s32 $0xFFFFFE00  }
0x53: {  	_ =	swait.ge [sflag:s21], $0x200  }
0x54: {  	[sflag:s21] =	ssyncset.done $0x0  }
0x55: {  	[sflag:s21] =	ssyncadd.s32 $0xFFFFFE00  }
0x56: {  	_ =	swait.ge [sflag:s21], $0x200  }
0x57: {  	[sflag:s21] =	ssyncset.done $0x0  }
0x58: {  	s13 =	simm.s32 $0x1A00;
	[sflag:s21] =	ssyncadd.s32 $0xFFFFFE00  }
0x59: {  	[tilespmem:s13], [sflag:$0x1] =	stream.indirect.gather [hbm4b:s5+s22], $0x80, s3, s22, $0xb8;
	[tilespmem:$0x1DA00] =	vst v63  }
0x5a: {  	s13 =	simm.s32 $0x2A00  }
0x5b: {  	[tilespmem:s13], [sflag:$0x1] =	stream.indirect.gather [hbm4b:s5+s22], $0x80, s15, s22, $0xb8;
	[tilespmem:$0x1DA00] =	vst v63  }
0x5c: {  	s15 =	simm.s32 $0x3A00  }
0x5d: {  	[tilespmem:s15], [sflag:$0x1] =	stream.indirect.gather [hbm4b:s5+s22], $0x80, s16, s22, $0xb8;
	[tilespmem:$0x1DA00] =	vst v63  }
0x5e: {  	s15 =	simm.s32 $0x4A00  }
0x5f: {  	[tilespmem:s15], [sflag:$0x1] =	stream.indirect.gather [hbm4b:s5+s22], $0x80, s17, s22, $0xb8;
	[tilespmem:$0x1DA00] =	vst v63  }
0x60: {  	s16 =	simm.s32 $0x5A00  }
0x61: {  	[tilespmem:s16], [sflag:$0x1] =	stream.indirect.gather [hbm4b:s5+s22], $0x80, s18, s22, $0xb8;
	[tilespmem:$0x1DA00] =	vst v63  }
0x62: {  	s17 =	simm.s32 $0x6A00  }
0x63: {  	[tilespmem:s17], [sflag:$0x1] =	stream.indirect.gather [hbm4b:s5+s22], $0x80, s20, s22, $0xb8;
	[tilespmem:$0x1DA00] =	vst v63  }
0x64: {  	s18 =	simm.s32 $0x7A00  }
0x65: {  	[tilespmem:s18], [sflag:$0x1] =	stream.indirect.gather [hbm4b:s5+s22], $0x80, s14, s22, $0xb8;
	[tilespmem:$0x1DA00] =	vst v63  }
0x66: {  	s20 =	simm.s32 $0x8A00  }
0x67: {  	[tilespmem:s20], [sflag:$0x1] =	stream.indirect.gather [hbm4b:s5+s22], $0x80, s23, s22, $0xb8;
	[tilespmem:$0x1DA00] =	vst v63  }
0x68: {  	s15 =	simm.s32 $0x9A00  }
0x69: {  	[tilespmem:s15], [sflag:$0x1] =	stream.indirect.gather [hbm4b:s5+s22], $0x80, s24, s22, $0xb8;
	[tilespmem:$0x1DA00] =	vst v63  }
0x6a: {  	s16 =	simm.s32 $0xAA00;
	s17 =	simm.s32 $0xBA00  }
0x6b: {  	[tilespmem:s16], [sflag:$0x1] =	stream.indirect.gather [hbm4b:s5+s22], $0x80, s25, s22, $0xb8;
	[tilespmem:$0x1DA00] =	vst v63  }
0x6c: {  	s14 =	simm.s32 $0xEA00;
	s18 =	simm.s32 $0xCA00;
	s23 =	simm.s32 $0xFA00  }
0x6d: {  	[tilespmem:s17], [sflag:$0x1] =	stream.indirect.gather [hbm4b:s5+s22], $0x80, s26, s22, $0xb8;
	[tilespmem:$0x1DA00] =	vst v63  }
0x6e: {  	s20 =	simm.s32 $0xDA00;
	s24 =	simm.s32 $0x10A00;
	s15 =	simm.s32 $0x0  }
0x6f: {  	[tilespmem:s18], [sflag:$0x1] =	stream.indirect.gather [hbm4b:s5+s22], $0x80, s28, s22, $0xb8;
	[tilespmem:$0x1DA00] =	vst v63  }
0x70: {  	s25 =	simm.s32 $0x11A00;
	s26 =	simm.s32 $0x12A00;
	s28 =	simm.s32 $0x13A00  }
0x71: {  	[tilespmem:s20], [sflag:$0x1] =	stream.indirect.gather [hbm4b:s5+s22], $0x80, s29, s22, $0xb8;
	[tilespmem:$0x1DA00] =	vst v63  }
.LBB2_2:
0x72: {  	s17 =	sshll.u32 s15, $0x6  }
0x73: {  	s16 =	sor.u32 $0x20, s17  }
0x74: {  	[tilespmem:s14], [sflag:$0x2] =	stream.indirect.gather [hbm4b:s5+s22], $0x80, s16, s22, $0xb8;
	[tilespmem:$0x1DA00] =	vst v63  }
0x75: {  	s13 =	sadd.s32 $0x220, s17  }
0x76: {  	[tilespmem:s23], [sflag:$0x2] =	stream.indirect.gather [hbm4b:s5+s22], $0x80, s13, s22, $0xb8;
	[tilespmem:$0x1DA00] =	vst v63  }
0x77: {  	s20 =	sadd.s32 $0x420, s17  }
0x78: {  	[tilespmem:s24], [sflag:$0x2] =	stream.indirect.gather [hbm4b:s5+s22], $0x80, s20, s22, $0xb8;
	[tilespmem:$0x1DA00] =	vst v63  }
0x79: {  	s18 =	sadd.s32 $0x620, s17  }
0x7a: {  	[tilespmem:s25], [sflag:$0x2] =	stream.indirect.gather [hbm4b:s5+s22], $0x80, s18, s22, $0xb8;
	[tilespmem:$0x1DA00] =	vst v63  }
0x7b: {  	s20 =	sadd.s32 $0x820, s17  }
0x7c: {  	[tilespmem:s26], [sflag:$0x2] =	stream.indirect.gather [hbm4b:s5+s22], $0x80, s20, s22, $0xb8;
	[tilespmem:$0x1DA00] =	vst v63  }
0x7d: {  	s18 =	sadd.s32 $0xA20, s17  }
0x7e: {  	[tilespmem:s28], [sflag:$0x2] =	stream.indirect.gather [hbm4b:s5+s22], $0x80, s18, s22, $0xb8;
	[tilespmem:$0x1DA00] =	vst v63  }
0x7f: {  	s20 =	sadd.s32 $0xC20, s17  }
0x80: {  	[tilespmem:s30], [sflag:$0x2] =	stream.indirect.gather [hbm4b:s5+s22], $0x80, s20, s22, $0xb8;
	[tilespmem:$0x1DA00] =	vst v63  }
0x81: {  	s18 =	sadd.s32 $0xE20, s17  }
0x82: {  	[tilespmem:s31], [sflag:$0x2] =	stream.indirect.gather [hbm4b:s5+s22], $0x80, s18, s22, $0xb8;
	[tilespmem:$0x1DA00] =	vst v63  }
0x83: {  	s20 =	sadd.s32 $0x1020, s17  }
0x84: {  	[tilespmem:s0], [sflag:$0x2] =	stream.indirect.gather [hbm4b:s5+s22], $0x80, s20, s22, $0xb8;
	[tilespmem:$0x1DA00] =	vst v63  }
0x85: {  	s18 =	sadd.s32 $0x1220, s17  }
0x86: {  	[tilespmem:s1], [sflag:$0x2] =	stream.indirect.gather [hbm4b:s5+s22], $0x80, s18, s22, $0xb8;
	[tilespmem:$0x1DA00] =	vst v63  }
0x87: {  	s20 =	sadd.s32 $0x1420, s17  }
0x88: {  	[tilespmem:s6], [sflag:$0x2] =	stream.indirect.gather [hbm4b:s5+s22], $0x80, s20, s22, $0xb8;
	[tilespmem:$0x1DA00] =	vst v63  }
0x89: {  	s18 =	sadd.s32 $0x1620, s17  }
0x8a: {  	[tilespmem:s7], [sflag:$0x2] =	stream.indirect.gather [hbm4b:s5+s22], $0x80, s18, s22, $0xb8;
	[tilespmem:$0x1DA00] =	vst v63  }
0x8b: {  	s20 =	sadd.s32 $0x1820, s17  }
0x8c: {  	[tilespmem:s8], [sflag:$0x2] =	stream.indirect.gather [hbm4b:s5+s22], $0x80, s20, s22, $0xb8;
	[tilespmem:$0x1DA00] =	vst v63  }
0x8d: {  	_ =	swait.ge [sflag:s9], $0x1000  }
0x8e: {  	[sflag:s9] =	ssyncset.done $0x0  }
0x8f: {  	[sflag:s9] =	ssyncadd.s32 $0xFFFFF000  }
0x90: {  	_ =	swait.ge [sflag:s9], $0x1000  }
0x91: {  	[sflag:s9] =	ssyncset.done $0x0  }
0x92: {  	[sflag:s9] =	ssyncadd.s32 $0xFFFFF000  }
0x93: {  	_ =	swait.ge [sflag:s9], $0x1000  }
0x94: {  	[sflag:s9] =	ssyncset.done $0x0  }
0x95: {  	[sflag:s9] =	ssyncadd.s32 $0xFFFFF000  }
0x96: {  	_ =	swait.ge [sflag:s9], $0x1000  }
0x97: {  	[sflag:s9] =	ssyncset.done $0x0  }
0x98: {  	[sflag:s9] =	ssyncadd.s32 $0xFFFFF000  }
0x99: {  	_ =	swait.ge [sflag:s9], $0x1000  }
0x9a: {  	[sflag:s9] =	ssyncset.done $0x0  }
0x9b: {  	[sflag:s9] =	ssyncadd.s32 $0xFFFFF000  }
0x9c: {  	_ =	swait.ge [sflag:s9], $0x1000  }
0x9d: {  	[sflag:s9] =	ssyncset.done $0x0  }
0x9e: {  	[sflag:s9] =	ssyncadd.s32 $0xFFFFF000  }
0x9f: {  	_ =	swait.ge [sflag:s9], $0x1000  }
0xa0: {  	[sflag:s9] =	ssyncset.done $0x0  }
0xa1: {  	[sflag:s9] =	ssyncadd.s32 $0xFFFFF000  }
0xa2: {  	_ =	swait.ge [sflag:s9], $0x1000  }
0xa3: {  	[sflag:s9] =	ssyncset.done $0x0  }
0xa4: {  	[sflag:s9] =	ssyncadd.s32 $0xFFFFF000  }
0xa5: {  	_ =	swait.ge [sflag:s9], $0x1000  }
0xa6: {  	[sflag:s9] =	ssyncset.done $0x0  }
0xa7: {  	[sflag:s9] =	ssyncadd.s32 $0xFFFFF000  }
0xa8: {  	_ =	swait.ge [sflag:s9], $0x1000  }
0xa9: {  	[sflag:s9] =	ssyncset.done $0x0  }
0xaa: {  	[sflag:s9] =	ssyncadd.s32 $0xFFFFF000  }
0xab: {  	_ =	swait.ge [sflag:s9], $0x1000  }
0xac: {  	[sflag:s9] =	ssyncset.done $0x0  }
0xad: {  	[sflag:s9] =	ssyncadd.s32 $0xFFFFF000  }
0xae: {  	_ =	swait.ge [sflag:s9], $0x1000  }
0xaf: {  	[sflag:s9] =	ssyncset.done $0x0  }
0xb0: {  	[sflag:s9] =	ssyncadd.s32 $0xFFFFF000  }
0xb1: {  	_ =	swait.ge [sflag:s9], $0x1000  }
0xb2: {  	p0 =	seq.s32 s15, $0x0;
	[sflag:s9] =	ssyncset.done $0x0  }
0xb3: {  	s13 =	simm.s32 @!p0 $0x3;
	[sflag:s9] =	ssyncadd.s32 $0xFFFFF000  }
0xb4: {  	_ =	swait.ge @!p0 [sflag:s13], $0x1000  }
0xb5: {  	[sflag:s13] =	ssyncset.done @!p0 $0x0  }
0xb6: {  	s18 =	simm.s32 $0x0;
	[sflag:s13] =	ssyncadd.s32 @!p0 $0xFFFFF000  }
0xb7: {  	v0 =	vld [tilespmem:s18+$0x1A70]  }
0xb8: {  	v1 =	vld [tilespmem:s18+$0x2A70]  }
0xb9: {  	v2 =	vld [tilespmem:s18+$0x1A00]  }
0xba: {  	v3 =	vld [tilespmem:s18+$0x3A70]  }
0xbb: {  	v4 =	vld [tilespmem:s18+$0x2A00]  }
0xbc: {  	v5 =	vld [tilespmem:s18+$0x4A70]  }
0xbd: {  	v6 =	vld [tilespmem:s18+$0x1A10]  }
0xbe: {  	v7 =	vld [tilespmem:s18+$0x2A10]  }
0xbf: {  	v8 =	vld [tilespmem:s18+$0x1A20]  }
0xc0: {  	v9 =	vld [tilespmem:s18+$0x2A20]  }
0xc1: {  	v10 =	vld [tilespmem:s18+$0x1A30]  }
0xc2: {  	v11 =	vld [tilespmem:s18+$0x2A30]  }
0xc3: {  	v12 =	vld [tilespmem:s18+$0x1A40]  }
0xc4: {  	v13 =	vld [tilespmem:s18+$0x2A40]  }
0xc5: {  	v14 =	vld [tilespmem:s18+$0x1A50]  }
0xc6: {  	v15 =	vld [tilespmem:s18+$0x2A50]  }
0xc7: {  	v16 =	vld [tilespmem:s18+$0x2A60]  }
0xc8: {  	v17 =	vld [tilespmem:s18+$0x3A10]  }
0xc9: {  	v18 =	vld [tilespmem:s18+$0x3A30]  }
0xca: {  	v19 =	vld [tilespmem:s18+$0x3A50]  }
0xcb: {  	v20 =	vld [tilespmem:s18+$0x3A60]  }
0xcc: {  	v21 =	vld [tilespmem:s18+$0x4A00]  }
0xcd: {  	v22 =	vld [tilespmem:s18+$0x4A10]  }
0xce: {  	v23 =	vld [tilespmem:s18+$0x4A20]  }
0xcf: {  	v24 =	vld [tilespmem:s18+$0x4A30]  }
0xd0: {  	v25 =	vld [tilespmem:s18+$0x4A40]  }
0xd1: {  	v26 =	vld [tilespmem:s18+$0x4A50]  }
0xd2: {  	v27 =	vld [tilespmem:s18+$0x4A60]  }
0xd3: {  	v28 =	vld [tilespmem:s18+$0x5A00]  }
0xd4: {  	v29 =	vld [tilespmem:s18+$0x5A10]  }
0xd5: {  	v30 =	vld [tilespmem:s18+$0x5A20]  }
0xd6: {  	v31 =	vld [tilespmem:s18+$0x5A30]  }
0xd7: {  	v32 =	vld [tilespmem:s18+$0x5A40]  }
0xd8: {  	v33 =	vld [tilespmem:s18+$0x5A50]  }
0xd9: {  	v34 =	vld [tilespmem:s18+$0x5A60]  }
0xda: {  	v35 =	vld [tilespmem:s18+$0x6A00]  }
0xdb: {  	v36 =	vld [tilespmem:s18+$0x6A10]  }
0xdc: {  	v37 =	vld [tilespmem:s18+$0x6A20]  }
0xdd: {  	v38 =	vld [tilespmem:s18+$0x6A30]  }
0xde: {  	v39 =	vld [tilespmem:s18+$0x6A40]  }
0xdf: {  	v40 =	vld [tilespmem:s18+$0x6A50]  }
0xe0: {  	v41 =	vld [tilespmem:s18+$0x6A60]  }
0xe1: {  	v42 =	vld [tilespmem:s18+$0x7A00]  }
0xe2: {  	v43 =	vld [tilespmem:s18+$0x7A10]  }
0xe3: {  	v44 =	vld [tilespmem:s18+$0x7A20]  }
0xe4: {  	v45 =	vld [tilespmem:s18+$0x7A30]  }
0xe5: {  	v46 =	vld [tilespmem:s18+$0x7A40]  }
0xe6: {  	v47 =	vld [tilespmem:s18+$0x7A50]  }
0xe7: {  	v48 =	vld [tilespmem:s18+$0x7A60]  }
0xe8: {  	v49 =	vld [tilespmem:s18+$0x8A00]  }
0xe9: {  	v50 =	vld [tilespmem:s18+$0x8A10];
	v0 =	vadd.f32 v1, v0  }
0xea: {  	v1 =	vld [tilespmem:s18+$0x5A70]  }
0xeb: {  	v51 =	vld [tilespmem:s18+$0x8A20];
	v0 =	vadd.f32 v3, v0  }
0xec: {  	v3 =	vld [tilespmem:s18+$0x6A70]  }
0xed: {  	v52 =	vld [tilespmem:s18+$0x8A30];
	v0 =	vadd.f32 v5, v0  }
0xee: {  	v5 =	vld [tilespmem:s18+$0x7A70]  }
0xef: {  	v57 =	vld [tilespmem:s18+$0x8A60];
	v0 =	vadd.f32 v1, v0  }
0xf0: {  	v1 =	vld [tilespmem:s18+$0x8A70]  }
0xf1: {  	v58 =	vld [tilespmem:s18+$0x9A30];
	v0 =	vadd.f32 v3, v0  }
0xf2: {  	v3 =	vld [tilespmem:s18+$0x9A70]  }
0xf3: {  	v59 =	vld [tilespmem:s18+$0x9A40];
	v0 =	vadd.f32 v5, v0  }
0xf4: {  	v5 =	vld [tilespmem:s18+$0xAA70]  }
0xf5: {  	v60 =	vld [tilespmem:s18+$0x9A50];
	v2 =	vadd.f32 v4, v2;
	v0 =	vadd.f32 v1, v0  }
0xf6: {  	v4 =	vadd.f32 v7, v6;
	v7 =	vadd.f32 v9, v8;
	v1 =	vld [tilespmem:s18+$0xBA70]  }
0xf7: {  	v61 =	vld [tilespmem:s18+$0x9A60];
	v8 =	vadd.f32 v11, v10;
	v0 =	vadd.f32 v3, v0  }
0xf8: {  	v11 =	vadd.f32 v15, v14;
	v4 =	vadd.f32 v17, v4;
	v3 =	vld [tilespmem:s18+$0xCA70]  }
0xf9: {  	v62 =	vld [tilespmem:s18+$0xAA00];
	v8 =	vadd.f32 v18, v8;
	v0 =	vadd.f32 v5, v0  }
0xfa: {  	v11 =	vadd.f32 v19, v11;
	v4 =	vadd.f32 v22, v4;
	v5 =	vld [tilespmem:s18+$0xDA70]  }
0xfb: {  	v63 =	vld [tilespmem:s18+$0xAA10];
	v8 =	vadd.f32 v24, v8;
	v0 =	vadd.f32 v1, v0  }
0xfc: {  	v53 =	vld [tilespmem:s18+$0xBA30];
	v11 =	vadd.f32 v26, v11;
	v4 =	vadd.f32 v29, v4  }
0xfd: {  	v8 =	vadd.f32 v31, v8;
	v1 =	vld [tilespmem:s18+$0x1A60];
	v0 =	vadd.f32 v3, v0  }
0xfe: {  	v11 =	vadd.f32 v33, v11;
	v4 =	vadd.f32 v36, v4;
	v3 =	vld [tilespmem:s18+$0x3A00]  }
0xff: {  	v54 =	vld [tilespmem:s18+$0xBA40];
	v8 =	vadd.f32 v38, v8;
	v0 =	vadd.f32 v5, v0  }
0x100: {  	v10 =	vadd.f32 v13, v12;
	v11 =	vadd.f32 v40, v11;
	v5 =	vld [tilespmem:s18+$0x3A20]  }
0x101: {  	v4 =	vadd.f32 v43, v4;
	v8 =	vadd.f32 v45, v8;
	[tilespmem:s18+$0x1BA70] =	vst v0;
	v0 =	vld [tilespmem:s18+$0x3A40]  }
0x102: {  	v55 =	vld [tilespmem:s18+$0xBA50];
	v11 =	vadd.f32 v47, v11;
	v1 =	vadd.f32 v16, v1  }
0x103: {  	v56 =	vld [tilespmem:s18+$0xCA40];
	v4 =	vadd.f32 v50, v4;
	v2 =	vadd.f32 v3, v2  }
0x104: {  	v6 =	vld [tilespmem:s18+$0x8A40];
	v8 =	vadd.f32 v52, v8;
	v1 =	vadd.f32 v20, v1  }
0x105: {  	v5 =	vadd.f32 v5, v7;
	v7 =	vld [tilespmem:s18+$0x9A10];
	v2 =	vadd.f32 v21, v2  }
0x106: {  	v9 =	vld [tilespmem:s18+$0x8A50];
	v1 =	vadd.f32 v27, v1;
	v0 =	vadd.f32 v0, v10  }
0x107: {  	v36 =	vld [tilespmem:s18+$0xAA40];
	v5 =	vadd.f32 v23, v5;
	v2 =	vadd.f32 v28, v2  }
0x108: {  	v38 =	vld [tilespmem:s18+$0xAA50];
	v1 =	vadd.f32 v34, v1;
	v0 =	vadd.f32 v25, v0  }
0x109: {  	v34 =	vld [tilespmem:s18+$0xAA30];
	v5 =	vadd.f32 v30, v5;
	v2 =	vadd.f32 v35, v2  }
0x10a: {  	v40 =	vld [tilespmem:s18+$0xAA60];
	v1 =	vadd.f32 v41, v1;
	v4 =	vadd.f32 v7, v4  }
0x10b: {  	v3 =	vld [tilespmem:s18+$0x9A00];
	v7 =	vadd.f32 v58, v8;
	v0 =	vadd.f32 v32, v0  }
0x10c: {  	v10 =	vld [tilespmem:s18+$0x9A20];
	v5 =	vadd.f32 v37, v5;
	v2 =	vadd.f32 v42, v2  }
0x10d: {  	v8 =	vld [tilespmem:s18+$0xCA20];
	v1 =	vadd.f32 v48, v1;
	v4 =	vadd.f32 v63, v4  }
0x10e: {  	v58 =	vld [tilespmem:s18+$0xCA60];
	v7 =	vadd.f32 v34, v7;
	v0 =	vadd.f32 v39, v0  }
0x10f: {  	v32 =	vld [tilespmem:s18+$0xAA20];
	v5 =	vadd.f32 v44, v5;
	v2 =	vadd.f32 v49, v2  }
0x110: {  	v44 =	vld [tilespmem:s18+$0xBA10];
	v1 =	vadd.f32 v57, v1;
	v0 =	vadd.f32 v46, v0  }
0x111: {  	v42 =	vld [tilespmem:s18+$0xBA00];
	v5 =	vadd.f32 v51, v5;
	v2 =	vadd.f32 v3, v2  }
0x112: {  	v46 =	vld [tilespmem:s18+$0xBA20];
	v1 =	vadd.f32 v61, v1;
	v61 =	vadd.f32 v53, v7  }
0x113: {  	v3 =	vld [tilespmem:s18+$0xCA00];
	v0 =	vadd.f32 v6, v0;
	v6 =	vadd.f32 v9, v11  }
0x114: {  	v9 =	vld [tilespmem:s18+$0xBA60];
	v5 =	vadd.f32 v10, v5;
	v2 =	vadd.f32 v62, v2  }
0x115: {  	v10 =	vld [tilespmem:s18+$0xCA10];
	v1 =	vadd.f32 v40, v1;
	v4 =	vadd.f32 v44, v4  }
0x116: {  	v11 =	vld [tilespmem:s18+$0xCA30];
	v0 =	vadd.f32 v59, v0;
	v6 =	vadd.f32 v60, v6  }
0x117: {  	v5 =	vadd.f32 v32, v5;
	v2 =	vadd.f32 v42, v2;
	v59 =	vld [tilespmem:s18+$0xDA00]  }
0x118: {  	v60 =	vld [tilespmem:s18+$0xDA10];
	v0 =	vadd.f32 v36, v0;
	v6 =	vadd.f32 v38, v6  }
0x119: {  	v57 =	vld [tilespmem:s18+$0xCA50];
	v5 =	vadd.f32 v46, v5;
	v3 =	vadd.f32 v3, v2  }
0x11a: {  	v62 =	vld [tilespmem:s18+$0xDA20];
	v1 =	vadd.f32 v9, v1;
	v9 =	vadd.f32 v10, v4  }
0x11b: {  	v7 =	vld [tilespmem:s18+$0xDA30];
	v0 =	vadd.f32 v54, v0;
	v63 =	vadd.f32 v55, v6  }
0x11c: {  	v4 =	vld [tilespmem:s18+$0xDA40];
	v10 =	vadd.f32 v8, v5;
	v6 =	vadd.f32 v11, v61  }
0x11d: {  	v5 =	vld [tilespmem:s18+$0xDA50];
	v11 =	vadd.f32 v59, v3;
	v9 =	vadd.f32 v60, v9  }
0x11e: {  	s13 =	simm.s32 $0x80;
	v8 =	vld [tilespmem:s18+$0xDA60];
	v2 =	vadd.f32 v56, v0;
	v3 =	vadd.f32 v57, v63  }
0x11f: {  	s20 =	simm.s32 $0x400;
	v0 =	vadd.f32 v58, v1;
	v1 =	vld [tilespmem:s13+$0x1A70];
	v10 =	vadd.f32 v62, v10;
	[tilespmem:s18+$0x1BA00] =	vst v11  }
.LBB2_3:
0x120: {  	p1 =	sne.s32 s20, $0x3E00;
	v11 =	vld [tilespmem:s13+$0x2A70];
	[tilespmem:s18+$0x1BA10] =	vst v9;
	v6 =	vadd.f32 v7, v6  }
0x121: {  	v7 =	vld [tilespmem:s13+$0x1A00];
	[tilespmem:s18+$0x1BA20] =	vst v10;
	v2 =	vadd.f32 v4, v2  }
0x122: {  	v4 =	vld [tilespmem:s13+$0x3A70];
	[tilespmem:s18+$0x1BA30] =	vst v6;
	v3 =	vadd.f32 v5, v3  }
0x123: {  	v5 =	vld [tilespmem:s13+$0x2A00];
	[tilespmem:s18+$0x1BA40] =	vst v2;
	v0 =	vadd.f32 v8, v0  }
0x124: {  	v2 =	vld [tilespmem:s13+$0x4A70];
	[tilespmem:s18+$0x1BA50] =	vst v3  }
0x125: {  	v3 =	vld [tilespmem:s13+$0x1A10];
	v1 =	vadd.f32 v11, v1;
	[tilespmem:s18+$0x1BA60] =	vst v0;
	s18 =	smov.u32 s13  }
0x126: {  	v0 =	vld [tilespmem:s18+$0x5A70]  }
0x127: {  	v6 =	vld [tilespmem:s18+$0x2A10];
	v1 =	vadd.f32 v4, v1  }
0x128: {  	v4 =	vadd.f32 v5, v7;
	v5 =	vld [tilespmem:s18+$0x6A70]  }
0x129: {  	v7 =	vld [tilespmem:s18+$0x1A20];
	v1 =	vadd.f32 v2, v1  }
0x12a: {  	v2 =	vld [tilespmem:s18+$0x7A70]  }
0x12b: {  	v8 =	vld [tilespmem:s18+$0x2A20];
	v0 =	vadd.f32 v0, v1  }
0x12c: {  	v1 =	vadd.f32 v6, v3;
	v3 =	vld [tilespmem:s18+$0x8A70]  }
0x12d: {  	v6 =	vld [tilespmem:s18+$0x1A30];
	v0 =	vadd.f32 v5, v0  }
0x12e: {  	v5 =	vld [tilespmem:s18+$0x9A70]  }
0x12f: {  	v9 =	vld [tilespmem:s18+$0x2A30];
	v0 =	vadd.f32 v2, v0  }
0x130: {  	v2 =	vadd.f32 v8, v7;
	v7 =	vld [tilespmem:s18+$0xAA70]  }
0x131: {  	v8 =	vld [tilespmem:s18+$0x1A40];
	v0 =	vadd.f32 v3, v0  }
0x132: {  	v3 =	vld [tilespmem:s18+$0xBA70]  }
0x133: {  	v10 =	vld [tilespmem:s18+$0x2A40];
	v0 =	vadd.f32 v5, v0  }
0x134: {  	v5 =	vadd.f32 v9, v6;
	v6 =	vld [tilespmem:s18+$0xCA70]  }
0x135: {  	v9 =	vld [tilespmem:s18+$0x1A50];
	v0 =	vadd.f32 v7, v0  }
0x136: {  	v7 =	vld [tilespmem:s18+$0xDA70]  }
0x137: {  	v11 =	vld [tilespmem:s18+$0x2A50];
	v0 =	vadd.f32 v3, v0  }
0x138: {  	v3 =	vadd.f32 v10, v8;
	v8 =	vld [tilespmem:s18+$0x1A60]  }
0x139: {  	v10 =	vld [tilespmem:s18+$0x2A60];
	v0 =	vadd.f32 v6, v0  }
0x13a: {  	v6 =	vld [tilespmem:s18+$0x3A00]  }
0x13b: {  	v12 =	vld [tilespmem:s18+$0x3A10];
	v0 =	vadd.f32 v7, v0  }
0x13c: {  	v7 =	vld [tilespmem:s18+$0x3A20];
	v9 =	vadd.f32 v11, v9  }
0x13d: {  	v11 =	vld [tilespmem:s18+$0x3A30];
	[tilespmem:s18+$0x1BA70] =	vst v0  }
0x13e: {  	v0 =	vld [tilespmem:s18+$0x3A40];
	v8 =	vadd.f32 v10, v8  }
0x13f: {  	v4 =	vadd.f32 v6, v4;
	v6 =	vld [tilespmem:s18+$0x3A50]  }
0x140: {  	v1 =	vadd.f32 v12, v1;
	v10 =	vld [tilespmem:s18+$0x3A60]  }
0x141: {  	v12 =	vld [tilespmem:s18+$0x4A00];
	v2 =	vadd.f32 v7, v2  }
0x142: {  	v7 =	vld [tilespmem:s18+$0x4A10];
	v5 =	vadd.f32 v11, v5  }
0x143: {  	v11 =	vld [tilespmem:s18+$0x4A20];
	v0 =	vadd.f32 v0, v3  }
0x144: {  	v3 =	vld [tilespmem:s18+$0x4A30];
	v6 =	vadd.f32 v6, v9  }
0x145: {  	v9 =	vld [tilespmem:s18+$0x4A40];
	v8 =	vadd.f32 v10, v8  }
0x146: {  	v4 =	vadd.f32 v12, v4;
	v10 =	vld [tilespmem:s18+$0x4A50]  }
0x147: {  	v1 =	vadd.f32 v7, v1;
	v7 =	vld [tilespmem:s18+$0x4A60]  }
0x148: {  	v12 =	vld [tilespmem:s18+$0x5A00];
	v2 =	vadd.f32 v11, v2  }
0x149: {  	v11 =	vld [tilespmem:s18+$0x5A10];
	v3 =	vadd.f32 v3, v5  }
0x14a: {  	v5 =	vld [tilespmem:s18+$0x5A20];
	v0 =	vadd.f32 v9, v0  }
0x14b: {  	v9 =	vld [tilespmem:s18+$0x5A30];
	v6 =	vadd.f32 v10, v6  }
0x14c: {  	v10 =	vld [tilespmem:s18+$0x5A40];
	v7 =	vadd.f32 v7, v8  }
0x14d: {  	v4 =	vadd.f32 v12, v4;
	v8 =	vld [tilespmem:s18+$0x5A50]  }
0x14e: {  	v1 =	vadd.f32 v11, v1;
	v11 =	vld [tilespmem:s18+$0x5A60]  }
0x14f: {  	v12 =	vld [tilespmem:s18+$0x6A00];
	v2 =	vadd.f32 v5, v2  }
0x150: {  	v5 =	vld [tilespmem:s18+$0x6A10];
	v3 =	vadd.f32 v9, v3  }
0x151: {  	v9 =	vld [tilespmem:s18+$0x6A20];
	v0 =	vadd.f32 v10, v0  }
0x152: {  	v10 =	vld [tilespmem:s18+$0x6A30];
	v6 =	vadd.f32 v8, v6  }
0x153: {  	v8 =	vld [tilespmem:s18+$0x6A40];
	v7 =	vadd.f32 v11, v7  }
0x154: {  	v4 =	vadd.f32 v12, v4;
	v11 =	vld [tilespmem:s18+$0x6A50]  }
0x155: {  	v1 =	vadd.f32 v5, v1;
	v5 =	vld [tilespmem:s18+$0x6A60]  }
0x156: {  	v12 =	vld [tilespmem:s18+$0x7A00];
	v2 =	vadd.f32 v9, v2  }
0x157: {  	v9 =	vld [tilespmem:s18+$0x7A10];
	v3 =	vadd.f32 v10, v3  }
0x158: {  	v10 =	vld [tilespmem:s18+$0x7A20];
	v0 =	vadd.f32 v8, v0  }
0x159: {  	v8 =	vld [tilespmem:s18+$0x7A30];
	v6 =	vadd.f32 v11, v6  }
0x15a: {  	v11 =	vld [tilespmem:s18+$0x7A40];
	v5 =	vadd.f32 v5, v7  }
0x15b: {  	v4 =	vadd.f32 v12, v4;
	v7 =	vld [tilespmem:s18+$0x7A50]  }
0x15c: {  	v1 =	vadd.f32 v9, v1;
	v9 =	vld [tilespmem:s18+$0x7A60]  }
0x15d: {  	v12 =	vld [tilespmem:s18+$0x8A00];
	v2 =	vadd.f32 v10, v2  }
0x15e: {  	v10 =	vld [tilespmem:s18+$0x8A10];
	v3 =	vadd.f32 v8, v3  }
0x15f: {  	v8 =	vld [tilespmem:s18+$0x8A20];
	v0 =	vadd.f32 v11, v0  }
0x160: {  	v11 =	vld [tilespmem:s18+$0x8A30];
	v6 =	vadd.f32 v7, v6  }
0x161: {  	v7 =	vld [tilespmem:s18+$0x8A40];
	v5 =	vadd.f32 v9, v5  }
0x162: {  	v4 =	vadd.f32 v12, v4;
	v9 =	vld [tilespmem:s18+$0x8A50]  }
0x163: {  	v1 =	vadd.f32 v10, v1;
	v10 =	vld [tilespmem:s18+$0x8A60]  }
0x164: {  	v12 =	vld [tilespmem:s18+$0x9A00];
	v2 =	vadd.f32 v8, v2  }
0x165: {  	v8 =	vld [tilespmem:s18+$0x9A10];
	v3 =	vadd.f32 v11, v3  }
0x166: {  	v11 =	vld [tilespmem:s18+$0x9A20];
	v0 =	vadd.f32 v7, v0  }
0x167: {  	v7 =	vld [tilespmem:s18+$0x9A30];
	v6 =	vadd.f32 v9, v6  }
0x168: {  	v9 =	vld [tilespmem:s18+$0x9A40];
	v5 =	vadd.f32 v10, v5  }
0x169: {  	v4 =	vadd.f32 v12, v4;
	v10 =	vld [tilespmem:s18+$0x9A50]  }
0x16a: {  	v1 =	vadd.f32 v8, v1;
	v8 =	vld [tilespmem:s18+$0x9A60]  }
0x16b: {  	v12 =	vld [tilespmem:s18+$0xAA00];
	v2 =	vadd.f32 v11, v2  }
0x16c: {  	v11 =	vld [tilespmem:s18+$0xAA10];
	v3 =	vadd.f32 v7, v3  }
0x16d: {  	v7 =	vld [tilespmem:s18+$0xAA20];
	v0 =	vadd.f32 v9, v0  }
0x16e: {  	v9 =	vld [tilespmem:s18+$0xAA30];
	v6 =	vadd.f32 v10, v6  }
0x16f: {  	v10 =	vld [tilespmem:s18+$0xAA40];
	v5 =	vadd.f32 v8, v5  }
0x170: {  	v4 =	vadd.f32 v12, v4;
	v8 =	vld [tilespmem:s18+$0xAA50]  }
0x171: {  	v1 =	vadd.f32 v11, v1;
	v11 =	vld [tilespmem:s18+$0xAA60]  }
0x172: {  	v12 =	vld [tilespmem:s18+$0xBA00];
	v2 =	vadd.f32 v7, v2  }
0x173: {  	v7 =	vld [tilespmem:s18+$0xBA10];
	v3 =	vadd.f32 v9, v3  }
0x174: {  	v9 =	vld [tilespmem:s18+$0xBA20];
	v0 =	vadd.f32 v10, v0  }
0x175: {  	v10 =	vld [tilespmem:s18+$0xBA30];
	v6 =	vadd.f32 v8, v6  }
0x176: {  	v8 =	vld [tilespmem:s18+$0xBA40];
	v5 =	vadd.f32 v11, v5  }
0x177: {  	v4 =	vadd.f32 v12, v4;
	v11 =	vld [tilespmem:s18+$0xBA50]  }
0x178: {  	v1 =	vadd.f32 v7, v1;
	v7 =	vld [tilespmem:s18+$0xBA60]  }
0x179: {  	v12 =	vld [tilespmem:s18+$0xCA00];
	v2 =	vadd.f32 v9, v2  }
0x17a: {  	v9 =	vld [tilespmem:s18+$0xCA10];
	v3 =	vadd.f32 v10, v3  }
0x17b: {  	v10 =	vld [tilespmem:s18+$0xCA20];
	v0 =	vadd.f32 v8, v0  }
0x17c: {  	v8 =	vld [tilespmem:s18+$0xCA30];
	v11 =	vadd.f32 v11, v6  }
0x17d: {  	v13 =	vld [tilespmem:s18+$0xCA40];
	v5 =	vadd.f32 v7, v5  }
0x17e: {  	v12 =	vadd.f32 v12, v4;
	v4 =	vld [tilespmem:s18+$0xCA50]  }
0x17f: {  	v1 =	vadd.f32 v9, v1;
	v9 =	vld [tilespmem:s18+$0xCA60]  }
0x180: {  	v14 =	vld [tilespmem:s18+$0xDA00];
	v10 =	vadd.f32 v10, v2  }
0x181: {  	v15 =	vld [tilespmem:s18+$0xDA10];
	v6 =	vadd.f32 v8, v3  }
0x182: {  	v16 =	vld [tilespmem:s18+$0xDA20];
	v2 =	vadd.f32 v13, v0  }
.Ltmp0:
0x183: {  	v7 =	vld [tilespmem:s18+$0xDA30];
	v3 =	vadd.f32 v4, v11;
	(pc) =	sbr.rel @p1 .LBB2_3-.Ltmp0, $4  }
0x184: {  	v4 =	vld [tilespmem:s18+$0xDA40];
	v0 =	vadd.f32 v9, v5  }
0x185: {  	v11 =	vadd.f32 v14, v12;
	v5 =	vld [tilespmem:s18+$0xDA50]  }
0x186: {  	s13 =	sshra.s32 s20, $0x2;
	v9 =	vadd.f32 v15, v1;
	v8 =	vld [tilespmem:s18+$0xDA60]  }
0x187: {  	s20 =	sadd.s32 $0x200, s20;
	v1 =	vld [tilespmem:s13+$0x1A70];
	[tilespmem:s18+$0x1BA00] =	vst v11;
	v10 =	vadd.f32 v16, v10  }
0x188: {  	v11 =	vld [tilespmem:s13+$0x2A70];
	[tilespmem:s18+$0x1BA10] =	vst v9;
	v6 =	vadd.f32 v7, v6  }
0x189: {  	v9 =	vld [tilespmem:s13+$0x1A00];
	[tilespmem:s18+$0x1BA20] =	vst v10;
	v2 =	vadd.f32 v4, v2  }
0x18a: {  	v7 =	vld [tilespmem:s13+$0x3A70];
	[tilespmem:s18+$0x1BA30] =	vst v6;
	v3 =	vadd.f32 v5, v3  }
0x18b: {  	v4 =	vld [tilespmem:s13+$0x2A00];
	[tilespmem:s18+$0x1BA40] =	vst v2;
	v0 =	vadd.f32 v8, v0  }
0x18c: {  	v2 =	vld [tilespmem:s13+$0x4A70];
	[tilespmem:s18+$0x1BA50] =	vst v3  }
0x18d: {  	v3 =	vld [tilespmem:s13+$0x1A10];
	[tilespmem:s18+$0x1BA60] =	vst v0  }
0x18e: {  	v0 =	vadd.f32 v11, v1;
	v1 =	vld [tilespmem:s13+$0x5A70]  }
0x18f: {  	v5 =	vld [tilespmem:s13+$0x2A10]  }
0x190: {  	v6 =	vld [tilespmem:s13+$0x6A70]  }
0x191: {  	v8 =	vld [tilespmem:s13+$0x2A20]  }
0x192: {  	v10 =	vld [tilespmem:s13+$0x1A30]  }
0x193: {  	v11 =	vld [tilespmem:s13+$0x2A30]  }
0x194: {  	v12 =	vld [tilespmem:s13+$0x1A40]  }
0x195: {  	v13 =	vld [tilespmem:s13+$0x2A40]  }
0x196: {  	v14 =	vld [tilespmem:s13+$0x1A50]  }
0x197: {  	v15 =	vld [tilespmem:s13+$0x2A50]  }
0x198: {  	v16 =	vld [tilespmem:s13+$0x2A60]  }
0x199: {  	v17 =	vld [tilespmem:s13+$0x3A10]  }
0x19a: {  	v18 =	vld [tilespmem:s13+$0x3A30]  }
0x19b: {  	v19 =	vld [tilespmem:s13+$0x3A50]  }
0x19c: {  	v20 =	vld [tilespmem:s13+$0x3A60]  }
0x19d: {  	v21 =	vld [tilespmem:s13+$0x4A00]  }
0x19e: {  	v22 =	vld [tilespmem:s13+$0x4A10]  }
0x19f: {  	v23 =	vld [tilespmem:s13+$0x4A20]  }
0x1a0: {  	v24 =	vld [tilespmem:s13+$0x4A30]  }
0x1a1: {  	v25 =	vld [tilespmem:s13+$0x4A40]  }
0x1a2: {  	v26 =	vld [tilespmem:s13+$0x4A50]  }
0x1a3: {  	v27 =	vld [tilespmem:s13+$0x4A60]  }
0x1a4: {  	v28 =	vld [tilespmem:s13+$0x5A00]  }
0x1a5: {  	v29 =	vld [tilespmem:s13+$0x5A10]  }
0x1a6: {  	v30 =	vld [tilespmem:s13+$0x5A20]  }
0x1a7: {  	v31 =	vld [tilespmem:s13+$0x5A30]  }
0x1a8: {  	v32 =	vld [tilespmem:s13+$0x5A40]  }
0x1a9: {  	v33 =	vld [tilespmem:s13+$0x5A50]  }
0x1aa: {  	v34 =	vld [tilespmem:s13+$0x5A60]  }
0x1ab: {  	v35 =	vld [tilespmem:s13+$0x6A00]  }
0x1ac: {  	v36 =	vld [tilespmem:s13+$0x6A10]  }
0x1ad: {  	v37 =	vld [tilespmem:s13+$0x6A20]  }
0x1ae: {  	v38 =	vld [tilespmem:s13+$0x6A30]  }
0x1af: {  	v39 =	vld [tilespmem:s13+$0x6A40]  }
0x1b0: {  	v40 =	vld [tilespmem:s13+$0x6A50]  }
0x1b1: {  	v41 =	vld [tilespmem:s13+$0x6A60]  }
0x1b2: {  	v42 =	vld [tilespmem:s13+$0x7A00]  }
0x1b3: {  	v43 =	vld [tilespmem:s13+$0x7A10]  }
0x1b4: {  	v44 =	vld [tilespmem:s13+$0x7A20]  }
0x1b5: {  	v45 =	vld [tilespmem:s13+$0x7A30]  }
0x1b6: {  	v46 =	vld [tilespmem:s13+$0x7A40]  }
0x1b7: {  	v47 =	vld [tilespmem:s13+$0x7A50]  }
0x1b8: {  	v48 =	vld [tilespmem:s13+$0x7A60]  }
0x1b9: {  	v49 =	vld [tilespmem:s13+$0x8A00]  }
0x1ba: {  	v50 =	vld [tilespmem:s13+$0x8A10]  }
0x1bb: {  	v51 =	vld [tilespmem:s13+$0x8A20]  }
0x1bc: {  	v52 =	vld [tilespmem:s13+$0x8A30]  }
0x1bd: {  	v57 =	vld [tilespmem:s13+$0x8A60];
	v0 =	vadd.f32 v7, v0  }
0x1be: {  	v58 =	vld [tilespmem:s13+$0x9A30]  }
0x1bf: {  	v59 =	vld [tilespmem:s13+$0x9A40];
	v0 =	vadd.f32 v2, v0  }
0x1c0: {  	v2 =	vld [tilespmem:s13+$0x7A70]  }
0x1c1: {  	v7 =	vld [tilespmem:s13+$0x1A20];
	v0 =	vadd.f32 v1, v0  }
0x1c2: {  	v1 =	vld [tilespmem:s13+$0x8A70]  }
0x1c3: {  	v60 =	vld [tilespmem:s13+$0x9A50];
	v0 =	vadd.f32 v6, v0  }
0x1c4: {  	v6 =	vld [tilespmem:s13+$0x9A70]  }
0x1c5: {  	v61 =	vld [tilespmem:s13+$0x9A60];
	v0 =	vadd.f32 v2, v0  }
0x1c6: {  	v4 =	vadd.f32 v4, v9;
	v3 =	vadd.f32 v5, v3;
	v2 =	vld [tilespmem:s13+$0xAA70]  }
0x1c7: {  	v62 =	vld [tilespmem:s13+$0xAA00];
	v7 =	vadd.f32 v8, v7;
	v0 =	vadd.f32 v1, v0  }
0x1c8: {  	v8 =	vadd.f32 v11, v10;
	v10 =	vadd.f32 v13, v12;
	v1 =	vld [tilespmem:s13+$0xBA70]  }
0x1c9: {  	v63 =	vld [tilespmem:s13+$0xAA10];
	v11 =	vadd.f32 v15, v14;
	v0 =	vadd.f32 v6, v0  }
0x1ca: {  	v3 =	vadd.f32 v17, v3;
	v8 =	vadd.f32 v18, v8;
	v6 =	vld [tilespmem:s13+$0xCA70]  }
0x1cb: {  	v53 =	vld [tilespmem:s13+$0xCA60];
	v11 =	vadd.f32 v19, v11;
	v0 =	vadd.f32 v2, v0  }
0x1cc: {  	v3 =	vadd.f32 v22, v3;
	v8 =	vadd.f32 v24, v8;
	v2 =	vld [tilespmem:s13+$0xDA70]  }
0x1cd: {  	v54 =	vld [tilespmem:s13+$0xDA00];
	v11 =	vadd.f32 v26, v11;
	v0 =	vadd.f32 v1, v0  }
0x1ce: {  	v3 =	vadd.f32 v29, v3;
	v8 =	vadd.f32 v31, v8;
	v1 =	vld [tilespmem:s13+$0x1A60]  }
0x1cf: {  	v55 =	vld [tilespmem:s13+$0xDA10];
	v11 =	vadd.f32 v33, v11;
	v0 =	vadd.f32 v6, v0  }
0x1d0: {  	v3 =	vadd.f32 v36, v3;
	v8 =	vadd.f32 v38, v8;
	v6 =	vld [tilespmem:s13+$0x3A00]  }
0x1d1: {  	v11 =	vadd.f32 v40, v11;
	v0 =	vadd.f32 v2, v0;
	v2 =	vld [tilespmem:s13+$0x3A20]  }
0x1d2: {  	v56 =	vld [tilespmem:s13+$0xDA20];
	v3 =	vadd.f32 v43, v3;
	v8 =	vadd.f32 v45, v8  }
0x1d3: {  	v11 =	vadd.f32 v47, v11;
	v1 =	vadd.f32 v16, v1;
	[tilespmem:s13+$0x1BA70] =	vst v0;
	v0 =	vld [tilespmem:s13+$0x3A40]  }
0x1d4: {  	v9 =	vld [tilespmem:s13+$0x8A50];
	v3 =	vadd.f32 v50, v3;
	v8 =	vadd.f32 v52, v8  }
0x1d5: {  	v5 =	vld [tilespmem:s13+$0x8A40];
	v4 =	vadd.f32 v6, v4;
	v1 =	vadd.f32 v20, v1  }
0x1d6: {  	v36 =	vld [tilespmem:s13+$0xAA40];
	v8 =	vadd.f32 v58, v8;
	v2 =	vadd.f32 v2, v7  }
0x1d7: {  	v7 =	vld [tilespmem:s13+$0x9A10];
	v4 =	vadd.f32 v21, v4;
	v1 =	vadd.f32 v27, v1  }
0x1d8: {  	v38 =	vld [tilespmem:s13+$0xAA50];
	v0 =	vadd.f32 v0, v10;
	v2 =	vadd.f32 v23, v2  }
0x1d9: {  	v40 =	vld [tilespmem:s13+$0xAA60];
	v4 =	vadd.f32 v28, v4;
	v1 =	vadd.f32 v34, v1  }
0x1da: {  	v34 =	vld [tilespmem:s13+$0xAA30];
	v0 =	vadd.f32 v25, v0;
	v2 =	vadd.f32 v30, v2  }
0x1db: {  	v50 =	vld [tilespmem:s13+$0xBA50];
	v4 =	vadd.f32 v35, v4;
	v1 =	vadd.f32 v41, v1  }
0x1dc: {  	v6 =	vld [tilespmem:s13+$0x9A00];
	v3 =	vadd.f32 v7, v3;
	v0 =	vadd.f32 v32, v0  }
0x1dd: {  	v10 =	vld [tilespmem:s13+$0x9A20];
	v2 =	vadd.f32 v37, v2;
	v4 =	vadd.f32 v42, v4  }
0x1de: {  	v1 =	vadd.f32 v48, v1;
	v48 =	vld [tilespmem:s13+$0xBA30];
	v3 =	vadd.f32 v63, v3  }
0x1df: {  	v7 =	vld [tilespmem:s13+$0xCA10];
	v8 =	vadd.f32 v34, v8;
	v0 =	vadd.f32 v39, v0  }
0x1e0: {  	v32 =	vld [tilespmem:s13+$0xAA20];
	v2 =	vadd.f32 v44, v2;
	v4 =	vadd.f32 v49, v4  }
0x1e1: {  	v44 =	vld [tilespmem:s13+$0xBA10];
	v1 =	vadd.f32 v57, v1;
	v0 =	vadd.f32 v46, v0  }
0x1e2: {  	v42 =	vld [tilespmem:s13+$0xBA00];
	v2 =	vadd.f32 v51, v2;
	v4 =	vadd.f32 v6, v4  }
0x1e3: {  	v49 =	vld [tilespmem:s13+$0xBA40];
	v1 =	vadd.f32 v61, v1;
	v8 =	vadd.f32 v48, v8  }
0x1e4: {  	v46 =	vld [tilespmem:s13+$0xBA20];
	v0 =	vadd.f32 v5, v0;
	v5 =	vadd.f32 v9, v11  }
0x1e5: {  	v6 =	vld [tilespmem:s13+$0xCA00];
	v2 =	vadd.f32 v10, v2;
	v4 =	vadd.f32 v62, v4  }
0x1e6: {  	v9 =	vld [tilespmem:s13+$0xBA60];
	v1 =	vadd.f32 v40, v1;
	v3 =	vadd.f32 v44, v3  }
0x1e7: {  	v11 =	vld [tilespmem:s13+$0xCA30];
	v0 =	vadd.f32 v59, v0;
	v5 =	vadd.f32 v60, v5  }
0x1e8: {  	v10 =	vld [tilespmem:s13+$0xCA20];
	v2 =	vadd.f32 v32, v2;
	v4 =	vadd.f32 v42, v4  }
0x1e9: {  	v52 =	vld [tilespmem:s13+$0xCA50];
	v3 =	vadd.f32 v7, v3;
	v0 =	vadd.f32 v36, v0  }
0x1ea: {  	v51 =	vld [tilespmem:s13+$0xCA40];
	v5 =	vadd.f32 v38, v5;
	v2 =	vadd.f32 v46, v2  }
0x1eb: {  	v4 =	vadd.f32 v6, v4;
	v6 =	vld [tilespmem:s13+$0xDA30];
	v1 =	vadd.f32 v9, v1  }
0x1ec: {  	v7 =	vld [tilespmem:s13+$0xDA40];
	v8 =	vadd.f32 v11, v8;
	v3 =	vadd.f32 v55, v3  }
0x1ed: {  	v9 =	vld [tilespmem:s13+$0xDA50];
	v0 =	vadd.f32 v49, v0;
	v2 =	vadd.f32 v10, v2  }
0x1ee: {  	v5 =	vadd.f32 v50, v5;
	v4 =	vadd.f32 v54, v4;
	v10 =	vld [tilespmem:s13+$0xDA60]  }
0x1ef: {  	[tilespmem:s13+$0x1BA10] =	vst v3;
	v0 =	vadd.f32 v51, v0;
	v2 =	vadd.f32 v56, v2  }
0x1f0: {  	[tilespmem:s13+$0x1BA00] =	vst v4;
	v4 =	vadd.f32 v52, v5;
	v3 =	vadd.f32 v6, v8  }
0x1f1: {  	v1 =	vadd.f32 v53, v1;
	[tilespmem:s13+$0x1BA20] =	vst v2;
	v0 =	vadd.f32 v7, v0  }
0x1f2: {  	v2 =	vadd.f32 v9, v4;
	[tilespmem:s13+$0x1BA30] =	vst v3  }
0x1f3: {  	[tilespmem:s13+$0x1BA40] =	vst v0;
	v0 =	vadd.f32 v10, v1  }
0x1f4: {  	s20 =	sshll.u32 s15, $0xA;
	[tilespmem:s13+$0x1BA50] =	vst v2  }
0x1f5: {  	p1 =	seq.s32 s15, $0x7;
	s20 =	sadd.s32 s20, s19;
	[tilespmem:s13+$0x1BA60] =	vst v0  }
0x1f6: {  	[hbm4b:s20+s3] =	stream.linear.scatter [tilespmem:s10], [sflag:$0x3], $0x1000, $0x38;
	[tilespmem:$0x1DA00] =	vst v63  }
0x1f7: {  	s18 =	simm.s32 @!p1 $0x20;
	s13 =	sadd.s32 @!p1 $0x40, s17;
	s20 =	simm.s32 @!p1 $0x1A00  }
0x1f8: {  	[tilespmem:s20], [sflag:$0x1] =	stream.indirect.gather @!p1 [hbm4b:s5+s18], $0x80, s13, s18, $0xb8;
	[tilespmem:$0x1DA00] =	vst v63  }
0x1f9: {  	s13 =	sadd.s32 @!p1 $0x240, s17;
	s20 =	simm.s32 @!p1 $0x2A00  }
0x1fa: {  	[tilespmem:s20], [sflag:$0x1] =	stream.indirect.gather @!p1 [hbm4b:s5+s18], $0x80, s13, s18, $0xb8;
	[tilespmem:$0x1DA00] =	vst v63  }
0x1fb: {  	s13 =	sadd.s32 @!p1 $0x440, s17;
	s20 =	simm.s32 @!p1 $0x3A00  }
0x1fc: {  	[tilespmem:s20], [sflag:$0x1] =	stream.indirect.gather @!p1 [hbm4b:s5+s18], $0x80, s13, s18, $0xb8;
	[tilespmem:$0x1DA00] =	vst v63  }
0x1fd: {  	s13 =	sadd.s32 @!p1 $0x640, s17;
	s20 =	simm.s32 @!p1 $0x4A00  }
0x1fe: {  	[tilespmem:s20], [sflag:$0x1] =	stream.indirect.gather @!p1 [hbm4b:s5+s18], $0x80, s13, s18, $0xb8;
	[tilespmem:$0x1DA00] =	vst v63  }
0x1ff: {  	s13 =	sadd.s32 @!p1 $0x840, s17;
	s20 =	simm.s32 @!p1 $0x5A00  }
0x200: {  	[tilespmem:s20], [sflag:$0x1] =	stream.indirect.gather @!p1 [hbm4b:s5+s18], $0x80, s13, s18, $0xb8;
	[tilespmem:$0x1DA00] =	vst v63  }
0x201: {  	s13 =	sadd.s32 @!p1 $0xA40, s17;
	s20 =	simm.s32 @!p1 $0x6A00  }
0x202: {  	[tilespmem:s20], [sflag:$0x1] =	stream.indirect.gather @!p1 [hbm4b:s5+s18], $0x80, s13, s18, $0xb8;
	[tilespmem:$0x1DA00] =	vst v63  }
0x203: {  	s13 =	sadd.s32 @!p1 $0xC40, s17;
	s20 =	simm.s32 @!p1 $0x7A00  }
0x204: {  	[tilespmem:s20], [sflag:$0x1] =	stream.indirect.gather @!p1 [hbm4b:s5+s18], $0x80, s13, s18, $0xb8;
	[tilespmem:$0x1DA00] =	vst v63  }
0x205: {  	s13 =	sadd.s32 @!p1 $0xE40, s17;
	s20 =	simm.s32 @!p1 $0x8A00  }
0x206: {  	[tilespmem:s20], [sflag:$0x1] =	stream.indirect.gather @!p1 [hbm4b:s5+s18], $0x80, s13, s18, $0xb8;
	[tilespmem:$0x1DA00] =	vst v63  }
0x207: {  	s13 =	sadd.s32 @!p1 $0x1040, s17;
	s20 =	simm.s32 @!p1 $0x9A00  }
0x208: {  	[tilespmem:s20], [sflag:$0x1] =	stream.indirect.gather @!p1 [hbm4b:s5+s18], $0x80, s13, s18, $0xb8;
	[tilespmem:$0x1DA00] =	vst v63  }
0x209: {  	s13 =	sadd.s32 @!p1 $0x1240, s17;
	s20 =	simm.s32 @!p1 $0xAA00  }
0x20a: {  	[tilespmem:s20], [sflag:$0x1] =	stream.indirect.gather @!p1 [hbm4b:s5+s18], $0x80, s13, s18, $0xb8;
	[tilespmem:$0x1DA00] =	vst v63  }
0x20b: {  	s13 =	sadd.s32 @!p1 $0x1440, s17;
	s20 =	simm.s32 @!p1 $0xBA00  }
0x20c: {  	[tilespmem:s20], [sflag:$0x1] =	stream.indirect.gather @!p1 [hbm4b:s5+s18], $0x80, s13, s18, $0xb8;
	[tilespmem:$0x1DA00] =	vst v63  }
0x20d: {  	s13 =	sadd.s32 @!p1 $0x1640, s17;
	s20 =	simm.s32 @!p1 $0xCA00  }
0x20e: {  	[tilespmem:s20], [sflag:$0x1] =	stream.indirect.gather @!p1 [hbm4b:s5+s18], $0x80, s13, s18, $0xb8;
	[tilespmem:$0x1DA00] =	vst v63  }
0x20f: {  	s13 =	sadd.s32 @!p1 $0x1840, s17;
	s17 =	simm.s32 @!p1 $0xDA00  }
0x210: {  	[tilespmem:s17], [sflag:$0x1] =	stream.indirect.gather @!p1 [hbm4b:s5+s18], $0x80, s13, s18, $0xb8;
	[tilespmem:$0x1DA00] =	vst v63  }
0x211: {  	_ =	swait.ge [sflag:s11], $0x1000  }
0x212: {  	[sflag:s11] =	ssyncset.done $0x0  }
0x213: {  	[sflag:s11] =	ssyncadd.s32 $0xFFFFF000  }
0x214: {  	_ =	swait.ge [sflag:s11], $0x1000  }
0x215: {  	[sflag:s11] =	ssyncset.done $0x0  }
0x216: {  	[sflag:s11] =	ssyncadd.s32 $0xFFFFF000  }
0x217: {  	_ =	swait.ge [sflag:s11], $0x1000  }
0x218: {  	[sflag:s11] =	ssyncset.done $0x0  }
0x219: {  	[sflag:s11] =	ssyncadd.s32 $0xFFFFF000  }
0x21a: {  	_ =	swait.ge [sflag:s11], $0x1000  }
0x21b: {  	[sflag:s11] =	ssyncset.done $0x0  }
0x21c: {  	[sflag:s11] =	ssyncadd.s32 $0xFFFFF000  }
0x21d: {  	_ =	swait.ge [sflag:s11], $0x1000  }
0x21e: {  	[sflag:s11] =	ssyncset.done $0x0  }
0x21f: {  	[sflag:s11] =	ssyncadd.s32 $0xFFFFF000  }
0x220: {  	_ =	swait.ge [sflag:s11], $0x1000  }
0x221: {  	[sflag:s11] =	ssyncset.done $0x0  }
0x222: {  	[sflag:s11] =	ssyncadd.s32 $0xFFFFF000  }
0x223: {  	_ =	swait.ge [sflag:s11], $0x1000  }
0x224: {  	[sflag:s11] =	ssyncset.done $0x0  }
0x225: {  	[sflag:s11] =	ssyncadd.s32 $0xFFFFF000  }
0x226: {  	_ =	swait.ge [sflag:s11], $0x1000  }
0x227: {  	[sflag:s11] =	ssyncset.done $0x0  }
0x228: {  	[sflag:s11] =	ssyncadd.s32 $0xFFFFF000  }
0x229: {  	_ =	swait.ge [sflag:s11], $0x1000  }
0x22a: {  	[sflag:s11] =	ssyncset.done $0x0  }
0x22b: {  	[sflag:s11] =	ssyncadd.s32 $0xFFFFF000  }
0x22c: {  	_ =	swait.ge [sflag:s11], $0x1000  }
0x22d: {  	[sflag:s11] =	ssyncset.done $0x0  }
0x22e: {  	[sflag:s11] =	ssyncadd.s32 $0xFFFFF000  }
0x22f: {  	_ =	swait.ge [sflag:s11], $0x1000  }
0x230: {  	[sflag:s11] =	ssyncset.done $0x0  }
0x231: {  	[sflag:s11] =	ssyncadd.s32 $0xFFFFF000  }
0x232: {  	_ =	swait.ge [sflag:s11], $0x1000  }
0x233: {  	[sflag:s11] =	ssyncset.done $0x0  }
0x234: {  	[sflag:s11] =	ssyncadd.s32 $0xFFFFF000  }
0x235: {  	_ =	swait.ge [sflag:s11], $0x1000  }
0x236: {  	[sflag:s11] =	ssyncset.done $0x0  }
0x237: {  	s13 =	simm.s32 @!p0 $0x4;
	[sflag:s11] =	ssyncadd.s32 $0xFFFFF000  }
0x238: {  	_ =	swait.ge @!p0 [sflag:s13], $0x1000  }
0x239: {  	[sflag:s13] =	ssyncset.done @!p0 $0x0  }
0x23a: {  	s17 =	simm.s32 $0x0;
	[sflag:s13] =	ssyncadd.s32 @!p0 $0xFFFFF000  }
0x23b: {  	v0 =	vld [tilespmem:s17+$0xEA70]  }
0x23c: {  	v1 =	vld [tilespmem:s17+$0xFA70]  }
0x23d: {  	v2 =	vld [tilespmem:s17+$0xEA00]  }
0x23e: {  	v3 =	vld [tilespmem:s17+$0x10A70]  }
0x23f: {  	v4 =	vld [tilespmem:s17+$0xFA00]  }
0x240: {  	v5 =	vld [tilespmem:s17+$0x11A70]  }
0x241: {  	v6 =	vld [tilespmem:s17+$0xEA10]  }
0x242: {  	v7 =	vld [tilespmem:s17+$0xFA10]  }
0x243: {  	v8 =	vld [tilespmem:s17+$0xEA20]  }
0x244: {  	v9 =	vld [tilespmem:s17+$0xFA20]  }
0x245: {  	v10 =	vld [tilespmem:s17+$0xEA30]  }
0x246: {  	v11 =	vld [tilespmem:s17+$0xFA30]  }
0x247: {  	v12 =	vld [tilespmem:s17+$0xEA40]  }
0x248: {  	v13 =	vld [tilespmem:s17+$0xFA40]  }
0x249: {  	v14 =	vld [tilespmem:s17+$0xEA50]  }
0x24a: {  	v57 =	vld [tilespmem:s17+$0xFA50]  }
0x24b: {  	v16 =	vld [tilespmem:s17+$0xFA60]  }
0x24c: {  	v17 =	vld [tilespmem:s17+$0x10A10]  }
0x24d: {  	v18 =	vld [tilespmem:s17+$0x10A30]  }
0x24e: {  	v19 =	vld [tilespmem:s17+$0x10A50]  }
0x24f: {  	v58 =	vld [tilespmem:s17+$0x10A60]  }
0x250: {  	v21 =	vld [tilespmem:s17+$0x11A00]  }
0x251: {  	v59 =	vld [tilespmem:s17+$0x11A10]  }
0x252: {  	v23 =	vld [tilespmem:s17+$0x11A20]  }
0x253: {  	v60 =	vld [tilespmem:s17+$0x11A30]  }
0x254: {  	v25 =	vld [tilespmem:s17+$0x11A40]  }
0x255: {  	v61 =	vld [tilespmem:s17+$0x11A50]  }
0x256: {  	v27 =	vld [tilespmem:s17+$0x11A60]  }
0x257: {  	v62 =	vld [tilespmem:s17+$0x12A00]  }
0x258: {  	v29 =	vld [tilespmem:s17+$0x12A10]  }
0x259: {  	v63 =	vld [tilespmem:s17+$0x12A20]  }
0x25a: {  	v31 =	vld [tilespmem:s17+$0x12A30]  }
0x25b: {  	v32 =	vld [tilespmem:s17+$0x12A40]  }
0x25c: {  	v33 =	vld [tilespmem:s17+$0x12A50]  }
0x25d: {  	v34 =	vld [tilespmem:s17+$0x12A60]  }
0x25e: {  	v35 =	vld [tilespmem:s17+$0x13A00]  }
0x25f: {  	v36 =	vld [tilespmem:s17+$0x13A10]  }
0x260: {  	v37 =	vld [tilespmem:s17+$0x13A20]  }
0x261: {  	v38 =	vld [tilespmem:s17+$0x13A30]  }
0x262: {  	v39 =	vld [tilespmem:s17+$0x13A40]  }
0x263: {  	v40 =	vld [tilespmem:s17+$0x13A50]  }
0x264: {  	v41 =	vld [tilespmem:s17+$0x13A60]  }
0x265: {  	v42 =	vld [tilespmem:s17+$0x14A00]  }
0x266: {  	v43 =	vld [tilespmem:s17+$0x14A10]  }
0x267: {  	v44 =	vld [tilespmem:s17+$0x14A20]  }
0x268: {  	v45 =	vld [tilespmem:s17+$0x14A30]  }
0x269: {  	v46 =	vld [tilespmem:s17+$0x14A40]  }
0x26a: {  	v47 =	vld [tilespmem:s17+$0x14A50]  }
0x26b: {  	v48 =	vld [tilespmem:s17+$0x14A60]  }
0x26c: {  	v49 =	vld [tilespmem:s17+$0x15A00]  }
0x26d: {  	v50 =	vld [tilespmem:s17+$0x15A10];
	v0 =	vadd.f32 v1, v0  }
0x26e: {  	v1 =	vld [tilespmem:s17+$0x12A70]  }
0x26f: {  	v51 =	vld [tilespmem:s17+$0x15A20];
	v0 =	vadd.f32 v3, v0  }
0x270: {  	v3 =	vld [tilespmem:s17+$0x13A70]  }
0x271: {  	v56 =	vld [tilespmem:s17+$0x15A30];
	v0 =	vadd.f32 v5, v0  }
0x272: {  	v5 =	vld [tilespmem:s17+$0x14A70]  }
0x273: {  	v53 =	vld [tilespmem:s17+$0x18A30];
	v0 =	vadd.f32 v1, v0  }
0x274: {  	v1 =	vld [tilespmem:s17+$0x15A70]  }
0x275: {  	v54 =	vld [tilespmem:s17+$0x18A40];
	v0 =	vadd.f32 v3, v0  }
0x276: {  	v3 =	vld [tilespmem:s17+$0x16A70]  }
0x277: {  	v55 =	vld [tilespmem:s17+$0x18A50];
	v0 =	vadd.f32 v5, v0  }
0x278: {  	v2 =	vadd.f32 v4, v2;
	v5 =	vld [tilespmem:s17+$0x17A70]  }
0x279: {  	v4 =	vadd.f32 v7, v6;
	v6 =	vld [tilespmem:s17+$0x15A40];
	v0 =	vadd.f32 v1, v0  }
0x27a: {  	v7 =	vadd.f32 v9, v8;
	v1 =	vld [tilespmem:s17+$0x18A70]  }
0x27b: {  	v8 =	vadd.f32 v11, v10;
	v9 =	vld [tilespmem:s17+$0x15A50];
	v0 =	vadd.f32 v3, v0  }
0x27c: {  	v11 =	vadd.f32 v57, v14;
	v4 =	vadd.f32 v17, v4;
	v3 =	vld [tilespmem:s17+$0x19A70]  }
0x27d: {  	v57 =	vld [tilespmem:s17+$0x15A60];
	v8 =	vadd.f32 v18, v8;
	v0 =	vadd.f32 v5, v0  }
0x27e: {  	v11 =	vadd.f32 v19, v11;
	v4 =	vadd.f32 v59, v4;
	v5 =	vld [tilespmem:s17+$0x1AA70]  }
0x27f: {  	v59 =	vld [tilespmem:s17+$0x16A40];
	v8 =	vadd.f32 v60, v8;
	v0 =	vadd.f32 v1, v0  }
0x280: {  	v60 =	vld [tilespmem:s17+$0x16A50];
	v11 =	vadd.f32 v61, v11;
	v4 =	vadd.f32 v29, v4  }
0x281: {  	v8 =	vadd.f32 v31, v8;
	v1 =	vld [tilespmem:s17+$0xEA60];
	v0 =	vadd.f32 v3, v0  }
0x282: {  	v11 =	vadd.f32 v33, v11;
	v4 =	vadd.f32 v36, v4;
	v3 =	vld [tilespmem:s17+$0x10A00]  }
0x283: {  	v61 =	vld [tilespmem:s17+$0x16A60];
	v8 =	vadd.f32 v38, v8;
	v0 =	vadd.f32 v5, v0  }
0x284: {  	v10 =	vadd.f32 v13, v12;
	v11 =	vadd.f32 v40, v11;
	v5 =	vld [tilespmem:s17+$0x10A20]  }
0x285: {  	v4 =	vadd.f32 v43, v4;
	v8 =	vadd.f32 v45, v8;
	[tilespmem:s17+$0x1CA70] =	vst v0;
	v0 =	vld [tilespmem:s17+$0x10A40]  }
0x286: {  	v36 =	vld [tilespmem:s17+$0x17A40];
	v11 =	vadd.f32 v47, v11;
	v1 =	vadd.f32 v16, v1  }
0x287: {  	v38 =	vld [tilespmem:s17+$0x17A50];
	v4 =	vadd.f32 v50, v4;
	v2 =	vadd.f32 v3, v2  }
0x288: {  	v40 =	vld [tilespmem:s17+$0x17A60];
	v8 =	vadd.f32 v56, v8;
	v1 =	vadd.f32 v58, v1  }
0x289: {  	v5 =	vadd.f32 v5, v7;
	v7 =	vld [tilespmem:s17+$0x16A10];
	v2 =	vadd.f32 v21, v2  }
0x28a: {  	v58 =	vld [tilespmem:s17+$0x16A30];
	v1 =	vadd.f32 v27, v1;
	v0 =	vadd.f32 v0, v10  }
0x28b: {  	v56 =	vld [tilespmem:s17+$0x19A40];
	v5 =	vadd.f32 v23, v5;
	v2 =	vadd.f32 v62, v2  }
0x28c: {  	v1 =	vadd.f32 v34, v1;
	v34 =	vld [tilespmem:s17+$0x17A30];
	v0 =	vadd.f32 v25, v0  }
0x28d: {  	v3 =	vld [tilespmem:s17+$0x16A00];
	v5 =	vadd.f32 v63, v5;
	v2 =	vadd.f32 v35, v2  }
0x28e: {  	v10 =	vld [tilespmem:s17+$0x16A20];
	v1 =	vadd.f32 v41, v1;
	v4 =	vadd.f32 v7, v4  }
0x28f: {  	v63 =	vld [tilespmem:s17+$0x17A10];
	v7 =	vadd.f32 v58, v8;
	v0 =	vadd.f32 v32, v0  }
0x290: {  	v62 =	vld [tilespmem:s17+$0x17A00];
	v5 =	vadd.f32 v37, v5;
	v2 =	vadd.f32 v42, v2  }
0x291: {  	v8 =	vld [tilespmem:s17+$0x19A20];
	v1 =	vadd.f32 v48, v1;
	v7 =	vadd.f32 v34, v7  }
0x292: {  	v58 =	vld [tilespmem:s17+$0x19A60];
	v0 =	vadd.f32 v39, v0;
	v5 =	vadd.f32 v44, v5  }
0x293: {  	v32 =	vld [tilespmem:s17+$0x17A20];
	v2 =	vadd.f32 v49, v2;
	v1 =	vadd.f32 v57, v1  }
0x294: {  	v44 =	vld [tilespmem:s17+$0x18A10];
	v4 =	vadd.f32 v63, v4;
	v0 =	vadd.f32 v46, v0  }
0x295: {  	v42 =	vld [tilespmem:s17+$0x18A00];
	v5 =	vadd.f32 v51, v5;
	v2 =	vadd.f32 v3, v2  }
0x296: {  	v46 =	vld [tilespmem:s17+$0x18A20];
	v1 =	vadd.f32 v61, v1;
	v61 =	vadd.f32 v53, v7  }
0x297: {  	v3 =	vld [tilespmem:s17+$0x19A00];
	v0 =	vadd.f32 v6, v0;
	v6 =	vadd.f32 v9, v11  }
0x298: {  	v9 =	vld [tilespmem:s17+$0x18A60];
	v5 =	vadd.f32 v10, v5;
	v2 =	vadd.f32 v62, v2  }
0x299: {  	v10 =	vld [tilespmem:s17+$0x19A10];
	v1 =	vadd.f32 v40, v1;
	v4 =	vadd.f32 v44, v4  }
0x29a: {  	v11 =	vld [tilespmem:s17+$0x19A30];
	v0 =	vadd.f32 v59, v0;
	v6 =	vadd.f32 v60, v6  }
0x29b: {  	v5 =	vadd.f32 v32, v5;
	v2 =	vadd.f32 v42, v2;
	v59 =	vld [tilespmem:s17+$0x1AA00]  }
0x29c: {  	v60 =	vld [tilespmem:s17+$0x1AA10];
	v0 =	vadd.f32 v36, v0;
	v6 =	vadd.f32 v38, v6  }
0x29d: {  	v57 =	vld [tilespmem:s17+$0x19A50];
	v5 =	vadd.f32 v46, v5;
	v3 =	vadd.f32 v3, v2  }
0x29e: {  	v62 =	vld [tilespmem:s17+$0x1AA20];
	v1 =	vadd.f32 v9, v1;
	v9 =	vadd.f32 v10, v4  }
0x29f: {  	v7 =	vld [tilespmem:s17+$0x1AA30];
	v0 =	vadd.f32 v54, v0;
	v63 =	vadd.f32 v55, v6  }
0x2a0: {  	v4 =	vld [tilespmem:s17+$0x1AA40];
	v10 =	vadd.f32 v8, v5;
	v6 =	vadd.f32 v11, v61  }
0x2a1: {  	v5 =	vld [tilespmem:s17+$0x1AA50];
	v11 =	vadd.f32 v59, v3;
	v9 =	vadd.f32 v60, v9  }
0x2a2: {  	s20 =	simm.s32 $0x80;
	v8 =	vld [tilespmem:s17+$0x1AA60];
	v2 =	vadd.f32 v56, v0;
	v3 =	vadd.f32 v57, v63  }
0x2a3: {  	s18 =	simm.s32 $0x400;
	v0 =	vadd.f32 v58, v1;
	v1 =	vld [tilespmem:s20+$0xEA70];
	v10 =	vadd.f32 v62, v10;
	[tilespmem:s17+$0x1CA00] =	vst v11  }
.LBB2_5:
0x2a4: {  	p0 =	sne.s32 s18, $0x3E00;
	v11 =	vld [tilespmem:s20+$0xFA70];
	[tilespmem:s17+$0x1CA10] =	vst v9;
	v6 =	vadd.f32 v7, v6  }
0x2a5: {  	v7 =	vld [tilespmem:s20+$0xEA00];
	[tilespmem:s17+$0x1CA20] =	vst v10;
	v2 =	vadd.f32 v4, v2  }
0x2a6: {  	v4 =	vld [tilespmem:s20+$0x10A70];
	[tilespmem:s17+$0x1CA30] =	vst v6;
	v3 =	vadd.f32 v5, v3  }
0x2a7: {  	v5 =	vld [tilespmem:s20+$0xFA00];
	[tilespmem:s17+$0x1CA40] =	vst v2;
	v0 =	vadd.f32 v8, v0  }
0x2a8: {  	v2 =	vld [tilespmem:s20+$0x11A70];
	[tilespmem:s17+$0x1CA50] =	vst v3  }
0x2a9: {  	v3 =	vld [tilespmem:s20+$0xEA10];
	v1 =	vadd.f32 v11, v1;
	[tilespmem:s17+$0x1CA60] =	vst v0;
	s17 =	smov.u32 s20  }
0x2aa: {  	v0 =	vld [tilespmem:s17+$0x12A70]  }
0x2ab: {  	v6 =	vld [tilespmem:s17+$0xFA10];
	v1 =	vadd.f32 v4, v1  }
0x2ac: {  	v4 =	vadd.f32 v5, v7;
	v5 =	vld [tilespmem:s17+$0x13A70]  }
0x2ad: {  	v7 =	vld [tilespmem:s17+$0xEA20];
	v1 =	vadd.f32 v2, v1  }
0x2ae: {  	v2 =	vld [tilespmem:s17+$0x14A70]  }
0x2af: {  	v8 =	vld [tilespmem:s17+$0xFA20];
	v0 =	vadd.f32 v0, v1  }
0x2b0: {  	v1 =	vadd.f32 v6, v3;
	v3 =	vld [tilespmem:s17+$0x15A70]  }
0x2b1: {  	v6 =	vld [tilespmem:s17+$0xEA30];
	v0 =	vadd.f32 v5, v0  }
0x2b2: {  	v5 =	vld [tilespmem:s17+$0x16A70]  }
0x2b3: {  	v9 =	vld [tilespmem:s17+$0xFA30];
	v0 =	vadd.f32 v2, v0  }
0x2b4: {  	v2 =	vadd.f32 v8, v7;
	v7 =	vld [tilespmem:s17+$0x17A70]  }
0x2b5: {  	v8 =	vld [tilespmem:s17+$0xEA40];
	v0 =	vadd.f32 v3, v0  }
0x2b6: {  	v3 =	vld [tilespmem:s17+$0x18A70]  }
0x2b7: {  	v10 =	vld [tilespmem:s17+$0xFA40];
	v0 =	vadd.f32 v5, v0  }
0x2b8: {  	v5 =	vadd.f32 v9, v6;
	v6 =	vld [tilespmem:s17+$0x19A70]  }
0x2b9: {  	v9 =	vld [tilespmem:s17+$0xEA50];
	v0 =	vadd.f32 v7, v0  }
0x2ba: {  	v7 =	vld [tilespmem:s17+$0x1AA70]  }
0x2bb: {  	v11 =	vld [tilespmem:s17+$0xFA50];
	v0 =	vadd.f32 v3, v0  }
0x2bc: {  	v3 =	vadd.f32 v10, v8;
	v8 =	vld [tilespmem:s17+$0xEA60]  }
0x2bd: {  	v10 =	vld [tilespmem:s17+$0xFA60];
	v0 =	vadd.f32 v6, v0  }
0x2be: {  	v6 =	vld [tilespmem:s17+$0x10A00]  }
0x2bf: {  	v12 =	vld [tilespmem:s17+$0x10A10];
	v0 =	vadd.f32 v7, v0  }
0x2c0: {  	v7 =	vld [tilespmem:s17+$0x10A20];
	v9 =	vadd.f32 v11, v9  }
0x2c1: {  	v11 =	vld [tilespmem:s17+$0x10A30];
	[tilespmem:s17+$0x1CA70] =	vst v0  }
0x2c2: {  	v0 =	vld [tilespmem:s17+$0x10A40];
	v8 =	vadd.f32 v10, v8  }
0x2c3: {  	v4 =	vadd.f32 v6, v4;
	v6 =	vld [tilespmem:s17+$0x10A50]  }
0x2c4: {  	v1 =	vadd.f32 v12, v1;
	v10 =	vld [tilespmem:s17+$0x10A60]  }
0x2c5: {  	v12 =	vld [tilespmem:s17+$0x11A00];
	v2 =	vadd.f32 v7, v2  }
0x2c6: {  	v7 =	vld [tilespmem:s17+$0x11A10];
	v5 =	vadd.f32 v11, v5  }
0x2c7: {  	v11 =	vld [tilespmem:s17+$0x11A20];
	v0 =	vadd.f32 v0, v3  }
0x2c8: {  	v3 =	vld [tilespmem:s17+$0x11A30];
	v6 =	vadd.f32 v6, v9  }
0x2c9: {  	v9 =	vld [tilespmem:s17+$0x11A40];
	v8 =	vadd.f32 v10, v8  }
0x2ca: {  	v4 =	vadd.f32 v12, v4;
	v10 =	vld [tilespmem:s17+$0x11A50]  }
0x2cb: {  	v1 =	vadd.f32 v7, v1;
	v7 =	vld [tilespmem:s17+$0x11A60]  }
0x2cc: {  	v12 =	vld [tilespmem:s17+$0x12A00];
	v2 =	vadd.f32 v11, v2  }
0x2cd: {  	v11 =	vld [tilespmem:s17+$0x12A10];
	v3 =	vadd.f32 v3, v5  }
0x2ce: {  	v5 =	vld [tilespmem:s17+$0x12A20];
	v0 =	vadd.f32 v9, v0  }
0x2cf: {  	v9 =	vld [tilespmem:s17+$0x12A30];
	v6 =	vadd.f32 v10, v6  }
0x2d0: {  	v10 =	vld [tilespmem:s17+$0x12A40];
	v7 =	vadd.f32 v7, v8  }
0x2d1: {  	v4 =	vadd.f32 v12, v4;
	v8 =	vld [tilespmem:s17+$0x12A50]  }
0x2d2: {  	v1 =	vadd.f32 v11, v1;
	v11 =	vld [tilespmem:s17+$0x12A60]  }
0x2d3: {  	v12 =	vld [tilespmem:s17+$0x13A00];
	v2 =	vadd.f32 v5, v2  }
0x2d4: {  	v5 =	vld [tilespmem:s17+$0x13A10];
	v3 =	vadd.f32 v9, v3  }
0x2d5: {  	v9 =	vld [tilespmem:s17+$0x13A20];
	v0 =	vadd.f32 v10, v0  }
0x2d6: {  	v10 =	vld [tilespmem:s17+$0x13A30];
	v6 =	vadd.f32 v8, v6  }
0x2d7: {  	v8 =	vld [tilespmem:s17+$0x13A40];
	v7 =	vadd.f32 v11, v7  }
0x2d8: {  	v4 =	vadd.f32 v12, v4;
	v11 =	vld [tilespmem:s17+$0x13A50]  }
0x2d9: {  	v1 =	vadd.f32 v5, v1;
	v5 =	vld [tilespmem:s17+$0x13A60]  }
0x2da: {  	v12 =	vld [tilespmem:s17+$0x14A00];
	v2 =	vadd.f32 v9, v2  }
0x2db: {  	v9 =	vld [tilespmem:s17+$0x14A10];
	v3 =	vadd.f32 v10, v3  }
0x2dc: {  	v10 =	vld [tilespmem:s17+$0x14A20];
	v0 =	vadd.f32 v8, v0  }
0x2dd: {  	v8 =	vld [tilespmem:s17+$0x14A30];
	v6 =	vadd.f32 v11, v6  }
0x2de: {  	v11 =	vld [tilespmem:s17+$0x14A40];
	v5 =	vadd.f32 v5, v7  }
0x2df: {  	v4 =	vadd.f32 v12, v4;
	v7 =	vld [tilespmem:s17+$0x14A50]  }
0x2e0: {  	v1 =	vadd.f32 v9, v1;
	v9 =	vld [tilespmem:s17+$0x14A60]  }
0x2e1: {  	v12 =	vld [tilespmem:s17+$0x15A00];
	v2 =	vadd.f32 v10, v2  }
0x2e2: {  	v10 =	vld [tilespmem:s17+$0x15A10];
	v3 =	vadd.f32 v8, v3  }
0x2e3: {  	v8 =	vld [tilespmem:s17+$0x15A20];
	v0 =	vadd.f32 v11, v0  }
0x2e4: {  	v11 =	vld [tilespmem:s17+$0x15A30];
	v6 =	vadd.f32 v7, v6  }
0x2e5: {  	v7 =	vld [tilespmem:s17+$0x15A40];
	v5 =	vadd.f32 v9, v5  }
0x2e6: {  	v4 =	vadd.f32 v12, v4;
	v9 =	vld [tilespmem:s17+$0x15A50]  }
0x2e7: {  	v1 =	vadd.f32 v10, v1;
	v10 =	vld [tilespmem:s17+$0x15A60]  }
0x2e8: {  	v12 =	vld [tilespmem:s17+$0x16A00];
	v2 =	vadd.f32 v8, v2  }
0x2e9: {  	v8 =	vld [tilespmem:s17+$0x16A10];
	v3 =	vadd.f32 v11, v3  }
0x2ea: {  	v11 =	vld [tilespmem:s17+$0x16A20];
	v0 =	vadd.f32 v7, v0  }
0x2eb: {  	v7 =	vld [tilespmem:s17+$0x16A30];
	v6 =	vadd.f32 v9, v6  }
0x2ec: {  	v9 =	vld [tilespmem:s17+$0x16A40];
	v5 =	vadd.f32 v10, v5  }
0x2ed: {  	v4 =	vadd.f32 v12, v4;
	v10 =	vld [tilespmem:s17+$0x16A50]  }
0x2ee: {  	v1 =	vadd.f32 v8, v1;
	v8 =	vld [tilespmem:s17+$0x16A60]  }
0x2ef: {  	v12 =	vld [tilespmem:s17+$0x17A00];
	v2 =	vadd.f32 v11, v2  }
0x2f0: {  	v11 =	vld [tilespmem:s17+$0x17A10];
	v3 =	vadd.f32 v7, v3  }
0x2f1: {  	v7 =	vld [tilespmem:s17+$0x17A20];
	v0 =	vadd.f32 v9, v0  }
0x2f2: {  	v9 =	vld [tilespmem:s17+$0x17A30];
	v6 =	vadd.f32 v10, v6  }
0x2f3: {  	v10 =	vld [tilespmem:s17+$0x17A40];
	v5 =	vadd.f32 v8, v5  }
0x2f4: {  	v4 =	vadd.f32 v12, v4;
	v8 =	vld [tilespmem:s17+$0x17A50]  }
0x2f5: {  	v1 =	vadd.f32 v11, v1;
	v11 =	vld [tilespmem:s17+$0x17A60]  }
0x2f6: {  	v12 =	vld [tilespmem:s17+$0x18A00];
	v2 =	vadd.f32 v7, v2  }
0x2f7: {  	v7 =	vld [tilespmem:s17+$0x18A10];
	v3 =	vadd.f32 v9, v3  }
0x2f8: {  	v9 =	vld [tilespmem:s17+$0x18A20];
	v0 =	vadd.f32 v10, v0  }
0x2f9: {  	v10 =	vld [tilespmem:s17+$0x18A30];
	v6 =	vadd.f32 v8, v6  }
0x2fa: {  	v8 =	vld [tilespmem:s17+$0x18A40];
	v5 =	vadd.f32 v11, v5  }
0x2fb: {  	v4 =	vadd.f32 v12, v4;
	v11 =	vld [tilespmem:s17+$0x18A50]  }
0x2fc: {  	v1 =	vadd.f32 v7, v1;
	v7 =	vld [tilespmem:s17+$0x18A60]  }
0x2fd: {  	v12 =	vld [tilespmem:s17+$0x19A00];
	v2 =	vadd.f32 v9, v2  }
0x2fe: {  	v9 =	vld [tilespmem:s17+$0x19A10];
	v3 =	vadd.f32 v10, v3  }
0x2ff: {  	v10 =	vld [tilespmem:s17+$0x19A20];
	v0 =	vadd.f32 v8, v0  }
0x300: {  	v8 =	vld [tilespmem:s17+$0x19A30];
	v11 =	vadd.f32 v11, v6  }
0x301: {  	v13 =	vld [tilespmem:s17+$0x19A40];
	v5 =	vadd.f32 v7, v5  }
0x302: {  	v12 =	vadd.f32 v12, v4;
	v4 =	vld [tilespmem:s17+$0x19A50]  }
0x303: {  	v1 =	vadd.f32 v9, v1;
	v9 =	vld [tilespmem:s17+$0x19A60]  }
0x304: {  	v14 =	vld [tilespmem:s17+$0x1AA00];
	v10 =	vadd.f32 v10, v2  }
0x305: {  	v15 =	vld [tilespmem:s17+$0x1AA10];
	v6 =	vadd.f32 v8, v3  }
0x306: {  	v16 =	vld [tilespmem:s17+$0x1AA20];
	v2 =	vadd.f32 v13, v0  }
.Ltmp1:
0x307: {  	v7 =	vld [tilespmem:s17+$0x1AA30];
	v3 =	vadd.f32 v4, v11;
	(pc) =	sbr.rel @p0 .LBB2_5-.Ltmp1, $4  }
0x308: {  	v4 =	vld [tilespmem:s17+$0x1AA40];
	v0 =	vadd.f32 v9, v5  }
0x309: {  	v11 =	vadd.f32 v14, v12;
	v5 =	vld [tilespmem:s17+$0x1AA50]  }
0x30a: {  	s20 =	sshra.s32 s18, $0x2;
	v9 =	vadd.f32 v15, v1;
	v8 =	vld [tilespmem:s17+$0x1AA60]  }
0x30b: {  	s18 =	sadd.s32 $0x200, s18;
	v1 =	vld [tilespmem:s20+$0xEA70];
	[tilespmem:s17+$0x1CA00] =	vst v11;
	v10 =	vadd.f32 v16, v10  }
0x30c: {  	v11 =	vld [tilespmem:s20+$0xFA70];
	[tilespmem:s17+$0x1CA10] =	vst v9;
	v6 =	vadd.f32 v7, v6  }
0x30d: {  	v9 =	vld [tilespmem:s20+$0xEA00];
	[tilespmem:s17+$0x1CA20] =	vst v10;
	v2 =	vadd.f32 v4, v2  }
0x30e: {  	v57 =	vld [tilespmem:s20+$0x10A70];
	[tilespmem:s17+$0x1CA30] =	vst v6;
	v3 =	vadd.f32 v5, v3  }
0x30f: {  	v4 =	vld [tilespmem:s20+$0xFA00];
	[tilespmem:s17+$0x1CA40] =	vst v2;
	v0 =	vadd.f32 v8, v0  }
0x310: {  	v2 =	vld [tilespmem:s20+$0x11A70];
	[tilespmem:s17+$0x1CA50] =	vst v3  }
0x311: {  	v3 =	vld [tilespmem:s20+$0xEA10];
	[tilespmem:s17+$0x1CA60] =	vst v0  }
0x312: {  	v59 =	vld [tilespmem:s20+$0x12A70]  }
0x313: {  	v5 =	vld [tilespmem:s20+$0xFA10]  }
0x314: {  	v6 =	vld [tilespmem:s20+$0x13A70]  }
0x315: {  	v7 =	vld [tilespmem:s20+$0xEA20]  }
0x316: {  	v60 =	vld [tilespmem:s20+$0x14A70]  }
0x317: {  	v8 =	vld [tilespmem:s20+$0xFA20]  }
0x318: {  	v61 =	vld [tilespmem:s20+$0x15A70]  }
0x319: {  	v10 =	vld [tilespmem:s20+$0xEA30]  }
0x31a: {  	v62 =	vld [tilespmem:s20+$0x16A70]  }
0x31b: {  	v63 =	vld [tilespmem:s20+$0xFA30]  }
0x31c: {  	v54 =	vld [tilespmem:s20+$0x17A70]  }
0x31d: {  	v12 =	vld [tilespmem:s20+$0xEA40]  }
0x31e: {  	v55 =	vld [tilespmem:s20+$0x18A70]  }
0x31f: {  	v13 =	vld [tilespmem:s20+$0xFA40]  }
0x320: {  	v56 =	vld [tilespmem:s20+$0x19A70]  }
0x321: {  	v14 =	vld [tilespmem:s20+$0xEA50]  }
0x322: {  	v15 =	vld [tilespmem:s20+$0xFA50]  }
0x323: {  	v16 =	vld [tilespmem:s20+$0xFA60]  }
0x324: {  	v17 =	vld [tilespmem:s20+$0x10A10]  }
0x325: {  	v18 =	vld [tilespmem:s20+$0x10A30]  }
0x326: {  	v19 =	vld [tilespmem:s20+$0x10A50]  }
0x327: {  	v20 =	vld [tilespmem:s20+$0x10A60]  }
0x328: {  	v21 =	vld [tilespmem:s20+$0x11A00]  }
0x329: {  	v22 =	vld [tilespmem:s20+$0x11A10]  }
0x32a: {  	v23 =	vld [tilespmem:s20+$0x11A20]  }
0x32b: {  	v24 =	vld [tilespmem:s20+$0x11A30]  }
0x32c: {  	v25 =	vld [tilespmem:s20+$0x11A40]  }
0x32d: {  	v26 =	vld [tilespmem:s20+$0x11A50]  }
0x32e: {  	v27 =	vld [tilespmem:s20+$0x11A60]  }
0x32f: {  	v28 =	vld [tilespmem:s20+$0x12A00]  }
0x330: {  	v29 =	vld [tilespmem:s20+$0x12A10]  }
0x331: {  	v30 =	vld [tilespmem:s20+$0x12A20]  }
0x332: {  	v31 =	vld [tilespmem:s20+$0x12A30]  }
0x333: {  	v32 =	vld [tilespmem:s20+$0x12A40]  }
0x334: {  	v33 =	vld [tilespmem:s20+$0x12A50]  }
0x335: {  	v34 =	vld [tilespmem:s20+$0x12A60]  }
0x336: {  	v35 =	vld [tilespmem:s20+$0x13A00]  }
0x337: {  	v36 =	vld [tilespmem:s20+$0x13A10]  }
0x338: {  	v37 =	vld [tilespmem:s20+$0x13A20]  }
0x339: {  	v38 =	vld [tilespmem:s20+$0x13A30]  }
0x33a: {  	v39 =	vld [tilespmem:s20+$0x13A40]  }
0x33b: {  	v40 =	vld [tilespmem:s20+$0x13A50]  }
0x33c: {  	v41 =	vld [tilespmem:s20+$0x13A60]  }
0x33d: {  	v42 =	vld [tilespmem:s20+$0x14A00]  }
0x33e: {  	v43 =	vld [tilespmem:s20+$0x14A10]  }
0x33f: {  	v44 =	vld [tilespmem:s20+$0x14A20]  }
0x340: {  	v45 =	vld [tilespmem:s20+$0x14A30]  }
0x341: {  	v46 =	vld [tilespmem:s20+$0x14A40]  }
0x342: {  	v47 =	vld [tilespmem:s20+$0x14A50]  }
0x343: {  	v58 =	vadd.f32 v11, v1;
	v48 =	vld [tilespmem:s20+$0x14A60]  }
0x344: {  	v49 =	vld [tilespmem:s20+$0x15A00]  }
0x345: {  	v50 =	vld [tilespmem:s20+$0x15A10];
	v0 =	vadd.f32 v57, v58  }
0x346: {  	v58 =	vld [tilespmem:s20+$0xEA60]  }
0x347: {  	v51 =	vld [tilespmem:s20+$0x15A20];
	v0 =	vadd.f32 v2, v0  }
0x348: {  	v52 =	vld [tilespmem:s20+$0x15A30];
	v4 =	vadd.f32 v4, v9  }
0x349: {  	v57 =	vld [tilespmem:s20+$0x1AA70];
	v0 =	vadd.f32 v59, v0;
	v3 =	vadd.f32 v5, v3  }
0x34a: {  	v59 =	vld [tilespmem:s20+$0x10A00];
	v7 =	vadd.f32 v8, v7;
	v53 =	vadd.f32 v15, v14  }
0x34b: {  	v9 =	vld [tilespmem:s20+$0x15A50];
	v1 =	vadd.f32 v16, v58;
	v0 =	vadd.f32 v6, v0  }
0x34c: {  	v5 =	vld [tilespmem:s20+$0x15A40];
	v3 =	vadd.f32 v17, v3;
	v11 =	vadd.f32 v19, v53  }
0x34d: {  	v58 =	vld [tilespmem:s20+$0x16A30];
	v1 =	vadd.f32 v20, v1;
	v0 =	vadd.f32 v60, v0  }
0x34e: {  	v53 =	vld [tilespmem:s20+$0x1AA00];
	v3 =	vadd.f32 v22, v3;
	v11 =	vadd.f32 v26, v11  }
0x34f: {  	v60 =	vld [tilespmem:s20+$0x10A20];
	v4 =	vadd.f32 v59, v4;
	v1 =	vadd.f32 v27, v1  }
0x350: {  	v59 =	vld [tilespmem:s20+$0x16A40];
	v0 =	vadd.f32 v61, v0;
	v3 =	vadd.f32 v29, v3  }
0x351: {  	v61 =	vld [tilespmem:s20+$0x10A40];
	v11 =	vadd.f32 v33, v11;
	v4 =	vadd.f32 v21, v4  }
0x352: {  	v1 =	vadd.f32 v34, v1;
	v34 =	vld [tilespmem:s20+$0x17A30];
	v0 =	vadd.f32 v62, v0  }
0x353: {  	v62 =	vadd.f32 v63, v10;
	v3 =	vadd.f32 v36, v3;
	v36 =	vld [tilespmem:s20+$0x17A50]  }
0x354: {  	v63 =	vadd.f32 v13, v12;
	v11 =	vadd.f32 v40, v11;
	v40 =	vld [tilespmem:s20+$0x18A20]  }
0x355: {  	v2 =	vadd.f32 v60, v7;
	v60 =	vld [tilespmem:s20+$0x16A50];
	v4 =	vadd.f32 v28, v4  }
0x356: {  	v1 =	vadd.f32 v41, v1;
	v41 =	vld [tilespmem:s20+$0x18A30];
	v0 =	vadd.f32 v54, v0  }
0x357: {  	v54 =	vld [tilespmem:s20+$0x15A60];
	v8 =	vadd.f32 v18, v62;
	v3 =	vadd.f32 v43, v3  }
0x358: {  	v62 =	vld [tilespmem:s20+$0x17A00];
	v11 =	vadd.f32 v47, v11;
	v2 =	vadd.f32 v23, v2  }
0x359: {  	v43 =	vld [tilespmem:s20+$0x18A50];
	v4 =	vadd.f32 v35, v4;
	v1 =	vadd.f32 v48, v1  }
0x35a: {  	v47 =	vld [tilespmem:s20+$0x19A10];
	v0 =	vadd.f32 v55, v0;
	v8 =	vadd.f32 v24, v8  }
0x35b: {  	v35 =	vld [tilespmem:s20+$0x17A40];
	v3 =	vadd.f32 v50, v3;
	v2 =	vadd.f32 v30, v2  }
0x35c: {  	v55 =	vld [tilespmem:s20+$0x16A00];
	v4 =	vadd.f32 v42, v4;
	v0 =	vadd.f32 v56, v0  }
0x35d: {  	v48 =	vld [tilespmem:s20+$0x19A20];
	v8 =	vadd.f32 v31, v8;
	v2 =	vadd.f32 v37, v2  }
0x35e: {  	v56 =	vld [tilespmem:s20+$0x16A10];
	v4 =	vadd.f32 v49, v4;
	v1 =	vadd.f32 v54, v1  }
0x35f: {  	v50 =	vld [tilespmem:s20+$0x19A40];
	v0 =	vadd.f32 v57, v0;
	v8 =	vadd.f32 v38, v8  }
0x360: {  	v57 =	vld [tilespmem:s20+$0x16A20];
	v2 =	vadd.f32 v44, v2;
	v44 =	vadd.f32 v9, v11  }
0x361: {  	v38 =	vld [tilespmem:s20+$0x18A00];
	v4 =	vadd.f32 v55, v4;
	[tilespmem:s20+$0x1CA70] =	vst v0;
	v0 =	vadd.f32 v61, v63  }
0x362: {  	v61 =	vld [tilespmem:s20+$0x16A60];
	v8 =	vadd.f32 v45, v8;
	v2 =	vadd.f32 v51, v2  }
0x363: {  	v63 =	vld [tilespmem:s20+$0x17A10];
	v3 =	vadd.f32 v56, v3;
	v0 =	vadd.f32 v25, v0  }
0x364: {  	v37 =	vld [tilespmem:s20+$0x17A60];
	v4 =	vadd.f32 v62, v4;
	v8 =	vadd.f32 v52, v8  }
0x365: {  	v2 =	vadd.f32 v57, v2;
	v0 =	vadd.f32 v32, v0;
	v32 =	vld [tilespmem:s20+$0x17A20]  }
0x366: {  	v45 =	vld [tilespmem:s20+$0x18A60];
	v4 =	vadd.f32 v38, v4;
	v8 =	vadd.f32 v58, v8  }
0x367: {  	v49 =	vld [tilespmem:s20+$0x19A30];
	v1 =	vadd.f32 v61, v1;
	v0 =	vadd.f32 v39, v0  }
0x368: {  	v3 =	vadd.f32 v63, v3;
	v39 =	vld [tilespmem:s20+$0x18A10];
	v8 =	vadd.f32 v34, v8  }
0x369: {  	v52 =	vld [tilespmem:s20+$0x19A60];
	v1 =	vadd.f32 v37, v1;
	v0 =	vadd.f32 v46, v0  }
0x36a: {  	v56 =	vld [tilespmem:s20+$0x1AA30];
	v8 =	vadd.f32 v41, v8;
	v2 =	vadd.f32 v32, v2  }
0x36b: {  	v46 =	vld [tilespmem:s20+$0x19A00];
	v1 =	vadd.f32 v45, v1;
	v0 =	vadd.f32 v5, v0  }
0x36c: {  	v42 =	vld [tilespmem:s20+$0x18A40];
	v5 =	vadd.f32 v60, v44;
	v8 =	vadd.f32 v49, v8  }
0x36d: {  	v54 =	vld [tilespmem:s20+$0x1AA10];
	v3 =	vadd.f32 v39, v3;
	v2 =	vadd.f32 v40, v2  }
0x36e: {  	v55 =	vld [tilespmem:s20+$0x1AA20];
	v1 =	vadd.f32 v52, v1;
	v0 =	vadd.f32 v59, v0  }
0x36f: {  	v51 =	vld [tilespmem:s20+$0x19A50];
	v5 =	vadd.f32 v36, v5;
	v61 =	vadd.f32 v56, v8  }
0x370: {  	v59 =	vld [tilespmem:s20+$0x1AA60];
	v4 =	vadd.f32 v46, v4;
	v3 =	vadd.f32 v47, v3  }
0x371: {  	v58 =	vld [tilespmem:s20+$0x1AA50];
	v2 =	vadd.f32 v48, v2;
	v0 =	vadd.f32 v35, v0  }
0x372: {  	v57 =	vld [tilespmem:s20+$0x1AA40];
	v5 =	vadd.f32 v43, v5;
	v4 =	vadd.f32 v53, v4  }
0x373: {  	[tilespmem:s20+$0x1CA30] =	vst v61;
	v3 =	vadd.f32 v54, v3;
	v0 =	vadd.f32 v42, v0  }
0x374: {  	s15 =	sadd.s32 $0x1, s15;
	v2 =	vadd.f32 v55, v2;
	v60 =	vadd.f32 v51, v5;
	[tilespmem:s20+$0x1CA00] =	vst v4  }
0x375: {  	p0 =	sne.s32 s15, $0x8;
	[tilespmem:s20+$0x1CA10] =	vst v3;
	v63 =	vadd.f32 v59, v1;
	v0 =	vadd.f32 v50, v0  }
.Ltmp2:
0x376: {  	[tilespmem:s20+$0x1CA20] =	vst v2;
	v62 =	vadd.f32 v58, v60;
	(pc) =	sbr.rel @p0 .LBB2_2-.Ltmp2, $4  }
0x377: {  	s13 =	sadd.s32 s4, s16;
	[tilespmem:s20+$0x1CA60] =	vst v63;
	v0 =	vadd.f32 v57, v0  }
0x378: {  	s13 =	sshll.u32 s13, $0x4;
	[tilespmem:s20+$0x1CA50] =	vst v62  }
0x379: {  	s13 =	sadd.s32 s2, s13;
	[tilespmem:s20+$0x1CA40] =	vst v0  }
0x37a: {  	[hbm4b:s13+s3] =	stream.linear.scatter [tilespmem:s12], [sflag:$0x4], $0x1000, $0x38;
	[tilespmem:$0x1DA00] =	vst v63  }
0x37b: {  	_ =	swait.ge [sflag:s21], $0x1000  }
0x37c: {  	[sflag:s21] =	ssyncset.done $0x0  }
0x37d: {  	s14 =	simm.s32 $0x4;
	[sflag:s21] =	ssyncadd.s32 $0xFFFFF000  }
0x37e: {  	_ =	swait.ge [sflag:s14], $0x1000  }
0x37f: {  	s15 =	rddreg [dreg:$0x11]  }
0x380: {  	s13 =	rddreg [dreg:$0x10];
	s15 =	sadd.s32 $0x1, s15  }
0x381: {  	p0 =	sne.s32 s15, s13  }
.Ltmp3:
0x382: {  	_ = 	snop;
	(pc) =	sbr.rel @p0 .LBB2_1-.Ltmp3, $3  }
0x383: {  	_ =	sdelay $0x1  }
0x384: {  	[sflag:s14] =	ssyncset.done $0x0  }
0x385: {  	[sflag:s14] =	ssyncadd.s32 $0xFFFFF000  }
0x386: {  	_ =	sfence.sel $0x180000  }
0x387: {  	[bflag:$0x0] =	sbarrier.arrive $0xFFFF  }
0x388: {  	_ =	strace $0x90000047  }
0x389: {  	s0 =	stileid.u32;
	[bflag:$0x2] =	sbarrier.arrive $0xFFFF  }
0x38a: {  	p0 =	sne.s32 s0, $0x0;
	s0 =	rddreg [dreg:$0x2]  }
0x38b: {  	s0 =	sadd.s32 @!p0 $0x100000, s0  }
0x38c: {  	[sflag:s0] =	ssyncadd.tile.s32 @!p0 $0x1;
	_ =	shalt  }
.Lfunc_end2:
_tile_overlayer_lowered:
.L_overlay_start_2:
0x38d: {  	(tag) =	ssettag $0x2  }
0x38e: {  	s0 =	rddreg [dreg:$0x0];
	s2 =	stileid.u32  }
0x38f: {  	s1 =	rddreg [dreg:$0x1];
	p0 =	sne.s32 s2, $0x0  }
0x390: {  	s3 =	rddreg [dreg:$0x2];
	[bflag:$0x3] =	sbarrier.arrive $0xFFFF;
	s2 =	simm.s32 @!p0 $0x1C05  }
0x391: {  	[timem:s3], [sflag:s2] =	dma.local @!p0 [hbm:s0], s1  }
0x392: {  	s0 =	simm.s32 @!p0 $0x5  }
0x393: {  	_ =	swait.ge @!p0 [sflag:s0], s1  }
0x394: {  	s1 =	ssub.s32 @!p0 $0x0, s1;
	[sflag:s0] =	ssyncset.done @!p0 $0x0  }
0x395: {  	[sflag:s0] =	ssyncadd.s32 @!p0 s1  }
0x396: {  	[bflag:$0x3] =	sbarrier.arrive $0xFFFF  }
0x397: {  	_ =	shalt  }

</sc_bundles>
